<compile_context>
chip_gen: v7x
topology: tpu7x:2x2x1
jax: 0.10.2.dev20260603
libtpu: 0.0.44.dev20260713+nightly
codegen_flags: <defaults>
</compile_context>

<pallas_src>
import functools

import jax
import jax.numpy as jnp
from jax import lax
from jax.experimental import pallas as pl
from jax.experimental.pallas import tpu as pltpu
from jax.experimental.pallas import tpu_sc as plsc

B, H, W, C = 2, 384, 384, 96
N = B * H * W
NT = 32
PIX_PER_TILE = N // NT
P = 32
NCH = C // 16

ROWS, COLS = 1152, 256
BLK = 128
ROWS_PER_BATCH = (H * W) // COLS


def _prep_body(y_ref, x_ref, m_ref, idx_ref, wts_ref, invm_ref):
    i = pl.program_id(0)
    y = y_ref[...]
    x = x_ref[...]
    m = m_ref[...]
    yf = (y + 1.0) * (0.5 * (H - 1))
    xf = (x + 1.0) * (0.5 * (W - 1))
    y0 = jnp.floor(yf)
    x0 = jnp.floor(xf)
    wy1 = yf - y0
    wy0 = 1.0 - wy1
    wx1 = xf - x0
    wx0 = 1.0 - wx1
    rows = lax.broadcasted_iota(jnp.int32, (BLK, COLS), 0) + i * BLK
    boff = jnp.where(rows >= ROWS_PER_BATCH, H * W, 0).astype(jnp.int32)
    taps = [(0.0, 0.0, wy0, wx0), (0.0, 1.0, wy0, wx1),
            (1.0, 0.0, wy1, wx0), (1.0, 1.0, wy1, wx1)]
    for t, (dy, dx, wy, wx) in enumerate(taps):
        yi = y0 + dy
        xi = x0 + dx
        inb = (yi >= 0) & (yi <= H - 1) & (xi >= 0) & (xi <= W - 1)
        yc = jnp.clip(yi, 0, H - 1).astype(jnp.int32)
        xc = jnp.clip(xi, 0, W - 1).astype(jnp.int32)
        idx_ref[t] = boff + yc * W + xc
        wts_ref[t] = jnp.where(inb, m * wy * wx, 0.0)
    invm_ref[...] = 1.0 - m


_prep = pl.pallas_call(
    _prep_body,
    grid=(ROWS // BLK,),
    in_specs=[pl.BlockSpec((BLK, COLS), lambda i: (i, 0))] * 3,
    out_specs=[
        pl.BlockSpec((4, BLK, COLS), lambda i: (0, i, 0)),
        pl.BlockSpec((4, BLK, COLS), lambda i: (0, i, 0)),
        pl.BlockSpec((BLK, COLS), lambda i: (i, 0)),
    ],
    out_shape=[
        jax.ShapeDtypeStruct((4, ROWS, COLS), jnp.int32),
        jax.ShapeDtypeStruct((4, ROWS, COLS), jnp.float32),
        jax.ShapeDtypeStruct((ROWS, COLS), jnp.float32),
    ],
)


CHUNKS = PIX_PER_TILE // P


def _sc_body(fg_hbm, can_hbm, idx_hbm, wts_hbm, invm_hbm, out_hbm,
             idx_v, wts_v, invm_v,
             rows0, rows1, can0, can1, out0, out1,
             msem, gsem0, gsem1, csem0, csem1, osem0, osem1):
    wid = lax.axis_index("s") * 2 + lax.axis_index("c")
    base = wid * PIX_PER_TILE
    rows_b = (rows0, rows1)
    can_b = (can0, can1)
    out_b = (out0, out1)
    gsems = (gsem0, gsem1)
    csems = (csem0, csem1)
    osems = (osem0, osem1)

    mcps = []
    for t in range(4):
        mcps.append(pltpu.async_copy(
            idx_hbm.at[t, pl.ds(base, PIX_PER_TILE)], idx_v.at[t], msem))
        mcps.append(pltpu.async_copy(
            wts_hbm.at[t, pl.ds(base, PIX_PER_TILE)],
            wts_v.at[t, pl.ds(0, PIX_PER_TILE)], msem))
    mcps.append(pltpu.async_copy(
        invm_hbm.at[pl.ds(base, PIX_PER_TILE)],
        invm_v.at[pl.ds(0, PIX_PER_TILE)], msem))
    for cp in mcps:
        cp.wait()

    def issue(k, b):
        for t in range(4):
            pltpu.async_copy(fg_hbm.at[idx_v.at[t, pl.ds(k * P, P)]],
                             rows_b[b].at[t], gsems[b])
        pltpu.async_copy(can_hbm.at[pl.ds(base + k * P, P)], can_b[b],
                         csems[b])

    def wait_in(b):
        for t in range(4):
            pltpu.make_async_copy(fg_hbm.at[idx_v.at[t, pl.ds(0, P)]],
                                  rows_b[b].at[t], gsems[b]).wait()
        pltpu.make_async_copy(can_hbm.at[pl.ds(base, P)], can_b[b],
                              csems[b]).wait()

    def wait_out(b):
        pltpu.make_async_copy(out_b[b], out_hbm.at[pl.ds(base, P)],
                              osems[b]).wait()

    def compute(k, b):
        rows_v = rows_b[b]
        can_v = can_b[b]
        out_v = out_b[b]

        def pix(p, c2):
            q = k * P + p
            w0 = wts_v[0, pl.ds(q, 16)][0]
            w1 = wts_v[1, pl.ds(q, 16)][0]
            w2 = wts_v[2, pl.ds(q, 16)][0]
            w3 = wts_v[3, pl.ds(q, 16)][0]
            im = invm_v[pl.ds(q, 16)][0]
            for cc in range(NCH):
                sl = pl.ds(cc * 16, 16)
                acc = rows_v[0, p, sl] * w0
                acc = acc + rows_v[1, p, sl] * w1
                acc = acc + rows_v[2, p, sl] * w2
                acc = acc + rows_v[3, p, sl] * w3
                acc = acc + can_v[p, sl] * im
                out_v[p, sl] = acc
            return c2

        lax.fori_loop(0, P, pix, 0, unroll=4)

    issue(0, 0)

    def two(g, carry):
        for b in (0, 1):
            k = g * 2 + b
            nb = 1 - b

            @pl.when(k + 1 < CHUNKS)
            def _():
                issue(k + 1, nb)

            wait_in(b)

            @pl.when(k >= 2)
            def _():
                wait_out(b)

            compute(k, b)
            pltpu.async_copy(out_b[b], out_hbm.at[pl.ds(base + k * P, P)],
                             osems[b])
        return carry

    lax.fori_loop(0, CHUNKS // 2, two, 0)
    wait_out(0)
    wait_out(1)


@functools.cache
def _sc_call():
    return functools.partial(
        pl.kernel,
        mesh=plsc.VectorSubcoreMesh(core_axis_name="c", subcore_axis_name="s"),
        compiler_params=pltpu.CompilerParams(use_tc_tiling_on_sc=False),
        out_type=jax.ShapeDtypeStruct((N, 128), jnp.float32),
        scratch_types=[
            pltpu.VMEM((4, PIX_PER_TILE), jnp.int32),
            pltpu.VMEM((4, PIX_PER_TILE + 16), jnp.float32),
            pltpu.VMEM((PIX_PER_TILE + 16,), jnp.float32),
            pltpu.VMEM((4, P, C), jnp.float32),
            pltpu.VMEM((4, P, C), jnp.float32),
            pltpu.VMEM((P, 128), jnp.float32),
            pltpu.VMEM((P, 128), jnp.float32),
            pltpu.VMEM((P, 128), jnp.float32),
            pltpu.VMEM((P, 128), jnp.float32),
            pltpu.SemaphoreType.DMA,
            pltpu.SemaphoreType.DMA,
            pltpu.SemaphoreType.DMA,
            pltpu.SemaphoreType.DMA,
            pltpu.SemaphoreType.DMA,
            pltpu.SemaphoreType.DMA,
            pltpu.SemaphoreType.DMA,
        ],
    )(_sc_body)


def kernel(canvas, fgimg, fggrid, fgmask):
    y = fggrid[..., 0].reshape(ROWS, COLS)
    x = fggrid[..., 1].reshape(ROWS, COLS)
    m = fgmask.reshape(ROWS, COLS)
    idx, wts, invm = _prep(y, x, m)
    can_pad = jnp.pad(canvas.reshape(N, C), ((0, 0), (0, 128 - C)))
    out_pad = _sc_call()(
        fgimg.reshape(N, C),
        can_pad,
        idx.reshape(4, N),
        wts.reshape(4, N),
        invm.reshape(N),
    )
    return out_pad[:, :C].reshape(B, H, W, C)

# --- scband reference (transcript-rebuilt; emitter-appended) ---
"""Pipeline reference for scband-stnm-64604898066639 (READ-ONLY COPY).

The authoritative reference and input builder live on the scoring server;
editing this copy changes nothing except your own understanding.
"""

import jax, jax.numpy as jnp
import numpy as np

B, H, W, C = 2, 384, 384, 96


def setup_inputs(seed: int = 0) -> dict:
    key = jax.random.key(seed)
    k1, k2, k3, k4 = jax.random.split(key, 4)
    canvas = jax.random.normal(k1, (B, H, W, C), dtype=jnp.float32)
    fgimg = jax.random.normal(k2, (B, H, W, C), dtype=jnp.float32)
    # normalized sampling grid (y, x) in [-1, 1], BHWD layout
    fggrid = jax.random.uniform(k3, (B, H, W, 2), dtype=jnp.float32, minval=-1.0, maxval=1.0)
    fgmask = jax.random.uniform(k4, (B, H, W, 1), dtype=jnp.float32)
    return {"canvas": canvas, "fgimg": fgimg, "fggrid": fggrid, "fgmask": fgmask}


def _bilinear_sample_bhwd(img, grid):
    # img: [B, H, W, C]; grid: [B, Ho, Wo, 2] with (y, x) in [-1, 1]
    Bn, Hn, Wn, Cn = img.shape
    y = grid[..., 0]
    x = grid[..., 1]
    yf = (y + 1.0) * 0.5 * (Hn - 1)
    xf = (x + 1.0) * 0.5 * (Wn - 1)
    y0 = jnp.floor(yf)
    x0 = jnp.floor(xf)
    y1 = y0 + 1.0
    x1 = x0 + 1.0
    wy1 = yf - y0
    wy0 = 1.0 - wy1
    wx1 = xf - x0
    wx0 = 1.0 - wx1

    bidx = jnp.arange(Bn).reshape(Bn, 1, 1)

    def gather(yi, xi):
        # out-of-bounds corners contribute 0, matching the CUDA kernel's inBounds check
        inb = (yi >= 0) & (yi <= Hn - 1) & (xi >= 0) & (xi <= Wn - 1)
        yc = jnp.clip(yi, 0, Hn - 1).astype(jnp.int32)
        xc = jnp.clip(xi, 0, Wn - 1).astype(jnp.int32)
        vals = img[bidx, yc, xc]  # [B, Ho, Wo, C] gather
        return vals * inb[..., None].astype(img.dtype)

    out = (gather(y0, x0) * (wy0 * wx0)[..., None]
           + gather(y0, x1) * (wy0 * wx1)[..., None]
           + gather(y1, x0) * (wy1 * wx0)[..., None]
           + gather(y1, x1) * (wy1 * wx1)[..., None])
    return out


def reference(canvas, fgimg, fggrid, fgmask):
    # STNM: bilinear-sample the foreground image at fggrid, then alpha-composite
    # onto the canvas using fgmask: out = m * sample(fg, grid) + (1 - m) * canvas
    sampled = _bilinear_sample_bhwd(fgimg, fggrid)
    return fgmask * sampled + (1.0 - fgmask) * canvas

if __name__ == "__main__":
    import jax
    _d = setup_inputs()
    print(jax.jit(kernel)(*tuple(_d.values())))

</pallas_src>

<mosaic_0001>
#map = affine_map<(d0, d1) -> (0, 0)>
#map1 = affine_map<(d0, d1) -> (0)>
module attributes {stable_mosaic.version = 14 : i64} {
  func.func @_sc_body(%arg0: i32, %arg1: i32, %arg2: memref<294912x96xf32, #tpu.memory_space<hbm>>, %arg3: memref<294912x128xf32, #tpu.memory_space<hbm>>, %arg4: memref<4x294912xi32, #tpu.memory_space<hbm>>, %arg5: memref<4x294912xf32, #tpu.memory_space<hbm>>, %arg6: memref<294912xf32, #tpu.memory_space<hbm>>, %arg7: memref<294912x128xf32, #tpu.memory_space<hbm>>, %arg8: memref<4x9216xi32, #tpu.memory_space<vmem>>, %arg9: memref<4x9232xf32, #tpu.memory_space<vmem>>, %arg10: memref<9232xf32, #tpu.memory_space<vmem>>, %arg11: memref<4x32x96xf32, #tpu.memory_space<vmem>>, %arg12: memref<4x32x96xf32, #tpu.memory_space<vmem>>, %arg13: memref<32x128xf32, #tpu.memory_space<vmem>>, %arg14: memref<32x128xf32, #tpu.memory_space<vmem>>, %arg15: memref<32x128xf32, #tpu.memory_space<vmem>>, %arg16: memref<32x128xf32, #tpu.memory_space<vmem>>, %arg17: memref<!tpu.dma_semaphore, #tpu.memory_space<semaphore_mem>>, %arg18: memref<!tpu.dma_semaphore, #tpu.memory_space<semaphore_mem>>, %arg19: memref<!tpu.dma_semaphore, #tpu.memory_space<semaphore_mem>>, %arg20: memref<!tpu.dma_semaphore, #tpu.memory_space<semaphore_mem>>, %arg21: memref<!tpu.dma_semaphore, #tpu.memory_space<semaphore_mem>>, %arg22: memref<!tpu.dma_semaphore, #tpu.memory_space<semaphore_mem>>, %arg23: memref<!tpu.dma_semaphore, #tpu.memory_space<semaphore_mem>>) attributes {dimension_semantics = [#tpu.dimension_semantics<core_parallel>, #tpu.dimension_semantics<subcore_parallel>], iteration_bounds = array<i64: 2, 16>, scalar_prefetch = 0 : i64, scratch_operands = 16 : i64, tpu.core_type = #tpu.core_type<sc_vector_subcore>, window_params = [{transform_indices = #map}, {transform_indices = #map}, {transform_indices = #map}, {transform_indices = #map}, {transform_indices = #map1}, {transform_indices = #map}]} {
    %mul3A = arith.constant 2 : i32
    %mul3A_0 = arith.muli %arg1, %mul3A : i32
    %add3A = arith.addi %mul3A_0, %arg0 : i32
    %mul3A_1 = arith.constant 9216 : i32
    %mul3A_2 = arith.muli %add3A, %mul3A_1 : i32
    %dma_start3A = arith.constant 0 : i32
    %dma_start3A_3 = arith.constant 0 : i32
    %dma_start3A_4 = arith.constant 0 : i32
    %dma_start3A_5 = tpu.memref_slice %arg8[%dma_start3A_3, %dma_start3A_4] : memref<4x9216xi32, #tpu.memory_space<vmem>> -> memref<1x9216xi32, #tpu.memory_space<vmem>>
    %dma_start3A_6 = tpu.memref_squeeze %dma_start3A_5 : memref<1x9216xi32, #tpu.memory_space<vmem>> -> memref<9216xi32, #tpu.memory_space<vmem>>
    %dma_start3A_7 = tpu.memref_slice %arg4[%dma_start3A, %mul3A_2] : memref<4x294912xi32, #tpu.memory_space<hbm>> -> memref<1x9216xi32, #tpu.memory_space<hbm>>
    %dma_start3A_8 = tpu.memref_squeeze %dma_start3A_7 : memref<1x9216xi32, #tpu.memory_space<hbm>> -> memref<9216xi32, #tpu.memory_space<hbm>>
    %dma_start3A_9 = arith.constant 0 : i32
    %dma_start3A_10 = tpu.memref_slice %arg8[%dma_start3A_3, %dma_start3A_9] : memref<4x9216xi32, #tpu.memory_space<vmem>> -> memref<1x9216xi32, #tpu.memory_space<vmem>>
    %dma_start3A_11 = tpu.memref_squeeze %dma_start3A_10 : memref<1x9216xi32, #tpu.memory_space<vmem>> -> memref<9216xi32, #tpu.memory_space<vmem>>
    %dma_start3A_12 = tpu.memref_slice %arg4[%dma_start3A, %mul3A_2] : memref<4x294912xi32, #tpu.memory_space<hbm>> -> memref<1x9216xi32, #tpu.memory_space<hbm>>
    %dma_start3A_13 = tpu.memref_squeeze %dma_start3A_12 : memref<1x9216xi32, #tpu.memory_space<hbm>> -> memref<9216xi32, #tpu.memory_space<hbm>>
    tpu.enqueue_dma source(%dma_start3A_13 : memref<9216xi32, #tpu.memory_space<hbm>>) target(%dma_start3A_11 : memref<9216xi32, #tpu.memory_space<vmem>>) target_semaphore(%arg17 : memref<!tpu.dma_semaphore, #tpu.memory_space<semaphore_mem>>)
    %dma_start3A_14 = arith.constant 0 : i32
    %dma_start3A_15 = arith.constant 0 : i32
    %dma_start3A_16 = arith.constant 0 : i32
    %dma_start3A_17 = tpu.memref_slice %arg9[%dma_start3A_15, %dma_start3A_16] : memref<4x9232xf32, #tpu.memory_space<vmem>> -> memref<1x9216xf32, #tpu.memory_space<vmem>>
    %dma_start3A_18 = tpu.memref_squeeze %dma_start3A_17 : memref<1x9216xf32, #tpu.memory_space<vmem>> -> memref<9216xf32, #tpu.memory_space<vmem>>
    %dma_start3A_19 = tpu.memref_slice %arg5[%dma_start3A_14, %mul3A_2] : memref<4x294912xf32, #tpu.memory_space<hbm>> -> memref<1x9216xf32, #tpu.memory_space<hbm>>
    %dma_start3A_20 = tpu.memref_squeeze %dma_start3A_19 : memref<1x9216xf32, #tpu.memory_space<hbm>> -> memref<9216xf32, #tpu.memory_space<hbm>>
    %dma_start3A_21 = arith.constant 0 : i32
    %dma_start3A_22 = tpu.memref_slice %arg9[%dma_start3A_15, %dma_start3A_21] : memref<4x9232xf32, #tpu.memory_space<vmem>> -> memref<1x9216xf32, #tpu.memory_space<vmem>>
    %dma_start3A_23 = tpu.memref_squeeze %dma_start3A_22 : memref<1x9216xf32, #tpu.memory_space<vmem>> -> memref<9216xf32, #tpu.memory_space<vmem>>
    %dma_start3A_24 = tpu.memref_slice %arg5[%dma_start3A_14, %mul3A_2] : memref<4x294912xf32, #tpu.memory_space<hbm>> -> memref<1x9216xf32, #tpu.memory_space<hbm>>
    %dma_start3A_25 = tpu.memref_squeeze %dma_start3A_24 : memref<1x9216xf32, #tpu.memory_space<hbm>> -> memref<9216xf32, #tpu.memory_space<hbm>>
    tpu.enqueue_dma source(%dma_start3A_25 : memref<9216xf32, #tpu.memory_space<hbm>>) target(%dma_start3A_23 : memref<9216xf32, #tpu.memory_space<vmem>>) target_semaphore(%arg17 : memref<!tpu.dma_semaphore, #tpu.memory_space<semaphore_mem>>)
    %dma_start3A_26 = arith.constant 1 : i32
    %dma_start3A_27 = arith.constant 1 : i32
    %dma_start3A_28 = arith.constant 0 : i32
    %dma_start3A_29 = tpu.memref_slice %arg8[%dma_start3A_27, %dma_start3A_28] : memref<4x9216xi32, #tpu.memory_space<vmem>> -> memref<1x9216xi32, #tpu.memory_space<vmem>>
    %dma_start3A_30 = tpu.memref_squeeze %dma_start3A_29 : memref<1x9216xi32, #tpu.memory_space<vmem>> -> memref<9216xi32, #tpu.memory_space<vmem>>
    %dma_start3A_31 = tpu.memref_slice %arg4[%dma_start3A_26, %mul3A_2] : memref<4x294912xi32, #tpu.memory_space<hbm>> -> memref<1x9216xi32, #tpu.memory_space<hbm>>
    %dma_start3A_32 = tpu.memref_squeeze %dma_start3A_31 : memref<1x9216xi32, #tpu.memory_space<hbm>> -> memref<9216xi32, #tpu.memory_space<hbm>>
    %dma_start3A_33 = arith.constant 0 : i32
    %dma_start3A_34 = tpu.memref_slice %arg8[%dma_start3A_27, %dma_start3A_33] : memref<4x9216xi32, #tpu.memory_space<vmem>> -> memref<1x9216xi32, #tpu.memory_space<vmem>>
    %dma_start3A_35 = tpu.memref_squeeze %dma_start3A_34 : memref<1x9216xi32, #tpu.memory_space<vmem>> -> memref<9216xi32, #tpu.memory_space<vmem>>
    %dma_start3A_36 = tpu.memref_slice %arg4[%dma_start3A_26, %mul3A_2] : memref<4x294912xi32, #tpu.memory_space<hbm>> -> memref<1x9216xi32, #tpu.memory_space<hbm>>
    %dma_start3A_37 = tpu.memref_squeeze %dma_start3A_36 : memref<1x9216xi32, #tpu.memory_space<hbm>> -> memref<9216xi32, #tpu.memory_space<hbm>>
    tpu.enqueue_dma source(%dma_start3A_37 : memref<9216xi32, #tpu.memory_space<hbm>>) target(%dma_start3A_35 : memref<9216xi32, #tpu.memory_space<vmem>>) target_semaphore(%arg17 : memref<!tpu.dma_semaphore, #tpu.memory_space<semaphore_mem>>)
    %dma_start3A_38 = arith.constant 1 : i32
    %dma_start3A_39 = arith.constant 1 : i32
    %dma_start3A_40 = arith.constant 0 : i32
    %dma_start3A_41 = tpu.memref_slice %arg9[%dma_start3A_39, %dma_start3A_40] : memref<4x9232xf32, #tpu.memory_space<vmem>> -> memref<1x9216xf32, #tpu.memory_space<vmem>>
    %dma_start3A_42 = tpu.memref_squeeze %dma_start3A_41 : memref<1x9216xf32, #tpu.memory_space<vmem>> -> memref<9216xf32, #tpu.memory_space<vmem>>
    %dma_start3A_43 = tpu.memref_slice %arg5[%dma_start3A_38, %mul3A_2] : memref<4x294912xf32, #tpu.memory_space<hbm>> -> memref<1x9216xf32, #tpu.memory_space<hbm>>
    %dma_start3A_44 = tpu.memref_squeeze %dma_start3A_43 : memref<1x9216xf32, #tpu.memory_space<hbm>> -> memref<9216xf32, #tpu.memory_space<hbm>>
    %dma_start3A_45 = arith.constant 0 : i32
    %dma_start3A_46 = tpu.memref_slice %arg9[%dma_start3A_39, %dma_start3A_45] : memref<4x9232xf32, #tpu.memory_space<vmem>> -> memref<1x9216xf32, #tpu.memory_space<vmem>>
    %dma_start3A_47 = tpu.memref_squeeze %dma_start3A_46 : memref<1x9216xf32, #tpu.memory_space<vmem>> -> memref<9216xf32, #tpu.memory_space<vmem>>
    %dma_start3A_48 = tpu.memref_slice %arg5[%dma_start3A_38, %mul3A_2] : memref<4x294912xf32, #tpu.memory_space<hbm>> -> memref<1x9216xf32, #tpu.memory_space<hbm>>
    %dma_start3A_49 = tpu.memref_squeeze %dma_start3A_48 : memref<1x9216xf32, #tpu.memory_space<hbm>> -> memref<9216xf32, #tpu.memory_space<hbm>>
    tpu.enqueue_dma source(%dma_start3A_49 : memref<9216xf32, #tpu.memory_space<hbm>>) target(%dma_start3A_47 : memref<9216xf32, #tpu.memory_space<vmem>>) target_semaphore(%arg17 : memref<!tpu.dma_semaphore, #tpu.memory_space<semaphore_mem>>)
    %dma_start3A_50 = arith.constant 2 : i32
    %dma_start3A_51 = arith.constant 2 : i32
    %dma_start3A_52 = arith.constant 0 : i32
    %dma_start3A_53 = tpu.memref_slice %arg8[%dma_start3A_51, %dma_start3A_52] : memref<4x9216xi32, #tpu.memory_space<vmem>> -> memref<1x9216xi32, #tpu.memory_space<vmem>>
    %dma_start3A_54 = tpu.memref_squeeze %dma_start3A_53 : memref<1x9216xi32, #tpu.memory_space<vmem>> -> memref<9216xi32, #tpu.memory_space<vmem>>
    %dma_start3A_55 = tpu.memref_slice %arg4[%dma_start3A_50, %mul3A_2] : memref<4x294912xi32, #tpu.memory_space<hbm>> -> memref<1x9216xi32, #tpu.memory_space<hbm>>
    %dma_start3A_56 = tpu.memref_squeeze %dma_start3A_55 : memref<1x9216xi32, #tpu.memory_space<hbm>> -> memref<9216xi32, #tpu.memory_space<hbm>>
    %dma_start3A_57 = arith.constant 0 : i32
    %dma_start3A_58 = tpu.memref_slice %arg8[%dma_start3A_51, %dma_start3A_57] : memref<4x9216xi32, #tpu.memory_space<vmem>> -> memref<1x9216xi32, #tpu.memory_space<vmem>>
    %dma_start3A_59 = tpu.memref_squeeze %dma_start3A_58 : memref<1x9216xi32, #tpu.memory_space<vmem>> -> memref<9216xi32, #tpu.memory_space<vmem>>
    %dma_start3A_60 = tpu.memref_slice %arg4[%dma_start3A_50, %mul3A_2] : memref<4x294912xi32, #tpu.memory_space<hbm>> -> memref<1x9216xi32, #tpu.memory_space<hbm>>
    %dma_start3A_61 = tpu.memref_squeeze %dma_start3A_60 : memref<1x9216xi32, #tpu.memory_space<hbm>> -> memref<9216xi32, #tpu.memory_space<hbm>>
    tpu.enqueue_dma source(%dma_start3A_61 : memref<9216xi32, #tpu.memory_space<hbm>>) target(%dma_start3A_59 : memref<9216xi32, #tpu.memory_space<vmem>>) target_semaphore(%arg17 : memref<!tpu.dma_semaphore, #tpu.memory_space<semaphore_mem>>)
    %dma_start3A_62 = arith.constant 2 : i32
    %dma_start3A_63 = arith.constant 2 : i32
    %dma_start3A_64 = arith.constant 0 : i32
    %dma_start3A_65 = tpu.memref_slice %arg9[%dma_start3A_63, %dma_start3A_64] : memref<4x9232xf32, #tpu.memory_space<vmem>> -> memref<1x9216xf32, #tpu.memory_space<vmem>>
    %dma_start3A_66 = tpu.memref_squeeze %dma_start3A_65 : memref<1x9216xf32, #tpu.memory_space<vmem>> -> memref<9216xf32, #tpu.memory_space<vmem>>
    %dma_start3A_67 = tpu.memref_slice %arg5[%dma_start3A_62, %mul3A_2] : memref<4x294912xf32, #tpu.memory_space<hbm>> -> memref<1x9216xf32, #tpu.memory_space<hbm>>
    %dma_start3A_68 = tpu.memref_squeeze %dma_start3A_67 : memref<1x9216xf32, #tpu.memory_space<hbm>> -> memref<9216xf32, #tpu.memory_space<hbm>>
    %dma_start3A_69 = arith.constant 0 : i32
    %dma_start3A_70 = tpu.memref_slice %arg9[%dma_start3A_63, %dma_start3A_69] : memref<4x9232xf32, #tpu.memory_space<vmem>> -> memref<1x9216xf32, #tpu.memory_space<vmem>>
    %dma_start3A_71 = tpu.memref_squeeze %dma_start3A_70 : memref<1x9216xf32, #tpu.memory_space<vmem>> -> memref<9216xf32, #tpu.memory_space<vmem>>
    %dma_start3A_72 = tpu.memref_slice %arg5[%dma_start3A_62, %mul3A_2] : memref<4x294912xf32, #tpu.memory_space<hbm>> -> memref<1x9216xf32, #tpu.memory_space<hbm>>
    %dma_start3A_73 = tpu.memref_squeeze %dma_start3A_72 : memref<1x9216xf32, #tpu.memory_space<hbm>> -> memref<9216xf32, #tpu.memory_space<hbm>>
    tpu.enqueue_dma source(%dma_start3A_73 : memref<9216xf32, #tpu.memory_space<hbm>>) target(%dma_start3A_71 : memref<9216xf32, #tpu.memory_space<vmem>>) target_semaphore(%arg17 : memref<!tpu.dma_semaphore, #tpu.memory_space<semaphore_mem>>)
    %dma_start3A_74 = arith.constant 3 : i32
    %dma_start3A_75 = arith.constant 3 : i32
    %dma_start3A_76 = arith.constant 0 : i32
    %dma_start3A_77 = tpu.memref_slice %arg8[%dma_start3A_75, %dma_start3A_76] : memref<4x9216xi32, #tpu.memory_space<vmem>> -> memref<1x9216xi32, #tpu.memory_space<vmem>>
    %dma_start3A_78 = tpu.memref_squeeze %dma_start3A_77 : memref<1x9216xi32, #tpu.memory_space<vmem>> -> memref<9216xi32, #tpu.memory_space<vmem>>
    %dma_start3A_79 = tpu.memref_slice %arg4[%dma_start3A_74, %mul3A_2] : memref<4x294912xi32, #tpu.memory_space<hbm>> -> memref<1x9216xi32, #tpu.memory_space<hbm>>
    %dma_start3A_80 = tpu.memref_squeeze %dma_start3A_79 : memref<1x9216xi32, #tpu.memory_space<hbm>> -> memref<9216xi32, #tpu.memory_space<hbm>>
    %dma_start3A_81 = arith.constant 0 : i32
    %dma_start3A_82 = tpu.memref_slice %arg8[%dma_start3A_75, %dma_start3A_81] : memref<4x9216xi32, #tpu.memory_space<vmem>> -> memref<1x9216xi32, #tpu.memory_space<vmem>>
    %dma_start3A_83 = tpu.memref_squeeze %dma_start3A_82 : memref<1x9216xi32, #tpu.memory_space<vmem>> -> memref<9216xi32, #tpu.memory_space<vmem>>
    %dma_start3A_84 = tpu.memref_slice %arg4[%dma_start3A_74, %mul3A_2] : memref<4x294912xi32, #tpu.memory_space<hbm>> -> memref<1x9216xi32, #tpu.memory_space<hbm>>
    %dma_start3A_85 = tpu.memref_squeeze %dma_start3A_84 : memref<1x9216xi32, #tpu.memory_space<hbm>> -> memref<9216xi32, #tpu.memory_space<hbm>>
    tpu.enqueue_dma source(%dma_start3A_85 : memref<9216xi32, #tpu.memory_space<hbm>>) target(%dma_start3A_83 : memref<9216xi32, #tpu.memory_space<vmem>>) target_semaphore(%arg17 : memref<!tpu.dma_semaphore, #tpu.memory_space<semaphore_mem>>)
    %dma_start3A_86 = arith.constant 3 : i32
    %dma_start3A_87 = arith.constant 3 : i32
    %dma_start3A_88 = arith.constant 0 : i32
    %dma_start3A_89 = tpu.memref_slice %arg9[%dma_start3A_87, %dma_start3A_88] : memref<4x9232xf32, #tpu.memory_space<vmem>> -> memref<1x9216xf32, #tpu.memory_space<vmem>>
    %dma_start3A_90 = tpu.memref_squeeze %dma_start3A_89 : memref<1x9216xf32, #tpu.memory_space<vmem>> -> memref<9216xf32, #tpu.memory_space<vmem>>
    %dma_start3A_91 = tpu.memref_slice %arg5[%dma_start3A_86, %mul3A_2] : memref<4x294912xf32, #tpu.memory_space<hbm>> -> memref<1x9216xf32, #tpu.memory_space<hbm>>
    %dma_start3A_92 = tpu.memref_squeeze %dma_start3A_91 : memref<1x9216xf32, #tpu.memory_space<hbm>> -> memref<9216xf32, #tpu.memory_space<hbm>>
    %dma_start3A_93 = arith.constant 0 : i32
    %dma_start3A_94 = tpu.memref_slice %arg9[%dma_start3A_87, %dma_start3A_93] : memref<4x9232xf32, #tpu.memory_space<vmem>> -> memref<1x9216xf32, #tpu.memory_space<vmem>>
    %dma_start3A_95 = tpu.memref_squeeze %dma_start3A_94 : memref<1x9216xf32, #tpu.memory_space<vmem>> -> memref<9216xf32, #tpu.memory_space<vmem>>
    %dma_start3A_96 = tpu.memref_slice %arg5[%dma_start3A_86, %mul3A_2] : memref<4x294912xf32, #tpu.memory_space<hbm>> -> memref<1x9216xf32, #tpu.memory_space<hbm>>
    %dma_start3A_97 = tpu.memref_squeeze %dma_start3A_96 : memref<1x9216xf32, #tpu.memory_space<hbm>> -> memref<9216xf32, #tpu.memory_space<hbm>>
    tpu.enqueue_dma source(%dma_start3A_97 : memref<9216xf32, #tpu.memory_space<hbm>>) target(%dma_start3A_95 : memref<9216xf32, #tpu.memory_space<vmem>>) target_semaphore(%arg17 : memref<!tpu.dma_semaphore, #tpu.memory_space<semaphore_mem>>)
    %dma_start3A_98 = arith.constant 0 : i32
    %dma_start3A_99 = tpu.memref_slice %arg10[%dma_start3A_98] : memref<9232xf32, #tpu.memory_space<vmem>> -> memref<9216xf32, #tpu.memory_space<vmem>>
    %dma_start3A_100 = tpu.memref_slice %arg6[%mul3A_2] : memref<294912xf32, #tpu.memory_space<hbm>> -> memref<9216xf32, #tpu.memory_space<hbm>>
    %dma_start3A_101 = arith.constant 0 : i32
    %dma_start3A_102 = tpu.memref_slice %arg10[%dma_start3A_101] : memref<9232xf32, #tpu.memory_space<vmem>> -> memref<9216xf32, #tpu.memory_space<vmem>>
    %dma_start3A_103 = tpu.memref_slice %arg6[%mul3A_2] : memref<294912xf32, #tpu.memory_space<hbm>> -> memref<9216xf32, #tpu.memory_space<hbm>>
    tpu.enqueue_dma source(%dma_start3A_103 : memref<9216xf32, #tpu.memory_space<hbm>>) target(%dma_start3A_102 : memref<9216xf32, #tpu.memory_space<vmem>>) target_semaphore(%arg17 : memref<!tpu.dma_semaphore, #tpu.memory_space<semaphore_mem>>)
    %dma_wait3A = arith.constant 0 : i32
    %dma_wait3A_104 = arith.constant 0 : i32
    %dma_wait3A_105 = arith.constant 0 : i32
    %dma_wait3A_106 = tpu.memref_slice %arg8[%dma_wait3A_104, %dma_wait3A_105] : memref<4x9216xi32, #tpu.memory_space<vmem>> -> memref<1x9216xi32, #tpu.memory_space<vmem>>
    %dma_wait3A_107 = tpu.memref_squeeze %dma_wait3A_106 : memref<1x9216xi32, #tpu.memory_space<vmem>> -> memref<9216xi32, #tpu.memory_space<vmem>>
    %dma_wait3A_108 = tpu.memref_slice %arg4[%dma_wait3A, %mul3A_2] : memref<4x294912xi32, #tpu.memory_space<hbm>> -> memref<1x9216xi32, #tpu.memory_space<hbm>>
    %dma_wait3A_109 = tpu.memref_squeeze %dma_wait3A_108 : memref<1x9216xi32, #tpu.memory_space<hbm>> -> memref<9216xi32, #tpu.memory_space<hbm>>
    %dma_wait3A_110 = arith.constant 0 : i32
    %dma_wait3A_111 = tpu.memref_slice %arg8[%dma_wait3A_104, %dma_wait3A_110] : memref<4x9216xi32, #tpu.memory_space<vmem>> -> memref<1x9216xi32, #tpu.memory_space<vmem>>
    %dma_wait3A_112 = tpu.memref_squeeze %dma_wait3A_111 : memref<1x9216xi32, #tpu.memory_space<vmem>> -> memref<9216xi32, #tpu.memory_space<vmem>>
    %dma_wait3A_113 = tpu.memref_slice %arg4[%dma_wait3A, %mul3A_2] : memref<4x294912xi32, #tpu.memory_space<hbm>> -> memref<1x9216xi32, #tpu.memory_space<hbm>>
    %dma_wait3A_114 = tpu.memref_squeeze %dma_wait3A_113 : memref<1x9216xi32, #tpu.memory_space<hbm>> -> memref<9216xi32, #tpu.memory_space<hbm>>
    tpu.wait_dma2 semaphore(%arg17 : memref<!tpu.dma_semaphore, #tpu.memory_space<semaphore_mem>>) src(%dma_wait3A_114 : memref<9216xi32, #tpu.memory_space<hbm>>) dst(%dma_wait3A_112 : memref<9216xi32, #tpu.memory_space<vmem>>)
    %dma_wait3A_115 = arith.constant 0 : i32
    %dma_wait3A_116 = arith.constant 0 : i32
    %dma_wait3A_117 = arith.constant 0 : i32
    %dma_wait3A_118 = tpu.memref_slice %arg9[%dma_wait3A_116, %dma_wait3A_117] : memref<4x9232xf32, #tpu.memory_space<vmem>> -> memref<1x9216xf32, #tpu.memory_space<vmem>>
    %dma_wait3A_119 = tpu.memref_squeeze %dma_wait3A_118 : memref<1x9216xf32, #tpu.memory_space<vmem>> -> memref<9216xf32, #tpu.memory_space<vmem>>
    %dma_wait3A_120 = tpu.memref_slice %arg5[%dma_wait3A_115, %mul3A_2] : memref<4x294912xf32, #tpu.memory_space<hbm>> -> memref<1x9216xf32, #tpu.memory_space<hbm>>
    %dma_wait3A_121 = tpu.memref_squeeze %dma_wait3A_120 : memref<1x9216xf32, #tpu.memory_space<hbm>> -> memref<9216xf32, #tpu.memory_space<hbm>>
    %dma_wait3A_122 = arith.constant 0 : i32
    %dma_wait3A_123 = tpu.memref_slice %arg9[%dma_wait3A_116, %dma_wait3A_122] : memref<4x9232xf32, #tpu.memory_space<vmem>> -> memref<1x9216xf32, #tpu.memory_space<vmem>>
    %dma_wait3A_124 = tpu.memref_squeeze %dma_wait3A_123 : memref<1x9216xf32, #tpu.memory_space<vmem>> -> memref<9216xf32, #tpu.memory_space<vmem>>
    %dma_wait3A_125 = tpu.memref_slice %arg5[%dma_wait3A_115, %mul3A_2] : memref<4x294912xf32, #tpu.memory_space<hbm>> -> memref<1x9216xf32, #tpu.memory_space<hbm>>
    %dma_wait3A_126 = tpu.memref_squeeze %dma_wait3A_125 : memref<1x9216xf32, #tpu.memory_space<hbm>> -> memref<9216xf32, #tpu.memory_space<hbm>>
    tpu.wait_dma2 semaphore(%arg17 : memref<!tpu.dma_semaphore, #tpu.memory_space<semaphore_mem>>) src(%dma_wait3A_126 : memref<9216xf32, #tpu.memory_space<hbm>>) dst(%dma_wait3A_124 : memref<9216xf32, #tpu.memory_space<vmem>>)
    %dma_wait3A_127 = arith.constant 1 : i32
    %dma_wait3A_128 = arith.constant 1 : i32
    %dma_wait3A_129 = arith.constant 0 : i32
    %dma_wait3A_130 = tpu.memref_slice %arg8[%dma_wait3A_128, %dma_wait3A_129] : memref<4x9216xi32, #tpu.memory_space<vmem>> -> memref<1x9216xi32, #tpu.memory_space<vmem>>
    %dma_wait3A_131 = tpu.memref_squeeze %dma_wait3A_130 : memref<1x9216xi32, #tpu.memory_space<vmem>> -> memref<9216xi32, #tpu.memory_space<vmem>>
    %dma_wait3A_132 = tpu.memref_slice %arg4[%dma_wait3A_127, %mul3A_2] : memref<4x294912xi32, #tpu.memory_space<hbm>> -> memref<1x9216xi32, #tpu.memory_space<hbm>>
    %dma_wait3A_133 = tpu.memref_squeeze %dma_wait3A_132 : memref<1x9216xi32, #tpu.memory_space<hbm>> -> memref<9216xi32, #tpu.memory_space<hbm>>
    %dma_wait3A_134 = arith.constant 0 : i32
    %dma_wait3A_135 = tpu.memref_slice %arg8[%dma_wait3A_128, %dma_wait3A_134] : memref<4x9216xi32, #tpu.memory_space<vmem>> -> memref<1x9216xi32, #tpu.memory_space<vmem>>
    %dma_wait3A_136 = tpu.memref_squeeze %dma_wait3A_135 : memref<1x9216xi32, #tpu.memory_space<vmem>> -> memref<9216xi32, #tpu.memory_space<vmem>>
    %dma_wait3A_137 = tpu.memref_slice %arg4[%dma_wait3A_127, %mul3A_2] : memref<4x294912xi32, #tpu.memory_space<hbm>> -> memref<1x9216xi32, #tpu.memory_space<hbm>>
    %dma_wait3A_138 = tpu.memref_squeeze %dma_wait3A_137 : memref<1x9216xi32, #tpu.memory_space<hbm>> -> memref<9216xi32, #tpu.memory_space<hbm>>
    tpu.wait_dma2 semaphore(%arg17 : memref<!tpu.dma_semaphore, #tpu.memory_space<semaphore_mem>>) src(%dma_wait3A_138 : memref<9216xi32, #tpu.memory_space<hbm>>) dst(%dma_wait3A_136 : memref<9216xi32, #tpu.memory_space<vmem>>)
    %dma_wait3A_139 = arith.constant 1 : i32
    %dma_wait3A_140 = arith.constant 1 : i32
    %dma_wait3A_141 = arith.constant 0 : i32
    %dma_wait3A_142 = tpu.memref_slice %arg9[%dma_wait3A_140, %dma_wait3A_141] : memref<4x9232xf32, #tpu.memory_space<vmem>> -> memref<1x9216xf32, #tpu.memory_space<vmem>>
    %dma_wait3A_143 = tpu.memref_squeeze %dma_wait3A_142 : memref<1x9216xf32, #tpu.memory_space<vmem>> -> memref<9216xf32, #tpu.memory_space<vmem>>
    %dma_wait3A_144 = tpu.memref_slice %arg5[%dma_wait3A_139, %mul3A_2] : memref<4x294912xf32, #tpu.memory_space<hbm>> -> memref<1x9216xf32, #tpu.memory_space<hbm>>
    %dma_wait3A_145 = tpu.memref_squeeze %dma_wait3A_144 : memref<1x9216xf32, #tpu.memory_space<hbm>> -> memref<9216xf32, #tpu.memory_space<hbm>>
    %dma_wait3A_146 = arith.constant 0 : i32
    %dma_wait3A_147 = tpu.memref_slice %arg9[%dma_wait3A_140, %dma_wait3A_146] : memref<4x9232xf32, #tpu.memory_space<vmem>> -> memref<1x9216xf32, #tpu.memory_space<vmem>>
    %dma_wait3A_148 = tpu.memref_squeeze %dma_wait3A_147 : memref<1x9216xf32, #tpu.memory_space<vmem>> -> memref<9216xf32, #tpu.memory_space<vmem>>
    %dma_wait3A_149 = tpu.memref_slice %arg5[%dma_wait3A_139, %mul3A_2] : memref<4x294912xf32, #tpu.memory_space<hbm>> -> memref<1x9216xf32, #tpu.memory_space<hbm>>
    %dma_wait3A_150 = tpu.memref_squeeze %dma_wait3A_149 : memref<1x9216xf32, #tpu.memory_space<hbm>> -> memref<9216xf32, #tpu.memory_space<hbm>>
    tpu.wait_dma2 semaphore(%arg17 : memref<!tpu.dma_semaphore, #tpu.memory_space<semaphore_mem>>) src(%dma_wait3A_150 : memref<9216xf32, #tpu.memory_space<hbm>>) dst(%dma_wait3A_148 : memref<9216xf32, #tpu.memory_space<vmem>>)
    %dma_wait3A_151 = arith.constant 2 : i32
    %dma_wait3A_152 = arith.constant 2 : i32
    %dma_wait3A_153 = arith.constant 0 : i32
    %dma_wait3A_154 = tpu.memref_slice %arg8[%dma_wait3A_152, %dma_wait3A_153] : memref<4x9216xi32, #tpu.memory_space<vmem>> -> memref<1x9216xi32, #tpu.memory_space<vmem>>
    %dma_wait3A_155 = tpu.memref_squeeze %dma_wait3A_154 : memref<1x9216xi32, #tpu.memory_space<vmem>> -> memref<9216xi32, #tpu.memory_space<vmem>>
    %dma_wait3A_156 = tpu.memref_slice %arg4[%dma_wait3A_151, %mul3A_2] : memref<4x294912xi32, #tpu.memory_space<hbm>> -> memref<1x9216xi32, #tpu.memory_space<hbm>>
    %dma_wait3A_157 = tpu.memref_squeeze %dma_wait3A_156 : memref<1x9216xi32, #tpu.memory_space<hbm>> -> memref<9216xi32, #tpu.memory_space<hbm>>
    %dma_wait3A_158 = arith.constant 0 : i32
    %dma_wait3A_159 = tpu.memref_slice %arg8[%dma_wait3A_152, %dma_wait3A_158] : memref<4x9216xi32, #tpu.memory_space<vmem>> -> memref<1x9216xi32, #tpu.memory_space<vmem>>
    %dma_wait3A_160 = tpu.memref_squeeze %dma_wait3A_159 : memref<1x9216xi32, #tpu.memory_space<vmem>> -> memref<9216xi32, #tpu.memory_space<vmem>>
    %dma_wait3A_161 = tpu.memref_slice %arg4[%dma_wait3A_151, %mul3A_2] : memref<4x294912xi32, #tpu.memory_space<hbm>> -> memref<1x9216xi32, #tpu.memory_space<hbm>>
    %dma_wait3A_162 = tpu.memref_squeeze %dma_wait3A_161 : memref<1x9216xi32, #tpu.memory_space<hbm>> -> memref<9216xi32, #tpu.memory_space<hbm>>
    tpu.wait_dma2 semaphore(%arg17 : memref<!tpu.dma_semaphore, #tpu.memory_space<semaphore_mem>>) src(%dma_wait3A_162 : memref<9216xi32, #tpu.memory_space<hbm>>) dst(%dma_wait3A_160 : memref<9216xi32, #tpu.memory_space<vmem>>)
    %dma_wait3A_163 = arith.constant 2 : i32
    %dma_wait3A_164 = arith.constant 2 : i32
    %dma_wait3A_165 = arith.constant 0 : i32
    %dma_wait3A_166 = tpu.memref_slice %arg9[%dma_wait3A_164, %dma_wait3A_165] : memref<4x9232xf32, #tpu.memory_space<vmem>> -> memref<1x9216xf32, #tpu.memory_space<vmem>>
    %dma_wait3A_167 = tpu.memref_squeeze %dma_wait3A_166 : memref<1x9216xf32, #tpu.memory_space<vmem>> -> memref<9216xf32, #tpu.memory_space<vmem>>
    %dma_wait3A_168 = tpu.memref_slice %arg5[%dma_wait3A_163, %mul3A_2] : memref<4x294912xf32, #tpu.memory_space<hbm>> -> memref<1x9216xf32, #tpu.memory_space<hbm>>
    %dma_wait3A_169 = tpu.memref_squeeze %dma_wait3A_168 : memref<1x9216xf32, #tpu.memory_space<hbm>> -> memref<9216xf32, #tpu.memory_space<hbm>>
    %dma_wait3A_170 = arith.constant 0 : i32
    %dma_wait3A_171 = tpu.memref_slice %arg9[%dma_wait3A_164, %dma_wait3A_170] : memref<4x9232xf32, #tpu.memory_space<vmem>> -> memref<1x9216xf32, #tpu.memory_space<vmem>>
    %dma_wait3A_172 = tpu.memref_squeeze %dma_wait3A_171 : memref<1x9216xf32, #tpu.memory_space<vmem>> -> memref<9216xf32, #tpu.memory_space<vmem>>
    %dma_wait3A_173 = tpu.memref_slice %arg5[%dma_wait3A_163, %mul3A_2] : memref<4x294912xf32, #tpu.memory_space<hbm>> -> memref<1x9216xf32, #tpu.memory_space<hbm>>
    %dma_wait3A_174 = tpu.memref_squeeze %dma_wait3A_173 : memref<1x9216xf32, #tpu.memory_space<hbm>> -> memref<9216xf32, #tpu.memory_space<hbm>>
    tpu.wait_dma2 semaphore(%arg17 : memref<!tpu.dma_semaphore, #tpu.memory_space<semaphore_mem>>) src(%dma_wait3A_174 : memref<9216xf32, #tpu.memory_space<hbm>>) dst(%dma_wait3A_172 : memref<9216xf32, #tpu.memory_space<vmem>>)
    %dma_wait3A_175 = arith.constant 3 : i32
    %dma_wait3A_176 = arith.constant 3 : i32
    %dma_wait3A_177 = arith.constant 0 : i32
    %dma_wait3A_178 = tpu.memref_slice %arg8[%dma_wait3A_176, %dma_wait3A_177] : memref<4x9216xi32, #tpu.memory_space<vmem>> -> memref<1x9216xi32, #tpu.memory_space<vmem>>
    %dma_wait3A_179 = tpu.memref_squeeze %dma_wait3A_178 : memref<1x9216xi32, #tpu.memory_space<vmem>> -> memref<9216xi32, #tpu.memory_space<vmem>>
    %dma_wait3A_180 = tpu.memref_slice %arg4[%dma_wait3A_175, %mul3A_2] : memref<4x294912xi32, #tpu.memory_space<hbm>> -> memref<1x9216xi32, #tpu.memory_space<hbm>>
    %dma_wait3A_181 = tpu.memref_squeeze %dma_wait3A_180 : memref<1x9216xi32, #tpu.memory_space<hbm>> -> memref<9216xi32, #tpu.memory_space<hbm>>
    %dma_wait3A_182 = arith.constant 0 : i32
    %dma_wait3A_183 = tpu.memref_slice %arg8[%dma_wait3A_176, %dma_wait3A_182] : memref<4x9216xi32, #tpu.memory_space<vmem>> -> memref<1x9216xi32, #tpu.memory_space<vmem>>
    %dma_wait3A_184 = tpu.memref_squeeze %dma_wait3A_183 : memref<1x9216xi32, #tpu.memory_space<vmem>> -> memref<9216xi32, #tpu.memory_space<vmem>>
    %dma_wait3A_185 = tpu.memref_slice %arg4[%dma_wait3A_175, %mul3A_2] : memref<4x294912xi32, #tpu.memory_space<hbm>> -> memref<1x9216xi32, #tpu.memory_space<hbm>>
    %dma_wait3A_186 = tpu.memref_squeeze %dma_wait3A_185 : memref<1x9216xi32, #tpu.memory_space<hbm>> -> memref<9216xi32, #tpu.memory_space<hbm>>
    tpu.wait_dma2 semaphore(%arg17 : memref<!tpu.dma_semaphore, #tpu.memory_space<semaphore_mem>>) src(%dma_wait3A_186 : memref<9216xi32, #tpu.memory_space<hbm>>) dst(%dma_wait3A_184 : memref<9216xi32, #tpu.memory_space<vmem>>)
    %dma_wait3A_187 = arith.constant 3 : i32
    %dma_wait3A_188 = arith.constant 3 : i32
    %dma_wait3A_189 = arith.constant 0 : i32
    %dma_wait3A_190 = tpu.memref_slice %arg9[%dma_wait3A_188, %dma_wait3A_189] : memref<4x9232xf32, #tpu.memory_space<vmem>> -> memref<1x9216xf32, #tpu.memory_space<vmem>>
    %dma_wait3A_191 = tpu.memref_squeeze %dma_wait3A_190 : memref<1x9216xf32, #tpu.memory_space<vmem>> -> memref<9216xf32, #tpu.memory_space<vmem>>
    %dma_wait3A_192 = tpu.memref_slice %arg5[%dma_wait3A_187, %mul3A_2] : memref<4x294912xf32, #tpu.memory_space<hbm>> -> memref<1x9216xf32, #tpu.memory_space<hbm>>
    %dma_wait3A_193 = tpu.memref_squeeze %dma_wait3A_192 : memref<1x9216xf32, #tpu.memory_space<hbm>> -> memref<9216xf32, #tpu.memory_space<hbm>>
    %dma_wait3A_194 = arith.constant 0 : i32
    %dma_wait3A_195 = tpu.memref_slice %arg9[%dma_wait3A_188, %dma_wait3A_194] : memref<4x9232xf32, #tpu.memory_space<vmem>> -> memref<1x9216xf32, #tpu.memory_space<vmem>>
    %dma_wait3A_196 = tpu.memref_squeeze %dma_wait3A_195 : memref<1x9216xf32, #tpu.memory_space<vmem>> -> memref<9216xf32, #tpu.memory_space<vmem>>
    %dma_wait3A_197 = tpu.memref_slice %arg5[%dma_wait3A_187, %mul3A_2] : memref<4x294912xf32, #tpu.memory_space<hbm>> -> memref<1x9216xf32, #tpu.memory_space<hbm>>
    %dma_wait3A_198 = tpu.memref_squeeze %dma_wait3A_197 : memref<1x9216xf32, #tpu.memory_space<hbm>> -> memref<9216xf32, #tpu.memory_space<hbm>>
    tpu.wait_dma2 semaphore(%arg17 : memref<!tpu.dma_semaphore, #tpu.memory_space<semaphore_mem>>) src(%dma_wait3A_198 : memref<9216xf32, #tpu.memory_space<hbm>>) dst(%dma_wait3A_196 : memref<9216xf32, #tpu.memory_space<vmem>>)
    %dma_wait3A_199 = arith.constant 0 : i32
    %dma_wait3A_200 = tpu.memref_slice %arg10[%dma_wait3A_199] : memref<9232xf32, #tpu.memory_space<vmem>> -> memref<9216xf32, #tpu.memory_space<vmem>>
    %dma_wait3A_201 = tpu.memref_slice %arg6[%mul3A_2] : memref<294912xf32, #tpu.memory_space<hbm>> -> memref<9216xf32, #tpu.memory_space<hbm>>
    %dma_wait3A_202 = arith.constant 0 : i32
    %dma_wait3A_203 = tpu.memref_slice %arg10[%dma_wait3A_202] : memref<9232xf32, #tpu.memory_space<vmem>> -> memref<9216xf32, #tpu.memory_space<vmem>>
    %dma_wait3A_204 = tpu.memref_slice %arg6[%mul3A_2] : memref<294912xf32, #tpu.memory_space<hbm>> -> memref<9216xf32, #tpu.memory_space<hbm>>
    tpu.wait_dma2 semaphore(%arg17 : memref<!tpu.dma_semaphore, #tpu.memory_space<semaphore_mem>>) src(%dma_wait3A_204 : memref<9216xf32, #tpu.memory_space<hbm>>) dst(%dma_wait3A_203 : memref<9216xf32, #tpu.memory_space<vmem>>)
    %dma_start3A_205 = arith.constant 0 : i32
    %dma_start3A_206 = arith.constant 0 : i32
    %dma_start3A_207 = arith.constant 0 : i32
    %dma_start3A_208 = arith.constant 0 : i32
    %dma_start3A_209 = tpu.memref_slice %arg11[%dma_start3A_206, %dma_start3A_207, %dma_start3A_208] : memref<4x32x96xf32, #tpu.memory_space<vmem>> -> memref<1x32x96xf32, #tpu.memory_space<vmem>>
    %dma_start3A_210 = tpu.memref_squeeze %dma_start3A_209 : memref<1x32x96xf32, #tpu.memory_space<vmem>> -> memref<32x96xf32, #tpu.memory_space<vmem>>
    %dma_start3A_211 = arith.constant 0 : i32
    %dma_start3A_212 = tpu.memref_slice %arg8[%dma_start3A_205, %dma_start3A_211] : memref<4x9216xi32, #tpu.memory_space<vmem>> -> memref<1x32xi32, #tpu.memory_space<vmem>>
    %dma_start3A_213 = tpu.memref_squeeze %dma_start3A_212 : memref<1x32xi32, #tpu.memory_space<vmem>> -> memref<32xi32, #tpu.memory_space<vmem>>
    %dma_start3A_214 = arith.constant 0 : i32
    %dma_start3A_215 = arith.constant 0 : i32
    %dma_start3A_216 = tpu.memref_slice %arg2[%dma_start3A_214, %dma_start3A_215] : memref<294912x96xf32, #tpu.memory_space<hbm>> -> memref<294912x96xf32, #tpu.memory_space<hbm>>
    tpu.enqueue_indirect_dma source(%dma_start3A_216 : memref<294912x96xf32, #tpu.memory_space<hbm>>) target(%dma_start3A_210 : memref<32x96xf32, #tpu.memory_space<vmem>>) offsets(%dma_start3A_213 : memref<32xi32, #tpu.memory_space<vmem>>) semaphore(%arg18 : memref<!tpu.dma_semaphore, #tpu.memory_space<semaphore_mem>>)
    %dma_start3A_217 = arith.constant 1 : i32
    %dma_start3A_218 = arith.constant 1 : i32
    %dma_start3A_219 = arith.constant 0 : i32
    %dma_start3A_220 = arith.constant 0 : i32
    %dma_start3A_221 = tpu.memref_slice %arg11[%dma_start3A_218, %dma_start3A_219, %dma_start3A_220] : memref<4x32x96xf32, #tpu.memory_space<vmem>> -> memref<1x32x96xf32, #tpu.memory_space<vmem>>
    %dma_start3A_222 = tpu.memref_squeeze %dma_start3A_221 : memref<1x32x96xf32, #tpu.memory_space<vmem>> -> memref<32x96xf32, #tpu.memory_space<vmem>>
    %dma_start3A_223 = arith.constant 0 : i32
    %dma_start3A_224 = tpu.memref_slice %arg8[%dma_start3A_217, %dma_start3A_223] : memref<4x9216xi32, #tpu.memory_space<vmem>> -> memref<1x32xi32, #tpu.memory_space<vmem>>
    %dma_start3A_225 = tpu.memref_squeeze %dma_start3A_224 : memref<1x32xi32, #tpu.memory_space<vmem>> -> memref<32xi32, #tpu.memory_space<vmem>>
    %dma_start3A_226 = arith.constant 0 : i32
    %dma_start3A_227 = arith.constant 0 : i32
    %dma_start3A_228 = tpu.memref_slice %arg2[%dma_start3A_226, %dma_start3A_227] : memref<294912x96xf32, #tpu.memory_space<hbm>> -> memref<294912x96xf32, #tpu.memory_space<hbm>>
    tpu.enqueue_indirect_dma source(%dma_start3A_228 : memref<294912x96xf32, #tpu.memory_space<hbm>>) target(%dma_start3A_222 : memref<32x96xf32, #tpu.memory_space<vmem>>) offsets(%dma_start3A_225 : memref<32xi32, #tpu.memory_space<vmem>>) semaphore(%arg18 : memref<!tpu.dma_semaphore, #tpu.memory_space<semaphore_mem>>)
    %dma_start3A_229 = arith.constant 2 : i32
    %dma_start3A_230 = arith.constant 2 : i32
    %dma_start3A_231 = arith.constant 0 : i32
    %dma_start3A_232 = arith.constant 0 : i32
    %dma_start3A_233 = tpu.memref_slice %arg11[%dma_start3A_230, %dma_start3A_231, %dma_start3A_232] : memref<4x32x96xf32, #tpu.memory_space<vmem>> -> memref<1x32x96xf32, #tpu.memory_space<vmem>>
    %dma_start3A_234 = tpu.memref_squeeze %dma_start3A_233 : memref<1x32x96xf32, #tpu.memory_space<vmem>> -> memref<32x96xf32, #tpu.memory_space<vmem>>
    %dma_start3A_235 = arith.constant 0 : i32
    %dma_start3A_236 = tpu.memref_slice %arg8[%dma_start3A_229, %dma_start3A_235] : memref<4x9216xi32, #tpu.memory_space<vmem>> -> memref<1x32xi32, #tpu.memory_space<vmem>>
    %dma_start3A_237 = tpu.memref_squeeze %dma_start3A_236 : memref<1x32xi32, #tpu.memory_space<vmem>> -> memref<32xi32, #tpu.memory_space<vmem>>
    %dma_start3A_238 = arith.constant 0 : i32
    %dma_start3A_239 = arith.constant 0 : i32
    %dma_start3A_240 = tpu.memref_slice %arg2[%dma_start3A_238, %dma_start3A_239] : memref<294912x96xf32, #tpu.memory_space<hbm>> -> memref<294912x96xf32, #tpu.memory_space<hbm>>
    tpu.enqueue_indirect_dma source(%dma_start3A_240 : memref<294912x96xf32, #tpu.memory_space<hbm>>) target(%dma_start3A_234 : memref<32x96xf32, #tpu.memory_space<vmem>>) offsets(%dma_start3A_237 : memref<32xi32, #tpu.memory_space<vmem>>) semaphore(%arg18 : memref<!tpu.dma_semaphore, #tpu.memory_space<semaphore_mem>>)
    %dma_start3A_241 = arith.constant 3 : i32
    %dma_start3A_242 = arith.constant 3 : i32
    %dma_start3A_243 = arith.constant 0 : i32
    %dma_start3A_244 = arith.constant 0 : i32
    %dma_start3A_245 = tpu.memref_slice %arg11[%dma_start3A_242, %dma_start3A_243, %dma_start3A_244] : memref<4x32x96xf32, #tpu.memory_space<vmem>> -> memref<1x32x96xf32, #tpu.memory_space<vmem>>
    %dma_start3A_246 = tpu.memref_squeeze %dma_start3A_245 : memref<1x32x96xf32, #tpu.memory_space<vmem>> -> memref<32x96xf32, #tpu.memory_space<vmem>>
    %dma_start3A_247 = arith.constant 0 : i32
    %dma_start3A_248 = tpu.memref_slice %arg8[%dma_start3A_241, %dma_start3A_247] : memref<4x9216xi32, #tpu.memory_space<vmem>> -> memref<1x32xi32, #tpu.memory_space<vmem>>
    %dma_start3A_249 = tpu.memref_squeeze %dma_start3A_248 : memref<1x32xi32, #tpu.memory_space<vmem>> -> memref<32xi32, #tpu.memory_space<vmem>>
    %dma_start3A_250 = arith.constant 0 : i32
    %dma_start3A_251 = arith.constant 0 : i32
    %dma_start3A_252 = tpu.memref_slice %arg2[%dma_start3A_250, %dma_start3A_251] : memref<294912x96xf32, #tpu.memory_space<hbm>> -> memref<294912x96xf32, #tpu.memory_space<hbm>>
    tpu.enqueue_indirect_dma source(%dma_start3A_252 : memref<294912x96xf32, #tpu.memory_space<hbm>>) target(%dma_start3A_246 : memref<32x96xf32, #tpu.memory_space<vmem>>) offsets(%dma_start3A_249 : memref<32xi32, #tpu.memory_space<vmem>>) semaphore(%arg18 : memref<!tpu.dma_semaphore, #tpu.memory_space<semaphore_mem>>)
    %add3A_253 = arith.constant 0 : i32
    %add3A_254 = arith.addi %mul3A_2, %add3A_253 : i32
    %dma_start3A_255 = arith.constant 0 : i32
    %dma_start3A_256 = tpu.memref_slice %arg3[%add3A_254, %dma_start3A_255] : memref<294912x128xf32, #tpu.memory_space<hbm>> -> memref<32x128xf32, #tpu.memory_space<hbm>>
    %dma_start3A_257 = arith.constant 0 : i32
    %dma_start3A_258 = tpu.memref_slice %arg3[%add3A_254, %dma_start3A_257] : memref<294912x128xf32, #tpu.memory_space<hbm>> -> memref<32x128xf32, #tpu.memory_space<hbm>>
    tpu.enqueue_dma source(%dma_start3A_258 : memref<32x128xf32, #tpu.memory_space<hbm>>) target(%arg13 : memref<32x128xf32, #tpu.memory_space<vmem>>) target_semaphore(%arg20 : memref<!tpu.dma_semaphore, #tpu.memory_space<semaphore_mem>>)
    %scan3A = arith.constant 0 : i32
    %scan3A_259 = arith.constant 0 : i32
    %scan3A_260 = arith.constant 144 : i32
    %scan3A_261 = arith.addi %scan3A_259, %scan3A_260 : i32
    %scan3A_262 = arith.constant 1 : i32
    scf.for %scan3A_272 = %scan3A_259 to %scan3A_261 step %scan3A_262  : i32 {
      %mul3A_273 = arith.constant 2 : i32
      %mul3A_274 = arith.muli %scan3A_272, %mul3A_273 : i32
      %add3A_275 = arith.constant 0 : i32
      %add3A_276 = arith.addi %mul3A_274, %add3A_275 : i32
      %add3A_277 = arith.constant 1 : i32
      %add3A_278 = arith.addi %add3A_276, %add3A_277 : i32
      %lt3A = arith.constant 288 : i32
      %lt3A_279 = arith.cmpi slt, %add3A_278, %lt3A : i32
      %convert_element_type3A = arith.extui %lt3A_279 : i1 to i32
      %cond3A = arith.constant 0 : i32
      %cond3A_280 = arith.cmpi ne, %convert_element_type3A, %cond3A : i32
      scf.if %cond3A_280 {
        %add3A_431 = arith.constant 1 : i32
        %add3A_432 = arith.addi %add3A_276, %add3A_431 : i32
        %mul3A_433 = arith.constant 32 : i32
        %mul3A_434 = arith.muli %add3A_432, %mul3A_433 : i32
        %dma_start3A_435 = arith.constant 0 : i32
        %dma_start3A_436 = arith.constant 0 : i32
        %dma_start3A_437 = arith.constant 0 : i32
        %dma_start3A_438 = arith.constant 0 : i32
        %dma_start3A_439 = tpu.memref_slice %arg12[%dma_start3A_436, %dma_start3A_437, %dma_start3A_438] : memref<4x32x96xf32, #tpu.memory_space<vmem>> -> memref<1x32x96xf32, #tpu.memory_space<vmem>>
        %dma_start3A_440 = tpu.memref_squeeze %dma_start3A_439 : memref<1x32x96xf32, #tpu.memory_space<vmem>> -> memref<32x96xf32, #tpu.memory_space<vmem>>
        %dma_start3A_441 = tpu.memref_slice %arg8[%dma_start3A_435, %mul3A_434] : memref<4x9216xi32, #tpu.memory_space<vmem>> -> memref<1x32xi32, #tpu.memory_space<vmem>>
        %dma_start3A_442 = tpu.memref_squeeze %dma_start3A_441 : memref<1x32xi32, #tpu.memory_space<vmem>> -> memref<32xi32, #tpu.memory_space<vmem>>
        %dma_start3A_443 = arith.constant 0 : i32
        %dma_start3A_444 = arith.constant 0 : i32
        %dma_start3A_445 = tpu.memref_slice %arg2[%dma_start3A_443, %dma_start3A_444] : memref<294912x96xf32, #tpu.memory_space<hbm>> -> memref<294912x96xf32, #tpu.memory_space<hbm>>
        tpu.enqueue_indirect_dma source(%dma_start3A_445 : memref<294912x96xf32, #tpu.memory_space<hbm>>) target(%dma_start3A_440 : memref<32x96xf32, #tpu.memory_space<vmem>>) offsets(%dma_start3A_442 : memref<32xi32, #tpu.memory_space<vmem>>) semaphore(%arg19 : memref<!tpu.dma_semaphore, #tpu.memory_space<semaphore_mem>>)
        %mul3A_446 = arith.constant 32 : i32
        %mul3A_447 = arith.muli %add3A_432, %mul3A_446 : i32
        %dma_start3A_448 = arith.constant 1 : i32
        %dma_start3A_449 = arith.constant 1 : i32
        %dma_start3A_450 = arith.constant 0 : i32
        %dma_start3A_451 = arith.constant 0 : i32
        %dma_start3A_452 = tpu.memref_slice %arg12[%dma_start3A_449, %dma_start3A_450, %dma_start3A_451] : memref<4x32x96xf32, #tpu.memory_space<vmem>> -> memref<1x32x96xf32, #tpu.memory_space<vmem>>
        %dma_start3A_453 = tpu.memref_squeeze %dma_start3A_452 : memref<1x32x96xf32, #tpu.memory_space<vmem>> -> memref<32x96xf32, #tpu.memory_space<vmem>>
        %dma_start3A_454 = tpu.memref_slice %arg8[%dma_start3A_448, %mul3A_447] : memref<4x9216xi32, #tpu.memory_space<vmem>> -> memref<1x32xi32, #tpu.memory_space<vmem>>
        %dma_start3A_455 = tpu.memref_squeeze %dma_start3A_454 : memref<1x32xi32, #tpu.memory_space<vmem>> -> memref<32xi32, #tpu.memory_space<vmem>>
        %dma_start3A_456 = arith.constant 0 : i32
        %dma_start3A_457 = arith.constant 0 : i32
        %dma_start3A_458 = tpu.memref_slice %arg2[%dma_start3A_456, %dma_start3A_457] : memref<294912x96xf32, #tpu.memory_space<hbm>> -> memref<294912x96xf32, #tpu.memory_space<hbm>>
        tpu.enqueue_indirect_dma source(%dma_start3A_458 : memref<294912x96xf32, #tpu.memory_space<hbm>>) target(%dma_start3A_453 : memref<32x96xf32, #tpu.memory_space<vmem>>) offsets(%dma_start3A_455 : memref<32xi32, #tpu.memory_space<vmem>>) semaphore(%arg19 : memref<!tpu.dma_semaphore, #tpu.memory_space<semaphore_mem>>)
        %mul3A_459 = arith.constant 32 : i32
        %mul3A_460 = arith.muli %add3A_432, %mul3A_459 : i32
        %dma_start3A_461 = arith.constant 2 : i32
        %dma_start3A_462 = arith.constant 2 : i32
        %dma_start3A_463 = arith.constant 0 : i32
        %dma_start3A_464 = arith.constant 0 : i32
        %dma_start3A_465 = tpu.memref_slice %arg12[%dma_start3A_462, %dma_start3A_463, %dma_start3A_464] : memref<4x32x96xf32, #tpu.memory_space<vmem>> -> memref<1x32x96xf32, #tpu.memory_space<vmem>>
        %dma_start3A_466 = tpu.memref_squeeze %dma_start3A_465 : memref<1x32x96xf32, #tpu.memory_space<vmem>> -> memref<32x96xf32, #tpu.memory_space<vmem>>
        %dma_start3A_467 = tpu.memref_slice %arg8[%dma_start3A_461, %mul3A_460] : memref<4x9216xi32, #tpu.memory_space<vmem>> -> memref<1x32xi32, #tpu.memory_space<vmem>>
        %dma_start3A_468 = tpu.memref_squeeze %dma_start3A_467 : memref<1x32xi32, #tpu.memory_space<vmem>> -> memref<32xi32, #tpu.memory_space<vmem>>
        %dma_start3A_469 = arith.constant 0 : i32
        %dma_start3A_470 = arith.constant 0 : i32
        %dma_start3A_471 = tpu.memref_slice %arg2[%dma_start3A_469, %dma_start3A_470] : memref<294912x96xf32, #tpu.memory_space<hbm>> -> memref<294912x96xf32, #tpu.memory_space<hbm>>
        tpu.enqueue_indirect_dma source(%dma_start3A_471 : memref<294912x96xf32, #tpu.memory_space<hbm>>) target(%dma_start3A_466 : memref<32x96xf32, #tpu.memory_space<vmem>>) offsets(%dma_start3A_468 : memref<32xi32, #tpu.memory_space<vmem>>) semaphore(%arg19 : memref<!tpu.dma_semaphore, #tpu.memory_space<semaphore_mem>>)
        %mul3A_472 = arith.constant 32 : i32
        %mul3A_473 = arith.muli %add3A_432, %mul3A_472 : i32
        %dma_start3A_474 = arith.constant 3 : i32
        %dma_start3A_475 = arith.constant 3 : i32
        %dma_start3A_476 = arith.constant 0 : i32
        %dma_start3A_477 = arith.constant 0 : i32
        %dma_start3A_478 = tpu.memref_slice %arg12[%dma_start3A_475, %dma_start3A_476, %dma_start3A_477] : memref<4x32x96xf32, #tpu.memory_space<vmem>> -> memref<1x32x96xf32, #tpu.memory_space<vmem>>
        %dma_start3A_479 = tpu.memref_squeeze %dma_start3A_478 : memref<1x32x96xf32, #tpu.memory_space<vmem>> -> memref<32x96xf32, #tpu.memory_space<vmem>>
        %dma_start3A_480 = tpu.memref_slice %arg8[%dma_start3A_474, %mul3A_473] : memref<4x9216xi32, #tpu.memory_space<vmem>> -> memref<1x32xi32, #tpu.memory_space<vmem>>
        %dma_start3A_481 = tpu.memref_squeeze %dma_start3A_480 : memref<1x32xi32, #tpu.memory_space<vmem>> -> memref<32xi32, #tpu.memory_space<vmem>>
        %dma_start3A_482 = arith.constant 0 : i32
        %dma_start3A_483 = arith.constant 0 : i32
        %dma_start3A_484 = tpu.memref_slice %arg2[%dma_start3A_482, %dma_start3A_483] : memref<294912x96xf32, #tpu.memory_space<hbm>> -> memref<294912x96xf32, #tpu.memory_space<hbm>>
        tpu.enqueue_indirect_dma source(%dma_start3A_484 : memref<294912x96xf32, #tpu.memory_space<hbm>>) target(%dma_start3A_479 : memref<32x96xf32, #tpu.memory_space<vmem>>) offsets(%dma_start3A_481 : memref<32xi32, #tpu.memory_space<vmem>>) semaphore(%arg19 : memref<!tpu.dma_semaphore, #tpu.memory_space<semaphore_mem>>)
        %mul3A_485 = arith.constant 32 : i32
        %mul3A_486 = arith.muli %add3A_432, %mul3A_485 : i32
        %add3A_487 = arith.addi %mul3A_2, %mul3A_486 : i32
        %dma_start3A_488 = arith.constant 0 : i32
        %dma_start3A_489 = tpu.memref_slice %arg3[%add3A_487, %dma_start3A_488] : memref<294912x128xf32, #tpu.memory_space<hbm>> -> memref<32x128xf32, #tpu.memory_space<hbm>>
        %dma_start3A_490 = arith.constant 0 : i32
        %dma_start3A_491 = tpu.memref_slice %arg3[%add3A_487, %dma_start3A_490] : memref<294912x128xf32, #tpu.memory_space<hbm>> -> memref<32x128xf32, #tpu.memory_space<hbm>>
        tpu.enqueue_dma source(%dma_start3A_491 : memref<32x128xf32, #tpu.memory_space<hbm>>) target(%arg14 : memref<32x128xf32, #tpu.memory_space<vmem>>) target_semaphore(%arg21 : memref<!tpu.dma_semaphore, #tpu.memory_space<semaphore_mem>>)
      } else {
      }
      %dma_wait3A_281 = arith.constant 0 : i32
      %dma_wait3A_282 = arith.constant 0 : i32
      %dma_wait3A_283 = arith.constant 0 : i32
      %dma_wait3A_284 = arith.constant 0 : i32
      %dma_wait3A_285 = tpu.memref_slice %arg11[%dma_wait3A_282, %dma_wait3A_283, %dma_wait3A_284] : memref<4x32x96xf32, #tpu.memory_space<vmem>> -> memref<1x32x96xf32, #tpu.memory_space<vmem>>
      %dma_wait3A_286 = tpu.memref_squeeze %dma_wait3A_285 : memref<1x32x96xf32, #tpu.memory_space<vmem>> -> memref<32x96xf32, #tpu.memory_space<vmem>>
      %dma_wait3A_287 = arith.constant 0 : i32
      %dma_wait3A_288 = tpu.memref_slice %arg8[%dma_wait3A_281, %dma_wait3A_287] : memref<4x9216xi32, #tpu.memory_space<vmem>> -> memref<1x32xi32, #tpu.memory_space<vmem>>
      %dma_wait3A_289 = tpu.memref_squeeze %dma_wait3A_288 : memref<1x32xi32, #tpu.memory_space<vmem>> -> memref<32xi32, #tpu.memory_space<vmem>>
      %dma_wait3A_290 = arith.constant 0 : i32
      %dma_wait3A_291 = arith.constant 0 : i32
      %dma_wait3A_292 = tpu.memref_slice %arg2[%dma_wait3A_290, %dma_wait3A_291] : memref<294912x96xf32, #tpu.memory_space<hbm>> -> memref<294912x96xf32, #tpu.memory_space<hbm>>
      tpu.wait_indirect_dma semaphore(%arg18 : memref<!tpu.dma_semaphore, #tpu.memory_space<semaphore_mem>>) src(%dma_wait3A_292 : memref<294912x96xf32, #tpu.memory_space<hbm>>) dst(%dma_wait3A_286 : memref<32x96xf32, #tpu.memory_space<vmem>>)
      %dma_wait3A_293 = arith.constant 1 : i32
      %dma_wait3A_294 = arith.constant 1 : i32
      %dma_wait3A_295 = arith.constant 0 : i32
      %dma_wait3A_296 = arith.constant 0 : i32
      %dma_wait3A_297 = tpu.memref_slice %arg11[%dma_wait3A_294, %dma_wait3A_295, %dma_wait3A_296] : memref<4x32x96xf32, #tpu.memory_space<vmem>> -> memref<1x32x96xf32, #tpu.memory_space<vmem>>
      %dma_wait3A_298 = tpu.memref_squeeze %dma_wait3A_297 : memref<1x32x96xf32, #tpu.memory_space<vmem>> -> memref<32x96xf32, #tpu.memory_space<vmem>>
      %dma_wait3A_299 = arith.constant 0 : i32
      %dma_wait3A_300 = tpu.memref_slice %arg8[%dma_wait3A_293, %dma_wait3A_299] : memref<4x9216xi32, #tpu.memory_space<vmem>> -> memref<1x32xi32, #tpu.memory_space<vmem>>
      %dma_wait3A_301 = tpu.memref_squeeze %dma_wait3A_300 : memref<1x32xi32, #tpu.memory_space<vmem>> -> memref<32xi32, #tpu.memory_space<vmem>>
      %dma_wait3A_302 = arith.constant 0 : i32
      %dma_wait3A_303 = arith.constant 0 : i32
      %dma_wait3A_304 = tpu.memref_slice %arg2[%dma_wait3A_302, %dma_wait3A_303] : memref<294912x96xf32, #tpu.memory_space<hbm>> -> memref<294912x96xf32, #tpu.memory_space<hbm>>
      tpu.wait_indirect_dma semaphore(%arg18 : memref<!tpu.dma_semaphore, #tpu.memory_space<semaphore_mem>>) src(%dma_wait3A_304 : memref<294912x96xf32, #tpu.memory_space<hbm>>) dst(%dma_wait3A_298 : memref<32x96xf32, #tpu.memory_space<vmem>>)
      %dma_wait3A_305 = arith.constant 2 : i32
      %dma_wait3A_306 = arith.constant 2 : i32
      %dma_wait3A_307 = arith.constant 0 : i32
      %dma_wait3A_308 = arith.constant 0 : i32
      %dma_wait3A_309 = tpu.memref_slice %arg11[%dma_wait3A_306, %dma_wait3A_307, %dma_wait3A_308] : memref<4x32x96xf32, #tpu.memory_space<vmem>> -> memref<1x32x96xf32, #tpu.memory_space<vmem>>
      %dma_wait3A_310 = tpu.memref_squeeze %dma_wait3A_309 : memref<1x32x96xf32, #tpu.memory_space<vmem>> -> memref<32x96xf32, #tpu.memory_space<vmem>>
      %dma_wait3A_311 = arith.constant 0 : i32
      %dma_wait3A_312 = tpu.memref_slice %arg8[%dma_wait3A_305, %dma_wait3A_311] : memref<4x9216xi32, #tpu.memory_space<vmem>> -> memref<1x32xi32, #tpu.memory_space<vmem>>
      %dma_wait3A_313 = tpu.memref_squeeze %dma_wait3A_312 : memref<1x32xi32, #tpu.memory_space<vmem>> -> memref<32xi32, #tpu.memory_space<vmem>>
      %dma_wait3A_314 = arith.constant 0 : i32
      %dma_wait3A_315 = arith.constant 0 : i32
      %dma_wait3A_316 = tpu.memref_slice %arg2[%dma_wait3A_314, %dma_wait3A_315] : memref<294912x96xf32, #tpu.memory_space<hbm>> -> memref<294912x96xf32, #tpu.memory_space<hbm>>
      tpu.wait_indirect_dma semaphore(%arg18 : memref<!tpu.dma_semaphore, #tpu.memory_space<semaphore_mem>>) src(%dma_wait3A_316 : memref<294912x96xf32, #tpu.memory_space<hbm>>) dst(%dma_wait3A_310 : memref<32x96xf32, #tpu.memory_space<vmem>>)
      %dma_wait3A_317 = arith.constant 3 : i32
      %dma_wait3A_318 = arith.constant 3 : i32
      %dma_wait3A_319 = arith.constant 0 : i32
      %dma_wait3A_320 = arith.constant 0 : i32
      %dma_wait3A_321 = tpu.memref_slice %arg11[%dma_wait3A_318, %dma_wait3A_319, %dma_wait3A_320] : memref<4x32x96xf32, #tpu.memory_space<vmem>> -> memref<1x32x96xf32, #tpu.memory_space<vmem>>
      %dma_wait3A_322 = tpu.memref_squeeze %dma_wait3A_321 : memref<1x32x96xf32, #tpu.memory_space<vmem>> -> memref<32x96xf32, #tpu.memory_space<vmem>>
      %dma_wait3A_323 = arith.constant 0 : i32
      %dma_wait3A_324 = tpu.memref_slice %arg8[%dma_wait3A_317, %dma_wait3A_323] : memref<4x9216xi32, #tpu.memory_space<vmem>> -> memref<1x32xi32, #tpu.memory_space<vmem>>
      %dma_wait3A_325 = tpu.memref_squeeze %dma_wait3A_324 : memref<1x32xi32, #tpu.memory_space<vmem>> -> memref<32xi32, #tpu.memory_space<vmem>>
      %dma_wait3A_326 = arith.constant 0 : i32
      %dma_wait3A_327 = arith.constant 0 : i32
      %dma_wait3A_328 = tpu.memref_slice %arg2[%dma_wait3A_326, %dma_wait3A_327] : memref<294912x96xf32, #tpu.memory_space<hbm>> -> memref<294912x96xf32, #tpu.memory_space<hbm>>
      tpu.wait_indirect_dma semaphore(%arg18 : memref<!tpu.dma_semaphore, #tpu.memory_space<semaphore_mem>>) src(%dma_wait3A_328 : memref<294912x96xf32, #tpu.memory_space<hbm>>) dst(%dma_wait3A_322 : memref<32x96xf32, #tpu.memory_space<vmem>>)
      %dma_wait3A_329 = arith.constant 0 : i32
      %dma_wait3A_330 = tpu.memref_slice %arg3[%mul3A_2, %dma_wait3A_329] : memref<294912x128xf32, #tpu.memory_space<hbm>> -> memref<32x128xf32, #tpu.memory_space<hbm>>
      %dma_wait3A_331 = arith.constant 0 : i32
      %dma_wait3A_332 = tpu.memref_slice %arg3[%mul3A_2, %dma_wait3A_331] : memref<294912x128xf32, #tpu.memory_space<hbm>> -> memref<32x128xf32, #tpu.memory_space<hbm>>
      tpu.wait_dma2 semaphore(%arg20 : memref<!tpu.dma_semaphore, #tpu.memory_space<semaphore_mem>>) src(%dma_wait3A_332 : memref<32x128xf32, #tpu.memory_space<hbm>>) dst(%arg13 : memref<32x128xf32, #tpu.memory_space<vmem>>)
      %ge3A = arith.constant 2 : i32
      %ge3A_333 = arith.cmpi sge, %add3A_276, %ge3A : i32
      %convert_element_type3A_334 = arith.extui %ge3A_333 : i1 to i32
      %cond3A_335 = arith.constant 0 : i32
      %cond3A_336 = arith.cmpi ne, %convert_element_type3A_334, %cond3A_335 : i32
      scf.if %cond3A_336 {
        %dma_wait3A_431 = arith.constant 0 : i32
        %dma_wait3A_432 = tpu.memref_slice %arg7[%mul3A_2, %dma_wait3A_431] : memref<294912x128xf32, #tpu.memory_space<hbm>> -> memref<32x128xf32, #tpu.memory_space<hbm>>
        %dma_wait3A_433 = arith.constant 0 : i32
        %dma_wait3A_434 = tpu.memref_slice %arg7[%mul3A_2, %dma_wait3A_433] : memref<294912x128xf32, #tpu.memory_space<hbm>> -> memref<32x128xf32, #tpu.memory_space<hbm>>
        tpu.wait_dma2 semaphore(%arg22 : memref<!tpu.dma_semaphore, #tpu.memory_space<semaphore_mem>>) src(%arg15 : memref<32x128xf32, #tpu.memory_space<vmem>>) dst(%dma_wait3A_434 : memref<32x128xf32, #tpu.memory_space<hbm>>)
      } else {
      }
      %scan3A_337 = arith.constant 0 : i32
      %scan3A_338 = arith.constant 0 : i32
      %scan3A_339 = arith.constant 32 : i32
      %scan3A_340 = arith.addi %scan3A_338, %scan3A_339 : i32
      %scan3A_341 = arith.constant 4 : i32
      scf.for %scan3A_431 = %scan3A_338 to %scan3A_340 step %scan3A_341  : i32 {
        %mul3A_432 = arith.constant 32 : i32
        %mul3A_433 = arith.muli %add3A_276, %mul3A_432 : i32
        %add3A_434 = arith.addi %mul3A_433, %scan3A_431 : i32
        %get3A = arith.constant 0 : i32
        %get3A_435 = arith.index_cast %get3A : i32 to index
        %get3A_436 = arith.index_cast %add3A_434 : i32 to index
        %get3A_437 = tpu.vector_load %arg9[%get3A_435, %get3A_436] {strides = array<i32>} : memref<4x9232xf32, #tpu.memory_space<vmem>>, vector<1x16xf32>,
        %get3A_438 = vector.shape_cast %get3A_437 : vector<1x16xf32> to vector<16xf32>
        %slice3A = vector.extract_strided_slice %get3A_438 {offsets = [0], sizes = [1], strides = [1]} : vector<16xf32> to vector<1xf32>
        %squeeze3A = vector.extract %slice3A[0] : f32 from vector<1xf32>
        %get3A_439 = arith.constant 1 : i32
        %get3A_440 = arith.index_cast %get3A_439 : i32 to index
        %get3A_441 = arith.index_cast %add3A_434 : i32 to index
        %get3A_442 = tpu.vector_load %arg9[%get3A_440, %get3A_441] {strides = array<i32>} : memref<4x9232xf32, #tpu.memory_space<vmem>>, vector<1x16xf32>,
        %get3A_443 = vector.shape_cast %get3A_442 : vector<1x16xf32> to vector<16xf32>
        %slice3A_444 = vector.extract_strided_slice %get3A_443 {offsets = [0], sizes = [1], strides = [1]} : vector<16xf32> to vector<1xf32>
        %squeeze3A_445 = vector.extract %slice3A_444[0] : f32 from vector<1xf32>
        %get3A_446 = arith.constant 2 : i32
        %get3A_447 = arith.index_cast %get3A_446 : i32 to index
        %get3A_448 = arith.index_cast %add3A_434 : i32 to index
        %get3A_449 = tpu.vector_load %arg9[%get3A_447, %get3A_448] {strides = array<i32>} : memref<4x9232xf32, #tpu.memory_space<vmem>>, vector<1x16xf32>,
        %get3A_450 = vector.shape_cast %get3A_449 : vector<1x16xf32> to vector<16xf32>
        %slice3A_451 = vector.extract_strided_slice %get3A_450 {offsets = [0], sizes = [1], strides = [1]} : vector<16xf32> to vector<1xf32>
        %squeeze3A_452 = vector.extract %slice3A_451[0] : f32 from vector<1xf32>
        %get3A_453 = arith.constant 3 : i32
        %get3A_454 = arith.index_cast %get3A_453 : i32 to index
        %get3A_455 = arith.index_cast %add3A_434 : i32 to index
        %get3A_456 = tpu.vector_load %arg9[%get3A_454, %get3A_455] {strides = array<i32>} : memref<4x9232xf32, #tpu.memory_space<vmem>>, vector<1x16xf32>,
        %get3A_457 = vector.shape_cast %get3A_456 : vector<1x16xf32> to vector<16xf32>
        %slice3A_458 = vector.extract_strided_slice %get3A_457 {offsets = [0], sizes = [1], strides = [1]} : vector<16xf32> to vector<1xf32>
        %squeeze3A_459 = vector.extract %slice3A_458[0] : f32 from vector<1xf32>
        %get3A_460 = arith.index_cast %add3A_434 : i32 to index
        %get3A_461 = tpu.vector_load %arg10[%get3A_460] {strides = array<i32>} : memref<9232xf32, #tpu.memory_space<vmem>>, vector<16xf32>,
        %get3A_462 = vector.shape_cast %get3A_461 : vector<16xf32> to vector<16xf32>
        %slice3A_463 = vector.extract_strided_slice %get3A_462 {offsets = [0], sizes = [1], strides = [1]} : vector<16xf32> to vector<1xf32>
        %squeeze3A_464 = vector.extract %slice3A_463[0] : f32 from vector<1xf32>
        %get3A_465 = arith.constant 0 : i32
        %get3A_466 = arith.index_cast %get3A_465 : i32 to index
        %get3A_467 = arith.index_cast %scan3A_431 : i32 to index
        %get3A_468 = arith.constant 0 : index
        %get3A_469 = tpu.vector_load %arg11[%get3A_466, %get3A_467, %get3A_468] {strides = array<i32>} : memref<4x32x96xf32, #tpu.memory_space<vmem>>, vector<1x1x16xf32>,
        %get3A_470 = vector.shape_cast %get3A_469 : vector<1x1x16xf32> to vector<16xf32>
        %mul3A_471 = vector.broadcast %squeeze3A : f32 to vector<16xf32>
        %mul3A_472 = arith.mulf %get3A_470, %mul3A_471 : vector<16xf32>
        %get3A_473 = arith.constant 1 : i32
        %get3A_474 = arith.index_cast %get3A_473 : i32 to index
        %get3A_475 = arith.index_cast %scan3A_431 : i32 to index
        %get3A_476 = arith.constant 0 : index
        %get3A_477 = tpu.vector_load %arg11[%get3A_474, %get3A_475, %get3A_476] {strides = array<i32>} : memref<4x32x96xf32, #tpu.memory_space<vmem>>, vector<1x1x16xf32>,
        %get3A_478 = vector.shape_cast %get3A_477 : vector<1x1x16xf32> to vector<16xf32>
        %mul3A_479 = vector.broadcast %squeeze3A_445 : f32 to vector<16xf32>
        %mul3A_480 = arith.mulf %get3A_478, %mul3A_479 : vector<16xf32>
        %add3A_481 = arith.addf %mul3A_472, %mul3A_480 : vector<16xf32>
        %get3A_482 = arith.constant 2 : i32
        %get3A_483 = arith.index_cast %get3A_482 : i32 to index
        %get3A_484 = arith.index_cast %scan3A_431 : i32 to index
        %get3A_485 = arith.constant 0 : index
        %get3A_486 = tpu.vector_load %arg11[%get3A_483, %get3A_484, %get3A_485] {strides = array<i32>} : memref<4x32x96xf32, #tpu.memory_space<vmem>>, vector<1x1x16xf32>,
        %get3A_487 = vector.shape_cast %get3A_486 : vector<1x1x16xf32> to vector<16xf32>
        %mul3A_488 = vector.broadcast %squeeze3A_452 : f32 to vector<16xf32>
        %mul3A_489 = arith.mulf %get3A_487, %mul3A_488 : vector<16xf32>
        %add3A_490 = arith.addf %add3A_481, %mul3A_489 : vector<16xf32>
        %get3A_491 = arith.constant 3 : i32
        %get3A_492 = arith.index_cast %get3A_491 : i32 to index
        %get3A_493 = arith.index_cast %scan3A_431 : i32 to index
        %get3A_494 = arith.constant 0 : index
        %get3A_495 = tpu.vector_load %arg11[%get3A_492, %get3A_493, %get3A_494] {strides = array<i32>} : memref<4x32x96xf32, #tpu.memory_space<vmem>>, vector<1x1x16xf32>,
        %get3A_496 = vector.shape_cast %get3A_495 : vector<1x1x16xf32> to vector<16xf32>
        %mul3A_497 = vector.broadcast %squeeze3A_459 : f32 to vector<16xf32>
        %mul3A_498 = arith.mulf %get3A_496, %mul3A_497 : vector<16xf32>
        %add3A_499 = arith.addf %add3A_490, %mul3A_498 : vector<16xf32>
        %get3A_500 = arith.index_cast %scan3A_431 : i32 to index
        %get3A_501 = arith.constant 0 : index
        %get3A_502 = tpu.vector_load %arg13[%get3A_500, %get3A_501] {strides = array<i32>} : memref<32x128xf32, #tpu.memory_space<vmem>>, vector<1x16xf32>,
        %get3A_503 = vector.shape_cast %get3A_502 : vector<1x16xf32> to vector<16xf32>
        %mul3A_504 = vector.broadcast %squeeze3A_464 : f32 to vector<16xf32>
        %mul3A_505 = arith.mulf %get3A_503, %mul3A_504 : vector<16xf32>
        %add3A_506 = arith.addf %add3A_499, %mul3A_505 : vector<16xf32>
        %swap3A = arith.index_cast %scan3A_431 : i32 to index
        %swap3A_507 = arith.constant 0 : index
        %swap3A_508 = tpu.vector_load %arg15[%swap3A, %swap3A_507] {strides = array<i32>} : memref<32x128xf32, #tpu.memory_space<vmem>>, vector<1x16xf32>,
        %swap3A_509 = vector.shape_cast %swap3A_508 : vector<1x16xf32> to vector<16xf32>
        %swap3A_510 = vector.shape_cast %add3A_506 : vector<16xf32> to vector<1x16xf32>
        tpu.vector_store %arg15[%swap3A, %swap3A_507], %swap3A_510 {strides = array<i32>} : memref<32x128xf32, #tpu.memory_space<vmem>>, vector<1x16xf32>,
        %get3A_511 = arith.constant 0 : i32
        %get3A_512 = arith.index_cast %get3A_511 : i32 to index
        %get3A_513 = arith.index_cast %scan3A_431 : i32 to index
        %get3A_514 = arith.constant 16 : index
        %get3A_515 = tpu.vector_load %arg11[%get3A_512, %get3A_513, %get3A_514] {strides = array<i32>} : memref<4x32x96xf32, #tpu.memory_space<vmem>>, vector<1x1x16xf32>,
        %get3A_516 = vector.shape_cast %get3A_515 : vector<1x1x16xf32> to vector<16xf32>
        %mul3A_517 = vector.broadcast %squeeze3A : f32 to vector<16xf32>
        %mul3A_518 = arith.mulf %get3A_516, %mul3A_517 : vector<16xf32>
        %get3A_519 = arith.constant 1 : i32
        %get3A_520 = arith.index_cast %get3A_519 : i32 to index
        %get3A_521 = arith.index_cast %scan3A_431 : i32 to index
        %get3A_522 = arith.constant 16 : index
        %get3A_523 = tpu.vector_load %arg11[%get3A_520, %get3A_521, %get3A_522] {strides = array<i32>} : memref<4x32x96xf32, #tpu.memory_space<vmem>>, vector<1x1x16xf32>,
        %get3A_524 = vector.shape_cast %get3A_523 : vector<1x1x16xf32> to vector<16xf32>
        %mul3A_525 = vector.broadcast %squeeze3A_445 : f32 to vector<16xf32>
        %mul3A_526 = arith.mulf %get3A_524, %mul3A_525 : vector<16xf32>
        %add3A_527 = arith.addf %mul3A_518, %mul3A_526 : vector<16xf32>
        %get3A_528 = arith.constant 2 : i32
        %get3A_529 = arith.index_cast %get3A_528 : i32 to index
        %get3A_530 = arith.index_cast %scan3A_431 : i32 to index
        %get3A_531 = arith.constant 16 : index
        %get3A_532 = tpu.vector_load %arg11[%get3A_529, %get3A_530, %get3A_531] {strides = array<i32>} : memref<4x32x96xf32, #tpu.memory_space<vmem>>, vector<1x1x16xf32>,
        %get3A_533 = vector.shape_cast %get3A_532 : vector<1x1x16xf32> to vector<16xf32>
        %mul3A_534 = vector.broadcast %squeeze3A_452 : f32 to vector<16xf32>
        %mul3A_535 = arith.mulf %get3A_533, %mul3A_534 : vector<16xf32>
        %add3A_536 = arith.addf %add3A_527, %mul3A_535 : vector<16xf32>
        %get3A_537 = arith.constant 3 : i32
        %get3A_538 = arith.index_cast %get3A_537 : i32 to index
        %get3A_539 = arith.index_cast %scan3A_431 : i32 to index
        %get3A_540 = arith.constant 16 : index
        %get3A_541 = tpu.vector_load %arg11[%get3A_538, %get3A_539, %get3A_540] {strides = array<i32>} : memref<4x32x96xf32, #tpu.memory_space<vmem>>, vector<1x1x16xf32>,
        %get3A_542 = vector.shape_cast %get3A_541 : vector<1x1x16xf32> to vector<16xf32>
        %mul3A_543 = vector.broadcast %squeeze3A_459 : f32 to vector<16xf32>
        %mul3A_544 = arith.mulf %get3A_542, %mul3A_543 : vector<16xf32>
        %add3A_545 = arith.addf %add3A_536, %mul3A_544 : vector<16xf32>
        %get3A_546 = arith.index_cast %scan3A_431 : i32 to index
        %get3A_547 = arith.constant 16 : index
        %get3A_548 = tpu.vector_load %arg13[%get3A_546, %get3A_547] {strides = array<i32>} : memref<32x128xf32, #tpu.memory_space<vmem>>, vector<1x16xf32>,
        %get3A_549 = vector.shape_cast %get3A_548 : vector<1x16xf32> to vector<16xf32>
        %mul3A_550 = vector.broadcast %squeeze3A_464 : f32 to vector<16xf32>
        %mul3A_551 = arith.mulf %get3A_549, %mul3A_550 : vector<16xf32>
        %add3A_552 = arith.addf %add3A_545, %mul3A_551 : vector<16xf32>
        %swap3A_553 = arith.index_cast %scan3A_431 : i32 to index
        %swap3A_554 = arith.constant 16 : index
        %swap3A_555 = tpu.vector_load %arg15[%swap3A_553, %swap3A_554] {strides = array<i32>} : memref<32x128xf32, #tpu.memory_space<vmem>>, vector<1x16xf32>,
        %swap3A_556 = vector.shape_cast %swap3A_555 : vector<1x16xf32> to vector<16xf32>
        %swap3A_557 = vector.shape_cast %add3A_552 : vector<16xf32> to vector<1x16xf32>
        tpu.vector_store %arg15[%swap3A_553, %swap3A_554], %swap3A_557 {strides = array<i32>} : memref<32x128xf32, #tpu.memory_space<vmem>>, vector<1x16xf32>,
        %get3A_558 = arith.constant 0 : i32
        %get3A_559 = arith.index_cast %get3A_558 : i32 to index
        %get3A_560 = arith.index_cast %scan3A_431 : i32 to index
        %get3A_561 = arith.constant 32 : index
        %get3A_562 = tpu.vector_load %arg11[%get3A_559, %get3A_560, %get3A_561] {strides = array<i32>} : memref<4x32x96xf32, #tpu.memory_space<vmem>>, vector<1x1x16xf32>,
        %get3A_563 = vector.shape_cast %get3A_562 : vector<1x1x16xf32> to vector<16xf32>
        %mul3A_564 = vector.broadcast %squeeze3A : f32 to vector<16xf32>
        %mul3A_565 = arith.mulf %get3A_563, %mul3A_564 : vector<16xf32>
        %get3A_566 = arith.constant 1 : i32
        %get3A_567 = arith.index_cast %get3A_566 : i32 to index
        %get3A_568 = arith.index_cast %scan3A_431 : i32 to index
        %get3A_569 = arith.constant 32 : index
        %get3A_570 = tpu.vector_load %arg11[%get3A_567, %get3A_568, %get3A_569] {strides = array<i32>} : memref<4x32x96xf32, #tpu.memory_space<vmem>>, vector<1x1x16xf32>,
        %get3A_571 = vector.shape_cast %get3A_570 : vector<1x1x16xf32> to vector<16xf32>
        %mul3A_572 = vector.broadcast %squeeze3A_445 : f32 to vector<16xf32>
        %mul3A_573 = arith.mulf %get3A_571, %mul3A_572 : vector<16xf32>
        %add3A_574 = arith.addf %mul3A_565, %mul3A_573 : vector<16xf32>
        %get3A_575 = arith.constant 2 : i32
        %get3A_576 = arith.index_cast %get3A_575 : i32 to index
        %get3A_577 = arith.index_cast %scan3A_431 : i32 to index
        %get3A_578 = arith.constant 32 : index
        %get3A_579 = tpu.vector_load %arg11[%get3A_576, %get3A_577, %get3A_578] {strides = array<i32>} : memref<4x32x96xf32, #tpu.memory_space<vmem>>, vector<1x1x16xf32>,
        %get3A_580 = vector.shape_cast %get3A_579 : vector<1x1x16xf32> to vector<16xf32>
        %mul3A_581 = vector.broadcast %squeeze3A_452 : f32 to vector<16xf32>
        %mul3A_582 = arith.mulf %get3A_580, %mul3A_581 : vector<16xf32>
        %add3A_583 = arith.addf %add3A_574, %mul3A_582 : vector<16xf32>
        %get3A_584 = arith.constant 3 : i32
        %get3A_585 = arith.index_cast %get3A_584 : i32 to index
        %get3A_586 = arith.index_cast %scan3A_431 : i32 to index
        %get3A_587 = arith.constant 32 : index
        %get3A_588 = tpu.vector_load %arg11[%get3A_585, %get3A_586, %get3A_587] {strides = array<i32>} : memref<4x32x96xf32, #tpu.memory_space<vmem>>, vector<1x1x16xf32>,
        %get3A_589 = vector.shape_cast %get3A_588 : vector<1x1x16xf32> to vector<16xf32>
        %mul3A_590 = vector.broadcast %squeeze3A_459 : f32 to vector<16xf32>
        %mul3A_591 = arith.mulf %get3A_589, %mul3A_590 : vector<16xf32>
        %add3A_592 = arith.addf %add3A_583, %mul3A_591 : vector<16xf32>
        %get3A_593 = arith.index_cast %scan3A_431 : i32 to index
        %get3A_594 = arith.constant 32 : index
        %get3A_595 = tpu.vector_load %arg13[%get3A_593, %get3A_594] {strides = array<i32>} : memref<32x128xf32, #tpu.memory_space<vmem>>, vector<1x16xf32>,
        %get3A_596 = vector.shape_cast %get3A_595 : vector<1x16xf32> to vector<16xf32>
        %mul3A_597 = vector.broadcast %squeeze3A_464 : f32 to vector<16xf32>
        %mul3A_598 = arith.mulf %get3A_596, %mul3A_597 : vector<16xf32>
        %add3A_599 = arith.addf %add3A_592, %mul3A_598 : vector<16xf32>
        %swap3A_600 = arith.index_cast %scan3A_431 : i32 to index
        %swap3A_601 = arith.constant 32 : index
        %swap3A_602 = tpu.vector_load %arg15[%swap3A_600, %swap3A_601] {strides = array<i32>} : memref<32x128xf32, #tpu.memory_space<vmem>>, vector<1x16xf32>,
        %swap3A_603 = vector.shape_cast %swap3A_602 : vector<1x16xf32> to vector<16xf32>
        %swap3A_604 = vector.shape_cast %add3A_599 : vector<16xf32> to vector<1x16xf32>
        tpu.vector_store %arg15[%swap3A_600, %swap3A_601], %swap3A_604 {strides = array<i32>} : memref<32x128xf32, #tpu.memory_space<vmem>>, vector<1x16xf32>,
        %get3A_605 = arith.constant 0 : i32
        %get3A_606 = arith.index_cast %get3A_605 : i32 to index
        %get3A_607 = arith.index_cast %scan3A_431 : i32 to index
        %get3A_608 = arith.constant 48 : index
        %get3A_609 = tpu.vector_load %arg11[%get3A_606, %get3A_607, %get3A_608] {strides = array<i32>} : memref<4x32x96xf32, #tpu.memory_space<vmem>>, vector<1x1x16xf32>,
        %get3A_610 = vector.shape_cast %get3A_609 : vector<1x1x16xf32> to vector<16xf32>
        %mul3A_611 = vector.broadcast %squeeze3A : f32 to vector<16xf32>
        %mul3A_612 = arith.mulf %get3A_610, %mul3A_611 : vector<16xf32>
        %get3A_613 = arith.constant 1 : i32
        %get3A_614 = arith.index_cast %get3A_613 : i32 to index
        %get3A_615 = arith.index_cast %scan3A_431 : i32 to index
        %get3A_616 = arith.constant 48 : index
        %get3A_617 = tpu.vector_load %arg11[%get3A_614, %get3A_615, %get3A_616] {strides = array<i32>} : memref<4x32x96xf32, #tpu.memory_space<vmem>>, vector<1x1x16xf32>,
        %get3A_618 = vector.shape_cast %get3A_617 : vector<1x1x16xf32> to vector<16xf32>
        %mul3A_619 = vector.broadcast %squeeze3A_445 : f32 to vector<16xf32>
        %mul3A_620 = arith.mulf %get3A_618, %mul3A_619 : vector<16xf32>
        %add3A_621 = arith.addf %mul3A_612, %mul3A_620 : vector<16xf32>
        %get3A_622 = arith.constant 2 : i32
        %get3A_623 = arith.index_cast %get3A_622 : i32 to index
        %get3A_624 = arith.index_cast %scan3A_431 : i32 to index
        %get3A_625 = arith.constant 48 : index
        %get3A_626 = tpu.vector_load %arg11[%get3A_623, %get3A_624, %get3A_625] {strides = array<i32>} : memref<4x32x96xf32, #tpu.memory_space<vmem>>, vector<1x1x16xf32>,
        %get3A_627 = vector.shape_cast %get3A_626 : vector<1x1x16xf32> to vector<16xf32>
        %mul3A_628 = vector.broadcast %squeeze3A_452 : f32 to vector<16xf32>
        %mul3A_629 = arith.mulf %get3A_627, %mul3A_628 : vector<16xf32>
        %add3A_630 = arith.addf %add3A_621, %mul3A_629 : vector<16xf32>
        %get3A_631 = arith.constant 3 : i32
        %get3A_632 = arith.index_cast %get3A_631 : i32 to index
        %get3A_633 = arith.index_cast %scan3A_431 : i32 to index
        %get3A_634 = arith.constant 48 : index
        %get3A_635 = tpu.vector_load %arg11[%get3A_632, %get3A_633, %get3A_634] {strides = array<i32>} : memref<4x32x96xf32, #tpu.memory_space<vmem>>, vector<1x1x16xf32>,
        %get3A_636 = vector.shape_cast %get3A_635 : vector<1x1x16xf32> to vector<16xf32>
        %mul3A_637 = vector.broadcast %squeeze3A_459 : f32 to vector<16xf32>
        %mul3A_638 = arith.mulf %get3A_636, %mul3A_637 : vector<16xf32>
        %add3A_639 = arith.addf %add3A_630, %mul3A_638 : vector<16xf32>
        %get3A_640 = arith.index_cast %scan3A_431 : i32 to index
        %get3A_641 = arith.constant 48 : index
        %get3A_642 = tpu.vector_load %arg13[%get3A_640, %get3A_641] {strides = array<i32>} : memref<32x128xf32, #tpu.memory_space<vmem>>, vector<1x16xf32>,
        %get3A_643 = vector.shape_cast %get3A_642 : vector<1x16xf32> to vector<16xf32>
        %mul3A_644 = vector.broadcast %squeeze3A_464 : f32 to vector<16xf32>
        %mul3A_645 = arith.mulf %get3A_643, %mul3A_644 : vector<16xf32>
        %add3A_646 = arith.addf %add3A_639, %mul3A_645 : vector<16xf32>
        %swap3A_647 = arith.index_cast %scan3A_431 : i32 to index
        %swap3A_648 = arith.constant 48 : index
        %swap3A_649 = tpu.vector_load %arg15[%swap3A_647, %swap3A_648] {strides = array<i32>} : memref<32x128xf32, #tpu.memory_space<vmem>>, vector<1x16xf32>,
        %swap3A_650 = vector.shape_cast %swap3A_649 : vector<1x16xf32> to vector<16xf32>
        %swap3A_651 = vector.shape_cast %add3A_646 : vector<16xf32> to vector<1x16xf32>
        tpu.vector_store %arg15[%swap3A_647, %swap3A_648], %swap3A_651 {strides = array<i32>} : memref<32x128xf32, #tpu.memory_space<vmem>>, vector<1x16xf32>,
        %get3A_652 = arith.constant 0 : i32
        %get3A_653 = arith.index_cast %get3A_652 : i32 to index
        %get3A_654 = arith.index_cast %scan3A_431 : i32 to index
        %get3A_655 = arith.constant 64 : index
        %get3A_656 = tpu.vector_load %arg11[%get3A_653, %get3A_654, %get3A_655] {strides = array<i32>} : memref<4x32x96xf32, #tpu.memory_space<vmem>>, vector<1x1x16xf32>,
        %get3A_657 = vector.shape_cast %get3A_656 : vector<1x1x16xf32> to vector<16xf32>
        %mul3A_658 = vector.broadcast %squeeze3A : f32 to vector<16xf32>
        %mul3A_659 = arith.mulf %get3A_657, %mul3A_658 : vector<16xf32>
        %get3A_660 = arith.constant 1 : i32
        %get3A_661 = arith.index_cast %get3A_660 : i32 to index
        %get3A_662 = arith.index_cast %scan3A_431 : i32 to index
        %get3A_663 = arith.constant 64 : index
        %get3A_664 = tpu.vector_load %arg11[%get3A_661, %get3A_662, %get3A_663] {strides = array<i32>} : memref<4x32x96xf32, #tpu.memory_space<vmem>>, vector<1x1x16xf32>,
        %get3A_665 = vector.shape_cast %get3A_664 : vector<1x1x16xf32> to vector<16xf32>
        %mul3A_666 = vector.broadcast %squeeze3A_445 : f32 to vector<16xf32>
        %mul3A_667 = arith.mulf %get3A_665, %mul3A_666 : vector<16xf32>
        %add3A_668 = arith.addf %mul3A_659, %mul3A_667 : vector<16xf32>
        %get3A_669 = arith.constant 2 : i32
        %get3A_670 = arith.index_cast %get3A_669 : i32 to index
        %get3A_671 = arith.index_cast %scan3A_431 : i32 to index
        %get3A_672 = arith.constant 64 : index
        %get3A_673 = tpu.vector_load %arg11[%get3A_670, %get3A_671, %get3A_672] {strides = array<i32>} : memref<4x32x96xf32, #tpu.memory_space<vmem>>, vector<1x1x16xf32>,
        %get3A_674 = vector.shape_cast %get3A_673 : vector<1x1x16xf32> to vector<16xf32>
        %mul3A_675 = vector.broadcast %squeeze3A_452 : f32 to vector<16xf32>
        %mul3A_676 = arith.mulf %get3A_674, %mul3A_675 : vector<16xf32>
        %add3A_677 = arith.addf %add3A_668, %mul3A_676 : vector<16xf32>
        %get3A_678 = arith.constant 3 : i32
        %get3A_679 = arith.index_cast %get3A_678 : i32 to index
        %get3A_680 = arith.index_cast %scan3A_431 : i32 to index
        %get3A_681 = arith.constant 64 : index
        %get3A_682 = tpu.vector_load %arg11[%get3A_679, %get3A_680, %get3A_681] {strides = array<i32>} : memref<4x32x96xf32, #tpu.memory_space<vmem>>, vector<1x1x16xf32>,
        %get3A_683 = vector.shape_cast %get3A_682 : vector<1x1x16xf32> to vector<16xf32>
        %mul3A_684 = vector.broadcast %squeeze3A_459 : f32 to vector<16xf32>
        %mul3A_685 = arith.mulf %get3A_683, %mul3A_684 : vector<16xf32>
        %add3A_686 = arith.addf %add3A_677, %mul3A_685 : vector<16xf32>
        %get3A_687 = arith.index_cast %scan3A_431 : i32 to index
        %get3A_688 = arith.constant 64 : index
        %get3A_689 = tpu.vector_load %arg13[%get3A_687, %get3A_688] {strides = array<i32>} : memref<32x128xf32, #tpu.memory_space<vmem>>, vector<1x16xf32>,
        %get3A_690 = vector.shape_cast %get3A_689 : vector<1x16xf32> to vector<16xf32>
        %mul3A_691 = vector.broadcast %squeeze3A_464 : f32 to vector<16xf32>
        %mul3A_692 = arith.mulf %get3A_690, %mul3A_691 : vector<16xf32>
        %add3A_693 = arith.addf %add3A_686, %mul3A_692 : vector<16xf32>
        %swap3A_694 = arith.index_cast %scan3A_431 : i32 to index
        %swap3A_695 = arith.constant 64 : index
        %swap3A_696 = tpu.vector_load %arg15[%swap3A_694, %swap3A_695] {strides = array<i32>} : memref<32x128xf32, #tpu.memory_space<vmem>>, vector<1x16xf32>,
        %swap3A_697 = vector.shape_cast %swap3A_696 : vector<1x16xf32> to vector<16xf32>
        %swap3A_698 = vector.shape_cast %add3A_693 : vector<16xf32> to vector<1x16xf32>
        tpu.vector_store %arg15[%swap3A_694, %swap3A_695], %swap3A_698 {strides = array<i32>} : memref<32x128xf32, #tpu.memory_space<vmem>>, vector<1x16xf32>,
        %get3A_699 = arith.constant 0 : i32
        %get3A_700 = arith.index_cast %get3A_699 : i32 to index
        %get3A_701 = arith.index_cast %scan3A_431 : i32 to index
        %get3A_702 = arith.constant 80 : index
        %get3A_703 = tpu.vector_load %arg11[%get3A_700, %get3A_701, %get3A_702] {strides = array<i32>} : memref<4x32x96xf32, #tpu.memory_space<vmem>>, vector<1x1x16xf32>,
        %get3A_704 = vector.shape_cast %get3A_703 : vector<1x1x16xf32> to vector<16xf32>
        %mul3A_705 = vector.broadcast %squeeze3A : f32 to vector<16xf32>
        %mul3A_706 = arith.mulf %get3A_704, %mul3A_705 : vector<16xf32>
        %get3A_707 = arith.constant 1 : i32
        %get3A_708 = arith.index_cast %get3A_707 : i32 to index
        %get3A_709 = arith.index_cast %scan3A_431 : i32 to index
        %get3A_710 = arith.constant 80 : index
        %get3A_711 = tpu.vector_load %arg11[%get3A_708, %get3A_709, %get3A_710] {strides = array<i32>} : memref<4x32x96xf32, #tpu.memory_space<vmem>>, vector<1x1x16xf32>,
        %get3A_712 = vector.shape_cast %get3A_711 : vector<1x1x16xf32> to vector<16xf32>
        %mul3A_713 = vector.broadcast %squeeze3A_445 : f32 to vector<16xf32>
        %mul3A_714 = arith.mulf %get3A_712, %mul3A_713 : vector<16xf32>
        %add3A_715 = arith.addf %mul3A_706, %mul3A_714 : vector<16xf32>
        %get3A_716 = arith.constant 2 : i32
        %get3A_717 = arith.index_cast %get3A_716 : i32 to index
        %get3A_718 = arith.index_cast %scan3A_431 : i32 to index
        %get3A_719 = arith.constant 80 : index
        %get3A_720 = tpu.vector_load %arg11[%get3A_717, %get3A_718, %get3A_719] {strides = array<i32>} : memref<4x32x96xf32, #tpu.memory_space<vmem>>, vector<1x1x16xf32>,
        %get3A_721 = vector.shape_cast %get3A_720 : vector<1x1x16xf32> to vector<16xf32>
        %mul3A_722 = vector.broadcast %squeeze3A_452 : f32 to vector<16xf32>
        %mul3A_723 = arith.mulf %get3A_721, %mul3A_722 : vector<16xf32>
        %add3A_724 = arith.addf %add3A_715, %mul3A_723 : vector<16xf32>
        %get3A_725 = arith.constant 3 : i32
        %get3A_726 = arith.index_cast %get3A_725 : i32 to index
        %get3A_727 = arith.index_cast %scan3A_431 : i32 to index
        %get3A_728 = arith.constant 80 : index
        %get3A_729 = tpu.vector_load %arg11[%get3A_726, %get3A_727, %get3A_728] {strides = array<i32>} : memref<4x32x96xf32, #tpu.memory_space<vmem>>, vector<1x1x16xf32>,
        %get3A_730 = vector.shape_cast %get3A_729 : vector<1x1x16xf32> to vector<16xf32>
        %mul3A_731 = vector.broadcast %squeeze3A_459 : f32 to vector<16xf32>
        %mul3A_732 = arith.mulf %get3A_730, %mul3A_731 : vector<16xf32>
        %add3A_733 = arith.addf %add3A_724, %mul3A_732 : vector<16xf32>
        %get3A_734 = arith.index_cast %scan3A_431 : i32 to index
        %get3A_735 = arith.constant 80 : index
        %get3A_736 = tpu.vector_load %arg13[%get3A_734, %get3A_735] {strides = array<i32>} : memref<32x128xf32, #tpu.memory_space<vmem>>, vector<1x16xf32>,
        %get3A_737 = vector.shape_cast %get3A_736 : vector<1x16xf32> to vector<16xf32>
        %mul3A_738 = vector.broadcast %squeeze3A_464 : f32 to vector<16xf32>
        %mul3A_739 = arith.mulf %get3A_737, %mul3A_738 : vector<16xf32>
        %add3A_740 = arith.addf %add3A_733, %mul3A_739 : vector<16xf32>
        %swap3A_741 = arith.index_cast %scan3A_431 : i32 to index
        %swap3A_742 = arith.constant 80 : index
        %swap3A_743 = tpu.vector_load %arg15[%swap3A_741, %swap3A_742] {strides = array<i32>} : memref<32x128xf32, #tpu.memory_space<vmem>>, vector<1x16xf32>,
        %swap3A_744 = vector.shape_cast %swap3A_743 : vector<1x16xf32> to vector<16xf32>
        %swap3A_745 = vector.shape_cast %add3A_740 : vector<16xf32> to vector<1x16xf32>
        tpu.vector_store %arg15[%swap3A_741, %swap3A_742], %swap3A_745 {strides = array<i32>} : memref<32x128xf32, #tpu.memory_space<vmem>>, vector<1x16xf32>,
        %scan3A_746 = arith.constant 1 : i32
        %scan3A_747 = arith.addi %scan3A_431, %scan3A_746 : i32
        %mul3A_748 = arith.constant 32 : i32
        %mul3A_749 = arith.muli %add3A_276, %mul3A_748 : i32
        %add3A_750 = arith.addi %mul3A_749, %scan3A_747 : i32
        %get3A_751 = arith.constant 0 : i32
        %get3A_752 = arith.index_cast %get3A_751 : i32 to index
        %get3A_753 = arith.index_cast %add3A_750 : i32 to index
        %get3A_754 = tpu.vector_load %arg9[%get3A_752, %get3A_753] {strides = array<i32>} : memref<4x9232xf32, #tpu.memory_space<vmem>>, vector<1x16xf32>,
        %get3A_755 = vector.shape_cast %get3A_754 : vector<1x16xf32> to vector<16xf32>
        %slice3A_756 = vector.extract_strided_slice %get3A_755 {offsets = [0], sizes = [1], strides = [1]} : vector<16xf32> to vector<1xf32>
        %squeeze3A_757 = vector.extract %slice3A_756[0] : f32 from vector<1xf32>
        %get3A_758 = arith.constant 1 : i32
        %get3A_759 = arith.index_cast %get3A_758 : i32 to index
        %get3A_760 = arith.index_cast %add3A_750 : i32 to index
        %get3A_761 = tpu.vector_load %arg9[%get3A_759, %get3A_760] {strides = array<i32>} : memref<4x9232xf32, #tpu.memory_space<vmem>>, vector<1x16xf32>,
        %get3A_762 = vector.shape_cast %get3A_761 : vector<1x16xf32> to vector<16xf32>
        %slice3A_763 = vector.extract_strided_slice %get3A_762 {offsets = [0], sizes = [1], strides = [1]} : vector<16xf32> to vector<1xf32>
        %squeeze3A_764 = vector.extract %slice3A_763[0] : f32 from vector<1xf32>
        %get3A_765 = arith.constant 2 : i32
        %get3A_766 = arith.index_cast %get3A_765 : i32 to index
        %get3A_767 = arith.index_cast %add3A_750 : i32 to index
        %get3A_768 = tpu.vector_load %arg9[%get3A_766, %get3A_767] {strides = array<i32>} : memref<4x9232xf32, #tpu.memory_space<vmem>>, vector<1x16xf32>,
        %get3A_769 = vector.shape_cast %get3A_768 : vector<1x16xf32> to vector<16xf32>
        %slice3A_770 = vector.extract_strided_slice %get3A_769 {offsets = [0], sizes = [1], strides = [1]} : vector<16xf32> to vector<1xf32>
        %squeeze3A_771 = vector.extract %slice3A_770[0] : f32 from vector<1xf32>
        %get3A_772 = arith.constant 3 : i32
        %get3A_773 = arith.index_cast %get3A_772 : i32 to index
        %get3A_774 = arith.index_cast %add3A_750 : i32 to index
        %get3A_775 = tpu.vector_load %arg9[%get3A_773, %get3A_774] {strides = array<i32>} : memref<4x9232xf32, #tpu.memory_space<vmem>>, vector<1x16xf32>,
        %get3A_776 = vector.shape_cast %get3A_775 : vector<1x16xf32> to vector<16xf32>
        %slice3A_777 = vector.extract_strided_slice %get3A_776 {offsets = [0], sizes = [1], strides = [1]} : vector<16xf32> to vector<1xf32>
        %squeeze3A_778 = vector.extract %slice3A_777[0] : f32 from vector<1xf32>
        %get3A_779 = arith.index_cast %add3A_750 : i32 to index
        %get3A_780 = tpu.vector_load %arg10[%get3A_779] {strides = array<i32>} : memref<9232xf32, #tpu.memory_space<vmem>>, vector<16xf32>,
        %get3A_781 = vector.shape_cast %get3A_780 : vector<16xf32> to vector<16xf32>
        %slice3A_782 = vector.extract_strided_slice %get3A_781 {offsets = [0], sizes = [1], strides = [1]} : vector<16xf32> to vector<1xf32>
        %squeeze3A_783 = vector.extract %slice3A_782[0] : f32 from vector<1xf32>
        %get3A_784 = arith.constant 0 : i32
        %get3A_785 = arith.index_cast %get3A_784 : i32 to index
        %get3A_786 = arith.index_cast %scan3A_747 : i32 to index
        %get3A_787 = arith.constant 0 : index
        %get3A_788 = tpu.vector_load %arg11[%get3A_785, %get3A_786, %get3A_787] {strides = array<i32>} : memref<4x32x96xf32, #tpu.memory_space<vmem>>, vector<1x1x16xf32>,
        %get3A_789 = vector.shape_cast %get3A_788 : vector<1x1x16xf32> to vector<16xf32>
        %mul3A_790 = vector.broadcast %squeeze3A_757 : f32 to vector<16xf32>
        %mul3A_791 = arith.mulf %get3A_789, %mul3A_790 : vector<16xf32>
        %get3A_792 = arith.constant 1 : i32
        %get3A_793 = arith.index_cast %get3A_792 : i32 to index
        %get3A_794 = arith.index_cast %scan3A_747 : i32 to index
        %get3A_795 = arith.constant 0 : index
        %get3A_796 = tpu.vector_load %arg11[%get3A_793, %get3A_794, %get3A_795] {strides = array<i32>} : memref<4x32x96xf32, #tpu.memory_space<vmem>>, vector<1x1x16xf32>,
        %get3A_797 = vector.shape_cast %get3A_796 : vector<1x1x16xf32> to vector<16xf32>
        %mul3A_798 = vector.broadcast %squeeze3A_764 : f32 to vector<16xf32>
        %mul3A_799 = arith.mulf %get3A_797, %mul3A_798 : vector<16xf32>
        %add3A_800 = arith.addf %mul3A_791, %mul3A_799 : vector<16xf32>
        %get3A_801 = arith.constant 2 : i32
        %get3A_802 = arith.index_cast %get3A_801 : i32 to index
        %get3A_803 = arith.index_cast %scan3A_747 : i32 to index
        %get3A_804 = arith.constant 0 : index
        %get3A_805 = tpu.vector_load %arg11[%get3A_802, %get3A_803, %get3A_804] {strides = array<i32>} : memref<4x32x96xf32, #tpu.memory_space<vmem>>, vector<1x1x16xf32>,
        %get3A_806 = vector.shape_cast %get3A_805 : vector<1x1x16xf32> to vector<16xf32>
        %mul3A_807 = vector.broadcast %squeeze3A_771 : f32 to vector<16xf32>
        %mul3A_808 = arith.mulf %get3A_806, %mul3A_807 : vector<16xf32>
        %add3A_809 = arith.addf %add3A_800, %mul3A_808 : vector<16xf32>
        %get3A_810 = arith.constant 3 : i32
        %get3A_811 = arith.index_cast %get3A_810 : i32 to index
        %get3A_812 = arith.index_cast %scan3A_747 : i32 to index
        %get3A_813 = arith.constant 0 : index
        %get3A_814 = tpu.vector_load %arg11[%get3A_811, %get3A_812, %get3A_813] {strides = array<i32>} : memref<4x32x96xf32, #tpu.memory_space<vmem>>, vector<1x1x16xf32>,
        %get3A_815 = vector.shape_cast %get3A_814 : vector<1x1x16xf32> to vector<16xf32>
        %mul3A_816 = vector.broadcast %squeeze3A_778 : f32 to vector<16xf32>
        %mul3A_817 = arith.mulf %get3A_815, %mul3A_816 : vector<16xf32>
        %add3A_818 = arith.addf %add3A_809, %mul3A_817 : vector<16xf32>
        %get3A_819 = arith.index_cast %scan3A_747 : i32 to index
        %get3A_820 = arith.constant 0 : index
        %get3A_821 = tpu.vector_load %arg13[%get3A_819, %get3A_820] {strides = array<i32>} : memref<32x128xf32, #tpu.memory_space<vmem>>, vector<1x16xf32>,
        %get3A_822 = vector.shape_cast %get3A_821 : vector<1x16xf32> to vector<16xf32>
        %mul3A_823 = vector.broadcast %squeeze3A_783 : f32 to vector<16xf32>
        %mul3A_824 = arith.mulf %get3A_822, %mul3A_823 : vector<16xf32>
        %add3A_825 = arith.addf %add3A_818, %mul3A_824 : vector<16xf32>
        %swap3A_826 = arith.index_cast %scan3A_747 : i32 to index
        %swap3A_827 = arith.constant 0 : index
        %swap3A_828 = tpu.vector_load %arg15[%swap3A_826, %swap3A_827] {strides = array<i32>} : memref<32x128xf32, #tpu.memory_space<vmem>>, vector<1x16xf32>,
        %swap3A_829 = vector.shape_cast %swap3A_828 : vector<1x16xf32> to vector<16xf32>
        %swap3A_830 = vector.shape_cast %add3A_825 : vector<16xf32> to vector<1x16xf32>
        tpu.vector_store %arg15[%swap3A_826, %swap3A_827], %swap3A_830 {strides = array<i32>} : memref<32x128xf32, #tpu.memory_space<vmem>>, vector<1x16xf32>,
        %get3A_831 = arith.constant 0 : i32
        %get3A_832 = arith.index_cast %get3A_831 : i32 to index
        %get3A_833 = arith.index_cast %scan3A_747 : i32 to index
        %get3A_834 = arith.constant 16 : index
        %get3A_835 = tpu.vector_load %arg11[%get3A_832, %get3A_833, %get3A_834] {strides = array<i32>} : memref<4x32x96xf32, #tpu.memory_space<vmem>>, vector<1x1x16xf32>,
        %get3A_836 = vector.shape_cast %get3A_835 : vector<1x1x16xf32> to vector<16xf32>
        %mul3A_837 = vector.broadcast %squeeze3A_757 : f32 to vector<16xf32>
        %mul3A_838 = arith.mulf %get3A_836, %mul3A_837 : vector<16xf32>
        %get3A_839 = arith.constant 1 : i32
        %get3A_840 = arith.index_cast %get3A_839 : i32 to index
        %get3A_841 = arith.index_cast %scan3A_747 : i32 to index
        %get3A_842 = arith.constant 16 : index
        %get3A_843 = tpu.vector_load %arg11[%get3A_840, %get3A_841, %get3A_842] {strides = array<i32>} : memref<4x32x96xf32, #tpu.memory_space<vmem>>, vector<1x1x16xf32>,
        %get3A_844 = vector.shape_cast %get3A_843 : vector<1x1x16xf32> to vector<16xf32>
        %mul3A_845 = vector.broadcast %squeeze3A_764 : f32 to vector<16xf32>
        %mul3A_846 = arith.mulf %get3A_844, %mul3A_845 : vector<16xf32>
        %add3A_847 = arith.addf %mul3A_838, %mul3A_846 : vector<16xf32>
        %get3A_848 = arith.constant 2 : i32
        %get3A_849 = arith.index_cast %get3A_848 : i32 to index
        %get3A_850 = arith.index_cast %scan3A_747 : i32 to index
        %get3A_851 = arith.constant 16 : index
        %get3A_852 = tpu.vector_load %arg11[%get3A_849, %get3A_850, %get3A_851] {strides = array<i32>} : memref<4x32x96xf32, #tpu.memory_space<vmem>>, vector<1x1x16xf32>,
        %get3A_853 = vector.shape_cast %get3A_852 : vector<1x1x16xf32> to vector<16xf32>
        %mul3A_854 = vector.broadcast %squeeze3A_771 : f32 to vector<16xf32>
        %mul3A_855 = arith.mulf %get3A_853, %mul3A_854 : vector<16xf32>
        %add3A_856 = arith.addf %add3A_847, %mul3A_855 : vector<16xf32>
        %get3A_857 = arith.constant 3 : i32
        %get3A_858 = arith.index_cast %get3A_857 : i32 to index
        %get3A_859 = arith.index_cast %scan3A_747 : i32 to index
        %get3A_860 = arith.constant 16 : index
        %get3A_861 = tpu.vector_load %arg11[%get3A_858, %get3A_859, %get3A_860] {strides = array<i32>} : memref<4x32x96xf32, #tpu.memory_space<vmem>>, vector<1x1x16xf32>,
        %get3A_862 = vector.shape_cast %get3A_861 : vector<1x1x16xf32> to vector<16xf32>
        %mul3A_863 = vector.broadcast %squeeze3A_778 : f32 to vector<16xf32>
        %mul3A_864 = arith.mulf %get3A_862, %mul3A_863 : vector<16xf32>
        %add3A_865 = arith.addf %add3A_856, %mul3A_864 : vector<16xf32>
        %get3A_866 = arith.index_cast %scan3A_747 : i32 to index
        %get3A_867 = arith.constant 16 : index
        %get3A_868 = tpu.vector_load %arg13[%get3A_866, %get3A_867] {strides = array<i32>} : memref<32x128xf32, #tpu.memory_space<vmem>>, vector<1x16xf32>,
        %get3A_869 = vector.shape_cast %get3A_868 : vector<1x16xf32> to vector<16xf32>
        %mul3A_870 = vector.broadcast %squeeze3A_783 : f32 to vector<16xf32>
        %mul3A_871 = arith.mulf %get3A_869, %mul3A_870 : vector<16xf32>
        %add3A_872 = arith.addf %add3A_865, %mul3A_871 : vector<16xf32>
        %swap3A_873 = arith.index_cast %scan3A_747 : i32 to index
        %swap3A_874 = arith.constant 16 : index
        %swap3A_875 = tpu.vector_load %arg15[%swap3A_873, %swap3A_874] {strides = array<i32>} : memref<32x128xf32, #tpu.memory_space<vmem>>, vector<1x16xf32>,
        %swap3A_876 = vector.shape_cast %swap3A_875 : vector<1x16xf32> to vector<16xf32>
        %swap3A_877 = vector.shape_cast %add3A_872 : vector<16xf32> to vector<1x16xf32>
        tpu.vector_store %arg15[%swap3A_873, %swap3A_874], %swap3A_877 {strides = array<i32>} : memref<32x128xf32, #tpu.memory_space<vmem>>, vector<1x16xf32>,
        %get3A_878 = arith.constant 0 : i32
        %get3A_879 = arith.index_cast %get3A_878 : i32 to index
        %get3A_880 = arith.index_cast %scan3A_747 : i32 to index
        %get3A_881 = arith.constant 32 : index
        %get3A_882 = tpu.vector_load %arg11[%get3A_879, %get3A_880, %get3A_881] {strides = array<i32>} : memref<4x32x96xf32, #tpu.memory_space<vmem>>, vector<1x1x16xf32>,
        %get3A_883 = vector.shape_cast %get3A_882 : vector<1x1x16xf32> to vector<16xf32>
        %mul3A_884 = vector.broadcast %squeeze3A_757 : f32 to vector<16xf32>
        %mul3A_885 = arith.mulf %get3A_883, %mul3A_884 : vector<16xf32>
        %get3A_886 = arith.constant 1 : i32
        %get3A_887 = arith.index_cast %get3A_886 : i32 to index
        %get3A_888 = arith.index_cast %scan3A_747 : i32 to index
        %get3A_889 = arith.constant 32 : index
        %get3A_890 = tpu.vector_load %arg11[%get3A_887, %get3A_888, %get3A_889] {strides = array<i32>} : memref<4x32x96xf32, #tpu.memory_space<vmem>>, vector<1x1x16xf32>,
        %get3A_891 = vector.shape_cast %get3A_890 : vector<1x1x16xf32> to vector<16xf32>
        %mul3A_892 = vector.broadcast %squeeze3A_764 : f32 to vector<16xf32>
        %mul3A_893 = arith.mulf %get3A_891, %mul3A_892 : vector<16xf32>
        %add3A_894 = arith.addf %mul3A_885, %mul3A_893 : vector<16xf32>
        %get3A_895 = arith.constant 2 : i32
        %get3A_896 = arith.index_cast %get3A_895 : i32 to index
        %get3A_897 = arith.index_cast %scan3A_747 : i32 to index
        %get3A_898 = arith.constant 32 : index
        %get3A_899 = tpu.vector_load %arg11[%get3A_896, %get3A_897, %get3A_898] {strides = array<i32>} : memref<4x32x96xf32, #tpu.memory_space<vmem>>, vector<1x1x16xf32>,
        %get3A_900 = vector.shape_cast %get3A_899 : vector<1x1x16xf32> to vector<16xf32>
        %mul3A_901 = vector.broadcast %squeeze3A_771 : f32 to vector<16xf32>
        %mul3A_902 = arith.mulf %get3A_900, %mul3A_901 : vector<16xf32>
        %add3A_903 = arith.addf %add3A_894, %mul3A_902 : vector<16xf32>
        %get3A_904 = arith.constant 3 : i32
        %get3A_905 = arith.index_cast %get3A_904 : i32 to index
        %get3A_906 = arith.index_cast %scan3A_747 : i32 to index
        %get3A_907 = arith.constant 32 : index
        %get3A_908 = tpu.vector_load %arg11[%get3A_905, %get3A_906, %get3A_907] {strides = array<i32>} : memref<4x32x96xf32, #tpu.memory_space<vmem>>, vector<1x1x16xf32>,
        %get3A_909 = vector.shape_cast %get3A_908 : vector<1x1x16xf32> to vector<16xf32>
        %mul3A_910 = vector.broadcast %squeeze3A_778 : f32 to vector<16xf32>
        %mul3A_911 = arith.mulf %get3A_909, %mul3A_910 : vector<16xf32>
        %add3A_912 = arith.addf %add3A_903, %mul3A_911 : vector<16xf32>
        %get3A_913 = arith.index_cast %scan3A_747 : i32 to index
        %get3A_914 = arith.constant 32 : index
        %get3A_915 = tpu.vector_load %arg13[%get3A_913, %get3A_914] {strides = array<i32>} : memref<32x128xf32, #tpu.memory_space<vmem>>, vector<1x16xf32>,
        %get3A_916 = vector.shape_cast %get3A_915 : vector<1x16xf32> to vector<16xf32>
        %mul3A_917 = vector.broadcast %squeeze3A_783 : f32 to vector<16xf32>
        %mul3A_918 = arith.mulf %get3A_916, %mul3A_917 : vector<16xf32>
        %add3A_919 = arith.addf %add3A_912, %mul3A_918 : vector<16xf32>
        %swap3A_920 = arith.index_cast %scan3A_747 : i32 to index
        %swap3A_921 = arith.constant 32 : index
        %swap3A_922 = tpu.vector_load %arg15[%swap3A_920, %swap3A_921] {strides = array<i32>} : memref<32x128xf32, #tpu.memory_space<vmem>>, vector<1x16xf32>,
        %swap3A_923 = vector.shape_cast %swap3A_922 : vector<1x16xf32> to vector<16xf32>
        %swap3A_924 = vector.shape_cast %add3A_919 : vector<16xf32> to vector<1x16xf32>
        tpu.vector_store %arg15[%swap3A_920, %swap3A_921], %swap3A_924 {strides = array<i32>} : memref<32x128xf32, #tpu.memory_space<vmem>>, vector<1x16xf32>,
        %get3A_925 = arith.constant 0 : i32
        %get3A_926 = arith.index_cast %get3A_925 : i32 to index
        %get3A_927 = arith.index_cast %scan3A_747 : i32 to index
        %get3A_928 = arith.constant 48 : index
        %get3A_929 = tpu.vector_load %arg11[%get3A_926, %get3A_927, %get3A_928] {strides = array<i32>} : memref<4x32x96xf32, #tpu.memory_space<vmem>>, vector<1x1x16xf32>,
        %get3A_930 = vector.shape_cast %get3A_929 : vector<1x1x16xf32> to vector<16xf32>
        %mul3A_931 = vector.broadcast %squeeze3A_757 : f32 to vector<16xf32>
        %mul3A_932 = arith.mulf %get3A_930, %mul3A_931 : vector<16xf32>
        %get3A_933 = arith.constant 1 : i32
        %get3A_934 = arith.index_cast %get3A_933 : i32 to index
        %get3A_935 = arith.index_cast %scan3A_747 : i32 to index
        %get3A_936 = arith.constant 48 : index
        %get3A_937 = tpu.vector_load %arg11[%get3A_934, %get3A_935, %get3A_936] {strides = array<i32>} : memref<4x32x96xf32, #tpu.memory_space<vmem>>, vector<1x1x16xf32>,
        %get3A_938 = vector.shape_cast %get3A_937 : vector<1x1x16xf32> to vector<16xf32>
        %mul3A_939 = vector.broadcast %squeeze3A_764 : f32 to vector<16xf32>
        %mul3A_940 = arith.mulf %get3A_938, %mul3A_939 : vector<16xf32>
        %add3A_941 = arith.addf %mul3A_932, %mul3A_940 : vector<16xf32>
        %get3A_942 = arith.constant 2 : i32
        %get3A_943 = arith.index_cast %get3A_942 : i32 to index
        %get3A_944 = arith.index_cast %scan3A_747 : i32 to index
        %get3A_945 = arith.constant 48 : index
        %get3A_946 = tpu.vector_load %arg11[%get3A_943, %get3A_944, %get3A_945] {strides = array<i32>} : memref<4x32x96xf32, #tpu.memory_space<vmem>>, vector<1x1x16xf32>,
        %get3A_947 = vector.shape_cast %get3A_946 : vector<1x1x16xf32> to vector<16xf32>
        %mul3A_948 = vector.broadcast %squeeze3A_771 : f32 to vector<16xf32>
        %mul3A_949 = arith.mulf %get3A_947, %mul3A_948 : vector<16xf32>
        %add3A_950 = arith.addf %add3A_941, %mul3A_949 : vector<16xf32>
        %get3A_951 = arith.constant 3 : i32
        %get3A_952 = arith.index_cast %get3A_951 : i32 to index
        %get3A_953 = arith.index_cast %scan3A_747 : i32 to index
        %get3A_954 = arith.constant 48 : index
        %get3A_955 = tpu.vector_load %arg11[%get3A_952, %get3A_953, %get3A_954] {strides = array<i32>} : memref<4x32x96xf32, #tpu.memory_space<vmem>>, vector<1x1x16xf32>,
        %get3A_956 = vector.shape_cast %get3A_955 : vector<1x1x16xf32> to vector<16xf32>
        %mul3A_957 = vector.broadcast %squeeze3A_778 : f32 to vector<16xf32>
        %mul3A_958 = arith.mulf %get3A_956, %mul3A_957 : vector<16xf32>
        %add3A_959 = arith.addf %add3A_950, %mul3A_958 : vector<16xf32>
        %get3A_960 = arith.index_cast %scan3A_747 : i32 to index
        %get3A_961 = arith.constant 48 : index
        %get3A_962 = tpu.vector_load %arg13[%get3A_960, %get3A_961] {strides = array<i32>} : memref<32x128xf32, #tpu.memory_space<vmem>>, vector<1x16xf32>,
        %get3A_963 = vector.shape_cast %get3A_962 : vector<1x16xf32> to vector<16xf32>
        %mul3A_964 = vector.broadcast %squeeze3A_783 : f32 to vector<16xf32>
        %mul3A_965 = arith.mulf %get3A_963, %mul3A_964 : vector<16xf32>
        %add3A_966 = arith.addf %add3A_959, %mul3A_965 : vector<16xf32>
        %swap3A_967 = arith.index_cast %scan3A_747 : i32 to index
        %swap3A_968 = arith.constant 48 : index
        %swap3A_969 = tpu.vector_load %arg15[%swap3A_967, %swap3A_968] {strides = array<i32>} : memref<32x128xf32, #tpu.memory_space<vmem>>, vector<1x16xf32>,
        %swap3A_970 = vector.shape_cast %swap3A_969 : vector<1x16xf32> to vector<16xf32>
        %swap3A_971 = vector.shape_cast %add3A_966 : vector<16xf32> to vector<1x16xf32>
        tpu.vector_store %arg15[%swap3A_967, %swap3A_968], %swap3A_971 {strides = array<i32>} : memref<32x128xf32, #tpu.memory_space<vmem>>, vector<1x16xf32>,
        %get3A_972 = arith.constant 0 : i32
        %get3A_973 = arith.index_cast %get3A_972 : i32 to index
        %get3A_974 = arith.index_cast %scan3A_747 : i32 to index
        %get3A_975 = arith.constant 64 : index
        %get3A_976 = tpu.vector_load %arg11[%get3A_973, %get3A_974, %get3A_975] {strides = array<i32>} : memref<4x32x96xf32, #tpu.memory_space<vmem>>, vector<1x1x16xf32>,
        %get3A_977 = vector.shape_cast %get3A_976 : vector<1x1x16xf32> to vector<16xf32>
        %mul3A_978 = vector.broadcast %squeeze3A_757 : f32 to vector<16xf32>
        %mul3A_979 = arith.mulf %get3A_977, %mul3A_978 : vector<16xf32>
        %get3A_980 = arith.constant 1 : i32
        %get3A_981 = arith.index_cast %get3A_980 : i32 to index
        %get3A_982 = arith.index_cast %scan3A_747 : i32 to index
        %get3A_983 = arith.constant 64 : index
        %get3A_984 = tpu.vector_load %arg11[%get3A_981, %get3A_982, %get3A_983] {strides = array<i32>} : memref<4x32x96xf32, #tpu.memory_space<vmem>>, vector<1x1x16xf32>,
        %get3A_985 = vector.shape_cast %get3A_984 : vector<1x1x16xf32> to vector<16xf32>
        %mul3A_986 = vector.broadcast %squeeze3A_764 : f32 to vector<16xf32>
        %mul3A_987 = arith.mulf %get3A_985, %mul3A_986 : vector<16xf32>
        %add3A_988 = arith.addf %mul3A_979, %mul3A_987 : vector<16xf32>
        %get3A_989 = arith.constant 2 : i32
        %get3A_990 = arith.index_cast %get3A_989 : i32 to index
        %get3A_991 = arith.index_cast %scan3A_747 : i32 to index
        %get3A_992 = arith.constant 64 : index
        %get3A_993 = tpu.vector_load %arg11[%get3A_990, %get3A_991, %get3A_992] {strides = array<i32>} : memref<4x32x96xf32, #tpu.memory_space<vmem>>, vector<1x1x16xf32>,
        %get3A_994 = vector.shape_cast %get3A_993 : vector<1x1x16xf32> to vector<16xf32>
        %mul3A_995 = vector.broadcast %squeeze3A_771 : f32 to vector<16xf32>
        %mul3A_996 = arith.mulf %get3A_994, %mul3A_995 : vector<16xf32>
        %add3A_997 = arith.addf %add3A_988, %mul3A_996 : vector<16xf32>
        %get3A_998 = arith.constant 3 : i32
        %get3A_999 = arith.index_cast %get3A_998 : i32 to index
        %get3A_1000 = arith.index_cast %scan3A_747 : i32 to index
        %get3A_1001 = arith.constant 64 : index
        %get3A_1002 = tpu.vector_load %arg11[%get3A_999, %get3A_1000, %get3A_1001] {strides = array<i32>} : memref<4x32x96xf32, #tpu.memory_space<vmem>>, vector<1x1x16xf32>,
        %get3A_1003 = vector.shape_cast %get3A_1002 : vector<1x1x16xf32> to vector<16xf32>
        %mul3A_1004 = vector.broadcast %squeeze3A_778 : f32 to vector<16xf32>
        %mul3A_1005 = arith.mulf %get3A_1003, %mul3A_1004 : vector<16xf32>
        %add3A_1006 = arith.addf %add3A_997, %mul3A_1005 : vector<16xf32>
        %get3A_1007 = arith.index_cast %scan3A_747 : i32 to index
        %get3A_1008 = arith.constant 64 : index
        %get3A_1009 = tpu.vector_load %arg13[%get3A_1007, %get3A_1008] {strides = array<i32>} : memref<32x128xf32, #tpu.memory_space<vmem>>, vector<1x16xf32>,
        %get3A_1010 = vector.shape_cast %get3A_1009 : vector<1x16xf32> to vector<16xf32>
        %mul3A_1011 = vector.broadcast %squeeze3A_783 : f32 to vector<16xf32>
        %mul3A_1012 = arith.mulf %get3A_1010, %mul3A_1011 : vector<16xf32>
        %add3A_1013 = arith.addf %add3A_1006, %mul3A_1012 : vector<16xf32>
        %swap3A_1014 = arith.index_cast %scan3A_747 : i32 to index
        %swap3A_1015 = arith.constant 64 : index
        %swap3A_1016 = tpu.vector_load %arg15[%swap3A_1014, %swap3A_1015] {strides = array<i32>} : memref<32x128xf32, #tpu.memory_space<vmem>>, vector<1x16xf32>,
        %swap3A_1017 = vector.shape_cast %swap3A_1016 : vector<1x16xf32> to vector<16xf32>
        %swap3A_1018 = vector.shape_cast %add3A_1013 : vector<16xf32> to vector<1x16xf32>
        tpu.vector_store %arg15[%swap3A_1014, %swap3A_1015], %swap3A_1018 {strides = array<i32>} : memref<32x128xf32, #tpu.memory_space<vmem>>, vector<1x16xf32>,
        %get3A_1019 = arith.constant 0 : i32
        %get3A_1020 = arith.index_cast %get3A_1019 : i32 to index
        %get3A_1021 = arith.index_cast %scan3A_747 : i32 to index
        %get3A_1022 = arith.constant 80 : index
        %get3A_1023 = tpu.vector_load %arg11[%get3A_1020, %get3A_1021, %get3A_1022] {strides = array<i32>} : memref<4x32x96xf32, #tpu.memory_space<vmem>>, vector<1x1x16xf32>,
        %get3A_1024 = vector.shape_cast %get3A_1023 : vector<1x1x16xf32> to vector<16xf32>
        %mul3A_1025 = vector.broadcast %squeeze3A_757 : f32 to vector<16xf32>
        %mul3A_1026 = arith.mulf %get3A_1024, %mul3A_1025 : vector<16xf32>
        %get3A_1027 = arith.constant 1 : i32
        %get3A_1028 = arith.index_cast %get3A_1027 : i32 to index
        %get3A_1029 = arith.index_cast %scan3A_747 : i32 to index
        %get3A_1030 = arith.constant 80 : index
        %get3A_1031 = tpu.vector_load %arg11[%get3A_1028, %get3A_1029, %get3A_1030] {strides = array<i32>} : memref<4x32x96xf32, #tpu.memory_space<vmem>>, vector<1x1x16xf32>,
        %get3A_1032 = vector.shape_cast %get3A_1031 : vector<1x1x16xf32> to vector<16xf32>
        %mul3A_1033 = vector.broadcast %squeeze3A_764 : f32 to vector<16xf32>
        %mul3A_1034 = arith.mulf %get3A_1032, %mul3A_1033 : vector<16xf32>
        %add3A_1035 = arith.addf %mul3A_1026, %mul3A_1034 : vector<16xf32>
        %get3A_1036 = arith.constant 2 : i32
        %get3A_1037 = arith.index_cast %get3A_1036 : i32 to index
        %get3A_1038 = arith.index_cast %scan3A_747 : i32 to index
        %get3A_1039 = arith.constant 80 : index
        %get3A_1040 = tpu.vector_load %arg11[%get3A_1037, %get3A_1038, %get3A_1039] {strides = array<i32>} : memref<4x32x96xf32, #tpu.memory_space<vmem>>, vector<1x1x16xf32>,
        %get3A_1041 = vector.shape_cast %get3A_1040 : vector<1x1x16xf32> to vector<16xf32>
        %mul3A_1042 = vector.broadcast %squeeze3A_771 : f32 to vector<16xf32>
        %mul3A_1043 = arith.mulf %get3A_1041, %mul3A_1042 : vector<16xf32>
        %add3A_1044 = arith.addf %add3A_1035, %mul3A_1043 : vector<16xf32>
        %get3A_1045 = arith.constant 3 : i32
        %get3A_1046 = arith.index_cast %get3A_1045 : i32 to index
        %get3A_1047 = arith.index_cast %scan3A_747 : i32 to index
        %get3A_1048 = arith.constant 80 : index
        %get3A_1049 = tpu.vector_load %arg11[%get3A_1046, %get3A_1047, %get3A_1048] {strides = array<i32>} : memref<4x32x96xf32, #tpu.memory_space<vmem>>, vector<1x1x16xf32>,
        %get3A_1050 = vector.shape_cast %get3A_1049 : vector<1x1x16xf32> to vector<16xf32>
        %mul3A_1051 = vector.broadcast %squeeze3A_778 : f32 to vector<16xf32>
        %mul3A_1052 = arith.mulf %get3A_1050, %mul3A_1051 : vector<16xf32>
        %add3A_1053 = arith.addf %add3A_1044, %mul3A_1052 : vector<16xf32>
        %get3A_1054 = arith.index_cast %scan3A_747 : i32 to index
        %get3A_1055 = arith.constant 80 : index
        %get3A_1056 = tpu.vector_load %arg13[%get3A_1054, %get3A_1055] {strides = array<i32>} : memref<32x128xf32, #tpu.memory_space<vmem>>, vector<1x16xf32>,
        %get3A_1057 = vector.shape_cast %get3A_1056 : vector<1x16xf32> to vector<16xf32>
        %mul3A_1058 = vector.broadcast %squeeze3A_783 : f32 to vector<16xf32>
        %mul3A_1059 = arith.mulf %get3A_1057, %mul3A_1058 : vector<16xf32>
        %add3A_1060 = arith.addf %add3A_1053, %mul3A_1059 : vector<16xf32>
        %swap3A_1061 = arith.index_cast %scan3A_747 : i32 to index
        %swap3A_1062 = arith.constant 80 : index
        %swap3A_1063 = tpu.vector_load %arg15[%swap3A_1061, %swap3A_1062] {strides = array<i32>} : memref<32x128xf32, #tpu.memory_space<vmem>>, vector<1x16xf32>,
        %swap3A_1064 = vector.shape_cast %swap3A_1063 : vector<1x16xf32> to vector<16xf32>
        %swap3A_1065 = vector.shape_cast %add3A_1060 : vector<16xf32> to vector<1x16xf32>
        tpu.vector_store %arg15[%swap3A_1061, %swap3A_1062], %swap3A_1065 {strides = array<i32>} : memref<32x128xf32, #tpu.memory_space<vmem>>, vector<1x16xf32>,
        %scan3A_1066 = arith.constant 2 : i32
        %scan3A_1067 = arith.addi %scan3A_431, %scan3A_1066 : i32
        %mul3A_1068 = arith.constant 32 : i32
        %mul3A_1069 = arith.muli %add3A_276, %mul3A_1068 : i32
        %add3A_1070 = arith.addi %mul3A_1069, %scan3A_1067 : i32
        %get3A_1071 = arith.constant 0 : i32
        %get3A_1072 = arith.index_cast %get3A_1071 : i32 to index
        %get3A_1073 = arith.index_cast %add3A_1070 : i32 to index
        %get3A_1074 = tpu.vector_load %arg9[%get3A_1072, %get3A_1073] {strides = array<i32>} : memref<4x9232xf32, #tpu.memory_space<vmem>>, vector<1x16xf32>,
        %get3A_1075 = vector.shape_cast %get3A_1074 : vector<1x16xf32> to vector<16xf32>
        %slice3A_1076 = vector.extract_strided_slice %get3A_1075 {offsets = [0], sizes = [1], strides = [1]} : vector<16xf32> to vector<1xf32>
        %squeeze3A_1077 = vector.extract %slice3A_1076[0] : f32 from vector<1xf32>
        %get3A_1078 = arith.constant 1 : i32
        %get3A_1079 = arith.index_cast %get3A_1078 : i32 to index
        %get3A_1080 = arith.index_cast %add3A_1070 : i32 to index
        %get3A_1081 = tpu.vector_load %arg9[%get3A_1079, %get3A_1080] {strides = array<i32>} : memref<4x9232xf32, #tpu.memory_space<vmem>>, vector<1x16xf32>,
        %get3A_1082 = vector.shape_cast %get3A_1081 : vector<1x16xf32> to vector<16xf32>
        %slice3A_1083 = vector.extract_strided_slice %get3A_1082 {offsets = [0], sizes = [1], strides = [1]} : vector<16xf32> to vector<1xf32>
        %squeeze3A_1084 = vector.extract %slice3A_1083[0] : f32 from vector<1xf32>
        %get3A_1085 = arith.constant 2 : i32
        %get3A_1086 = arith.index_cast %get3A_1085 : i32 to index
        %get3A_1087 = arith.index_cast %add3A_1070 : i32 to index
        %get3A_1088 = tpu.vector_load %arg9[%get3A_1086, %get3A_1087] {strides = array<i32>} : memref<4x9232xf32, #tpu.memory_space<vmem>>, vector<1x16xf32>,
        %get3A_1089 = vector.shape_cast %get3A_1088 : vector<1x16xf32> to vector<16xf32>
        %slice3A_1090 = vector.extract_strided_slice %get3A_1089 {offsets = [0], sizes = [1], strides = [1]} : vector<16xf32> to vector<1xf32>
        %squeeze3A_1091 = vector.extract %slice3A_1090[0] : f32 from vector<1xf32>
        %get3A_1092 = arith.constant 3 : i32
        %get3A_1093 = arith.index_cast %get3A_1092 : i32 to index
        %get3A_1094 = arith.index_cast %add3A_1070 : i32 to index
        %get3A_1095 = tpu.vector_load %arg9[%get3A_1093, %get3A_1094] {strides = array<i32>} : memref<4x9232xf32, #tpu.memory_space<vmem>>, vector<1x16xf32>,
        %get3A_1096 = vector.shape_cast %get3A_1095 : vector<1x16xf32> to vector<16xf32>
        %slice3A_1097 = vector.extract_strided_slice %get3A_1096 {offsets = [0], sizes = [1], strides = [1]} : vector<16xf32> to vector<1xf32>
        %squeeze3A_1098 = vector.extract %slice3A_1097[0] : f32 from vector<1xf32>
        %get3A_1099 = arith.index_cast %add3A_1070 : i32 to index
        %get3A_1100 = tpu.vector_load %arg10[%get3A_1099] {strides = array<i32>} : memref<9232xf32, #tpu.memory_space<vmem>>, vector<16xf32>,
        %get3A_1101 = vector.shape_cast %get3A_1100 : vector<16xf32> to vector<16xf32>
        %slice3A_1102 = vector.extract_strided_slice %get3A_1101 {offsets = [0], sizes = [1], strides = [1]} : vector<16xf32> to vector<1xf32>
        %squeeze3A_1103 = vector.extract %slice3A_1102[0] : f32 from vector<1xf32>
        %get3A_1104 = arith.constant 0 : i32
        %get3A_1105 = arith.index_cast %get3A_1104 : i32 to index
        %get3A_1106 = arith.index_cast %scan3A_1067 : i32 to index
        %get3A_1107 = arith.constant 0 : index
        %get3A_1108 = tpu.vector_load %arg11[%get3A_1105, %get3A_1106, %get3A_1107] {strides = array<i32>} : memref<4x32x96xf32, #tpu.memory_space<vmem>>, vector<1x1x16xf32>,
        %get3A_1109 = vector.shape_cast %get3A_1108 : vector<1x1x16xf32> to vector<16xf32>
        %mul3A_1110 = vector.broadcast %squeeze3A_1077 : f32 to vector<16xf32>
        %mul3A_1111 = arith.mulf %get3A_1109, %mul3A_1110 : vector<16xf32>
        %get3A_1112 = arith.constant 1 : i32
        %get3A_1113 = arith.index_cast %get3A_1112 : i32 to index
        %get3A_1114 = arith.index_cast %scan3A_1067 : i32 to index
        %get3A_1115 = arith.constant 0 : index
        %get3A_1116 = tpu.vector_load %arg11[%get3A_1113, %get3A_1114, %get3A_1115] {strides = array<i32>} : memref<4x32x96xf32, #tpu.memory_space<vmem>>, vector<1x1x16xf32>,
        %get3A_1117 = vector.shape_cast %get3A_1116 : vector<1x1x16xf32> to vector<16xf32>
        %mul3A_1118 = vector.broadcast %squeeze3A_1084 : f32 to vector<16xf32>
        %mul3A_1119 = arith.mulf %get3A_1117, %mul3A_1118 : vector<16xf32>
        %add3A_1120 = arith.addf %mul3A_1111, %mul3A_1119 : vector<16xf32>
        %get3A_1121 = arith.constant 2 : i32
        %get3A_1122 = arith.index_cast %get3A_1121 : i32 to index
        %get3A_1123 = arith.index_cast %scan3A_1067 : i32 to index
        %get3A_1124 = arith.constant 0 : index
        %get3A_1125 = tpu.vector_load %arg11[%get3A_1122, %get3A_1123, %get3A_1124] {strides = array<i32>} : memref<4x32x96xf32, #tpu.memory_space<vmem>>, vector<1x1x16xf32>,
        %get3A_1126 = vector.shape_cast %get3A_1125 : vector<1x1x16xf32> to vector<16xf32>
        %mul3A_1127 = vector.broadcast %squeeze3A_1091 : f32 to vector<16xf32>
        %mul3A_1128 = arith.mulf %get3A_1126, %mul3A_1127 : vector<16xf32>
        %add3A_1129 = arith.addf %add3A_1120, %mul3A_1128 : vector<16xf32>
        %get3A_1130 = arith.constant 3 : i32
        %get3A_1131 = arith.index_cast %get3A_1130 : i32 to index
        %get3A_1132 = arith.index_cast %scan3A_1067 : i32 to index
        %get3A_1133 = arith.constant 0 : index
        %get3A_1134 = tpu.vector_load %arg11[%get3A_1131, %get3A_1132, %get3A_1133] {strides = array<i32>} : memref<4x32x96xf32, #tpu.memory_space<vmem>>, vector<1x1x16xf32>,
        %get3A_1135 = vector.shape_cast %get3A_1134 : vector<1x1x16xf32> to vector<16xf32>
        %mul3A_1136 = vector.broadcast %squeeze3A_1098 : f32 to vector<16xf32>
        %mul3A_1137 = arith.mulf %get3A_1135, %mul3A_1136 : vector<16xf32>
        %add3A_1138 = arith.addf %add3A_1129, %mul3A_1137 : vector<16xf32>
        %get3A_1139 = arith.index_cast %scan3A_1067 : i32 to index
        %get3A_1140 = arith.constant 0 : index
        %get3A_1141 = tpu.vector_load %arg13[%get3A_1139, %get3A_1140] {strides = array<i32>} : memref<32x128xf32, #tpu.memory_space<vmem>>, vector<1x16xf32>,
        %get3A_1142 = vector.shape_cast %get3A_1141 : vector<1x16xf32> to vector<16xf32>
        %mul3A_1143 = vector.broadcast %squeeze3A_1103 : f32 to vector<16xf32>
        %mul3A_1144 = arith.mulf %get3A_1142, %mul3A_1143 : vector<16xf32>
        %add3A_1145 = arith.addf %add3A_1138, %mul3A_1144 : vector<16xf32>
        %swap3A_1146 = arith.index_cast %scan3A_1067 : i32 to index
        %swap3A_1147 = arith.constant 0 : index
        %swap3A_1148 = tpu.vector_load %arg15[%swap3A_1146, %swap3A_1147] {strides = array<i32>} : memref<32x128xf32, #tpu.memory_space<vmem>>, vector<1x16xf32>,
        %swap3A_1149 = vector.shape_cast %swap3A_1148 : vector<1x16xf32> to vector<16xf32>
        %swap3A_1150 = vector.shape_cast %add3A_1145 : vector<16xf32> to vector<1x16xf32>
        tpu.vector_store %arg15[%swap3A_1146, %swap3A_1147], %swap3A_1150 {strides = array<i32>} : memref<32x128xf32, #tpu.memory_space<vmem>>, vector<1x16xf32>,
        %get3A_1151 = arith.constant 0 : i32
        %get3A_1152 = arith.index_cast %get3A_1151 : i32 to index
        %get3A_1153 = arith.index_cast %scan3A_1067 : i32 to index
        %get3A_1154 = arith.constant 16 : index
        %get3A_1155 = tpu.vector_load %arg11[%get3A_1152, %get3A_1153, %get3A_1154] {strides = array<i32>} : memref<4x32x96xf32, #tpu.memory_space<vmem>>, vector<1x1x16xf32>,
        %get3A_1156 = vector.shape_cast %get3A_1155 : vector<1x1x16xf32> to vector<16xf32>
        %mul3A_1157 = vector.broadcast %squeeze3A_1077 : f32 to vector<16xf32>
        %mul3A_1158 = arith.mulf %get3A_1156, %mul3A_1157 : vector<16xf32>
        %get3A_1159 = arith.constant 1 : i32
        %get3A_1160 = arith.index_cast %get3A_1159 : i32 to index
        %get3A_1161 = arith.index_cast %scan3A_1067 : i32 to index
        %get3A_1162 = arith.constant 16 : index
        %get3A_1163 = tpu.vector_load %arg11[%get3A_1160, %get3A_1161, %get3A_1162] {strides = array<i32>} : memref<4x32x96xf32, #tpu.memory_space<vmem>>, vector<1x1x16xf32>,
        %get3A_1164 = vector.shape_cast %get3A_1163 : vector<1x1x16xf32> to vector<16xf32>
        %mul3A_1165 = vector.broadcast %squeeze3A_1084 : f32 to vector<16xf32>
        %mul3A_1166 = arith.mulf %get3A_1164, %mul3A_1165 : vector<16xf32>
        %add3A_1167 = arith.addf %mul3A_1158, %mul3A_1166 : vector<16xf32>
        %get3A_1168 = arith.constant 2 : i32
        %get3A_1169 = arith.index_cast %get3A_1168 : i32 to index
        %get3A_1170 = arith.index_cast %scan3A_1067 : i32 to index
        %get3A_1171 = arith.constant 16 : index
        %get3A_1172 = tpu.vector_load %arg11[%get3A_1169, %get3A_1170, %get3A_1171] {strides = array<i32>} : memref<4x32x96xf32, #tpu.memory_space<vmem>>, vector<1x1x16xf32>,
        %get3A_1173 = vector.shape_cast %get3A_1172 : vector<1x1x16xf32> to vector<16xf32>
        %mul3A_1174 = vector.broadcast %squeeze3A_1091 : f32 to vector<16xf32>
        %mul3A_1175 = arith.mulf %get3A_1173, %mul3A_1174 : vector<16xf32>
        %add3A_1176 = arith.addf %add3A_1167, %mul3A_1175 : vector<16xf32>
        %get3A_1177 = arith.constant 3 : i32
        %get3A_1178 = arith.index_cast %get3A_1177 : i32 to index
        %get3A_1179 = arith.index_cast %scan3A_1067 : i32 to index
        %get3A_1180 = arith.constant 16 : index
        %get3A_1181 = tpu.vector_load %arg11[%get3A_1178, %get3A_1179, %get3A_1180] {strides = array<i32>} : memref<4x32x96xf32, #tpu.memory_space<vmem>>, vector<1x1x16xf32>,
        %get3A_1182 = vector.shape_cast %get3A_1181 : vector<1x1x16xf32> to vector<16xf32>
        %mul3A_1183 = vector.broadcast %squeeze3A_1098 : f32 to vector<16xf32>
        %mul3A_1184 = arith.mulf %get3A_1182, %mul3A_1183 : vector<16xf32>
        %add3A_1185 = arith.addf %add3A_1176, %mul3A_1184 : vector<16xf32>
        %get3A_1186 = arith.index_cast %scan3A_1067 : i32 to index
        %get3A_1187 = arith.constant 16 : index
        %get3A_1188 = tpu.vector_load %arg13[%get3A_1186, %get3A_1187] {strides = array<i32>} : memref<32x128xf32, #tpu.memory_space<vmem>>, vector<1x16xf32>,
        %get3A_1189 = vector.shape_cast %get3A_1188 : vector<1x16xf32> to vector<16xf32>
        %mul3A_1190 = vector.broadcast %squeeze3A_1103 : f32 to vector<16xf32>
        %mul3A_1191 = arith.mulf %get3A_1189, %mul3A_1190 : vector<16xf32>
        %add3A_1192 = arith.addf %add3A_1185, %mul3A_1191 : vector<16xf32>
        %swap3A_1193 = arith.index_cast %scan3A_1067 : i32 to index
        %swap3A_1194 = arith.constant 16 : index
        %swap3A_1195 = tpu.vector_load %arg15[%swap3A_1193, %swap3A_1194] {strides = array<i32>} : memref<32x128xf32, #tpu.memory_space<vmem>>, vector<1x16xf32>,
        %swap3A_1196 = vector.shape_cast %swap3A_1195 : vector<1x16xf32> to vector<16xf32>
        %swap3A_1197 = vector.shape_cast %add3A_1192 : vector<16xf32> to vector<1x16xf32>
        tpu.vector_store %arg15[%swap3A_1193, %swap3A_1194], %swap3A_1197 {strides = array<i32>} : memref<32x128xf32, #tpu.memory_space<vmem>>, vector<1x16xf32>,
        %get3A_1198 = arith.constant 0 : i32
        %get3A_1199 = arith.index_cast %get3A_1198 : i32 to index
        %get3A_1200 = arith.index_cast %scan3A_1067 : i32 to index
        %get3A_1201 = arith.constant 32 : index
        %get3A_1202 = tpu.vector_load %arg11[%get3A_1199, %get3A_1200, %get3A_1201] {strides = array<i32>} : memref<4x32x96xf32, #tpu.memory_space<vmem>>, vector<1x1x16xf32>,
        %get3A_1203 = vector.shape_cast %get3A_1202 : vector<1x1x16xf32> to vector<16xf32>
        %mul3A_1204 = vector.broadcast %squeeze3A_1077 : f32 to vector<16xf32>
        %mul3A_1205 = arith.mulf %get3A_1203, %mul3A_1204 : vector<16xf32>
        %get3A_1206 = arith.constant 1 : i32
        %get3A_1207 = arith.index_cast %get3A_1206 : i32 to index
        %get3A_1208 = arith.index_cast %scan3A_1067 : i32 to index
        %get3A_1209 = arith.constant 32 : index
        %get3A_1210 = tpu.vector_load %arg11[%get3A_1207, %get3A_1208, %get3A_1209] {strides = array<i32>} : memref<4x32x96xf32, #tpu.memory_space<vmem>>, vector<1x1x16xf32>,
        %get3A_1211 = vector.shape_cast %get3A_1210 : vector<1x1x16xf32> to vector<16xf32>
        %mul3A_1212 = vector.broadcast %squeeze3A_1084 : f32 to vector<16xf32>
        %mul3A_1213 = arith.mulf %get3A_1211, %mul3A_1212 : vector<16xf32>
        %add3A_1214 = arith.addf %mul3A_1205, %mul3A_1213 : vector<16xf32>
        %get3A_1215 = arith.constant 2 : i32
        %get3A_1216 = arith.index_cast %get3A_1215 : i32 to index
        %get3A_1217 = arith.index_cast %scan3A_1067 : i32 to index
        %get3A_1218 = arith.constant 32 : index
        %get3A_1219 = tpu.vector_load %arg11[%get3A_1216, %get3A_1217, %get3A_1218] {strides = array<i32>} : memref<4x32x96xf32, #tpu.memory_space<vmem>>, vector<1x1x16xf32>,
        %get3A_1220 = vector.shape_cast %get3A_1219 : vector<1x1x16xf32> to vector<16xf32>
        %mul3A_1221 = vector.broadcast %squeeze3A_1091 : f32 to vector<16xf32>
        %mul3A_1222 = arith.mulf %get3A_1220, %mul3A_1221 : vector<16xf32>
        %add3A_1223 = arith.addf %add3A_1214, %mul3A_1222 : vector<16xf32>
        %get3A_1224 = arith.constant 3 : i32
        %get3A_1225 = arith.index_cast %get3A_1224 : i32 to index
        %get3A_1226 = arith.index_cast %scan3A_1067 : i32 to index
        %get3A_1227 = arith.constant 32 : index
        %get3A_1228 = tpu.vector_load %arg11[%get3A_1225, %get3A_1226, %get3A_1227] {strides = array<i32>} : memref<4x32x96xf32, #tpu.memory_space<vmem>>, vector<1x1x16xf32>,
        %get3A_1229 = vector.shape_cast %get3A_1228 : vector<1x1x16xf32> to vector<16xf32>
        %mul3A_1230 = vector.broadcast %squeeze3A_1098 : f32 to vector<16xf32>
        %mul3A_1231 = arith.mulf %get3A_1229, %mul3A_1230 : vector<16xf32>
        %add3A_1232 = arith.addf %add3A_1223, %mul3A_1231 : vector<16xf32>
        %get3A_1233 = arith.index_cast %scan3A_1067 : i32 to index
        %get3A_1234 = arith.constant 32 : index
        %get3A_1235 = tpu.vector_load %arg13[%get3A_1233, %get3A_1234] {strides = array<i32>} : memref<32x128xf32, #tpu.memory_space<vmem>>, vector<1x16xf32>,
        %get3A_1236 = vector.shape_cast %get3A_1235 : vector<1x16xf32> to vector<16xf32>
        %mul3A_1237 = vector.broadcast %squeeze3A_1103 : f32 to vector<16xf32>
        %mul3A_1238 = arith.mulf %get3A_1236, %mul3A_1237 : vector<16xf32>
        %add3A_1239 = arith.addf %add3A_1232, %mul3A_1238 : vector<16xf32>
        %swap3A_1240 = arith.index_cast %scan3A_1067 : i32 to index
        %swap3A_1241 = arith.constant 32 : index
        %swap3A_1242 = tpu.vector_load %arg15[%swap3A_1240, %swap3A_1241] {strides = array<i32>} : memref<32x128xf32, #tpu.memory_space<vmem>>, vector<1x16xf32>,
        %swap3A_1243 = vector.shape_cast %swap3A_1242 : vector<1x16xf32> to vector<16xf32>
        %swap3A_1244 = vector.shape_cast %add3A_1239 : vector<16xf32> to vector<1x16xf32>
        tpu.vector_store %arg15[%swap3A_1240, %swap3A_1241], %swap3A_1244 {strides = array<i32>} : memref<32x128xf32, #tpu.memory_space<vmem>>, vector<1x16xf32>,
        %get3A_1245 = arith.constant 0 : i32
        %get3A_1246 = arith.index_cast %get3A_1245 : i32 to index
        %get3A_1247 = arith.index_cast %scan3A_1067 : i32 to index
        %get3A_1248 = arith.constant 48 : index
        %get3A_1249 = tpu.vector_load %arg11[%get3A_1246, %get3A_1247, %get3A_1248] {strides = array<i32>} : memref<4x32x96xf32, #tpu.memory_space<vmem>>, vector<1x1x16xf32>,
        %get3A_1250 = vector.shape_cast %get3A_1249 : vector<1x1x16xf32> to vector<16xf32>
        %mul3A_1251 = vector.broadcast %squeeze3A_1077 : f32 to vector<16xf32>
        %mul3A_1252 = arith.mulf %get3A_1250, %mul3A_1251 : vector<16xf32>
        %get3A_1253 = arith.constant 1 : i32
        %get3A_1254 = arith.index_cast %get3A_1253 : i32 to index
        %get3A_1255 = arith.index_cast %scan3A_1067 : i32 to index
        %get3A_1256 = arith.constant 48 : index
        %get3A_1257 = tpu.vector_load %arg11[%get3A_1254, %get3A_1255, %get3A_1256] {strides = array<i32>} : memref<4x32x96xf32, #tpu.memory_space<vmem>>, vector<1x1x16xf32>,
        %get3A_1258 = vector.shape_cast %get3A_1257 : vector<1x1x16xf32> to vector<16xf32>
        %mul3A_1259 = vector.broadcast %squeeze3A_1084 : f32 to vector<16xf32>
        %mul3A_1260 = arith.mulf %get3A_1258, %mul3A_1259 : vector<16xf32>
        %add3A_1261 = arith.addf %mul3A_1252, %mul3A_1260 : vector<16xf32>
        %get3A_1262 = arith.constant 2 : i32
        %get3A_1263 = arith.index_cast %get3A_1262 : i32 to index
        %get3A_1264 = arith.index_cast %scan3A_1067 : i32 to index
        %get3A_1265 = arith.constant 48 : index
        %get3A_1266 = tpu.vector_load %arg11[%get3A_1263, %get3A_1264, %get3A_1265] {strides = array<i32>} : memref<4x32x96xf32, #tpu.memory_space<vmem>>, vector<1x1x16xf32>,
        %get3A_1267 = vector.shape_cast %get3A_1266 : vector<1x1x16xf32> to vector<16xf32>
        %mul3A_1268 = vector.broadcast %squeeze3A_1091 : f32 to vector<16xf32>
        %mul3A_1269 = arith.mulf %get3A_1267, %mul3A_1268 : vector<16xf32>
        %add3A_1270 = arith.addf %add3A_1261, %mul3A_1269 : vector<16xf32>
        %get3A_1271 = arith.constant 3 : i32
        %get3A_1272 = arith.index_cast %get3A_1271 : i32 to index
        %get3A_1273 = arith.index_cast %scan3A_1067 : i32 to index
        %get3A_1274 = arith.constant 48 : index
        %get3A_1275 = tpu.vector_load %arg11[%get3A_1272, %get3A_1273, %get3A_1274] {strides = array<i32>} : memref<4x32x96xf32, #tpu.memory_space<vmem>>, vector<1x1x16xf32>,
        %get3A_1276 = vector.shape_cast %get3A_1275 : vector<1x1x16xf32> to vector<16xf32>
        %mul3A_1277 = vector.broadcast %squeeze3A_1098 : f32 to vector<16xf32>
        %mul3A_1278 = arith.mulf %get3A_1276, %mul3A_1277 : vector<16xf32>
        %add3A_1279 = arith.addf %add3A_1270, %mul3A_1278 : vector<16xf32>
        %get3A_1280 = arith.index_cast %scan3A_1067 : i32 to index
        %get3A_1281 = arith.constant 48 : index
        %get3A_1282 = tpu.vector_load %arg13[%get3A_1280, %get3A_1281] {strides = array<i32>} : memref<32x128xf32, #tpu.memory_space<vmem>>, vector<1x16xf32>,
        %get3A_1283 = vector.shape_cast %get3A_1282 : vector<1x16xf32> to vector<16xf32>
        %mul3A_1284 = vector.broadcast %squeeze3A_1103 : f32 to vector<16xf32>
        %mul3A_1285 = arith.mulf %get3A_1283, %mul3A_1284 : vector<16xf32>
        %add3A_1286 = arith.addf %add3A_1279, %mul3A_1285 : vector<16xf32>
        %swap3A_1287 = arith.index_cast %scan3A_1067 : i32 to index
        %swap3A_1288 = arith.constant 48 : index
        %swap3A_1289 = tpu.vector_load %arg15[%swap3A_1287, %swap3A_1288] {strides = array<i32>} : memref<32x128xf32, #tpu.memory_space<vmem>>, vector<1x16xf32>,
        %swap3A_1290 = vector.shape_cast %swap3A_1289 : vector<1x16xf32> to vector<16xf32>
        %swap3A_1291 = vector.shape_cast %add3A_1286 : vector<16xf32> to vector<1x16xf32>
        tpu.vector_store %arg15[%swap3A_1287, %swap3A_1288], %swap3A_1291 {strides = array<i32>} : memref<32x128xf32, #tpu.memory_space<vmem>>, vector<1x16xf32>,
        %get3A_1292 = arith.constant 0 : i32
        %get3A_1293 = arith.index_cast %get3A_1292 : i32 to index
        %get3A_1294 = arith.index_cast %scan3A_1067 : i32 to index
        %get3A_1295 = arith.constant 64 : index
        %get3A_1296 = tpu.vector_load %arg11[%get3A_1293, %get3A_1294, %get3A_1295] {strides = array<i32>} : memref<4x32x96xf32, #tpu.memory_space<vmem>>, vector<1x1x16xf32>,
        %get3A_1297 = vector.shape_cast %get3A_1296 : vector<1x1x16xf32> to vector<16xf32>
        %mul3A_1298 = vector.broadcast %squeeze3A_1077 : f32 to vector<16xf32>
        %mul3A_1299 = arith.mulf %get3A_1297, %mul3A_1298 : vector<16xf32>
        %get3A_1300 = arith.constant 1 : i32
        %get3A_1301 = arith.index_cast %get3A_1300 : i32 to index
        %get3A_1302 = arith.index_cast %scan3A_1067 : i32 to index
        %get3A_1303 = arith.constant 64 : index
        %get3A_1304 = tpu.vector_load %arg11[%get3A_1301, %get3A_1302, %get3A_1303] {strides = array<i32>} : memref<4x32x96xf32, #tpu.memory_space<vmem>>, vector<1x1x16xf32>,
        %get3A_1305 = vector.shape_cast %get3A_1304 : vector<1x1x16xf32> to vector<16xf32>
        %mul3A_1306 = vector.broadcast %squeeze3A_1084 : f32 to vector<16xf32>
        %mul3A_1307 = arith.mulf %get3A_1305, %mul3A_1306 : vector<16xf32>
        %add3A_1308 = arith.addf %mul3A_1299, %mul3A_1307 : vector<16xf32>
        %get3A_1309 = arith.constant 2 : i32
        %get3A_1310 = arith.index_cast %get3A_1309 : i32 to index
        %get3A_1311 = arith.index_cast %scan3A_1067 : i32 to index
        %get3A_1312 = arith.constant 64 : index
        %get3A_1313 = tpu.vector_load %arg11[%get3A_1310, %get3A_1311, %get3A_1312] {strides = array<i32>} : memref<4x32x96xf32, #tpu.memory_space<vmem>>, vector<1x1x16xf32>,
        %get3A_1314 = vector.shape_cast %get3A_1313 : vector<1x1x16xf32> to vector<16xf32>
        %mul3A_1315 = vector.broadcast %squeeze3A_1091 : f32 to vector<16xf32>
        %mul3A_1316 = arith.mulf %get3A_1314, %mul3A_1315 : vector<16xf32>
        %add3A_1317 = arith.addf %add3A_1308, %mul3A_1316 : vector<16xf32>
        %get3A_1318 = arith.constant 3 : i32
        %get3A_1319 = arith.index_cast %get3A_1318 : i32 to index
        %get3A_1320 = arith.index_cast %scan3A_1067 : i32 to index
        %get3A_1321 = arith.constant 64 : index
        %get3A_1322 = tpu.vector_load %arg11[%get3A_1319, %get3A_1320, %get3A_1321] {strides = array<i32>} : memref<4x32x96xf32, #tpu.memory_space<vmem>>, vector<1x1x16xf32>,
        %get3A_1323 = vector.shape_cast %get3A_1322 : vector<1x1x16xf32> to vector<16xf32>
        %mul3A_1324 = vector.broadcast %squeeze3A_1098 : f32 to vector<16xf32>
        %mul3A_1325 = arith.mulf %get3A_1323, %mul3A_1324 : vector<16xf32>
        %add3A_1326 = arith.addf %add3A_1317, %mul3A_1325 : vector<16xf32>
        %get3A_1327 = arith.index_cast %scan3A_1067 : i32 to index
        %get3A_1328 = arith.constant 64 : index
        %get3A_1329 = tpu.vector_load %arg13[%get3A_1327, %get3A_1328] {strides = array<i32>} : memref<32x128xf32, #tpu.memory_space<vmem>>, vector<1x16xf32>,
        %get3A_1330 = vector.shape_cast %get3A_1329 : vector<1x16xf32> to vector<16xf32>
        %mul3A_1331 = vector.broadcast %squeeze3A_1103 : f32 to vector<16xf32>
        %mul3A_1332 = arith.mulf %get3A_1330, %mul3A_1331 : vector<16xf32>
        %add3A_1333 = arith.addf %add3A_1326, %mul3A_1332 : vector<16xf32>
        %swap3A_1334 = arith.index_cast %scan3A_1067 : i32 to index
        %swap3A_1335 = arith.constant 64 : index
        %swap3A_1336 = tpu.vector_load %arg15[%swap3A_1334, %swap3A_1335] {strides = array<i32>} : memref<32x128xf32, #tpu.memory_space<vmem>>, vector<1x16xf32>,
        %swap3A_1337 = vector.shape_cast %swap3A_1336 : vector<1x16xf32> to vector<16xf32>
        %swap3A_1338 = vector.shape_cast %add3A_1333 : vector<16xf32> to vector<1x16xf32>
        tpu.vector_store %arg15[%swap3A_1334, %swap3A_1335], %swap3A_1338 {strides = array<i32>} : memref<32x128xf32, #tpu.memory_space<vmem>>, vector<1x16xf32>,
        %get3A_1339 = arith.constant 0 : i32
        %get3A_1340 = arith.index_cast %get3A_1339 : i32 to index
        %get3A_1341 = arith.index_cast %scan3A_1067 : i32 to index
        %get3A_1342 = arith.constant 80 : index
        %get3A_1343 = tpu.vector_load %arg11[%get3A_1340, %get3A_1341, %get3A_1342] {strides = array<i32>} : memref<4x32x96xf32, #tpu.memory_space<vmem>>, vector<1x1x16xf32>,
        %get3A_1344 = vector.shape_cast %get3A_1343 : vector<1x1x16xf32> to vector<16xf32>
        %mul3A_1345 = vector.broadcast %squeeze3A_1077 : f32 to vector<16xf32>
        %mul3A_1346 = arith.mulf %get3A_1344, %mul3A_1345 : vector<16xf32>
        %get3A_1347 = arith.constant 1 : i32
        %get3A_1348 = arith.index_cast %get3A_1347 : i32 to index
        %get3A_1349 = arith.index_cast %scan3A_1067 : i32 to index
        %get3A_1350 = arith.constant 80 : index
        %get3A_1351 = tpu.vector_load %arg11[%get3A_1348, %get3A_1349, %get3A_1350] {strides = array<i32>} : memref<4x32x96xf32, #tpu.memory_space<vmem>>, vector<1x1x16xf32>,
        %get3A_1352 = vector.shape_cast %get3A_1351 : vector<1x1x16xf32> to vector<16xf32>
        %mul3A_1353 = vector.broadcast %squeeze3A_1084 : f32 to vector<16xf32>
        %mul3A_1354 = arith.mulf %get3A_1352, %mul3A_1353 : vector<16xf32>
        %add3A_1355 = arith.addf %mul3A_1346, %mul3A_1354 : vector<16xf32>
        %get3A_1356 = arith.constant 2 : i32
        %get3A_1357 = arith.index_cast %get3A_1356 : i32 to index
        %get3A_1358 = arith.index_cast %scan3A_1067 : i32 to index
        %get3A_1359 = arith.constant 80 : index
        %get3A_1360 = tpu.vector_load %arg11[%get3A_1357, %get3A_1358, %get3A_1359] {strides = array<i32>} : memref<4x32x96xf32, #tpu.memory_space<vmem>>, vector<1x1x16xf32>,
        %get3A_1361 = vector.shape_cast %get3A_1360 : vector<1x1x16xf32> to vector<16xf32>
        %mul3A_1362 = vector.broadcast %squeeze3A_1091 : f32 to vector<16xf32>
        %mul3A_1363 = arith.mulf %get3A_1361, %mul3A_1362 : vector<16xf32>
        %add3A_1364 = arith.addf %add3A_1355, %mul3A_1363 : vector<16xf32>
        %get3A_1365 = arith.constant 3 : i32
        %get3A_1366 = arith.index_cast %get3A_1365 : i32 to index
        %get3A_1367 = arith.index_cast %scan3A_1067 : i32 to index
        %get3A_1368 = arith.constant 80 : index
        %get3A_1369 = tpu.vector_load %arg11[%get3A_1366, %get3A_1367, %get3A_1368] {strides = array<i32>} : memref<4x32x96xf32, #tpu.memory_space<vmem>>, vector<1x1x16xf32>,
        %get3A_1370 = vector.shape_cast %get3A_1369 : vector<1x1x16xf32> to vector<16xf32>
        %mul3A_1371 = vector.broadcast %squeeze3A_1098 : f32 to vector<16xf32>
        %mul3A_1372 = arith.mulf %get3A_1370, %mul3A_1371 : vector<16xf32>
        %add3A_1373 = arith.addf %add3A_1364, %mul3A_1372 : vector<16xf32>
        %get3A_1374 = arith.index_cast %scan3A_1067 : i32 to index
        %get3A_1375 = arith.constant 80 : index
        %get3A_1376 = tpu.vector_load %arg13[%get3A_1374, %get3A_1375] {strides = array<i32>} : memref<32x128xf32, #tpu.memory_space<vmem>>, vector<1x16xf32>,
        %get3A_1377 = vector.shape_cast %get3A_1376 : vector<1x16xf32> to vector<16xf32>
        %mul3A_1378 = vector.broadcast %squeeze3A_1103 : f32 to vector<16xf32>
        %mul3A_1379 = arith.mulf %get3A_1377, %mul3A_1378 : vector<16xf32>
        %add3A_1380 = arith.addf %add3A_1373, %mul3A_1379 : vector<16xf32>
        %swap3A_1381 = arith.index_cast %scan3A_1067 : i32 to index
        %swap3A_1382 = arith.constant 80 : index
        %swap3A_1383 = tpu.vector_load %arg15[%swap3A_1381, %swap3A_1382] {strides = array<i32>} : memref<32x128xf32, #tpu.memory_space<vmem>>, vector<1x16xf32>,
        %swap3A_1384 = vector.shape_cast %swap3A_1383 : vector<1x16xf32> to vector<16xf32>
        %swap3A_1385 = vector.shape_cast %add3A_1380 : vector<16xf32> to vector<1x16xf32>
        tpu.vector_store %arg15[%swap3A_1381, %swap3A_1382], %swap3A_1385 {strides = array<i32>} : memref<32x128xf32, #tpu.memory_space<vmem>>, vector<1x16xf32>,
        %scan3A_1386 = arith.constant 3 : i32
        %scan3A_1387 = arith.addi %scan3A_431, %scan3A_1386 : i32
        %mul3A_1388 = arith.constant 32 : i32
        %mul3A_1389 = arith.muli %add3A_276, %mul3A_1388 : i32
        %add3A_1390 = arith.addi %mul3A_1389, %scan3A_1387 : i32
        %get3A_1391 = arith.constant 0 : i32
        %get3A_1392 = arith.index_cast %get3A_1391 : i32 to index
        %get3A_1393 = arith.index_cast %add3A_1390 : i32 to index
        %get3A_1394 = tpu.vector_load %arg9[%get3A_1392, %get3A_1393] {strides = array<i32>} : memref<4x9232xf32, #tpu.memory_space<vmem>>, vector<1x16xf32>,
        %get3A_1395 = vector.shape_cast %get3A_1394 : vector<1x16xf32> to vector<16xf32>
        %slice3A_1396 = vector.extract_strided_slice %get3A_1395 {offsets = [0], sizes = [1], strides = [1]} : vector<16xf32> to vector<1xf32>
        %squeeze3A_1397 = vector.extract %slice3A_1396[0] : f32 from vector<1xf32>
        %get3A_1398 = arith.constant 1 : i32
        %get3A_1399 = arith.index_cast %get3A_1398 : i32 to index
        %get3A_1400 = arith.index_cast %add3A_1390 : i32 to index
        %get3A_1401 = tpu.vector_load %arg9[%get3A_1399, %get3A_1400] {strides = array<i32>} : memref<4x9232xf32, #tpu.memory_space<vmem>>, vector<1x16xf32>,
        %get3A_1402 = vector.shape_cast %get3A_1401 : vector<1x16xf32> to vector<16xf32>
        %slice3A_1403 = vector.extract_strided_slice %get3A_1402 {offsets = [0], sizes = [1], strides = [1]} : vector<16xf32> to vector<1xf32>
        %squeeze3A_1404 = vector.extract %slice3A_1403[0] : f32 from vector<1xf32>
        %get3A_1405 = arith.constant 2 : i32
        %get3A_1406 = arith.index_cast %get3A_1405 : i32 to index
        %get3A_1407 = arith.index_cast %add3A_1390 : i32 to index
        %get3A_1408 = tpu.vector_load %arg9[%get3A_1406, %get3A_1407] {strides = array<i32>} : memref<4x9232xf32, #tpu.memory_space<vmem>>, vector<1x16xf32>,
        %get3A_1409 = vector.shape_cast %get3A_1408 : vector<1x16xf32> to vector<16xf32>
        %slice3A_1410 = vector.extract_strided_slice %get3A_1409 {offsets = [0], sizes = [1], strides = [1]} : vector<16xf32> to vector<1xf32>
        %squeeze3A_1411 = vector.extract %slice3A_1410[0] : f32 from vector<1xf32>
        %get3A_1412 = arith.constant 3 : i32
        %get3A_1413 = arith.index_cast %get3A_1412 : i32 to index
        %get3A_1414 = arith.index_cast %add3A_1390 : i32 to index
        %get3A_1415 = tpu.vector_load %arg9[%get3A_1413, %get3A_1414] {strides = array<i32>} : memref<4x9232xf32, #tpu.memory_space<vmem>>, vector<1x16xf32>,
        %get3A_1416 = vector.shape_cast %get3A_1415 : vector<1x16xf32> to vector<16xf32>
        %slice3A_1417 = vector.extract_strided_slice %get3A_1416 {offsets = [0], sizes = [1], strides = [1]} : vector<16xf32> to vector<1xf32>
        %squeeze3A_1418 = vector.extract %slice3A_1417[0] : f32 from vector<1xf32>
        %get3A_1419 = arith.index_cast %add3A_1390 : i32 to index
        %get3A_1420 = tpu.vector_load %arg10[%get3A_1419] {strides = array<i32>} : memref<9232xf32, #tpu.memory_space<vmem>>, vector<16xf32>,
        %get3A_1421 = vector.shape_cast %get3A_1420 : vector<16xf32> to vector<16xf32>
        %slice3A_1422 = vector.extract_strided_slice %get3A_1421 {offsets = [0], sizes = [1], strides = [1]} : vector<16xf32> to vector<1xf32>
        %squeeze3A_1423 = vector.extract %slice3A_1422[0] : f32 from vector<1xf32>
        %get3A_1424 = arith.constant 0 : i32
        %get3A_1425 = arith.index_cast %get3A_1424 : i32 to index
        %get3A_1426 = arith.index_cast %scan3A_1387 : i32 to index
        %get3A_1427 = arith.constant 0 : index
        %get3A_1428 = tpu.vector_load %arg11[%get3A_1425, %get3A_1426, %get3A_1427] {strides = array<i32>} : memref<4x32x96xf32, #tpu.memory_space<vmem>>, vector<1x1x16xf32>,
        %get3A_1429 = vector.shape_cast %get3A_1428 : vector<1x1x16xf32> to vector<16xf32>
        %mul3A_1430 = vector.broadcast %squeeze3A_1397 : f32 to vector<16xf32>
        %mul3A_1431 = arith.mulf %get3A_1429, %mul3A_1430 : vector<16xf32>
        %get3A_1432 = arith.constant 1 : i32
        %get3A_1433 = arith.index_cast %get3A_1432 : i32 to index
        %get3A_1434 = arith.index_cast %scan3A_1387 : i32 to index
        %get3A_1435 = arith.constant 0 : index
        %get3A_1436 = tpu.vector_load %arg11[%get3A_1433, %get3A_1434, %get3A_1435] {strides = array<i32>} : memref<4x32x96xf32, #tpu.memory_space<vmem>>, vector<1x1x16xf32>,
        %get3A_1437 = vector.shape_cast %get3A_1436 : vector<1x1x16xf32> to vector<16xf32>
        %mul3A_1438 = vector.broadcast %squeeze3A_1404 : f32 to vector<16xf32>
        %mul3A_1439 = arith.mulf %get3A_1437, %mul3A_1438 : vector<16xf32>
        %add3A_1440 = arith.addf %mul3A_1431, %mul3A_1439 : vector<16xf32>
        %get3A_1441 = arith.constant 2 : i32
        %get3A_1442 = arith.index_cast %get3A_1441 : i32 to index
        %get3A_1443 = arith.index_cast %scan3A_1387 : i32 to index
        %get3A_1444 = arith.constant 0 : index
        %get3A_1445 = tpu.vector_load %arg11[%get3A_1442, %get3A_1443, %get3A_1444] {strides = array<i32>} : memref<4x32x96xf32, #tpu.memory_space<vmem>>, vector<1x1x16xf32>,
        %get3A_1446 = vector.shape_cast %get3A_1445 : vector<1x1x16xf32> to vector<16xf32>
        %mul3A_1447 = vector.broadcast %squeeze3A_1411 : f32 to vector<16xf32>
        %mul3A_1448 = arith.mulf %get3A_1446, %mul3A_1447 : vector<16xf32>
        %add3A_1449 = arith.addf %add3A_1440, %mul3A_1448 : vector<16xf32>
        %get3A_1450 = arith.constant 3 : i32
        %get3A_1451 = arith.index_cast %get3A_1450 : i32 to index
        %get3A_1452 = arith.index_cast %scan3A_1387 : i32 to index
        %get3A_1453 = arith.constant 0 : index
        %get3A_1454 = tpu.vector_load %arg11[%get3A_1451, %get3A_1452, %get3A_1453] {strides = array<i32>} : memref<4x32x96xf32, #tpu.memory_space<vmem>>, vector<1x1x16xf32>,
        %get3A_1455 = vector.shape_cast %get3A_1454 : vector<1x1x16xf32> to vector<16xf32>
        %mul3A_1456 = vector.broadcast %squeeze3A_1418 : f32 to vector<16xf32>
        %mul3A_1457 = arith.mulf %get3A_1455, %mul3A_1456 : vector<16xf32>
        %add3A_1458 = arith.addf %add3A_1449, %mul3A_1457 : vector<16xf32>
        %get3A_1459 = arith.index_cast %scan3A_1387 : i32 to index
        %get3A_1460 = arith.constant 0 : index
        %get3A_1461 = tpu.vector_load %arg13[%get3A_1459, %get3A_1460] {strides = array<i32>} : memref<32x128xf32, #tpu.memory_space<vmem>>, vector<1x16xf32>,
        %get3A_1462 = vector.shape_cast %get3A_1461 : vector<1x16xf32> to vector<16xf32>
        %mul3A_1463 = vector.broadcast %squeeze3A_1423 : f32 to vector<16xf32>
        %mul3A_1464 = arith.mulf %get3A_1462, %mul3A_1463 : vector<16xf32>
        %add3A_1465 = arith.addf %add3A_1458, %mul3A_1464 : vector<16xf32>
        %swap3A_1466 = arith.index_cast %scan3A_1387 : i32 to index
        %swap3A_1467 = arith.constant 0 : index
        %swap3A_1468 = tpu.vector_load %arg15[%swap3A_1466, %swap3A_1467] {strides = array<i32>} : memref<32x128xf32, #tpu.memory_space<vmem>>, vector<1x16xf32>,
        %swap3A_1469 = vector.shape_cast %swap3A_1468 : vector<1x16xf32> to vector<16xf32>
        %swap3A_1470 = vector.shape_cast %add3A_1465 : vector<16xf32> to vector<1x16xf32>
        tpu.vector_store %arg15[%swap3A_1466, %swap3A_1467], %swap3A_1470 {strides = array<i32>} : memref<32x128xf32, #tpu.memory_space<vmem>>, vector<1x16xf32>,
        %get3A_1471 = arith.constant 0 : i32
        %get3A_1472 = arith.index_cast %get3A_1471 : i32 to index
        %get3A_1473 = arith.index_cast %scan3A_1387 : i32 to index
        %get3A_1474 = arith.constant 16 : index
        %get3A_1475 = tpu.vector_load %arg11[%get3A_1472, %get3A_1473, %get3A_1474] {strides = array<i32>} : memref<4x32x96xf32, #tpu.memory_space<vmem>>, vector<1x1x16xf32>,
        %get3A_1476 = vector.shape_cast %get3A_1475 : vector<1x1x16xf32> to vector<16xf32>
        %mul3A_1477 = vector.broadcast %squeeze3A_1397 : f32 to vector<16xf32>
        %mul3A_1478 = arith.mulf %get3A_1476, %mul3A_1477 : vector<16xf32>
        %get3A_1479 = arith.constant 1 : i32
        %get3A_1480 = arith.index_cast %get3A_1479 : i32 to index
        %get3A_1481 = arith.index_cast %scan3A_1387 : i32 to index
        %get3A_1482 = arith.constant 16 : index
        %get3A_1483 = tpu.vector_load %arg11[%get3A_1480, %get3A_1481, %get3A_1482] {strides = array<i32>} : memref<4x32x96xf32, #tpu.memory_space<vmem>>, vector<1x1x16xf32>,
        %get3A_1484 = vector.shape_cast %get3A_1483 : vector<1x1x16xf32> to vector<16xf32>
        %mul3A_1485 = vector.broadcast %squeeze3A_1404 : f32 to vector<16xf32>
        %mul3A_1486 = arith.mulf %get3A_1484, %mul3A_1485 : vector<16xf32>
        %add3A_1487 = arith.addf %mul3A_1478, %mul3A_1486 : vector<16xf32>
        %get3A_1488 = arith.constant 2 : i32
        %get3A_1489 = arith.index_cast %get3A_1488 : i32 to index
        %get3A_1490 = arith.index_cast %scan3A_1387 : i32 to index
        %get3A_1491 = arith.constant 16 : index
        %get3A_1492 = tpu.vector_load %arg11[%get3A_1489, %get3A_1490, %get3A_1491] {strides = array<i32>} : memref<4x32x96xf32, #tpu.memory_space<vmem>>, vector<1x1x16xf32>,
        %get3A_1493 = vector.shape_cast %get3A_1492 : vector<1x1x16xf32> to vector<16xf32>
        %mul3A_1494 = vector.broadcast %squeeze3A_1411 : f32 to vector<16xf32>
        %mul3A_1495 = arith.mulf %get3A_1493, %mul3A_1494 : vector<16xf32>
        %add3A_1496 = arith.addf %add3A_1487, %mul3A_1495 : vector<16xf32>
        %get3A_1497 = arith.constant 3 : i32
        %get3A_1498 = arith.index_cast %get3A_1497 : i32 to index
        %get3A_1499 = arith.index_cast %scan3A_1387 : i32 to index
        %get3A_1500 = arith.constant 16 : index
        %get3A_1501 = tpu.vector_load %arg11[%get3A_1498, %get3A_1499, %get3A_1500] {strides = array<i32>} : memref<4x32x96xf32, #tpu.memory_space<vmem>>, vector<1x1x16xf32>,
        %get3A_1502 = vector.shape_cast %get3A_1501 : vector<1x1x16xf32> to vector<16xf32>
        %mul3A_1503 = vector.broadcast %squeeze3A_1418 : f32 to vector<16xf32>
        %mul3A_1504 = arith.mulf %get3A_1502, %mul3A_1503 : vector<16xf32>
        %add3A_1505 = arith.addf %add3A_1496, %mul3A_1504 : vector<16xf32>
        %get3A_1506 = arith.index_cast %scan3A_1387 : i32 to index
        %get3A_1507 = arith.constant 16 : index
        %get3A_1508 = tpu.vector_load %arg13[%get3A_1506, %get3A_1507] {strides = array<i32>} : memref<32x128xf32, #tpu.memory_space<vmem>>, vector<1x16xf32>,
        %get3A_1509 = vector.shape_cast %get3A_1508 : vector<1x16xf32> to vector<16xf32>
        %mul3A_1510 = vector.broadcast %squeeze3A_1423 : f32 to vector<16xf32>
        %mul3A_1511 = arith.mulf %get3A_1509, %mul3A_1510 : vector<16xf32>
        %add3A_1512 = arith.addf %add3A_1505, %mul3A_1511 : vector<16xf32>
        %swap3A_1513 = arith.index_cast %scan3A_1387 : i32 to index
        %swap3A_1514 = arith.constant 16 : index
        %swap3A_1515 = tpu.vector_load %arg15[%swap3A_1513, %swap3A_1514] {strides = array<i32>} : memref<32x128xf32, #tpu.memory_space<vmem>>, vector<1x16xf32>,
        %swap3A_1516 = vector.shape_cast %swap3A_1515 : vector<1x16xf32> to vector<16xf32>
        %swap3A_1517 = vector.shape_cast %add3A_1512 : vector<16xf32> to vector<1x16xf32>
        tpu.vector_store %arg15[%swap3A_1513, %swap3A_1514], %swap3A_1517 {strides = array<i32>} : memref<32x128xf32, #tpu.memory_space<vmem>>, vector<1x16xf32>,
        %get3A_1518 = arith.constant 0 : i32
        %get3A_1519 = arith.index_cast %get3A_1518 : i32 to index
        %get3A_1520 = arith.index_cast %scan3A_1387 : i32 to index
        %get3A_1521 = arith.constant 32 : index
        %get3A_1522 = tpu.vector_load %arg11[%get3A_1519, %get3A_1520, %get3A_1521] {strides = array<i32>} : memref<4x32x96xf32, #tpu.memory_space<vmem>>, vector<1x1x16xf32>,
        %get3A_1523 = vector.shape_cast %get3A_1522 : vector<1x1x16xf32> to vector<16xf32>
        %mul3A_1524 = vector.broadcast %squeeze3A_1397 : f32 to vector<16xf32>
        %mul3A_1525 = arith.mulf %get3A_1523, %mul3A_1524 : vector<16xf32>
        %get3A_1526 = arith.constant 1 : i32
        %get3A_1527 = arith.index_cast %get3A_1526 : i32 to index
        %get3A_1528 = arith.index_cast %scan3A_1387 : i32 to index
        %get3A_1529 = arith.constant 32 : index
        %get3A_1530 = tpu.vector_load %arg11[%get3A_1527, %get3A_1528, %get3A_1529] {strides = array<i32>} : memref<4x32x96xf32, #tpu.memory_space<vmem>>, vector<1x1x16xf32>,
        %get3A_1531 = vector.shape_cast %get3A_1530 : vector<1x1x16xf32> to vector<16xf32>
        %mul3A_1532 = vector.broadcast %squeeze3A_1404 : f32 to vector<16xf32>
        %mul3A_1533 = arith.mulf %get3A_1531, %mul3A_1532 : vector<16xf32>
        %add3A_1534 = arith.addf %mul3A_1525, %mul3A_1533 : vector<16xf32>
        %get3A_1535 = arith.constant 2 : i32
        %get3A_1536 = arith.index_cast %get3A_1535 : i32 to index
        %get3A_1537 = arith.index_cast %scan3A_1387 : i32 to index
        %get3A_1538 = arith.constant 32 : index
        %get3A_1539 = tpu.vector_load %arg11[%get3A_1536, %get3A_1537, %get3A_1538] {strides = array<i32>} : memref<4x32x96xf32, #tpu.memory_space<vmem>>, vector<1x1x16xf32>,
        %get3A_1540 = vector.shape_cast %get3A_1539 : vector<1x1x16xf32> to vector<16xf32>
        %mul3A_1541 = vector.broadcast %squeeze3A_1411 : f32 to vector<16xf32>
        %mul3A_1542 = arith.mulf %get3A_1540, %mul3A_1541 : vector<16xf32>
        %add3A_1543 = arith.addf %add3A_1534, %mul3A_1542 : vector<16xf32>
        %get3A_1544 = arith.constant 3 : i32
        %get3A_1545 = arith.index_cast %get3A_1544 : i32 to index
        %get3A_1546 = arith.index_cast %scan3A_1387 : i32 to index
        %get3A_1547 = arith.constant 32 : index
        %get3A_1548 = tpu.vector_load %arg11[%get3A_1545, %get3A_1546, %get3A_1547] {strides = array<i32>} : memref<4x32x96xf32, #tpu.memory_space<vmem>>, vector<1x1x16xf32>,
        %get3A_1549 = vector.shape_cast %get3A_1548 : vector<1x1x16xf32> to vector<16xf32>
        %mul3A_1550 = vector.broadcast %squeeze3A_1418 : f32 to vector<16xf32>
        %mul3A_1551 = arith.mulf %get3A_1549, %mul3A_1550 : vector<16xf32>
        %add3A_1552 = arith.addf %add3A_1543, %mul3A_1551 : vector<16xf32>
        %get3A_1553 = arith.index_cast %scan3A_1387 : i32 to index
        %get3A_1554 = arith.constant 32 : index
        %get3A_1555 = tpu.vector_load %arg13[%get3A_1553, %get3A_1554] {strides = array<i32>} : memref<32x128xf32, #tpu.memory_space<vmem>>, vector<1x16xf32>,
        %get3A_1556 = vector.shape_cast %get3A_1555 : vector<1x16xf32> to vector<16xf32>
        %mul3A_1557 = vector.broadcast %squeeze3A_1423 : f32 to vector<16xf32>
        %mul3A_1558 = arith.mulf %get3A_1556, %mul3A_1557 : vector<16xf32>
        %add3A_1559 = arith.addf %add3A_1552, %mul3A_1558 : vector<16xf32>
        %swap3A_1560 = arith.index_cast %scan3A_1387 : i32 to index
        %swap3A_1561 = arith.constant 32 : index
        %swap3A_1562 = tpu.vector_load %arg15[%swap3A_1560, %swap3A_1561] {strides = array<i32>} : memref<32x128xf32, #tpu.memory_space<vmem>>, vector<1x16xf32>,
        %swap3A_1563 = vector.shape_cast %swap3A_1562 : vector<1x16xf32> to vector<16xf32>
        %swap3A_1564 = vector.shape_cast %add3A_1559 : vector<16xf32> to vector<1x16xf32>
        tpu.vector_store %arg15[%swap3A_1560, %swap3A_1561], %swap3A_1564 {strides = array<i32>} : memref<32x128xf32, #tpu.memory_space<vmem>>, vector<1x16xf32>,
        %get3A_1565 = arith.constant 0 : i32
        %get3A_1566 = arith.index_cast %get3A_1565 : i32 to index
        %get3A_1567 = arith.index_cast %scan3A_1387 : i32 to index
        %get3A_1568 = arith.constant 48 : index
        %get3A_1569 = tpu.vector_load %arg11[%get3A_1566, %get3A_1567, %get3A_1568] {strides = array<i32>} : memref<4x32x96xf32, #tpu.memory_space<vmem>>, vector<1x1x16xf32>,
        %get3A_1570 = vector.shape_cast %get3A_1569 : vector<1x1x16xf32> to vector<16xf32>
        %mul3A_1571 = vector.broadcast %squeeze3A_1397 : f32 to vector<16xf32>
        %mul3A_1572 = arith.mulf %get3A_1570, %mul3A_1571 : vector<16xf32>
        %get3A_1573 = arith.constant 1 : i32
        %get3A_1574 = arith.index_cast %get3A_1573 : i32 to index
        %get3A_1575 = arith.index_cast %scan3A_1387 : i32 to index
        %get3A_1576 = arith.constant 48 : index
        %get3A_1577 = tpu.vector_load %arg11[%get3A_1574, %get3A_1575, %get3A_1576] {strides = array<i32>} : memref<4x32x96xf32, #tpu.memory_space<vmem>>, vector<1x1x16xf32>,
        %get3A_1578 = vector.shape_cast %get3A_1577 : vector<1x1x16xf32> to vector<16xf32>
        %mul3A_1579 = vector.broadcast %squeeze3A_1404 : f32 to vector<16xf32>
        %mul3A_1580 = arith.mulf %get3A_1578, %mul3A_1579 : vector<16xf32>
        %add3A_1581 = arith.addf %mul3A_1572, %mul3A_1580 : vector<16xf32>
        %get3A_1582 = arith.constant 2 : i32
        %get3A_1583 = arith.index_cast %get3A_1582 : i32 to index
        %get3A_1584 = arith.index_cast %scan3A_1387 : i32 to index
        %get3A_1585 = arith.constant 48 : index
        %get3A_1586 = tpu.vector_load %arg11[%get3A_1583, %get3A_1584, %get3A_1585] {strides = array<i32>} : memref<4x32x96xf32, #tpu.memory_space<vmem>>, vector<1x1x16xf32>,
        %get3A_1587 = vector.shape_cast %get3A_1586 : vector<1x1x16xf32> to vector<16xf32>
        %mul3A_1588 = vector.broadcast %squeeze3A_1411 : f32 to vector<16xf32>
        %mul3A_1589 = arith.mulf %get3A_1587, %mul3A_1588 : vector<16xf32>
        %add3A_1590 = arith.addf %add3A_1581, %mul3A_1589 : vector<16xf32>
        %get3A_1591 = arith.constant 3 : i32
        %get3A_1592 = arith.index_cast %get3A_1591 : i32 to index
        %get3A_1593 = arith.index_cast %scan3A_1387 : i32 to index
        %get3A_1594 = arith.constant 48 : index
        %get3A_1595 = tpu.vector_load %arg11[%get3A_1592, %get3A_1593, %get3A_1594] {strides = array<i32>} : memref<4x32x96xf32, #tpu.memory_space<vmem>>, vector<1x1x16xf32>,
        %get3A_1596 = vector.shape_cast %get3A_1595 : vector<1x1x16xf32> to vector<16xf32>
        %mul3A_1597 = vector.broadcast %squeeze3A_1418 : f32 to vector<16xf32>
        %mul3A_1598 = arith.mulf %get3A_1596, %mul3A_1597 : vector<16xf32>
        %add3A_1599 = arith.addf %add3A_1590, %mul3A_1598 : vector<16xf32>
        %get3A_1600 = arith.index_cast %scan3A_1387 : i32 to index
        %get3A_1601 = arith.constant 48 : index
        %get3A_1602 = tpu.vector_load %arg13[%get3A_1600, %get3A_1601] {strides = array<i32>} : memref<32x128xf32, #tpu.memory_space<vmem>>, vector<1x16xf32>,
        %get3A_1603 = vector.shape_cast %get3A_1602 : vector<1x16xf32> to vector<16xf32>
        %mul3A_1604 = vector.broadcast %squeeze3A_1423 : f32 to vector<16xf32>
        %mul3A_1605 = arith.mulf %get3A_1603, %mul3A_1604 : vector<16xf32>
        %add3A_1606 = arith.addf %add3A_1599, %mul3A_1605 : vector<16xf32>
        %swap3A_1607 = arith.index_cast %scan3A_1387 : i32 to index
        %swap3A_1608 = arith.constant 48 : index
        %swap3A_1609 = tpu.vector_load %arg15[%swap3A_1607, %swap3A_1608] {strides = array<i32>} : memref<32x128xf32, #tpu.memory_space<vmem>>, vector<1x16xf32>,
        %swap3A_1610 = vector.shape_cast %swap3A_1609 : vector<1x16xf32> to vector<16xf32>
        %swap3A_1611 = vector.shape_cast %add3A_1606 : vector<16xf32> to vector<1x16xf32>
        tpu.vector_store %arg15[%swap3A_1607, %swap3A_1608], %swap3A_1611 {strides = array<i32>} : memref<32x128xf32, #tpu.memory_space<vmem>>, vector<1x16xf32>,
        %get3A_1612 = arith.constant 0 : i32
        %get3A_1613 = arith.index_cast %get3A_1612 : i32 to index
        %get3A_1614 = arith.index_cast %scan3A_1387 : i32 to index
        %get3A_1615 = arith.constant 64 : index
        %get3A_1616 = tpu.vector_load %arg11[%get3A_1613, %get3A_1614, %get3A_1615] {strides = array<i32>} : memref<4x32x96xf32, #tpu.memory_space<vmem>>, vector<1x1x16xf32>,
        %get3A_1617 = vector.shape_cast %get3A_1616 : vector<1x1x16xf32> to vector<16xf32>
        %mul3A_1618 = vector.broadcast %squeeze3A_1397 : f32 to vector<16xf32>
        %mul3A_1619 = arith.mulf %get3A_1617, %mul3A_1618 : vector<16xf32>
        %get3A_1620 = arith.constant 1 : i32
        %get3A_1621 = arith.index_cast %get3A_1620 : i32 to index
        %get3A_1622 = arith.index_cast %scan3A_1387 : i32 to index
        %get3A_1623 = arith.constant 64 : index
        %get3A_1624 = tpu.vector_load %arg11[%get3A_1621, %get3A_1622, %get3A_1623] {strides = array<i32>} : memref<4x32x96xf32, #tpu.memory_space<vmem>>, vector<1x1x16xf32>,
        %get3A_1625 = vector.shape_cast %get3A_1624 : vector<1x1x16xf32> to vector<16xf32>
        %mul3A_1626 = vector.broadcast %squeeze3A_1404 : f32 to vector<16xf32>
        %mul3A_1627 = arith.mulf %get3A_1625, %mul3A_1626 : vector<16xf32>
        %add3A_1628 = arith.addf %mul3A_1619, %mul3A_1627 : vector<16xf32>
        %get3A_1629 = arith.constant 2 : i32
        %get3A_1630 = arith.index_cast %get3A_1629 : i32 to index
        %get3A_1631 = arith.index_cast %scan3A_1387 : i32 to index
        %get3A_1632 = arith.constant 64 : index
        %get3A_1633 = tpu.vector_load %arg11[%get3A_1630, %get3A_1631, %get3A_1632] {strides = array<i32>} : memref<4x32x96xf32, #tpu.memory_space<vmem>>, vector<1x1x16xf32>,
        %get3A_1634 = vector.shape_cast %get3A_1633 : vector<1x1x16xf32> to vector<16xf32>
        %mul3A_1635 = vector.broadcast %squeeze3A_1411 : f32 to vector<16xf32>
        %mul3A_1636 = arith.mulf %get3A_1634, %mul3A_1635 : vector<16xf32>
        %add3A_1637 = arith.addf %add3A_1628, %mul3A_1636 : vector<16xf32>
        %get3A_1638 = arith.constant 3 : i32
        %get3A_1639 = arith.index_cast %get3A_1638 : i32 to index
        %get3A_1640 = arith.index_cast %scan3A_1387 : i32 to index
        %get3A_1641 = arith.constant 64 : index
        %get3A_1642 = tpu.vector_load %arg11[%get3A_1639, %get3A_1640, %get3A_1641] {strides = array<i32>} : memref<4x32x96xf32, #tpu.memory_space<vmem>>, vector<1x1x16xf32>,
        %get3A_1643 = vector.shape_cast %get3A_1642 : vector<1x1x16xf32> to vector<16xf32>
        %mul3A_1644 = vector.broadcast %squeeze3A_1418 : f32 to vector<16xf32>
        %mul3A_1645 = arith.mulf %get3A_1643, %mul3A_1644 : vector<16xf32>
        %add3A_1646 = arith.addf %add3A_1637, %mul3A_1645 : vector<16xf32>
        %get3A_1647 = arith.index_cast %scan3A_1387 : i32 to index
        %get3A_1648 = arith.constant 64 : index
        %get3A_1649 = tpu.vector_load %arg13[%get3A_1647, %get3A_1648] {strides = array<i32>} : memref<32x128xf32, #tpu.memory_space<vmem>>, vector<1x16xf32>,
        %get3A_1650 = vector.shape_cast %get3A_1649 : vector<1x16xf32> to vector<16xf32>
        %mul3A_1651 = vector.broadcast %squeeze3A_1423 : f32 to vector<16xf32>
        %mul3A_1652 = arith.mulf %get3A_1650, %mul3A_1651 : vector<16xf32>
        %add3A_1653 = arith.addf %add3A_1646, %mul3A_1652 : vector<16xf32>
        %swap3A_1654 = arith.index_cast %scan3A_1387 : i32 to index
        %swap3A_1655 = arith.constant 64 : index
        %swap3A_1656 = tpu.vector_load %arg15[%swap3A_1654, %swap3A_1655] {strides = array<i32>} : memref<32x128xf32, #tpu.memory_space<vmem>>, vector<1x16xf32>,
        %swap3A_1657 = vector.shape_cast %swap3A_1656 : vector<1x16xf32> to vector<16xf32>
        %swap3A_1658 = vector.shape_cast %add3A_1653 : vector<16xf32> to vector<1x16xf32>
        tpu.vector_store %arg15[%swap3A_1654, %swap3A_1655], %swap3A_1658 {strides = array<i32>} : memref<32x128xf32, #tpu.memory_space<vmem>>, vector<1x16xf32>,
        %get3A_1659 = arith.constant 0 : i32
        %get3A_1660 = arith.index_cast %get3A_1659 : i32 to index
        %get3A_1661 = arith.index_cast %scan3A_1387 : i32 to index
        %get3A_1662 = arith.constant 80 : index
        %get3A_1663 = tpu.vector_load %arg11[%get3A_1660, %get3A_1661, %get3A_1662] {strides = array<i32>} : memref<4x32x96xf32, #tpu.memory_space<vmem>>, vector<1x1x16xf32>,
        %get3A_1664 = vector.shape_cast %get3A_1663 : vector<1x1x16xf32> to vector<16xf32>
        %mul3A_1665 = vector.broadcast %squeeze3A_1397 : f32 to vector<16xf32>
        %mul3A_1666 = arith.mulf %get3A_1664, %mul3A_1665 : vector<16xf32>
        %get3A_1667 = arith.constant 1 : i32
        %get3A_1668 = arith.index_cast %get3A_1667 : i32 to index
        %get3A_1669 = arith.index_cast %scan3A_1387 : i32 to index
        %get3A_1670 = arith.constant 80 : index
        %get3A_1671 = tpu.vector_load %arg11[%get3A_1668, %get3A_1669, %get3A_1670] {strides = array<i32>} : memref<4x32x96xf32, #tpu.memory_space<vmem>>, vector<1x1x16xf32>,
        %get3A_1672 = vector.shape_cast %get3A_1671 : vector<1x1x16xf32> to vector<16xf32>
        %mul3A_1673 = vector.broadcast %squeeze3A_1404 : f32 to vector<16xf32>
        %mul3A_1674 = arith.mulf %get3A_1672, %mul3A_1673 : vector<16xf32>
        %add3A_1675 = arith.addf %mul3A_1666, %mul3A_1674 : vector<16xf32>
        %get3A_1676 = arith.constant 2 : i32
        %get3A_1677 = arith.index_cast %get3A_1676 : i32 to index
        %get3A_1678 = arith.index_cast %scan3A_1387 : i32 to index
        %get3A_1679 = arith.constant 80 : index
        %get3A_1680 = tpu.vector_load %arg11[%get3A_1677, %get3A_1678, %get3A_1679] {strides = array<i32>} : memref<4x32x96xf32, #tpu.memory_space<vmem>>, vector<1x1x16xf32>,
        %get3A_1681 = vector.shape_cast %get3A_1680 : vector<1x1x16xf32> to vector<16xf32>
        %mul3A_1682 = vector.broadcast %squeeze3A_1411 : f32 to vector<16xf32>
        %mul3A_1683 = arith.mulf %get3A_1681, %mul3A_1682 : vector<16xf32>
        %add3A_1684 = arith.addf %add3A_1675, %mul3A_1683 : vector<16xf32>
        %get3A_1685 = arith.constant 3 : i32
        %get3A_1686 = arith.index_cast %get3A_1685 : i32 to index
        %get3A_1687 = arith.index_cast %scan3A_1387 : i32 to index
        %get3A_1688 = arith.constant 80 : index
        %get3A_1689 = tpu.vector_load %arg11[%get3A_1686, %get3A_1687, %get3A_1688] {strides = array<i32>} : memref<4x32x96xf32, #tpu.memory_space<vmem>>, vector<1x1x16xf32>,
        %get3A_1690 = vector.shape_cast %get3A_1689 : vector<1x1x16xf32> to vector<16xf32>
        %mul3A_1691 = vector.broadcast %squeeze3A_1418 : f32 to vector<16xf32>
        %mul3A_1692 = arith.mulf %get3A_1690, %mul3A_1691 : vector<16xf32>
        %add3A_1693 = arith.addf %add3A_1684, %mul3A_1692 : vector<16xf32>
        %get3A_1694 = arith.index_cast %scan3A_1387 : i32 to index
        %get3A_1695 = arith.constant 80 : index
        %get3A_1696 = tpu.vector_load %arg13[%get3A_1694, %get3A_1695] {strides = array<i32>} : memref<32x128xf32, #tpu.memory_space<vmem>>, vector<1x16xf32>,
        %get3A_1697 = vector.shape_cast %get3A_1696 : vector<1x16xf32> to vector<16xf32>
        %mul3A_1698 = vector.broadcast %squeeze3A_1423 : f32 to vector<16xf32>
        %mul3A_1699 = arith.mulf %get3A_1697, %mul3A_1698 : vector<16xf32>
        %add3A_1700 = arith.addf %add3A_1693, %mul3A_1699 : vector<16xf32>
        %swap3A_1701 = arith.index_cast %scan3A_1387 : i32 to index
        %swap3A_1702 = arith.constant 80 : index
        %swap3A_1703 = tpu.vector_load %arg15[%swap3A_1701, %swap3A_1702] {strides = array<i32>} : memref<32x128xf32, #tpu.memory_space<vmem>>, vector<1x16xf32>,
        %swap3A_1704 = vector.shape_cast %swap3A_1703 : vector<1x16xf32> to vector<16xf32>
        %swap3A_1705 = vector.shape_cast %add3A_1700 : vector<16xf32> to vector<1x16xf32>
        tpu.vector_store %arg15[%swap3A_1701, %swap3A_1702], %swap3A_1705 {strides = array<i32>} : memref<32x128xf32, #tpu.memory_space<vmem>>, vector<1x16xf32>,
      }
      %scan3A_342 = arith.constant 32 : i32
      %mul3A_343 = arith.constant 32 : i32
      %mul3A_344 = arith.muli %add3A_276, %mul3A_343 : i32
      %add3A_345 = arith.addi %mul3A_2, %mul3A_344 : i32
      %dma_start3A_346 = arith.constant 0 : i32
      %dma_start3A_347 = tpu.memref_slice %arg7[%add3A_345, %dma_start3A_346] : memref<294912x128xf32, #tpu.memory_space<hbm>> -> memref<32x128xf32, #tpu.memory_space<hbm>>
      %dma_start3A_348 = arith.constant 0 : i32
      %dma_start3A_349 = tpu.memref_slice %arg7[%add3A_345, %dma_start3A_348] : memref<294912x128xf32, #tpu.memory_space<hbm>> -> memref<32x128xf32, #tpu.memory_space<hbm>>
      tpu.enqueue_dma source(%arg15 : memref<32x128xf32, #tpu.memory_space<vmem>>) target(%dma_start3A_349 : memref<32x128xf32, #tpu.memory_space<hbm>>) target_semaphore(%arg22 : memref<!tpu.dma_semaphore, #tpu.memory_space<semaphore_mem>>)
      %mul3A_350 = arith.constant 2 : i32
      %mul3A_351 = arith.muli %scan3A_272, %mul3A_350 : i32
      %add3A_352 = arith.constant 1 : i32
      %add3A_353 = arith.addi %mul3A_351, %add3A_352 : i32
      %add3A_354 = arith.constant 1 : i32
      %add3A_355 = arith.addi %add3A_353, %add3A_354 : i32
      %lt3A_356 = arith.constant 288 : i32
      %lt3A_357 = arith.cmpi slt, %add3A_355, %lt3A_356 : i32
      %convert_element_type3A_358 = arith.extui %lt3A_357 : i1 to i32
      %cond3A_359 = arith.constant 0 : i32
      %cond3A_360 = arith.cmpi ne, %convert_element_type3A_358, %cond3A_359 : i32
      scf.if %cond3A_360 {
        %add3A_431 = arith.constant 1 : i32
        %add3A_432 = arith.addi %add3A_353, %add3A_431 : i32
        %mul3A_433 = arith.constant 32 : i32
        %mul3A_434 = arith.muli %add3A_432, %mul3A_433 : i32
        %dma_start3A_435 = arith.constant 0 : i32
        %dma_start3A_436 = arith.constant 0 : i32
        %dma_start3A_437 = arith.constant 0 : i32
        %dma_start3A_438 = arith.constant 0 : i32
        %dma_start3A_439 = tpu.memref_slice %arg11[%dma_start3A_436, %dma_start3A_437, %dma_start3A_438] : memref<4x32x96xf32, #tpu.memory_space<vmem>> -> memref<1x32x96xf32, #tpu.memory_space<vmem>>
        %dma_start3A_440 = tpu.memref_squeeze %dma_start3A_439 : memref<1x32x96xf32, #tpu.memory_space<vmem>> -> memref<32x96xf32, #tpu.memory_space<vmem>>
        %dma_start3A_441 = tpu.memref_slice %arg8[%dma_start3A_435, %mul3A_434] : memref<4x9216xi32, #tpu.memory_space<vmem>> -> memref<1x32xi32, #tpu.memory_space<vmem>>
        %dma_start3A_442 = tpu.memref_squeeze %dma_start3A_441 : memref<1x32xi32, #tpu.memory_space<vmem>> -> memref<32xi32, #tpu.memory_space<vmem>>
        %dma_start3A_443 = arith.constant 0 : i32
        %dma_start3A_444 = arith.constant 0 : i32
        %dma_start3A_445 = tpu.memref_slice %arg2[%dma_start3A_443, %dma_start3A_444] : memref<294912x96xf32, #tpu.memory_space<hbm>> -> memref<294912x96xf32, #tpu.memory_space<hbm>>
        tpu.enqueue_indirect_dma source(%dma_start3A_445 : memref<294912x96xf32, #tpu.memory_space<hbm>>) target(%dma_start3A_440 : memref<32x96xf32, #tpu.memory_space<vmem>>) offsets(%dma_start3A_442 : memref<32xi32, #tpu.memory_space<vmem>>) semaphore(%arg18 : memref<!tpu.dma_semaphore, #tpu.memory_space<semaphore_mem>>)
        %mul3A_446 = arith.constant 32 : i32
        %mul3A_447 = arith.muli %add3A_432, %mul3A_446 : i32
        %dma_start3A_448 = arith.constant 1 : i32
        %dma_start3A_449 = arith.constant 1 : i32
        %dma_start3A_450 = arith.constant 0 : i32
        %dma_start3A_451 = arith.constant 0 : i32
        %dma_start3A_452 = tpu.memref_slice %arg11[%dma_start3A_449, %dma_start3A_450, %dma_start3A_451] : memref<4x32x96xf32, #tpu.memory_space<vmem>> -> memref<1x32x96xf32, #tpu.memory_space<vmem>>
        %dma_start3A_453 = tpu.memref_squeeze %dma_start3A_452 : memref<1x32x96xf32, #tpu.memory_space<vmem>> -> memref<32x96xf32, #tpu.memory_space<vmem>>
        %dma_start3A_454 = tpu.memref_slice %arg8[%dma_start3A_448, %mul3A_447] : memref<4x9216xi32, #tpu.memory_space<vmem>> -> memref<1x32xi32, #tpu.memory_space<vmem>>
        %dma_start3A_455 = tpu.memref_squeeze %dma_start3A_454 : memref<1x32xi32, #tpu.memory_space<vmem>> -> memref<32xi32, #tpu.memory_space<vmem>>
        %dma_start3A_456 = arith.constant 0 : i32
        %dma_start3A_457 = arith.constant 0 : i32
        %dma_start3A_458 = tpu.memref_slice %arg2[%dma_start3A_456, %dma_start3A_457] : memref<294912x96xf32, #tpu.memory_space<hbm>> -> memref<294912x96xf32, #tpu.memory_space<hbm>>
        tpu.enqueue_indirect_dma source(%dma_start3A_458 : memref<294912x96xf32, #tpu.memory_space<hbm>>) target(%dma_start3A_453 : memref<32x96xf32, #tpu.memory_space<vmem>>) offsets(%dma_start3A_455 : memref<32xi32, #tpu.memory_space<vmem>>) semaphore(%arg18 : memref<!tpu.dma_semaphore, #tpu.memory_space<semaphore_mem>>)
        %mul3A_459 = arith.constant 32 : i32
        %mul3A_460 = arith.muli %add3A_432, %mul3A_459 : i32
        %dma_start3A_461 = arith.constant 2 : i32
        %dma_start3A_462 = arith.constant 2 : i32
        %dma_start3A_463 = arith.constant 0 : i32
        %dma_start3A_464 = arith.constant 0 : i32
        %dma_start3A_465 = tpu.memref_slice %arg11[%dma_start3A_462, %dma_start3A_463, %dma_start3A_464] : memref<4x32x96xf32, #tpu.memory_space<vmem>> -> memref<1x32x96xf32, #tpu.memory_space<vmem>>
        %dma_start3A_466 = tpu.memref_squeeze %dma_start3A_465 : memref<1x32x96xf32, #tpu.memory_space<vmem>> -> memref<32x96xf32, #tpu.memory_space<vmem>>
        %dma_start3A_467 = tpu.memref_slice %arg8[%dma_start3A_461, %mul3A_460] : memref<4x9216xi32, #tpu.memory_space<vmem>> -> memref<1x32xi32, #tpu.memory_space<vmem>>
        %dma_start3A_468 = tpu.memref_squeeze %dma_start3A_467 : memref<1x32xi32, #tpu.memory_space<vmem>> -> memref<32xi32, #tpu.memory_space<vmem>>
        %dma_start3A_469 = arith.constant 0 : i32
        %dma_start3A_470 = arith.constant 0 : i32
        %dma_start3A_471 = tpu.memref_slice %arg2[%dma_start3A_469, %dma_start3A_470] : memref<294912x96xf32, #tpu.memory_space<hbm>> -> memref<294912x96xf32, #tpu.memory_space<hbm>>
        tpu.enqueue_indirect_dma source(%dma_start3A_471 : memref<294912x96xf32, #tpu.memory_space<hbm>>) target(%dma_start3A_466 : memref<32x96xf32, #tpu.memory_space<vmem>>) offsets(%dma_start3A_468 : memref<32xi32, #tpu.memory_space<vmem>>) semaphore(%arg18 : memref<!tpu.dma_semaphore, #tpu.memory_space<semaphore_mem>>)
        %mul3A_472 = arith.constant 32 : i32
        %mul3A_473 = arith.muli %add3A_432, %mul3A_472 : i32
        %dma_start3A_474 = arith.constant 3 : i32
        %dma_start3A_475 = arith.constant 3 : i32
        %dma_start3A_476 = arith.constant 0 : i32
        %dma_start3A_477 = arith.constant 0 : i32
        %dma_start3A_478 = tpu.memref_slice %arg11[%dma_start3A_475, %dma_start3A_476, %dma_start3A_477] : memref<4x32x96xf32, #tpu.memory_space<vmem>> -> memref<1x32x96xf32, #tpu.memory_space<vmem>>
        %dma_start3A_479 = tpu.memref_squeeze %dma_start3A_478 : memref<1x32x96xf32, #tpu.memory_space<vmem>> -> memref<32x96xf32, #tpu.memory_space<vmem>>
        %dma_start3A_480 = tpu.memref_slice %arg8[%dma_start3A_474, %mul3A_473] : memref<4x9216xi32, #tpu.memory_space<vmem>> -> memref<1x32xi32, #tpu.memory_space<vmem>>
        %dma_start3A_481 = tpu.memref_squeeze %dma_start3A_480 : memref<1x32xi32, #tpu.memory_space<vmem>> -> memref<32xi32, #tpu.memory_space<vmem>>
        %dma_start3A_482 = arith.constant 0 : i32
        %dma_start3A_483 = arith.constant 0 : i32
        %dma_start3A_484 = tpu.memref_slice %arg2[%dma_start3A_482, %dma_start3A_483] : memref<294912x96xf32, #tpu.memory_space<hbm>> -> memref<294912x96xf32, #tpu.memory_space<hbm>>
        tpu.enqueue_indirect_dma source(%dma_start3A_484 : memref<294912x96xf32, #tpu.memory_space<hbm>>) target(%dma_start3A_479 : memref<32x96xf32, #tpu.memory_space<vmem>>) offsets(%dma_start3A_481 : memref<32xi32, #tpu.memory_space<vmem>>) semaphore(%arg18 : memref<!tpu.dma_semaphore, #tpu.memory_space<semaphore_mem>>)
        %mul3A_485 = arith.constant 32 : i32
        %mul3A_486 = arith.muli %add3A_432, %mul3A_485 : i32
        %add3A_487 = arith.addi %mul3A_2, %mul3A_486 : i32
        %dma_start3A_488 = arith.constant 0 : i32
        %dma_start3A_489 = tpu.memref_slice %arg3[%add3A_487, %dma_start3A_488] : memref<294912x128xf32, #tpu.memory_space<hbm>> -> memref<32x128xf32, #tpu.memory_space<hbm>>
        %dma_start3A_490 = arith.constant 0 : i32
        %dma_start3A_491 = tpu.memref_slice %arg3[%add3A_487, %dma_start3A_490] : memref<294912x128xf32, #tpu.memory_space<hbm>> -> memref<32x128xf32, #tpu.memory_space<hbm>>
        tpu.enqueue_dma source(%dma_start3A_491 : memref<32x128xf32, #tpu.memory_space<hbm>>) target(%arg13 : memref<32x128xf32, #tpu.memory_space<vmem>>) target_semaphore(%arg20 : memref<!tpu.dma_semaphore, #tpu.memory_space<semaphore_mem>>)
      } else {
      }
      %dma_wait3A_361 = arith.constant 0 : i32
      %dma_wait3A_362 = arith.constant 0 : i32
      %dma_wait3A_363 = arith.constant 0 : i32
      %dma_wait3A_364 = arith.constant 0 : i32
      %dma_wait3A_365 = tpu.memref_slice %arg12[%dma_wait3A_362, %dma_wait3A_363, %dma_wait3A_364] : memref<4x32x96xf32, #tpu.memory_space<vmem>> -> memref<1x32x96xf32, #tpu.memory_space<vmem>>
      %dma_wait3A_366 = tpu.memref_squeeze %dma_wait3A_365 : memref<1x32x96xf32, #tpu.memory_space<vmem>> -> memref<32x96xf32, #tpu.memory_space<vmem>>
      %dma_wait3A_367 = arith.constant 0 : i32
      %dma_wait3A_368 = tpu.memref_slice %arg8[%dma_wait3A_361, %dma_wait3A_367] : memref<4x9216xi32, #tpu.memory_space<vmem>> -> memref<1x32xi32, #tpu.memory_space<vmem>>
      %dma_wait3A_369 = tpu.memref_squeeze %dma_wait3A_368 : memref<1x32xi32, #tpu.memory_space<vmem>> -> memref<32xi32, #tpu.memory_space<vmem>>
      %dma_wait3A_370 = arith.constant 0 : i32
      %dma_wait3A_371 = arith.constant 0 : i32
      %dma_wait3A_372 = tpu.memref_slice %arg2[%dma_wait3A_370, %dma_wait3A_371] : memref<294912x96xf32, #tpu.memory_space<hbm>> -> memref<294912x96xf32, #tpu.memory_space<hbm>>
      tpu.wait_indirect_dma semaphore(%arg19 : memref<!tpu.dma_semaphore, #tpu.memory_space<semaphore_mem>>) src(%dma_wait3A_372 : memref<294912x96xf32, #tpu.memory_space<hbm>>) dst(%dma_wait3A_366 : memref<32x96xf32, #tpu.memory_space<vmem>>)
      %dma_wait3A_373 = arith.constant 1 : i32
      %dma_wait3A_374 = arith.constant 1 : i32
      %dma_wait3A_375 = arith.constant 0 : i32
      %dma_wait3A_376 = arith.constant 0 : i32
      %dma_wait3A_377 = tpu.memref_slice %arg12[%dma_wait3A_374, %dma_wait3A_375, %dma_wait3A_376] : memref<4x32x96xf32, #tpu.memory_space<vmem>> -> memref<1x32x96xf32, #tpu.memory_space<vmem>>
      %dma_wait3A_378 = tpu.memref_squeeze %dma_wait3A_377 : memref<1x32x96xf32, #tpu.memory_space<vmem>> -> memref<32x96xf32, #tpu.memory_space<vmem>>
      %dma_wait3A_379 = arith.constant 0 : i32
      %dma_wait3A_380 = tpu.memref_slice %arg8[%dma_wait3A_373, %dma_wait3A_379] : memref<4x9216xi32, #tpu.memory_space<vmem>> -> memref<1x32xi32, #tpu.memory_space<vmem>>
      %dma_wait3A_381 = tpu.memref_squeeze %dma_wait3A_380 : memref<1x32xi32, #tpu.memory_space<vmem>> -> memref<32xi32, #tpu.memory_space<vmem>>
      %dma_wait3A_382 = arith.constant 0 : i32
      %dma_wait3A_383 = arith.constant 0 : i32
      %dma_wait3A_384 = tpu.memref_slice %arg2[%dma_wait3A_382, %dma_wait3A_383] : memref<294912x96xf32, #tpu.memory_space<hbm>> -> memref<294912x96xf32, #tpu.memory_space<hbm>>
      tpu.wait_indirect_dma semaphore(%arg19 : memref<!tpu.dma_semaphore, #tpu.memory_space<semaphore_mem>>) src(%dma_wait3A_384 : memref<294912x96xf32, #tpu.memory_space<hbm>>) dst(%dma_wait3A_378 : memref<32x96xf32, #tpu.memory_space<vmem>>)
      %dma_wait3A_385 = arith.constant 2 : i32
      %dma_wait3A_386 = arith.constant 2 : i32
      %dma_wait3A_387 = arith.constant 0 : i32
      %dma_wait3A_388 = arith.constant 0 : i32
      %dma_wait3A_389 = tpu.memref_slice %arg12[%dma_wait3A_386, %dma_wait3A_387, %dma_wait3A_388] : memref<4x32x96xf32, #tpu.memory_space<vmem>> -> memref<1x32x96xf32, #tpu.memory_space<vmem>>
      %dma_wait3A_390 = tpu.memref_squeeze %dma_wait3A_389 : memref<1x32x96xf32, #tpu.memory_space<vmem>> -> memref<32x96xf32, #tpu.memory_space<vmem>>
      %dma_wait3A_391 = arith.constant 0 : i32
      %dma_wait3A_392 = tpu.memref_slice %arg8[%dma_wait3A_385, %dma_wait3A_391] : memref<4x9216xi32, #tpu.memory_space<vmem>> -> memref<1x32xi32, #tpu.memory_space<vmem>>
      %dma_wait3A_393 = tpu.memref_squeeze %dma_wait3A_392 : memref<1x32xi32, #tpu.memory_space<vmem>> -> memref<32xi32, #tpu.memory_space<vmem>>
      %dma_wait3A_394 = arith.constant 0 : i32
      %dma_wait3A_395 = arith.constant 0 : i32
      %dma_wait3A_396 = tpu.memref_slice %arg2[%dma_wait3A_394, %dma_wait3A_395] : memref<294912x96xf32, #tpu.memory_space<hbm>> -> memref<294912x96xf32, #tpu.memory_space<hbm>>
      tpu.wait_indirect_dma semaphore(%arg19 : memref<!tpu.dma_semaphore, #tpu.memory_space<semaphore_mem>>) src(%dma_wait3A_396 : memref<294912x96xf32, #tpu.memory_space<hbm>>) dst(%dma_wait3A_390 : memref<32x96xf32, #tpu.memory_space<vmem>>)
      %dma_wait3A_397 = arith.constant 3 : i32
      %dma_wait3A_398 = arith.constant 3 : i32
      %dma_wait3A_399 = arith.constant 0 : i32
      %dma_wait3A_400 = arith.constant 0 : i32
      %dma_wait3A_401 = tpu.memref_slice %arg12[%dma_wait3A_398, %dma_wait3A_399, %dma_wait3A_400] : memref<4x32x96xf32, #tpu.memory_space<vmem>> -> memref<1x32x96xf32, #tpu.memory_space<vmem>>
      %dma_wait3A_402 = tpu.memref_squeeze %dma_wait3A_401 : memref<1x32x96xf32, #tpu.memory_space<vmem>> -> memref<32x96xf32, #tpu.memory_space<vmem>>
      %dma_wait3A_403 = arith.constant 0 : i32
      %dma_wait3A_404 = tpu.memref_slice %arg8[%dma_wait3A_397, %dma_wait3A_403] : memref<4x9216xi32, #tpu.memory_space<vmem>> -> memref<1x32xi32, #tpu.memory_space<vmem>>
      %dma_wait3A_405 = tpu.memref_squeeze %dma_wait3A_404 : memref<1x32xi32, #tpu.memory_space<vmem>> -> memref<32xi32, #tpu.memory_space<vmem>>
      %dma_wait3A_406 = arith.constant 0 : i32
      %dma_wait3A_407 = arith.constant 0 : i32
      %dma_wait3A_408 = tpu.memref_slice %arg2[%dma_wait3A_406, %dma_wait3A_407] : memref<294912x96xf32, #tpu.memory_space<hbm>> -> memref<294912x96xf32, #tpu.memory_space<hbm>>
      tpu.wait_indirect_dma semaphore(%arg19 : memref<!tpu.dma_semaphore, #tpu.memory_space<semaphore_mem>>) src(%dma_wait3A_408 : memref<294912x96xf32, #tpu.memory_space<hbm>>) dst(%dma_wait3A_402 : memref<32x96xf32, #tpu.memory_space<vmem>>)
      %dma_wait3A_409 = arith.constant 0 : i32
      %dma_wait3A_410 = tpu.memref_slice %arg3[%mul3A_2, %dma_wait3A_409] : memref<294912x128xf32, #tpu.memory_space<hbm>> -> memref<32x128xf32, #tpu.memory_space<hbm>>
      %dma_wait3A_411 = arith.constant 0 : i32
      %dma_wait3A_412 = tpu.memref_slice %arg3[%mul3A_2, %dma_wait3A_411] : memref<294912x128xf32, #tpu.memory_space<hbm>> -> memref<32x128xf32, #tpu.memory_space<hbm>>
      tpu.wait_dma2 semaphore(%arg21 : memref<!tpu.dma_semaphore, #tpu.memory_space<semaphore_mem>>) src(%dma_wait3A_412 : memref<32x128xf32, #tpu.memory_space<hbm>>) dst(%arg14 : memref<32x128xf32, #tpu.memory_space<vmem>>)
      %ge3A_413 = arith.constant 2 : i32
      %ge3A_414 = arith.cmpi sge, %add3A_353, %ge3A_413 : i32
      %convert_element_type3A_415 = arith.extui %ge3A_414 : i1 to i32
      %cond3A_416 = arith.constant 0 : i32
      %cond3A_417 = arith.cmpi ne, %convert_element_type3A_415, %cond3A_416 : i32
      scf.if %cond3A_417 {
        %dma_wait3A_431 = arith.constant 0 : i32
        %dma_wait3A_432 = tpu.memref_slice %arg7[%mul3A_2, %dma_wait3A_431] : memref<294912x128xf32, #tpu.memory_space<hbm>> -> memref<32x128xf32, #tpu.memory_space<hbm>>
        %dma_wait3A_433 = arith.constant 0 : i32
        %dma_wait3A_434 = tpu.memref_slice %arg7[%mul3A_2, %dma_wait3A_433] : memref<294912x128xf32, #tpu.memory_space<hbm>> -> memref<32x128xf32, #tpu.memory_space<hbm>>
        tpu.wait_dma2 semaphore(%arg23 : memref<!tpu.dma_semaphore, #tpu.memory_space<semaphore_mem>>) src(%arg16 : memref<32x128xf32, #tpu.memory_space<vmem>>) dst(%dma_wait3A_434 : memref<32x128xf32, #tpu.memory_space<hbm>>)
      } else {
      }
      %scan3A_418 = arith.constant 0 : i32
      %scan3A_419 = arith.constant 0 : i32
      %scan3A_420 = arith.constant 32 : i32
      %scan3A_421 = arith.addi %scan3A_419, %scan3A_420 : i32
      %scan3A_422 = arith.constant 4 : i32
      scf.for %scan3A_431 = %scan3A_419 to %scan3A_421 step %scan3A_422  : i32 {
        %mul3A_432 = arith.constant 32 : i32
        %mul3A_433 = arith.muli %add3A_353, %mul3A_432 : i32
        %add3A_434 = arith.addi %mul3A_433, %scan3A_431 : i32
        %get3A = arith.constant 0 : i32
        %get3A_435 = arith.index_cast %get3A : i32 to index
        %get3A_436 = arith.index_cast %add3A_434 : i32 to index
        %get3A_437 = tpu.vector_load %arg9[%get3A_435, %get3A_436] {strides = array<i32>} : memref<4x9232xf32, #tpu.memory_space<vmem>>, vector<1x16xf32>,
        %get3A_438 = vector.shape_cast %get3A_437 : vector<1x16xf32> to vector<16xf32>
        %slice3A = vector.extract_strided_slice %get3A_438 {offsets = [0], sizes = [1], strides = [1]} : vector<16xf32> to vector<1xf32>
        %squeeze3A = vector.extract %slice3A[0] : f32 from vector<1xf32>
        %get3A_439 = arith.constant 1 : i32
        %get3A_440 = arith.index_cast %get3A_439 : i32 to index
        %get3A_441 = arith.index_cast %add3A_434 : i32 to index
        %get3A_442 = tpu.vector_load %arg9[%get3A_440, %get3A_441] {strides = array<i32>} : memref<4x9232xf32, #tpu.memory_space<vmem>>, vector<1x16xf32>,
        %get3A_443 = vector.shape_cast %get3A_442 : vector<1x16xf32> to vector<16xf32>
        %slice3A_444 = vector.extract_strided_slice %get3A_443 {offsets = [0], sizes = [1], strides = [1]} : vector<16xf32> to vector<1xf32>
        %squeeze3A_445 = vector.extract %slice3A_444[0] : f32 from vector<1xf32>
        %get3A_446 = arith.constant 2 : i32
        %get3A_447 = arith.index_cast %get3A_446 : i32 to index
        %get3A_448 = arith.index_cast %add3A_434 : i32 to index
        %get3A_449 = tpu.vector_load %arg9[%get3A_447, %get3A_448] {strides = array<i32>} : memref<4x9232xf32, #tpu.memory_space<vmem>>, vector<1x16xf32>,
        %get3A_450 = vector.shape_cast %get3A_449 : vector<1x16xf32> to vector<16xf32>
        %slice3A_451 = vector.extract_strided_slice %get3A_450 {offsets = [0], sizes = [1], strides = [1]} : vector<16xf32> to vector<1xf32>
        %squeeze3A_452 = vector.extract %slice3A_451[0] : f32 from vector<1xf32>
        %get3A_453 = arith.constant 3 : i32
        %get3A_454 = arith.index_cast %get3A_453 : i32 to index
        %get3A_455 = arith.index_cast %add3A_434 : i32 to index
        %get3A_456 = tpu.vector_load %arg9[%get3A_454, %get3A_455] {strides = array<i32>} : memref<4x9232xf32, #tpu.memory_space<vmem>>, vector<1x16xf32>,
        %get3A_457 = vector.shape_cast %get3A_456 : vector<1x16xf32> to vector<16xf32>
        %slice3A_458 = vector.extract_strided_slice %get3A_457 {offsets = [0], sizes = [1], strides = [1]} : vector<16xf32> to vector<1xf32>
        %squeeze3A_459 = vector.extract %slice3A_458[0] : f32 from vector<1xf32>
        %get3A_460 = arith.index_cast %add3A_434 : i32 to index
        %get3A_461 = tpu.vector_load %arg10[%get3A_460] {strides = array<i32>} : memref<9232xf32, #tpu.memory_space<vmem>>, vector<16xf32>,
        %get3A_462 = vector.shape_cast %get3A_461 : vector<16xf32> to vector<16xf32>
        %slice3A_463 = vector.extract_strided_slice %get3A_462 {offsets = [0], sizes = [1], strides = [1]} : vector<16xf32> to vector<1xf32>
        %squeeze3A_464 = vector.extract %slice3A_463[0] : f32 from vector<1xf32>
        %get3A_465 = arith.constant 0 : i32
        %get3A_466 = arith.index_cast %get3A_465 : i32 to index
        %get3A_467 = arith.index_cast %scan3A_431 : i32 to index
        %get3A_468 = arith.constant 0 : index
        %get3A_469 = tpu.vector_load %arg12[%get3A_466, %get3A_467, %get3A_468] {strides = array<i32>} : memref<4x32x96xf32, #tpu.memory_space<vmem>>, vector<1x1x16xf32>,
        %get3A_470 = vector.shape_cast %get3A_469 : vector<1x1x16xf32> to vector<16xf32>
        %mul3A_471 = vector.broadcast %squeeze3A : f32 to vector<16xf32>
        %mul3A_472 = arith.mulf %get3A_470, %mul3A_471 : vector<16xf32>
        %get3A_473 = arith.constant 1 : i32
        %get3A_474 = arith.index_cast %get3A_473 : i32 to index
        %get3A_475 = arith.index_cast %scan3A_431 : i32 to index
        %get3A_476 = arith.constant 0 : index
        %get3A_477 = tpu.vector_load %arg12[%get3A_474, %get3A_475, %get3A_476] {strides = array<i32>} : memref<4x32x96xf32, #tpu.memory_space<vmem>>, vector<1x1x16xf32>,
        %get3A_478 = vector.shape_cast %get3A_477 : vector<1x1x16xf32> to vector<16xf32>
        %mul3A_479 = vector.broadcast %squeeze3A_445 : f32 to vector<16xf32>
        %mul3A_480 = arith.mulf %get3A_478, %mul3A_479 : vector<16xf32>
        %add3A_481 = arith.addf %mul3A_472, %mul3A_480 : vector<16xf32>
        %get3A_482 = arith.constant 2 : i32
        %get3A_483 = arith.index_cast %get3A_482 : i32 to index
        %get3A_484 = arith.index_cast %scan3A_431 : i32 to index
        %get3A_485 = arith.constant 0 : index
        %get3A_486 = tpu.vector_load %arg12[%get3A_483, %get3A_484, %get3A_485] {strides = array<i32>} : memref<4x32x96xf32, #tpu.memory_space<vmem>>, vector<1x1x16xf32>,
        %get3A_487 = vector.shape_cast %get3A_486 : vector<1x1x16xf32> to vector<16xf32>
        %mul3A_488 = vector.broadcast %squeeze3A_452 : f32 to vector<16xf32>
        %mul3A_489 = arith.mulf %get3A_487, %mul3A_488 : vector<16xf32>
        %add3A_490 = arith.addf %add3A_481, %mul3A_489 : vector<16xf32>
        %get3A_491 = arith.constant 3 : i32
        %get3A_492 = arith.index_cast %get3A_491 : i32 to index
        %get3A_493 = arith.index_cast %scan3A_431 : i32 to index
        %get3A_494 = arith.constant 0 : index
        %get3A_495 = tpu.vector_load %arg12[%get3A_492, %get3A_493, %get3A_494] {strides = array<i32>} : memref<4x32x96xf32, #tpu.memory_space<vmem>>, vector<1x1x16xf32>,
        %get3A_496 = vector.shape_cast %get3A_495 : vector<1x1x16xf32> to vector<16xf32>
        %mul3A_497 = vector.broadcast %squeeze3A_459 : f32 to vector<16xf32>
        %mul3A_498 = arith.mulf %get3A_496, %mul3A_497 : vector<16xf32>
        %add3A_499 = arith.addf %add3A_490, %mul3A_498 : vector<16xf32>
        %get3A_500 = arith.index_cast %scan3A_431 : i32 to index
        %get3A_501 = arith.constant 0 : index
        %get3A_502 = tpu.vector_load %arg14[%get3A_500, %get3A_501] {strides = array<i32>} : memref<32x128xf32, #tpu.memory_space<vmem>>, vector<1x16xf32>,
        %get3A_503 = vector.shape_cast %get3A_502 : vector<1x16xf32> to vector<16xf32>
        %mul3A_504 = vector.broadcast %squeeze3A_464 : f32 to vector<16xf32>
        %mul3A_505 = arith.mulf %get3A_503, %mul3A_504 : vector<16xf32>
        %add3A_506 = arith.addf %add3A_499, %mul3A_505 : vector<16xf32>
        %swap3A = arith.index_cast %scan3A_431 : i32 to index
        %swap3A_507 = arith.constant 0 : index
        %swap3A_508 = tpu.vector_load %arg16[%swap3A, %swap3A_507] {strides = array<i32>} : memref<32x128xf32, #tpu.memory_space<vmem>>, vector<1x16xf32>,
        %swap3A_509 = vector.shape_cast %swap3A_508 : vector<1x16xf32> to vector<16xf32>
        %swap3A_510 = vector.shape_cast %add3A_506 : vector<16xf32> to vector<1x16xf32>
        tpu.vector_store %arg16[%swap3A, %swap3A_507], %swap3A_510 {strides = array<i32>} : memref<32x128xf32, #tpu.memory_space<vmem>>, vector<1x16xf32>,
        %get3A_511 = arith.constant 0 : i32
        %get3A_512 = arith.index_cast %get3A_511 : i32 to index
        %get3A_513 = arith.index_cast %scan3A_431 : i32 to index
        %get3A_514 = arith.constant 16 : index
        %get3A_515 = tpu.vector_load %arg12[%get3A_512, %get3A_513, %get3A_514] {strides = array<i32>} : memref<4x32x96xf32, #tpu.memory_space<vmem>>, vector<1x1x16xf32>,
        %get3A_516 = vector.shape_cast %get3A_515 : vector<1x1x16xf32> to vector<16xf32>
        %mul3A_517 = vector.broadcast %squeeze3A : f32 to vector<16xf32>
        %mul3A_518 = arith.mulf %get3A_516, %mul3A_517 : vector<16xf32>
        %get3A_519 = arith.constant 1 : i32
        %get3A_520 = arith.index_cast %get3A_519 : i32 to index
        %get3A_521 = arith.index_cast %scan3A_431 : i32 to index
        %get3A_522 = arith.constant 16 : index
        %get3A_523 = tpu.vector_load %arg12[%get3A_520, %get3A_521, %get3A_522] {strides = array<i32>} : memref<4x32x96xf32, #tpu.memory_space<vmem>>, vector<1x1x16xf32>,
        %get3A_524 = vector.shape_cast %get3A_523 : vector<1x1x16xf32> to vector<16xf32>
        %mul3A_525 = vector.broadcast %squeeze3A_445 : f32 to vector<16xf32>
        %mul3A_526 = arith.mulf %get3A_524, %mul3A_525 : vector<16xf32>
        %add3A_527 = arith.addf %mul3A_518, %mul3A_526 : vector<16xf32>
        %get3A_528 = arith.constant 2 : i32
        %get3A_529 = arith.index_cast %get3A_528 : i32 to index
        %get3A_530 = arith.index_cast %scan3A_431 : i32 to index
        %get3A_531 = arith.constant 16 : index
        %get3A_532 = tpu.vector_load %arg12[%get3A_529, %get3A_530, %get3A_531] {strides = array<i32>} : memref<4x32x96xf32, #tpu.memory_space<vmem>>, vector<1x1x16xf32>,
        %get3A_533 = vector.shape_cast %get3A_532 : vector<1x1x16xf32> to vector<16xf32>
        %mul3A_534 = vector.broadcast %squeeze3A_452 : f32 to vector<16xf32>
        %mul3A_535 = arith.mulf %get3A_533, %mul3A_534 : vector<16xf32>
        %add3A_536 = arith.addf %add3A_527, %mul3A_535 : vector<16xf32>
        %get3A_537 = arith.constant 3 : i32
        %get3A_538 = arith.index_cast %get3A_537 : i32 to index
        %get3A_539 = arith.index_cast %scan3A_431 : i32 to index
        %get3A_540 = arith.constant 16 : index
        %get3A_541 = tpu.vector_load %arg12[%get3A_538, %get3A_539, %get3A_540] {strides = array<i32>} : memref<4x32x96xf32, #tpu.memory_space<vmem>>, vector<1x1x16xf32>,
        %get3A_542 = vector.shape_cast %get3A_541 : vector<1x1x16xf32> to vector<16xf32>
        %mul3A_543 = vector.broadcast %squeeze3A_459 : f32 to vector<16xf32>
        %mul3A_544 = arith.mulf %get3A_542, %mul3A_543 : vector<16xf32>
        %add3A_545 = arith.addf %add3A_536, %mul3A_544 : vector<16xf32>
        %get3A_546 = arith.index_cast %scan3A_431 : i32 to index
        %get3A_547 = arith.constant 16 : index
        %get3A_548 = tpu.vector_load %arg14[%get3A_546, %get3A_547] {strides = array<i32>} : memref<32x128xf32, #tpu.memory_space<vmem>>, vector<1x16xf32>,
        %get3A_549 = vector.shape_cast %get3A_548 : vector<1x16xf32> to vector<16xf32>
        %mul3A_550 = vector.broadcast %squeeze3A_464 : f32 to vector<16xf32>
        %mul3A_551 = arith.mulf %get3A_549, %mul3A_550 : vector<16xf32>
        %add3A_552 = arith.addf %add3A_545, %mul3A_551 : vector<16xf32>
        %swap3A_553 = arith.index_cast %scan3A_431 : i32 to index
        %swap3A_554 = arith.constant 16 : index
        %swap3A_555 = tpu.vector_load %arg16[%swap3A_553, %swap3A_554] {strides = array<i32>} : memref<32x128xf32, #tpu.memory_space<vmem>>, vector<1x16xf32>,
        %swap3A_556 = vector.shape_cast %swap3A_555 : vector<1x16xf32> to vector<16xf32>
        %swap3A_557 = vector.shape_cast %add3A_552 : vector<16xf32> to vector<1x16xf32>
        tpu.vector_store %arg16[%swap3A_553, %swap3A_554], %swap3A_557 {strides = array<i32>} : memref<32x128xf32, #tpu.memory_space<vmem>>, vector<1x16xf32>,
        %get3A_558 = arith.constant 0 : i32
        %get3A_559 = arith.index_cast %get3A_558 : i32 to index
        %get3A_560 = arith.index_cast %scan3A_431 : i32 to index
        %get3A_561 = arith.constant 32 : index
        %get3A_562 = tpu.vector_load %arg12[%get3A_559, %get3A_560, %get3A_561] {strides = array<i32>} : memref<4x32x96xf32, #tpu.memory_space<vmem>>, vector<1x1x16xf32>,
        %get3A_563 = vector.shape_cast %get3A_562 : vector<1x1x16xf32> to vector<16xf32>
        %mul3A_564 = vector.broadcast %squeeze3A : f32 to vector<16xf32>
        %mul3A_565 = arith.mulf %get3A_563, %mul3A_564 : vector<16xf32>
        %get3A_566 = arith.constant 1 : i32
        %get3A_567 = arith.index_cast %get3A_566 : i32 to index
        %get3A_568 = arith.index_cast %scan3A_431 : i32 to index
        %get3A_569 = arith.constant 32 : index
        %get3A_570 = tpu.vector_load %arg12[%get3A_567, %get3A_568, %get3A_569] {strides = array<i32>} : memref<4x32x96xf32, #tpu.memory_space<vmem>>, vector<1x1x16xf32>,
        %get3A_571 = vector.shape_cast %get3A_570 : vector<1x1x16xf32> to vector<16xf32>
        %mul3A_572 = vector.broadcast %squeeze3A_445 : f32 to vector<16xf32>
        %mul3A_573 = arith.mulf %get3A_571, %mul3A_572 : vector<16xf32>
        %add3A_574 = arith.addf %mul3A_565, %mul3A_573 : vector<16xf32>
        %get3A_575 = arith.constant 2 : i32
        %get3A_576 = arith.index_cast %get3A_575 : i32 to index
        %get3A_577 = arith.index_cast %scan3A_431 : i32 to index
        %get3A_578 = arith.constant 32 : index
        %get3A_579 = tpu.vector_load %arg12[%get3A_576, %get3A_577, %get3A_578] {strides = array<i32>} : memref<4x32x96xf32, #tpu.memory_space<vmem>>, vector<1x1x16xf32>,
        %get3A_580 = vector.shape_cast %get3A_579 : vector<1x1x16xf32> to vector<16xf32>
        %mul3A_581 = vector.broadcast %squeeze3A_452 : f32 to vector<16xf32>
        %mul3A_582 = arith.mulf %get3A_580, %mul3A_581 : vector<16xf32>
        %add3A_583 = arith.addf %add3A_574, %mul3A_582 : vector<16xf32>
        %get3A_584 = arith.constant 3 : i32
        %get3A_585 = arith.index_cast %get3A_584 : i32 to index
        %get3A_586 = arith.index_cast %scan3A_431 : i32 to index
        %get3A_587 = arith.constant 32 : index
        %get3A_588 = tpu.vector_load %arg12[%get3A_585, %get3A_586, %get3A_587] {strides = array<i32>} : memref<4x32x96xf32, #tpu.memory_space<vmem>>, vector<1x1x16xf32>,
        %get3A_589 = vector.shape_cast %get3A_588 : vector<1x1x16xf32> to vector<16xf32>
        %mul3A_590 = vector.broadcast %squeeze3A_459 : f32 to vector<16xf32>
        %mul3A_591 = arith.mulf %get3A_589, %mul3A_590 : vector<16xf32>
        %add3A_592 = arith.addf %add3A_583, %mul3A_591 : vector<16xf32>
        %get3A_593 = arith.index_cast %scan3A_431 : i32 to index
        %get3A_594 = arith.constant 32 : index
        %get3A_595 = tpu.vector_load %arg14[%get3A_593, %get3A_594] {strides = array<i32>} : memref<32x128xf32, #tpu.memory_space<vmem>>, vector<1x16xf32>,
        %get3A_596 = vector.shape_cast %get3A_595 : vector<1x16xf32> to vector<16xf32>
        %mul3A_597 = vector.broadcast %squeeze3A_464 : f32 to vector<16xf32>
        %mul3A_598 = arith.mulf %get3A_596, %mul3A_597 : vector<16xf32>
        %add3A_599 = arith.addf %add3A_592, %mul3A_598 : vector<16xf32>
        %swap3A_600 = arith.index_cast %scan3A_431 : i32 to index
        %swap3A_601 = arith.constant 32 : index
        %swap3A_602 = tpu.vector_load %arg16[%swap3A_600, %swap3A_601] {strides = array<i32>} : memref<32x128xf32, #tpu.memory_space<vmem>>, vector<1x16xf32>,
        %swap3A_603 = vector.shape_cast %swap3A_602 : vector<1x16xf32> to vector<16xf32>
        %swap3A_604 = vector.shape_cast %add3A_599 : vector<16xf32> to vector<1x16xf32>
        tpu.vector_store %arg16[%swap3A_600, %swap3A_601], %swap3A_604 {strides = array<i32>} : memref<32x128xf32, #tpu.memory_space<vmem>>, vector<1x16xf32>,
        %get3A_605 = arith.constant 0 : i32
        %get3A_606 = arith.index_cast %get3A_605 : i32 to index
        %get3A_607 = arith.index_cast %scan3A_431 : i32 to index
        %get3A_608 = arith.constant 48 : index
        %get3A_609 = tpu.vector_load %arg12[%get3A_606, %get3A_607, %get3A_608] {strides = array<i32>} : memref<4x32x96xf32, #tpu.memory_space<vmem>>, vector<1x1x16xf32>,
        %get3A_610 = vector.shape_cast %get3A_609 : vector<1x1x16xf32> to vector<16xf32>
        %mul3A_611 = vector.broadcast %squeeze3A : f32 to vector<16xf32>
        %mul3A_612 = arith.mulf %get3A_610, %mul3A_611 : vector<16xf32>
        %get3A_613 = arith.constant 1 : i32
        %get3A_614 = arith.index_cast %get3A_613 : i32 to index
        %get3A_615 = arith.index_cast %scan3A_431 : i32 to index
        %get3A_616 = arith.constant 48 : index
        %get3A_617 = tpu.vector_load %arg12[%get3A_614, %get3A_615, %get3A_616] {strides = array<i32>} : memref<4x32x96xf32, #tpu.memory_space<vmem>>, vector<1x1x16xf32>,
        %get3A_618 = vector.shape_cast %get3A_617 : vector<1x1x16xf32> to vector<16xf32>
        %mul3A_619 = vector.broadcast %squeeze3A_445 : f32 to vector<16xf32>
        %mul3A_620 = arith.mulf %get3A_618, %mul3A_619 : vector<16xf32>
        %add3A_621 = arith.addf %mul3A_612, %mul3A_620 : vector<16xf32>
        %get3A_622 = arith.constant 2 : i32
        %get3A_623 = arith.index_cast %get3A_622 : i32 to index
        %get3A_624 = arith.index_cast %scan3A_431 : i32 to index
        %get3A_625 = arith.constant 48 : index
        %get3A_626 = tpu.vector_load %arg12[%get3A_623, %get3A_624, %get3A_625] {strides = array<i32>} : memref<4x32x96xf32, #tpu.memory_space<vmem>>, vector<1x1x16xf32>,
        %get3A_627 = vector.shape_cast %get3A_626 : vector<1x1x16xf32> to vector<16xf32>
        %mul3A_628 = vector.broadcast %squeeze3A_452 : f32 to vector<16xf32>
        %mul3A_629 = arith.mulf %get3A_627, %mul3A_628 : vector<16xf32>
        %add3A_630 = arith.addf %add3A_621, %mul3A_629 : vector<16xf32>
        %get3A_631 = arith.constant 3 : i32
        %get3A_632 = arith.index_cast %get3A_631 : i32 to index
        %get3A_633 = arith.index_cast %scan3A_431 : i32 to index
        %get3A_634 = arith.constant 48 : index
        %get3A_635 = tpu.vector_load %arg12[%get3A_632, %get3A_633, %get3A_634] {strides = array<i32>} : memref<4x32x96xf32, #tpu.memory_space<vmem>>, vector<1x1x16xf32>,
        %get3A_636 = vector.shape_cast %get3A_635 : vector<1x1x16xf32> to vector<16xf32>
        %mul3A_637 = vector.broadcast %squeeze3A_459 : f32 to vector<16xf32>
        %mul3A_638 = arith.mulf %get3A_636, %mul3A_637 : vector<16xf32>
        %add3A_639 = arith.addf %add3A_630, %mul3A_638 : vector<16xf32>
        %get3A_640 = arith.index_cast %scan3A_431 : i32 to index
        %get3A_641 = arith.constant 48 : index
        %get3A_642 = tpu.vector_load %arg14[%get3A_640, %get3A_641] {strides = array<i32>} : memref<32x128xf32, #tpu.memory_space<vmem>>, vector<1x16xf32>,
        %get3A_643 = vector.shape_cast %get3A_642 : vector<1x16xf32> to vector<16xf32>
        %mul3A_644 = vector.broadcast %squeeze3A_464 : f32 to vector<16xf32>
        %mul3A_645 = arith.mulf %get3A_643, %mul3A_644 : vector<16xf32>
        %add3A_646 = arith.addf %add3A_639, %mul3A_645 : vector<16xf32>
        %swap3A_647 = arith.index_cast %scan3A_431 : i32 to index
        %swap3A_648 = arith.constant 48 : index
        %swap3A_649 = tpu.vector_load %arg16[%swap3A_647, %swap3A_648] {strides = array<i32>} : memref<32x128xf32, #tpu.memory_space<vmem>>, vector<1x16xf32>,
        %swap3A_650 = vector.shape_cast %swap3A_649 : vector<1x16xf32> to vector<16xf32>
        %swap3A_651 = vector.shape_cast %add3A_646 : vector<16xf32> to vector<1x16xf32>
        tpu.vector_store %arg16[%swap3A_647, %swap3A_648], %swap3A_651 {strides = array<i32>} : memref<32x128xf32, #tpu.memory_space<vmem>>, vector<1x16xf32>,
        %get3A_652 = arith.constant 0 : i32
        %get3A_653 = arith.index_cast %get3A_652 : i32 to index
        %get3A_654 = arith.index_cast %scan3A_431 : i32 to index
        %get3A_655 = arith.constant 64 : index
        %get3A_656 = tpu.vector_load %arg12[%get3A_653, %get3A_654, %get3A_655] {strides = array<i32>} : memref<4x32x96xf32, #tpu.memory_space<vmem>>, vector<1x1x16xf32>,
        %get3A_657 = vector.shape_cast %get3A_656 : vector<1x1x16xf32> to vector<16xf32>
        %mul3A_658 = vector.broadcast %squeeze3A : f32 to vector<16xf32>
        %mul3A_659 = arith.mulf %get3A_657, %mul3A_658 : vector<16xf32>
        %get3A_660 = arith.constant 1 : i32
        %get3A_661 = arith.index_cast %get3A_660 : i32 to index
        %get3A_662 = arith.index_cast %scan3A_431 : i32 to index
        %get3A_663 = arith.constant 64 : index
        %get3A_664 = tpu.vector_load %arg12[%get3A_661, %get3A_662, %get3A_663] {strides = array<i32>} : memref<4x32x96xf32, #tpu.memory_space<vmem>>, vector<1x1x16xf32>,
        %get3A_665 = vector.shape_cast %get3A_664 : vector<1x1x16xf32> to vector<16xf32>
        %mul3A_666 = vector.broadcast %squeeze3A_445 : f32 to vector<16xf32>
        %mul3A_667 = arith.mulf %get3A_665, %mul3A_666 : vector<16xf32>
        %add3A_668 = arith.addf %mul3A_659, %mul3A_667 : vector<16xf32>
        %get3A_669 = arith.constant 2 : i32
        %get3A_670 = arith.index_cast %get3A_669 : i32 to index
        %get3A_671 = arith.index_cast %scan3A_431 : i32 to index
        %get3A_672 = arith.constant 64 : index
        %get3A_673 = tpu.vector_load %arg12[%get3A_670, %get3A_671, %get3A_672] {strides = array<i32>} : memref<4x32x96xf32, #tpu.memory_space<vmem>>, vector<1x1x16xf32>,
        %get3A_674 = vector.shape_cast %get3A_673 : vector<1x1x16xf32> to vector<16xf32>
        %mul3A_675 = vector.broadcast %squeeze3A_452 : f32 to vector<16xf32>
        %mul3A_676 = arith.mulf %get3A_674, %mul3A_675 : vector<16xf32>
        %add3A_677 = arith.addf %add3A_668, %mul3A_676 : vector<16xf32>
        %get3A_678 = arith.constant 3 : i32
        %get3A_679 = arith.index_cast %get3A_678 : i32 to index
        %get3A_680 = arith.index_cast %scan3A_431 : i32 to index
        %get3A_681 = arith.constant 64 : index
        %get3A_682 = tpu.vector_load %arg12[%get3A_679, %get3A_680, %get3A_681] {strides = array<i32>} : memref<4x32x96xf32, #tpu.memory_space<vmem>>, vector<1x1x16xf32>,
        %get3A_683 = vector.shape_cast %get3A_682 : vector<1x1x16xf32> to vector<16xf32>
        %mul3A_684 = vector.broadcast %squeeze3A_459 : f32 to vector<16xf32>
        %mul3A_685 = arith.mulf %get3A_683, %mul3A_684 : vector<16xf32>
        %add3A_686 = arith.addf %add3A_677, %mul3A_685 : vector<16xf32>
        %get3A_687 = arith.index_cast %scan3A_431 : i32 to index
        %get3A_688 = arith.constant 64 : index
        %get3A_689 = tpu.vector_load %arg14[%get3A_687, %get3A_688] {strides = array<i32>} : memref<32x128xf32, #tpu.memory_space<vmem>>, vector<1x16xf32>,
        %get3A_690 = vector.shape_cast %get3A_689 : vector<1x16xf32> to vector<16xf32>
        %mul3A_691 = vector.broadcast %squeeze3A_464 : f32 to vector<16xf32>
        %mul3A_692 = arith.mulf %get3A_690, %mul3A_691 : vector<16xf32>
        %add3A_693 = arith.addf %add3A_686, %mul3A_692 : vector<16xf32>
        %swap3A_694 = arith.index_cast %scan3A_431 : i32 to index
        %swap3A_695 = arith.constant 64 : index
        %swap3A_696 = tpu.vector_load %arg16[%swap3A_694, %swap3A_695] {strides = array<i32>} : memref<32x128xf32, #tpu.memory_space<vmem>>, vector<1x16xf32>,
        %swap3A_697 = vector.shape_cast %swap3A_696 : vector<1x16xf32> to vector<16xf32>
        %swap3A_698 = vector.shape_cast %add3A_693 : vector<16xf32> to vector<1x16xf32>
        tpu.vector_store %arg16[%swap3A_694, %swap3A_695], %swap3A_698 {strides = array<i32>} : memref<32x128xf32, #tpu.memory_space<vmem>>, vector<1x16xf32>,
        %get3A_699 = arith.constant 0 : i32
        %get3A_700 = arith.index_cast %get3A_699 : i32 to index
        %get3A_701 = arith.index_cast %scan3A_431 : i32 to index
        %get3A_702 = arith.constant 80 : index
        %get3A_703 = tpu.vector_load %arg12[%get3A_700, %get3A_701, %get3A_702] {strides = array<i32>} : memref<4x32x96xf32, #tpu.memory_space<vmem>>, vector<1x1x16xf32>,
        %get3A_704 = vector.shape_cast %get3A_703 : vector<1x1x16xf32> to vector<16xf32>
        %mul3A_705 = vector.broadcast %squeeze3A : f32 to vector<16xf32>
        %mul3A_706 = arith.mulf %get3A_704, %mul3A_705 : vector<16xf32>
        %get3A_707 = arith.constant 1 : i32
        %get3A_708 = arith.index_cast %get3A_707 : i32 to index
        %get3A_709 = arith.index_cast %scan3A_431 : i32 to index
        %get3A_710 = arith.constant 80 : index
        %get3A_711 = tpu.vector_load %arg12[%get3A_708, %get3A_709, %get3A_710] {strides = array<i32>} : memref<4x32x96xf32, #tpu.memory_space<vmem>>, vector<1x1x16xf32>,
        %get3A_712 = vector.shape_cast %get3A_711 : vector<1x1x16xf32> to vector<16xf32>
        %mul3A_713 = vector.broadcast %squeeze3A_445 : f32 to vector<16xf32>
        %mul3A_714 = arith.mulf %get3A_712, %mul3A_713 : vector<16xf32>
        %add3A_715 = arith.addf %mul3A_706, %mul3A_714 : vector<16xf32>
        %get3A_716 = arith.constant 2 : i32
        %get3A_717 = arith.index_cast %get3A_716 : i32 to index
        %get3A_718 = arith.index_cast %scan3A_431 : i32 to index
        %get3A_719 = arith.constant 80 : index
        %get3A_720 = tpu.vector_load %arg12[%get3A_717, %get3A_718, %get3A_719] {strides = array<i32>} : memref<4x32x96xf32, #tpu.memory_space<vmem>>, vector<1x1x16xf32>,
        %get3A_721 = vector.shape_cast %get3A_720 : vector<1x1x16xf32> to vector<16xf32>
        %mul3A_722 = vector.broadcast %squeeze3A_452 : f32 to vector<16xf32>
        %mul3A_723 = arith.mulf %get3A_721, %mul3A_722 : vector<16xf32>
        %add3A_724 = arith.addf %add3A_715, %mul3A_723 : vector<16xf32>
        %get3A_725 = arith.constant 3 : i32
        %get3A_726 = arith.index_cast %get3A_725 : i32 to index
        %get3A_727 = arith.index_cast %scan3A_431 : i32 to index
        %get3A_728 = arith.constant 80 : index
        %get3A_729 = tpu.vector_load %arg12[%get3A_726, %get3A_727, %get3A_728] {strides = array<i32>} : memref<4x32x96xf32, #tpu.memory_space<vmem>>, vector<1x1x16xf32>,
        %get3A_730 = vector.shape_cast %get3A_729 : vector<1x1x16xf32> to vector<16xf32>
        %mul3A_731 = vector.broadcast %squeeze3A_459 : f32 to vector<16xf32>
        %mul3A_732 = arith.mulf %get3A_730, %mul3A_731 : vector<16xf32>
        %add3A_733 = arith.addf %add3A_724, %mul3A_732 : vector<16xf32>
        %get3A_734 = arith.index_cast %scan3A_431 : i32 to index
        %get3A_735 = arith.constant 80 : index
        %get3A_736 = tpu.vector_load %arg14[%get3A_734, %get3A_735] {strides = array<i32>} : memref<32x128xf32, #tpu.memory_space<vmem>>, vector<1x16xf32>,
        %get3A_737 = vector.shape_cast %get3A_736 : vector<1x16xf32> to vector<16xf32>
        %mul3A_738 = vector.broadcast %squeeze3A_464 : f32 to vector<16xf32>
        %mul3A_739 = arith.mulf %get3A_737, %mul3A_738 : vector<16xf32>
        %add3A_740 = arith.addf %add3A_733, %mul3A_739 : vector<16xf32>
        %swap3A_741 = arith.index_cast %scan3A_431 : i32 to index
        %swap3A_742 = arith.constant 80 : index
        %swap3A_743 = tpu.vector_load %arg16[%swap3A_741, %swap3A_742] {strides = array<i32>} : memref<32x128xf32, #tpu.memory_space<vmem>>, vector<1x16xf32>,
        %swap3A_744 = vector.shape_cast %swap3A_743 : vector<1x16xf32> to vector<16xf32>
        %swap3A_745 = vector.shape_cast %add3A_740 : vector<16xf32> to vector<1x16xf32>
        tpu.vector_store %arg16[%swap3A_741, %swap3A_742], %swap3A_745 {strides = array<i32>} : memref<32x128xf32, #tpu.memory_space<vmem>>, vector<1x16xf32>,
        %scan3A_746 = arith.constant 1 : i32
        %scan3A_747 = arith.addi %scan3A_431, %scan3A_746 : i32
        %mul3A_748 = arith.constant 32 : i32
        %mul3A_749 = arith.muli %add3A_353, %mul3A_748 : i32
        %add3A_750 = arith.addi %mul3A_749, %scan3A_747 : i32
        %get3A_751 = arith.constant 0 : i32
        %get3A_752 = arith.index_cast %get3A_751 : i32 to index
        %get3A_753 = arith.index_cast %add3A_750 : i32 to index
        %get3A_754 = tpu.vector_load %arg9[%get3A_752, %get3A_753] {strides = array<i32>} : memref<4x9232xf32, #tpu.memory_space<vmem>>, vector<1x16xf32>,
        %get3A_755 = vector.shape_cast %get3A_754 : vector<1x16xf32> to vector<16xf32>
        %slice3A_756 = vector.extract_strided_slice %get3A_755 {offsets = [0], sizes = [1], strides = [1]} : vector<16xf32> to vector<1xf32>
        %squeeze3A_757 = vector.extract %slice3A_756[0] : f32 from vector<1xf32>
        %get3A_758 = arith.constant 1 : i32
        %get3A_759 = arith.index_cast %get3A_758 : i32 to index
        %get3A_760 = arith.index_cast %add3A_750 : i32 to index
        %get3A_761 = tpu.vector_load %arg9[%get3A_759, %get3A_760] {strides = array<i32>} : memref<4x9232xf32, #tpu.memory_space<vmem>>, vector<1x16xf32>,
        %get3A_762 = vector.shape_cast %get3A_761 : vector<1x16xf32> to vector<16xf32>
        %slice3A_763 = vector.extract_strided_slice %get3A_762 {offsets = [0], sizes = [1], strides = [1]} : vector<16xf32> to vector<1xf32>
        %squeeze3A_764 = vector.extract %slice3A_763[0] : f32 from vector<1xf32>
        %get3A_765 = arith.constant 2 : i32
        %get3A_766 = arith.index_cast %get3A_765 : i32 to index
        %get3A_767 = arith.index_cast %add3A_750 : i32 to index
        %get3A_768 = tpu.vector_load %arg9[%get3A_766, %get3A_767] {strides = array<i32>} : memref<4x9232xf32, #tpu.memory_space<vmem>>, vector<1x16xf32>,
        %get3A_769 = vector.shape_cast %get3A_768 : vector<1x16xf32> to vector<16xf32>
        %slice3A_770 = vector.extract_strided_slice %get3A_769 {offsets = [0], sizes = [1], strides = [1]} : vector<16xf32> to vector<1xf32>
        %squeeze3A_771 = vector.extract %slice3A_770[0] : f32 from vector<1xf32>
        %get3A_772 = arith.constant 3 : i32
        %get3A_773 = arith.index_cast %get3A_772 : i32 to index
        %get3A_774 = arith.index_cast %add3A_750 : i32 to index
        %get3A_775 = tpu.vector_load %arg9[%get3A_773, %get3A_774] {strides = array<i32>} : memref<4x9232xf32, #tpu.memory_space<vmem>>, vector<1x16xf32>,
        %get3A_776 = vector.shape_cast %get3A_775 : vector<1x16xf32> to vector<16xf32>
        %slice3A_777 = vector.extract_strided_slice %get3A_776 {offsets = [0], sizes = [1], strides = [1]} : vector<16xf32> to vector<1xf32>
        %squeeze3A_778 = vector.extract %slice3A_777[0] : f32 from vector<1xf32>
        %get3A_779 = arith.index_cast %add3A_750 : i32 to index
        %get3A_780 = tpu.vector_load %arg10[%get3A_779] {strides = array<i32>} : memref<9232xf32, #tpu.memory_space<vmem>>, vector<16xf32>,
        %get3A_781 = vector.shape_cast %get3A_780 : vector<16xf32> to vector<16xf32>
        %slice3A_782 = vector.extract_strided_slice %get3A_781 {offsets = [0], sizes = [1], strides = [1]} : vector<16xf32> to vector<1xf32>
        %squeeze3A_783 = vector.extract %slice3A_782[0] : f32 from vector<1xf32>
        %get3A_784 = arith.constant 0 : i32
        %get3A_785 = arith.index_cast %get3A_784 : i32 to index
        %get3A_786 = arith.index_cast %scan3A_747 : i32 to index
        %get3A_787 = arith.constant 0 : index
        %get3A_788 = tpu.vector_load %arg12[%get3A_785, %get3A_786, %get3A_787] {strides = array<i32>} : memref<4x32x96xf32, #tpu.memory_space<vmem>>, vector<1x1x16xf32>,
        %get3A_789 = vector.shape_cast %get3A_788 : vector<1x1x16xf32> to vector<16xf32>
        %mul3A_790 = vector.broadcast %squeeze3A_757 : f32 to vector<16xf32>
        %mul3A_791 = arith.mulf %get3A_789, %mul3A_790 : vector<16xf32>
        %get3A_792 = arith.constant 1 : i32
        %get3A_793 = arith.index_cast %get3A_792 : i32 to index
        %get3A_794 = arith.index_cast %scan3A_747 : i32 to index
        %get3A_795 = arith.constant 0 : index
        %get3A_796 = tpu.vector_load %arg12[%get3A_793, %get3A_794, %get3A_795] {strides = array<i32>} : memref<4x32x96xf32, #tpu.memory_space<vmem>>, vector<1x1x16xf32>,
        %get3A_797 = vector.shape_cast %get3A_796 : vector<1x1x16xf32> to vector<16xf32>
        %mul3A_798 = vector.broadcast %squeeze3A_764 : f32 to vector<16xf32>
        %mul3A_799 = arith.mulf %get3A_797, %mul3A_798 : vector<16xf32>
        %add3A_800 = arith.addf %mul3A_791, %mul3A_799 : vector<16xf32>
        %get3A_801 = arith.constant 2 : i32
        %get3A_802 = arith.index_cast %get3A_801 : i32 to index
        %get3A_803 = arith.index_cast %scan3A_747 : i32 to index
        %get3A_804 = arith.constant 0 : index
        %get3A_805 = tpu.vector_load %arg12[%get3A_802, %get3A_803, %get3A_804] {strides = array<i32>} : memref<4x32x96xf32, #tpu.memory_space<vmem>>, vector<1x1x16xf32>,
        %get3A_806 = vector.shape_cast %get3A_805 : vector<1x1x16xf32> to vector<16xf32>
        %mul3A_807 = vector.broadcast %squeeze3A_771 : f32 to vector<16xf32>
        %mul3A_808 = arith.mulf %get3A_806, %mul3A_807 : vector<16xf32>
        %add3A_809 = arith.addf %add3A_800, %mul3A_808 : vector<16xf32>
        %get3A_810 = arith.constant 3 : i32
        %get3A_811 = arith.index_cast %get3A_810 : i32 to index
        %get3A_812 = arith.index_cast %scan3A_747 : i32 to index
        %get3A_813 = arith.constant 0 : index
        %get3A_814 = tpu.vector_load %arg12[%get3A_811, %get3A_812, %get3A_813] {strides = array<i32>} : memref<4x32x96xf32, #tpu.memory_space<vmem>>, vector<1x1x16xf32>,
        %get3A_815 = vector.shape_cast %get3A_814 : vector<1x1x16xf32> to vector<16xf32>
        %mul3A_816 = vector.broadcast %squeeze3A_778 : f32 to vector<16xf32>
        %mul3A_817 = arith.mulf %get3A_815, %mul3A_816 : vector<16xf32>
        %add3A_818 = arith.addf %add3A_809, %mul3A_817 : vector<16xf32>
        %get3A_819 = arith.index_cast %scan3A_747 : i32 to index
        %get3A_820 = arith.constant 0 : index
        %get3A_821 = tpu.vector_load %arg14[%get3A_819, %get3A_820] {strides = array<i32>} : memref<32x128xf32, #tpu.memory_space<vmem>>, vector<1x16xf32>,
        %get3A_822 = vector.shape_cast %get3A_821 : vector<1x16xf32> to vector<16xf32>
        %mul3A_823 = vector.broadcast %squeeze3A_783 : f32 to vector<16xf32>
        %mul3A_824 = arith.mulf %get3A_822, %mul3A_823 : vector<16xf32>
        %add3A_825 = arith.addf %add3A_818, %mul3A_824 : vector<16xf32>
        %swap3A_826 = arith.index_cast %scan3A_747 : i32 to index
        %swap3A_827 = arith.constant 0 : index
        %swap3A_828 = tpu.vector_load %arg16[%swap3A_826, %swap3A_827] {strides = array<i32>} : memref<32x128xf32, #tpu.memory_space<vmem>>, vector<1x16xf32>,
        %swap3A_829 = vector.shape_cast %swap3A_828 : vector<1x16xf32> to vector<16xf32>
        %swap3A_830 = vector.shape_cast %add3A_825 : vector<16xf32> to vector<1x16xf32>
        tpu.vector_store %arg16[%swap3A_826, %swap3A_827], %swap3A_830 {strides = array<i32>} : memref<32x128xf32, #tpu.memory_space<vmem>>, vector<1x16xf32>,
        %get3A_831 = arith.constant 0 : i32
        %get3A_832 = arith.index_cast %get3A_831 : i32 to index
        %get3A_833 = arith.index_cast %scan3A_747 : i32 to index
        %get3A_834 = arith.constant 16 : index
        %get3A_835 = tpu.vector_load %arg12[%get3A_832, %get3A_833, %get3A_834] {strides = array<i32>} : memref<4x32x96xf32, #tpu.memory_space<vmem>>, vector<1x1x16xf32>,
        %get3A_836 = vector.shape_cast %get3A_835 : vector<1x1x16xf32> to vector<16xf32>
        %mul3A_837 = vector.broadcast %squeeze3A_757 : f32 to vector<16xf32>
        %mul3A_838 = arith.mulf %get3A_836, %mul3A_837 : vector<16xf32>
        %get3A_839 = arith.constant 1 : i32
        %get3A_840 = arith.index_cast %get3A_839 : i32 to index
        %get3A_841 = arith.index_cast %scan3A_747 : i32 to index
        %get3A_842 = arith.constant 16 : index
        %get3A_843 = tpu.vector_load %arg12[%get3A_840, %get3A_841, %get3A_842] {strides = array<i32>} : memref<4x32x96xf32, #tpu.memory_space<vmem>>, vector<1x1x16xf32>,
        %get3A_844 = vector.shape_cast %get3A_843 : vector<1x1x16xf32> to vector<16xf32>
        %mul3A_845 = vector.broadcast %squeeze3A_764 : f32 to vector<16xf32>
        %mul3A_846 = arith.mulf %get3A_844, %mul3A_845 : vector<16xf32>
        %add3A_847 = arith.addf %mul3A_838, %mul3A_846 : vector<16xf32>
        %get3A_848 = arith.constant 2 : i32
        %get3A_849 = arith.index_cast %get3A_848 : i32 to index
        %get3A_850 = arith.index_cast %scan3A_747 : i32 to index
        %get3A_851 = arith.constant 16 : index
        %get3A_852 = tpu.vector_load %arg12[%get3A_849, %get3A_850, %get3A_851] {strides = array<i32>} : memref<4x32x96xf32, #tpu.memory_space<vmem>>, vector<1x1x16xf32>,
        %get3A_853 = vector.shape_cast %get3A_852 : vector<1x1x16xf32> to vector<16xf32>
        %mul3A_854 = vector.broadcast %squeeze3A_771 : f32 to vector<16xf32>
        %mul3A_855 = arith.mulf %get3A_853, %mul3A_854 : vector<16xf32>
        %add3A_856 = arith.addf %add3A_847, %mul3A_855 : vector<16xf32>
        %get3A_857 = arith.constant 3 : i32
        %get3A_858 = arith.index_cast %get3A_857 : i32 to index
        %get3A_859 = arith.index_cast %scan3A_747 : i32 to index
        %get3A_860 = arith.constant 16 : index
        %get3A_861 = tpu.vector_load %arg12[%get3A_858, %get3A_859, %get3A_860] {strides = array<i32>} : memref<4x32x96xf32, #tpu.memory_space<vmem>>, vector<1x1x16xf32>,
        %get3A_862 = vector.shape_cast %get3A_861 : vector<1x1x16xf32> to vector<16xf32>
        %mul3A_863 = vector.broadcast %squeeze3A_778 : f32 to vector<16xf32>
        %mul3A_864 = arith.mulf %get3A_862, %mul3A_863 : vector<16xf32>
        %add3A_865 = arith.addf %add3A_856, %mul3A_864 : vector<16xf32>
        %get3A_866 = arith.index_cast %scan3A_747 : i32 to index
        %get3A_867 = arith.constant 16 : index
        %get3A_868 = tpu.vector_load %arg14[%get3A_866, %get3A_867] {strides = array<i32>} : memref<32x128xf32, #tpu.memory_space<vmem>>, vector<1x16xf32>,
        %get3A_869 = vector.shape_cast %get3A_868 : vector<1x16xf32> to vector<16xf32>
        %mul3A_870 = vector.broadcast %squeeze3A_783 : f32 to vector<16xf32>
        %mul3A_871 = arith.mulf %get3A_869, %mul3A_870 : vector<16xf32>
        %add3A_872 = arith.addf %add3A_865, %mul3A_871 : vector<16xf32>
        %swap3A_873 = arith.index_cast %scan3A_747 : i32 to index
        %swap3A_874 = arith.constant 16 : index
        %swap3A_875 = tpu.vector_load %arg16[%swap3A_873, %swap3A_874] {strides = array<i32>} : memref<32x128xf32, #tpu.memory_space<vmem>>, vector<1x16xf32>,
        %swap3A_876 = vector.shape_cast %swap3A_875 : vector<1x16xf32> to vector<16xf32>
        %swap3A_877 = vector.shape_cast %add3A_872 : vector<16xf32> to vector<1x16xf32>
        tpu.vector_store %arg16[%swap3A_873, %swap3A_874], %swap3A_877 {strides = array<i32>} : memref<32x128xf32, #tpu.memory_space<vmem>>, vector<1x16xf32>,
        %get3A_878 = arith.constant 0 : i32
        %get3A_879 = arith.index_cast %get3A_878 : i32 to index
        %get3A_880 = arith.index_cast %scan3A_747 : i32 to index
        %get3A_881 = arith.constant 32 : index
        %get3A_882 = tpu.vector_load %arg12[%get3A_879, %get3A_880, %get3A_881] {strides = array<i32>} : memref<4x32x96xf32, #tpu.memory_space<vmem>>, vector<1x1x16xf32>,
        %get3A_883 = vector.shape_cast %get3A_882 : vector<1x1x16xf32> to vector<16xf32>
        %mul3A_884 = vector.broadcast %squeeze3A_757 : f32 to vector<16xf32>
        %mul3A_885 = arith.mulf %get3A_883, %mul3A_884 : vector<16xf32>
        %get3A_886 = arith.constant 1 : i32
        %get3A_887 = arith.index_cast %get3A_886 : i32 to index
        %get3A_888 = arith.index_cast %scan3A_747 : i32 to index
        %get3A_889 = arith.constant 32 : index
        %get3A_890 = tpu.vector_load %arg12[%get3A_887, %get3A_888, %get3A_889] {strides = array<i32>} : memref<4x32x96xf32, #tpu.memory_space<vmem>>, vector<1x1x16xf32>,
        %get3A_891 = vector.shape_cast %get3A_890 : vector<1x1x16xf32> to vector<16xf32>
        %mul3A_892 = vector.broadcast %squeeze3A_764 : f32 to vector<16xf32>
        %mul3A_893 = arith.mulf %get3A_891, %mul3A_892 : vector<16xf32>
        %add3A_894 = arith.addf %mul3A_885, %mul3A_893 : vector<16xf32>
        %get3A_895 = arith.constant 2 : i32
        %get3A_896 = arith.index_cast %get3A_895 : i32 to index
        %get3A_897 = arith.index_cast %scan3A_747 : i32 to index
        %get3A_898 = arith.constant 32 : index
        %get3A_899 = tpu.vector_load %arg12[%get3A_896, %get3A_897, %get3A_898] {strides = array<i32>} : memref<4x32x96xf32, #tpu.memory_space<vmem>>, vector<1x1x16xf32>,
        %get3A_900 = vector.shape_cast %get3A_899 : vector<1x1x16xf32> to vector<16xf32>
        %mul3A_901 = vector.broadcast %squeeze3A_771 : f32 to vector<16xf32>
        %mul3A_902 = arith.mulf %get3A_900, %mul3A_901 : vector<16xf32>
        %add3A_903 = arith.addf %add3A_894, %mul3A_902 : vector<16xf32>
        %get3A_904 = arith.constant 3 : i32
        %get3A_905 = arith.index_cast %get3A_904 : i32 to index
        %get3A_906 = arith.index_cast %scan3A_747 : i32 to index
        %get3A_907 = arith.constant 32 : index
        %get3A_908 = tpu.vector_load %arg12[%get3A_905, %get3A_906, %get3A_907] {strides = array<i32>} : memref<4x32x96xf32, #tpu.memory_space<vmem>>, vector<1x1x16xf32>,
        %get3A_909 = vector.shape_cast %get3A_908 : vector<1x1x16xf32> to vector<16xf32>
        %mul3A_910 = vector.broadcast %squeeze3A_778 : f32 to vector<16xf32>
        %mul3A_911 = arith.mulf %get3A_909, %mul3A_910 : vector<16xf32>
        %add3A_912 = arith.addf %add3A_903, %mul3A_911 : vector<16xf32>
        %get3A_913 = arith.index_cast %scan3A_747 : i32 to index
        %get3A_914 = arith.constant 32 : index
        %get3A_915 = tpu.vector_load %arg14[%get3A_913, %get3A_914] {strides = array<i32>} : memref<32x128xf32, #tpu.memory_space<vmem>>, vector<1x16xf32>,
        %get3A_916 = vector.shape_cast %get3A_915 : vector<1x16xf32> to vector<16xf32>
        %mul3A_917 = vector.broadcast %squeeze3A_783 : f32 to vector<16xf32>
        %mul3A_918 = arith.mulf %get3A_916, %mul3A_917 : vector<16xf32>
        %add3A_919 = arith.addf %add3A_912, %mul3A_918 : vector<16xf32>
        %swap3A_920 = arith.index_cast %scan3A_747 : i32 to index
        %swap3A_921 = arith.constant 32 : index
        %swap3A_922 = tpu.vector_load %arg16[%swap3A_920, %swap3A_921] {strides = array<i32>} : memref<32x128xf32, #tpu.memory_space<vmem>>, vector<1x16xf32>,
        %swap3A_923 = vector.shape_cast %swap3A_922 : vector<1x16xf32> to vector<16xf32>
        %swap3A_924 = vector.shape_cast %add3A_919 : vector<16xf32> to vector<1x16xf32>
        tpu.vector_store %arg16[%swap3A_920, %swap3A_921], %swap3A_924 {strides = array<i32>} : memref<32x128xf32, #tpu.memory_space<vmem>>, vector<1x16xf32>,
        %get3A_925 = arith.constant 0 : i32
        %get3A_926 = arith.index_cast %get3A_925 : i32 to index
        %get3A_927 = arith.index_cast %scan3A_747 : i32 to index
        %get3A_928 = arith.constant 48 : index
        %get3A_929 = tpu.vector_load %arg12[%get3A_926, %get3A_927, %get3A_928] {strides = array<i32>} : memref<4x32x96xf32, #tpu.memory_space<vmem>>, vector<1x1x16xf32>,
        %get3A_930 = vector.shape_cast %get3A_929 : vector<1x1x16xf32> to vector<16xf32>
        %mul3A_931 = vector.broadcast %squeeze3A_757 : f32 to vector<16xf32>
        %mul3A_932 = arith.mulf %get3A_930, %mul3A_931 : vector<16xf32>
        %get3A_933 = arith.constant 1 : i32
        %get3A_934 = arith.index_cast %get3A_933 : i32 to index
        %get3A_935 = arith.index_cast %scan3A_747 : i32 to index
        %get3A_936 = arith.constant 48 : index
        %get3A_937 = tpu.vector_load %arg12[%get3A_934, %get3A_935, %get3A_936] {strides = array<i32>} : memref<4x32x96xf32, #tpu.memory_space<vmem>>, vector<1x1x16xf32>,
        %get3A_938 = vector.shape_cast %get3A_937 : vector<1x1x16xf32> to vector<16xf32>
        %mul3A_939 = vector.broadcast %squeeze3A_764 : f32 to vector<16xf32>
        %mul3A_940 = arith.mulf %get3A_938, %mul3A_939 : vector<16xf32>
        %add3A_941 = arith.addf %mul3A_932, %mul3A_940 : vector<16xf32>
        %get3A_942 = arith.constant 2 : i32
        %get3A_943 = arith.index_cast %get3A_942 : i32 to index
        %get3A_944 = arith.index_cast %scan3A_747 : i32 to index
        %get3A_945 = arith.constant 48 : index
        %get3A_946 = tpu.vector_load %arg12[%get3A_943, %get3A_944, %get3A_945] {strides = array<i32>} : memref<4x32x96xf32, #tpu.memory_space<vmem>>, vector<1x1x16xf32>,
        %get3A_947 = vector.shape_cast %get3A_946 : vector<1x1x16xf32> to vector<16xf32>
        %mul3A_948 = vector.broadcast %squeeze3A_771 : f32 to vector<16xf32>
        %mul3A_949 = arith.mulf %get3A_947, %mul3A_948 : vector<16xf32>
        %add3A_950 = arith.addf %add3A_941, %mul3A_949 : vector<16xf32>
        %get3A_951 = arith.constant 3 : i32
        %get3A_952 = arith.index_cast %get3A_951 : i32 to index
        %get3A_953 = arith.index_cast %scan3A_747 : i32 to index
        %get3A_954 = arith.constant 48 : index
        %get3A_955 = tpu.vector_load %arg12[%get3A_952, %get3A_953, %get3A_954] {strides = array<i32>} : memref<4x32x96xf32, #tpu.memory_space<vmem>>, vector<1x1x16xf32>,
        %get3A_956 = vector.shape_cast %get3A_955 : vector<1x1x16xf32> to vector<16xf32>
        %mul3A_957 = vector.broadcast %squeeze3A_778 : f32 to vector<16xf32>
        %mul3A_958 = arith.mulf %get3A_956, %mul3A_957 : vector<16xf32>
        %add3A_959 = arith.addf %add3A_950, %mul3A_958 : vector<16xf32>
        %get3A_960 = arith.index_cast %scan3A_747 : i32 to index
        %get3A_961 = arith.constant 48 : index
        %get3A_962 = tpu.vector_load %arg14[%get3A_960, %get3A_961] {strides = array<i32>} : memref<32x128xf32, #tpu.memory_space<vmem>>, vector<1x16xf32>,
        %get3A_963 = vector.shape_cast %get3A_962 : vector<1x16xf32> to vector<16xf32>
        %mul3A_964 = vector.broadcast %squeeze3A_783 : f32 to vector<16xf32>
        %mul3A_965 = arith.mulf %get3A_963, %mul3A_964 : vector<16xf32>
        %add3A_966 = arith.addf %add3A_959, %mul3A_965 : vector<16xf32>
        %swap3A_967 = arith.index_cast %scan3A_747 : i32 to index
        %swap3A_968 = arith.constant 48 : index
        %swap3A_969 = tpu.vector_load %arg16[%swap3A_967, %swap3A_968] {strides = array<i32>} : memref<32x128xf32, #tpu.memory_space<vmem>>, vector<1x16xf32>,
        %swap3A_970 = vector.shape_cast %swap3A_969 : vector<1x16xf32> to vector<16xf32>
        %swap3A_971 = vector.shape_cast %add3A_966 : vector<16xf32> to vector<1x16xf32>
        tpu.vector_store %arg16[%swap3A_967, %swap3A_968], %swap3A_971 {strides = array<i32>} : memref<32x128xf32, #tpu.memory_space<vmem>>, vector<1x16xf32>,
        %get3A_972 = arith.constant 0 : i32
        %get3A_973 = arith.index_cast %get3A_972 : i32 to index
        %get3A_974 = arith.index_cast %scan3A_747 : i32 to index
        %get3A_975 = arith.constant 64 : index
        %get3A_976 = tpu.vector_load %arg12[%get3A_973, %get3A_974, %get3A_975] {strides = array<i32>} : memref<4x32x96xf32, #tpu.memory_space<vmem>>, vector<1x1x16xf32>,
        %get3A_977 = vector.shape_cast %get3A_976 : vector<1x1x16xf32> to vector<16xf32>
        %mul3A_978 = vector.broadcast %squeeze3A_757 : f32 to vector<16xf32>
        %mul3A_979 = arith.mulf %get3A_977, %mul3A_978 : vector<16xf32>
        %get3A_980 = arith.constant 1 : i32
        %get3A_981 = arith.index_cast %get3A_980 : i32 to index
        %get3A_982 = arith.index_cast %scan3A_747 : i32 to index
        %get3A_983 = arith.constant 64 : index
        %get3A_984 = tpu.vector_load %arg12[%get3A_981, %get3A_982, %get3A_983] {strides = array<i32>} : memref<4x32x96xf32, #tpu.memory_space<vmem>>, vector<1x1x16xf32>,
        %get3A_985 = vector.shape_cast %get3A_984 : vector<1x1x16xf32> to vector<16xf32>
        %mul3A_986 = vector.broadcast %squeeze3A_764 : f32 to vector<16xf32>
        %mul3A_987 = arith.mulf %get3A_985, %mul3A_986 : vector<16xf32>
        %add3A_988 = arith.addf %mul3A_979, %mul3A_987 : vector<16xf32>
        %get3A_989 = arith.constant 2 : i32
        %get3A_990 = arith.index_cast %get3A_989 : i32 to index
        %get3A_991 = arith.index_cast %scan3A_747 : i32 to index
        %get3A_992 = arith.constant 64 : index
        %get3A_993 = tpu.vector_load %arg12[%get3A_990, %get3A_991, %get3A_992] {strides = array<i32>} : memref<4x32x96xf32, #tpu.memory_space<vmem>>, vector<1x1x16xf32>,
        %get3A_994 = vector.shape_cast %get3A_993 : vector<1x1x16xf32> to vector<16xf32>
        %mul3A_995 = vector.broadcast %squeeze3A_771 : f32 to vector<16xf32>
        %mul3A_996 = arith.mulf %get3A_994, %mul3A_995 : vector<16xf32>
        %add3A_997 = arith.addf %add3A_988, %mul3A_996 : vector<16xf32>
        %get3A_998 = arith.constant 3 : i32
        %get3A_999 = arith.index_cast %get3A_998 : i32 to index
        %get3A_1000 = arith.index_cast %scan3A_747 : i32 to index
        %get3A_1001 = arith.constant 64 : index
        %get3A_1002 = tpu.vector_load %arg12[%get3A_999, %get3A_1000, %get3A_1001] {strides = array<i32>} : memref<4x32x96xf32, #tpu.memory_space<vmem>>, vector<1x1x16xf32>,
        %get3A_1003 = vector.shape_cast %get3A_1002 : vector<1x1x16xf32> to vector<16xf32>
        %mul3A_1004 = vector.broadcast %squeeze3A_778 : f32 to vector<16xf32>
        %mul3A_1005 = arith.mulf %get3A_1003, %mul3A_1004 : vector<16xf32>
        %add3A_1006 = arith.addf %add3A_997, %mul3A_1005 : vector<16xf32>
        %get3A_1007 = arith.index_cast %scan3A_747 : i32 to index
        %get3A_1008 = arith.constant 64 : index
        %get3A_1009 = tpu.vector_load %arg14[%get3A_1007, %get3A_1008] {strides = array<i32>} : memref<32x128xf32, #tpu.memory_space<vmem>>, vector<1x16xf32>,
        %get3A_1010 = vector.shape_cast %get3A_1009 : vector<1x16xf32> to vector<16xf32>
        %mul3A_1011 = vector.broadcast %squeeze3A_783 : f32 to vector<16xf32>
        %mul3A_1012 = arith.mulf %get3A_1010, %mul3A_1011 : vector<16xf32>
        %add3A_1013 = arith.addf %add3A_1006, %mul3A_1012 : vector<16xf32>
        %swap3A_1014 = arith.index_cast %scan3A_747 : i32 to index
        %swap3A_1015 = arith.constant 64 : index
        %swap3A_1016 = tpu.vector_load %arg16[%swap3A_1014, %swap3A_1015] {strides = array<i32>} : memref<32x128xf32, #tpu.memory_space<vmem>>, vector<1x16xf32>,
        %swap3A_1017 = vector.shape_cast %swap3A_1016 : vector<1x16xf32> to vector<16xf32>
        %swap3A_1018 = vector.shape_cast %add3A_1013 : vector<16xf32> to vector<1x16xf32>
        tpu.vector_store %arg16[%swap3A_1014, %swap3A_1015], %swap3A_1018 {strides = array<i32>} : memref<32x128xf32, #tpu.memory_space<vmem>>, vector<1x16xf32>,
        %get3A_1019 = arith.constant 0 : i32
        %get3A_1020 = arith.index_cast %get3A_1019 : i32 to index
        %get3A_1021 = arith.index_cast %scan3A_747 : i32 to index
        %get3A_1022 = arith.constant 80 : index
        %get3A_1023 = tpu.vector_load %arg12[%get3A_1020, %get3A_1021, %get3A_1022] {strides = array<i32>} : memref<4x32x96xf32, #tpu.memory_space<vmem>>, vector<1x1x16xf32>,
        %get3A_1024 = vector.shape_cast %get3A_1023 : vector<1x1x16xf32> to vector<16xf32>
        %mul3A_1025 = vector.broadcast %squeeze3A_757 : f32 to vector<16xf32>
        %mul3A_1026 = arith.mulf %get3A_1024, %mul3A_1025 : vector<16xf32>
        %get3A_1027 = arith.constant 1 : i32
        %get3A_1028 = arith.index_cast %get3A_1027 : i32 to index
        %get3A_1029 = arith.index_cast %scan3A_747 : i32 to index
        %get3A_1030 = arith.constant 80 : index
        %get3A_1031 = tpu.vector_load %arg12[%get3A_1028, %get3A_1029, %get3A_1030] {strides = array<i32>} : memref<4x32x96xf32, #tpu.memory_space<vmem>>, vector<1x1x16xf32>,
        %get3A_1032 = vector.shape_cast %get3A_1031 : vector<1x1x16xf32> to vector<16xf32>
        %mul3A_1033 = vector.broadcast %squeeze3A_764 : f32 to vector<16xf32>
        %mul3A_1034 = arith.mulf %get3A_1032, %mul3A_1033 : vector<16xf32>
        %add3A_1035 = arith.addf %mul3A_1026, %mul3A_1034 : vector<16xf32>
        %get3A_1036 = arith.constant 2 : i32
        %get3A_1037 = arith.index_cast %get3A_1036 : i32 to index
        %get3A_1038 = arith.index_cast %scan3A_747 : i32 to index
        %get3A_1039 = arith.constant 80 : index
        %get3A_1040 = tpu.vector_load %arg12[%get3A_1037, %get3A_1038, %get3A_1039] {strides = array<i32>} : memref<4x32x96xf32, #tpu.memory_space<vmem>>, vector<1x1x16xf32>,
        %get3A_1041 = vector.shape_cast %get3A_1040 : vector<1x1x16xf32> to vector<16xf32>
        %mul3A_1042 = vector.broadcast %squeeze3A_771 : f32 to vector<16xf32>
        %mul3A_1043 = arith.mulf %get3A_1041, %mul3A_1042 : vector<16xf32>
        %add3A_1044 = arith.addf %add3A_1035, %mul3A_1043 : vector<16xf32>
        %get3A_1045 = arith.constant 3 : i32
        %get3A_1046 = arith.index_cast %get3A_1045 : i32 to index
        %get3A_1047 = arith.index_cast %scan3A_747 : i32 to index
        %get3A_1048 = arith.constant 80 : index
        %get3A_1049 = tpu.vector_load %arg12[%get3A_1046, %get3A_1047, %get3A_1048] {strides = array<i32>} : memref<4x32x96xf32, #tpu.memory_space<vmem>>, vector<1x1x16xf32>,
        %get3A_1050 = vector.shape_cast %get3A_1049 : vector<1x1x16xf32> to vector<16xf32>
        %mul3A_1051 = vector.broadcast %squeeze3A_778 : f32 to vector<16xf32>
        %mul3A_1052 = arith.mulf %get3A_1050, %mul3A_1051 : vector<16xf32>
        %add3A_1053 = arith.addf %add3A_1044, %mul3A_1052 : vector<16xf32>
        %get3A_1054 = arith.index_cast %scan3A_747 : i32 to index
        %get3A_1055 = arith.constant 80 : index
        %get3A_1056 = tpu.vector_load %arg14[%get3A_1054, %get3A_1055] {strides = array<i32>} : memref<32x128xf32, #tpu.memory_space<vmem>>, vector<1x16xf32>,
        %get3A_1057 = vector.shape_cast %get3A_1056 : vector<1x16xf32> to vector<16xf32>
        %mul3A_1058 = vector.broadcast %squeeze3A_783 : f32 to vector<16xf32>
        %mul3A_1059 = arith.mulf %get3A_1057, %mul3A_1058 : vector<16xf32>
        %add3A_1060 = arith.addf %add3A_1053, %mul3A_1059 : vector<16xf32>
        %swap3A_1061 = arith.index_cast %scan3A_747 : i32 to index
        %swap3A_1062 = arith.constant 80 : index
        %swap3A_1063 = tpu.vector_load %arg16[%swap3A_1061, %swap3A_1062] {strides = array<i32>} : memref<32x128xf32, #tpu.memory_space<vmem>>, vector<1x16xf32>,
        %swap3A_1064 = vector.shape_cast %swap3A_1063 : vector<1x16xf32> to vector<16xf32>
        %swap3A_1065 = vector.shape_cast %add3A_1060 : vector<16xf32> to vector<1x16xf32>
        tpu.vector_store %arg16[%swap3A_1061, %swap3A_1062], %swap3A_1065 {strides = array<i32>} : memref<32x128xf32, #tpu.memory_space<vmem>>, vector<1x16xf32>,
        %scan3A_1066 = arith.constant 2 : i32
        %scan3A_1067 = arith.addi %scan3A_431, %scan3A_1066 : i32
        %mul3A_1068 = arith.constant 32 : i32
        %mul3A_1069 = arith.muli %add3A_353, %mul3A_1068 : i32
        %add3A_1070 = arith.addi %mul3A_1069, %scan3A_1067 : i32
        %get3A_1071 = arith.constant 0 : i32
        %get3A_1072 = arith.index_cast %get3A_1071 : i32 to index
        %get3A_1073 = arith.index_cast %add3A_1070 : i32 to index
        %get3A_1074 = tpu.vector_load %arg9[%get3A_1072, %get3A_1073] {strides = array<i32>} : memref<4x9232xf32, #tpu.memory_space<vmem>>, vector<1x16xf32>,
        %get3A_1075 = vector.shape_cast %get3A_1074 : vector<1x16xf32> to vector<16xf32>
        %slice3A_1076 = vector.extract_strided_slice %get3A_1075 {offsets = [0], sizes = [1], strides = [1]} : vector<16xf32> to vector<1xf32>
        %squeeze3A_1077 = vector.extract %slice3A_1076[0] : f32 from vector<1xf32>
        %get3A_1078 = arith.constant 1 : i32
        %get3A_1079 = arith.index_cast %get3A_1078 : i32 to index
        %get3A_1080 = arith.index_cast %add3A_1070 : i32 to index
        %get3A_1081 = tpu.vector_load %arg9[%get3A_1079, %get3A_1080] {strides = array<i32>} : memref<4x9232xf32, #tpu.memory_space<vmem>>, vector<1x16xf32>,
        %get3A_1082 = vector.shape_cast %get3A_1081 : vector<1x16xf32> to vector<16xf32>
        %slice3A_1083 = vector.extract_strided_slice %get3A_1082 {offsets = [0], sizes = [1], strides = [1]} : vector<16xf32> to vector<1xf32>
        %squeeze3A_1084 = vector.extract %slice3A_1083[0] : f32 from vector<1xf32>
        %get3A_1085 = arith.constant 2 : i32
        %get3A_1086 = arith.index_cast %get3A_1085 : i32 to index
        %get3A_1087 = arith.index_cast %add3A_1070 : i32 to index
        %get3A_1088 = tpu.vector_load %arg9[%get3A_1086, %get3A_1087] {strides = array<i32>} : memref<4x9232xf32, #tpu.memory_space<vmem>>, vector<1x16xf32>,
        %get3A_1089 = vector.shape_cast %get3A_1088 : vector<1x16xf32> to vector<16xf32>
        %slice3A_1090 = vector.extract_strided_slice %get3A_1089 {offsets = [0], sizes = [1], strides = [1]} : vector<16xf32> to vector<1xf32>
        %squeeze3A_1091 = vector.extract %slice3A_1090[0] : f32 from vector<1xf32>
        %get3A_1092 = arith.constant 3 : i32
        %get3A_1093 = arith.index_cast %get3A_1092 : i32 to index
        %get3A_1094 = arith.index_cast %add3A_1070 : i32 to index
        %get3A_1095 = tpu.vector_load %arg9[%get3A_1093, %get3A_1094] {strides = array<i32>} : memref<4x9232xf32, #tpu.memory_space<vmem>>, vector<1x16xf32>,
        %get3A_1096 = vector.shape_cast %get3A_1095 : vector<1x16xf32> to vector<16xf32>
        %slice3A_1097 = vector.extract_strided_slice %get3A_1096 {offsets = [0], sizes = [1], strides = [1]} : vector<16xf32> to vector<1xf32>
        %squeeze3A_1098 = vector.extract %slice3A_1097[0] : f32 from vector<1xf32>
        %get3A_1099 = arith.index_cast %add3A_1070 : i32 to index
        %get3A_1100 = tpu.vector_load %arg10[%get3A_1099] {strides = array<i32>} : memref<9232xf32, #tpu.memory_space<vmem>>, vector<16xf32>,
        %get3A_1101 = vector.shape_cast %get3A_1100 : vector<16xf32> to vector<16xf32>
        %slice3A_1102 = vector.extract_strided_slice %get3A_1101 {offsets = [0], sizes = [1], strides = [1]} : vector<16xf32> to vector<1xf32>
        %squeeze3A_1103 = vector.extract %slice3A_1102[0] : f32 from vector<1xf32>
        %get3A_1104 = arith.constant 0 : i32
        %get3A_1105 = arith.index_cast %get3A_1104 : i32 to index
        %get3A_1106 = arith.index_cast %scan3A_1067 : i32 to index
        %get3A_1107 = arith.constant 0 : index
        %get3A_1108 = tpu.vector_load %arg12[%get3A_1105, %get3A_1106, %get3A_1107] {strides = array<i32>} : memref<4x32x96xf32, #tpu.memory_space<vmem>>, vector<1x1x16xf32>,
        %get3A_1109 = vector.shape_cast %get3A_1108 : vector<1x1x16xf32> to vector<16xf32>
        %mul3A_1110 = vector.broadcast %squeeze3A_1077 : f32 to vector<16xf32>
        %mul3A_1111 = arith.mulf %get3A_1109, %mul3A_1110 : vector<16xf32>
        %get3A_1112 = arith.constant 1 : i32
        %get3A_1113 = arith.index_cast %get3A_1112 : i32 to index
        %get3A_1114 = arith.index_cast %scan3A_1067 : i32 to index
        %get3A_1115 = arith.constant 0 : index
        %get3A_1116 = tpu.vector_load %arg12[%get3A_1113, %get3A_1114, %get3A_1115] {strides = array<i32>} : memref<4x32x96xf32, #tpu.memory_space<vmem>>, vector<1x1x16xf32>,
        %get3A_1117 = vector.shape_cast %get3A_1116 : vector<1x1x16xf32> to vector<16xf32>
        %mul3A_1118 = vector.broadcast %squeeze3A_1084 : f32 to vector<16xf32>
        %mul3A_1119 = arith.mulf %get3A_1117, %mul3A_1118 : vector<16xf32>
        %add3A_1120 = arith.addf %mul3A_1111, %mul3A_1119 : vector<16xf32>
        %get3A_1121 = arith.constant 2 : i32
        %get3A_1122 = arith.index_cast %get3A_1121 : i32 to index
        %get3A_1123 = arith.index_cast %scan3A_1067 : i32 to index
        %get3A_1124 = arith.constant 0 : index
        %get3A_1125 = tpu.vector_load %arg12[%get3A_1122, %get3A_1123, %get3A_1124] {strides = array<i32>} : memref<4x32x96xf32, #tpu.memory_space<vmem>>, vector<1x1x16xf32>,
        %get3A_1126 = vector.shape_cast %get3A_1125 : vector<1x1x16xf32> to vector<16xf32>
        %mul3A_1127 = vector.broadcast %squeeze3A_1091 : f32 to vector<16xf32>
        %mul3A_1128 = arith.mulf %get3A_1126, %mul3A_1127 : vector<16xf32>
        %add3A_1129 = arith.addf %add3A_1120, %mul3A_1128 : vector<16xf32>
        %get3A_1130 = arith.constant 3 : i32
        %get3A_1131 = arith.index_cast %get3A_1130 : i32 to index
        %get3A_1132 = arith.index_cast %scan3A_1067 : i32 to index
        %get3A_1133 = arith.constant 0 : index
        %get3A_1134 = tpu.vector_load %arg12[%get3A_1131, %get3A_1132, %get3A_1133] {strides = array<i32>} : memref<4x32x96xf32, #tpu.memory_space<vmem>>, vector<1x1x16xf32>,
        %get3A_1135 = vector.shape_cast %get3A_1134 : vector<1x1x16xf32> to vector<16xf32>
        %mul3A_1136 = vector.broadcast %squeeze3A_1098 : f32 to vector<16xf32>
        %mul3A_1137 = arith.mulf %get3A_1135, %mul3A_1136 : vector<16xf32>
        %add3A_1138 = arith.addf %add3A_1129, %mul3A_1137 : vector<16xf32>
        %get3A_1139 = arith.index_cast %scan3A_1067 : i32 to index
        %get3A_1140 = arith.constant 0 : index
        %get3A_1141 = tpu.vector_load %arg14[%get3A_1139, %get3A_1140] {strides = array<i32>} : memref<32x128xf32, #tpu.memory_space<vmem>>, vector<1x16xf32>,
        %get3A_1142 = vector.shape_cast %get3A_1141 : vector<1x16xf32> to vector<16xf32>
        %mul3A_1143 = vector.broadcast %squeeze3A_1103 : f32 to vector<16xf32>
        %mul3A_1144 = arith.mulf %get3A_1142, %mul3A_1143 : vector<16xf32>
        %add3A_1145 = arith.addf %add3A_1138, %mul3A_1144 : vector<16xf32>
        %swap3A_1146 = arith.index_cast %scan3A_1067 : i32 to index
        %swap3A_1147 = arith.constant 0 : index
        %swap3A_1148 = tpu.vector_load %arg16[%swap3A_1146, %swap3A_1147] {strides = array<i32>} : memref<32x128xf32, #tpu.memory_space<vmem>>, vector<1x16xf32>,
        %swap3A_1149 = vector.shape_cast %swap3A_1148 : vector<1x16xf32> to vector<16xf32>
        %swap3A_1150 = vector.shape_cast %add3A_1145 : vector<16xf32> to vector<1x16xf32>
        tpu.vector_store %arg16[%swap3A_1146, %swap3A_1147], %swap3A_1150 {strides = array<i32>} : memref<32x128xf32, #tpu.memory_space<vmem>>, vector<1x16xf32>,
        %get3A_1151 = arith.constant 0 : i32
        %get3A_1152 = arith.index_cast %get3A_1151 : i32 to index
        %get3A_1153 = arith.index_cast %scan3A_1067 : i32 to index
        %get3A_1154 = arith.constant 16 : index
        %get3A_1155 = tpu.vector_load %arg12[%get3A_1152, %get3A_1153, %get3A_1154] {strides = array<i32>} : memref<4x32x96xf32, #tpu.memory_space<vmem>>, vector<1x1x16xf32>,
        %get3A_1156 = vector.shape_cast %get3A_1155 : vector<1x1x16xf32> to vector<16xf32>
        %mul3A_1157 = vector.broadcast %squeeze3A_1077 : f32 to vector<16xf32>
        %mul3A_1158 = arith.mulf %get3A_1156, %mul3A_1157 : vector<16xf32>
        %get3A_1159 = arith.constant 1 : i32
        %get3A_1160 = arith.index_cast %get3A_1159 : i32 to index
        %get3A_1161 = arith.index_cast %scan3A_1067 : i32 to index
        %get3A_1162 = arith.constant 16 : index
        %get3A_1163 = tpu.vector_load %arg12[%get3A_1160, %get3A_1161, %get3A_1162] {strides = array<i32>} : memref<4x32x96xf32, #tpu.memory_space<vmem>>, vector<1x1x16xf32>,
        %get3A_1164 = vector.shape_cast %get3A_1163 : vector<1x1x16xf32> to vector<16xf32>
        %mul3A_1165 = vector.broadcast %squeeze3A_1084 : f32 to vector<16xf32>
        %mul3A_1166 = arith.mulf %get3A_1164, %mul3A_1165 : vector<16xf32>
        %add3A_1167 = arith.addf %mul3A_1158, %mul3A_1166 : vector<16xf32>
        %get3A_1168 = arith.constant 2 : i32
        %get3A_1169 = arith.index_cast %get3A_1168 : i32 to index
        %get3A_1170 = arith.index_cast %scan3A_1067 : i32 to index
        %get3A_1171 = arith.constant 16 : index
        %get3A_1172 = tpu.vector_load %arg12[%get3A_1169, %get3A_1170, %get3A_1171] {strides = array<i32>} : memref<4x32x96xf32, #tpu.memory_space<vmem>>, vector<1x1x16xf32>,
        %get3A_1173 = vector.shape_cast %get3A_1172 : vector<1x1x16xf32> to vector<16xf32>
        %mul3A_1174 = vector.broadcast %squeeze3A_1091 : f32 to vector<16xf32>
        %mul3A_1175 = arith.mulf %get3A_1173, %mul3A_1174 : vector<16xf32>
        %add3A_1176 = arith.addf %add3A_1167, %mul3A_1175 : vector<16xf32>
        %get3A_1177 = arith.constant 3 : i32
        %get3A_1178 = arith.index_cast %get3A_1177 : i32 to index
        %get3A_1179 = arith.index_cast %scan3A_1067 : i32 to index
        %get3A_1180 = arith.constant 16 : index
        %get3A_1181 = tpu.vector_load %arg12[%get3A_1178, %get3A_1179, %get3A_1180] {strides = array<i32>} : memref<4x32x96xf32, #tpu.memory_space<vmem>>, vector<1x1x16xf32>,
        %get3A_1182 = vector.shape_cast %get3A_1181 : vector<1x1x16xf32> to vector<16xf32>
        %mul3A_1183 = vector.broadcast %squeeze3A_1098 : f32 to vector<16xf32>
        %mul3A_1184 = arith.mulf %get3A_1182, %mul3A_1183 : vector<16xf32>
        %add3A_1185 = arith.addf %add3A_1176, %mul3A_1184 : vector<16xf32>
        %get3A_1186 = arith.index_cast %scan3A_1067 : i32 to index
        %get3A_1187 = arith.constant 16 : index
        %get3A_1188 = tpu.vector_load %arg14[%get3A_1186, %get3A_1187] {strides = array<i32>} : memref<32x128xf32, #tpu.memory_space<vmem>>, vector<1x16xf32>,
        %get3A_1189 = vector.shape_cast %get3A_1188 : vector<1x16xf32> to vector<16xf32>
        %mul3A_1190 = vector.broadcast %squeeze3A_1103 : f32 to vector<16xf32>
        %mul3A_1191 = arith.mulf %get3A_1189, %mul3A_1190 : vector<16xf32>
        %add3A_1192 = arith.addf %add3A_1185, %mul3A_1191 : vector<16xf32>
        %swap3A_1193 = arith.index_cast %scan3A_1067 : i32 to index
        %swap3A_1194 = arith.constant 16 : index
        %swap3A_1195 = tpu.vector_load %arg16[%swap3A_1193, %swap3A_1194] {strides = array<i32>} : memref<32x128xf32, #tpu.memory_space<vmem>>, vector<1x16xf32>,
        %swap3A_1196 = vector.shape_cast %swap3A_1195 : vector<1x16xf32> to vector<16xf32>
        %swap3A_1197 = vector.shape_cast %add3A_1192 : vector<16xf32> to vector<1x16xf32>
        tpu.vector_store %arg16[%swap3A_1193, %swap3A_1194], %swap3A_1197 {strides = array<i32>} : memref<32x128xf32, #tpu.memory_space<vmem>>, vector<1x16xf32>,
        %get3A_1198 = arith.constant 0 : i32
        %get3A_1199 = arith.index_cast %get3A_1198 : i32 to index
        %get3A_1200 = arith.index_cast %scan3A_1067 : i32 to index
        %get3A_1201 = arith.constant 32 : index
        %get3A_1202 = tpu.vector_load %arg12[%get3A_1199, %get3A_1200, %get3A_1201] {strides = array<i32>} : memref<4x32x96xf32, #tpu.memory_space<vmem>>, vector<1x1x16xf32>,
        %get3A_1203 = vector.shape_cast %get3A_1202 : vector<1x1x16xf32> to vector<16xf32>
        %mul3A_1204 = vector.broadcast %squeeze3A_1077 : f32 to vector<16xf32>
        %mul3A_1205 = arith.mulf %get3A_1203, %mul3A_1204 : vector<16xf32>
        %get3A_1206 = arith.constant 1 : i32
        %get3A_1207 = arith.index_cast %get3A_1206 : i32 to index
        %get3A_1208 = arith.index_cast %scan3A_1067 : i32 to index
        %get3A_1209 = arith.constant 32 : index
        %get3A_1210 = tpu.vector_load %arg12[%get3A_1207, %get3A_1208, %get3A_1209] {strides = array<i32>} : memref<4x32x96xf32, #tpu.memory_space<vmem>>, vector<1x1x16xf32>,
        %get3A_1211 = vector.shape_cast %get3A_1210 : vector<1x1x16xf32> to vector<16xf32>
        %mul3A_1212 = vector.broadcast %squeeze3A_1084 : f32 to vector<16xf32>
        %mul3A_1213 = arith.mulf %get3A_1211, %mul3A_1212 : vector<16xf32>
        %add3A_1214 = arith.addf %mul3A_1205, %mul3A_1213 : vector<16xf32>
        %get3A_1215 = arith.constant 2 : i32
        %get3A_1216 = arith.index_cast %get3A_1215 : i32 to index
        %get3A_1217 = arith.index_cast %scan3A_1067 : i32 to index
        %get3A_1218 = arith.constant 32 : index
        %get3A_1219 = tpu.vector_load %arg12[%get3A_1216, %get3A_1217, %get3A_1218] {strides = array<i32>} : memref<4x32x96xf32, #tpu.memory_space<vmem>>, vector<1x1x16xf32>,
        %get3A_1220 = vector.shape_cast %get3A_1219 : vector<1x1x16xf32> to vector<16xf32>
        %mul3A_1221 = vector.broadcast %squeeze3A_1091 : f32 to vector<16xf32>
        %mul3A_1222 = arith.mulf %get3A_1220, %mul3A_1221 : vector<16xf32>
        %add3A_1223 = arith.addf %add3A_1214, %mul3A_1222 : vector<16xf32>
        %get3A_1224 = arith.constant 3 : i32
        %get3A_1225 = arith.index_cast %get3A_1224 : i32 to index
        %get3A_1226 = arith.index_cast %scan3A_1067 : i32 to index
        %get3A_1227 = arith.constant 32 : index
        %get3A_1228 = tpu.vector_load %arg12[%get3A_1225, %get3A_1226, %get3A_1227] {strides = array<i32>} : memref<4x32x96xf32, #tpu.memory_space<vmem>>, vector<1x1x16xf32>,
        %get3A_1229 = vector.shape_cast %get3A_1228 : vector<1x1x16xf32> to vector<16xf32>
        %mul3A_1230 = vector.broadcast %squeeze3A_1098 : f32 to vector<16xf32>
        %mul3A_1231 = arith.mulf %get3A_1229, %mul3A_1230 : vector<16xf32>
        %add3A_1232 = arith.addf %add3A_1223, %mul3A_1231 : vector<16xf32>
        %get3A_1233 = arith.index_cast %scan3A_1067 : i32 to index
        %get3A_1234 = arith.constant 32 : index
        %get3A_1235 = tpu.vector_load %arg14[%get3A_1233, %get3A_1234] {strides = array<i32>} : memref<32x128xf32, #tpu.memory_space<vmem>>, vector<1x16xf32>,
        %get3A_1236 = vector.shape_cast %get3A_1235 : vector<1x16xf32> to vector<16xf32>
        %mul3A_1237 = vector.broadcast %squeeze3A_1103 : f32 to vector<16xf32>
        %mul3A_1238 = arith.mulf %get3A_1236, %mul3A_1237 : vector<16xf32>
        %add3A_1239 = arith.addf %add3A_1232, %mul3A_1238 : vector<16xf32>
        %swap3A_1240 = arith.index_cast %scan3A_1067 : i32 to index
        %swap3A_1241 = arith.constant 32 : index
        %swap3A_1242 = tpu.vector_load %arg16[%swap3A_1240, %swap3A_1241] {strides = array<i32>} : memref<32x128xf32, #tpu.memory_space<vmem>>, vector<1x16xf32>,
        %swap3A_1243 = vector.shape_cast %swap3A_1242 : vector<1x16xf32> to vector<16xf32>
        %swap3A_1244 = vector.shape_cast %add3A_1239 : vector<16xf32> to vector<1x16xf32>
        tpu.vector_store %arg16[%swap3A_1240, %swap3A_1241], %swap3A_1244 {strides = array<i32>} : memref<32x128xf32, #tpu.memory_space<vmem>>, vector<1x16xf32>,
        %get3A_1245 = arith.constant 0 : i32
        %get3A_1246 = arith.index_cast %get3A_1245 : i32 to index
        %get3A_1247 = arith.index_cast %scan3A_1067 : i32 to index
        %get3A_1248 = arith.constant 48 : index
        %get3A_1249 = tpu.vector_load %arg12[%get3A_1246, %get3A_1247, %get3A_1248] {strides = array<i32>} : memref<4x32x96xf32, #tpu.memory_space<vmem>>, vector<1x1x16xf32>,
        %get3A_1250 = vector.shape_cast %get3A_1249 : vector<1x1x16xf32> to vector<16xf32>
        %mul3A_1251 = vector.broadcast %squeeze3A_1077 : f32 to vector<16xf32>
        %mul3A_1252 = arith.mulf %get3A_1250, %mul3A_1251 : vector<16xf32>
        %get3A_1253 = arith.constant 1 : i32
        %get3A_1254 = arith.index_cast %get3A_1253 : i32 to index
        %get3A_1255 = arith.index_cast %scan3A_1067 : i32 to index
        %get3A_1256 = arith.constant 48 : index
        %get3A_1257 = tpu.vector_load %arg12[%get3A_1254, %get3A_1255, %get3A_1256] {strides = array<i32>} : memref<4x32x96xf32, #tpu.memory_space<vmem>>, vector<1x1x16xf32>,
        %get3A_1258 = vector.shape_cast %get3A_1257 : vector<1x1x16xf32> to vector<16xf32>
        %mul3A_1259 = vector.broadcast %squeeze3A_1084 : f32 to vector<16xf32>
        %mul3A_1260 = arith.mulf %get3A_1258, %mul3A_1259 : vector<16xf32>
        %add3A_1261 = arith.addf %mul3A_1252, %mul3A_1260 : vector<16xf32>
        %get3A_1262 = arith.constant 2 : i32
        %get3A_1263 = arith.index_cast %get3A_1262 : i32 to index
        %get3A_1264 = arith.index_cast %scan3A_1067 : i32 to index
        %get3A_1265 = arith.constant 48 : index
        %get3A_1266 = tpu.vector_load %arg12[%get3A_1263, %get3A_1264, %get3A_1265] {strides = array<i32>} : memref<4x32x96xf32, #tpu.memory_space<vmem>>, vector<1x1x16xf32>,
        %get3A_1267 = vector.shape_cast %get3A_1266 : vector<1x1x16xf32> to vector<16xf32>
        %mul3A_1268 = vector.broadcast %squeeze3A_1091 : f32 to vector<16xf32>
        %mul3A_1269 = arith.mulf %get3A_1267, %mul3A_1268 : vector<16xf32>
        %add3A_1270 = arith.addf %add3A_1261, %mul3A_1269 : vector<16xf32>
        %get3A_1271 = arith.constant 3 : i32
        %get3A_1272 = arith.index_cast %get3A_1271 : i32 to index
        %get3A_1273 = arith.index_cast %scan3A_1067 : i32 to index
        %get3A_1274 = arith.constant 48 : index
        %get3A_1275 = tpu.vector_load %arg12[%get3A_1272, %get3A_1273, %get3A_1274] {strides = array<i32>} : memref<4x32x96xf32, #tpu.memory_space<vmem>>, vector<1x1x16xf32>,
        %get3A_1276 = vector.shape_cast %get3A_1275 : vector<1x1x16xf32> to vector<16xf32>
        %mul3A_1277 = vector.broadcast %squeeze3A_1098 : f32 to vector<16xf32>
        %mul3A_1278 = arith.mulf %get3A_1276, %mul3A_1277 : vector<16xf32>
        %add3A_1279 = arith.addf %add3A_1270, %mul3A_1278 : vector<16xf32>
        %get3A_1280 = arith.index_cast %scan3A_1067 : i32 to index
        %get3A_1281 = arith.constant 48 : index
        %get3A_1282 = tpu.vector_load %arg14[%get3A_1280, %get3A_1281] {strides = array<i32>} : memref<32x128xf32, #tpu.memory_space<vmem>>, vector<1x16xf32>,
        %get3A_1283 = vector.shape_cast %get3A_1282 : vector<1x16xf32> to vector<16xf32>
        %mul3A_1284 = vector.broadcast %squeeze3A_1103 : f32 to vector<16xf32>
        %mul3A_1285 = arith.mulf %get3A_1283, %mul3A_1284 : vector<16xf32>
        %add3A_1286 = arith.addf %add3A_1279, %mul3A_1285 : vector<16xf32>
        %swap3A_1287 = arith.index_cast %scan3A_1067 : i32 to index
        %swap3A_1288 = arith.constant 48 : index
        %swap3A_1289 = tpu.vector_load %arg16[%swap3A_1287, %swap3A_1288] {strides = array<i32>} : memref<32x128xf32, #tpu.memory_space<vmem>>, vector<1x16xf32>,
        %swap3A_1290 = vector.shape_cast %swap3A_1289 : vector<1x16xf32> to vector<16xf32>
        %swap3A_1291 = vector.shape_cast %add3A_1286 : vector<16xf32> to vector<1x16xf32>
        tpu.vector_store %arg16[%swap3A_1287, %swap3A_1288], %swap3A_1291 {strides = array<i32>} : memref<32x128xf32, #tpu.memory_space<vmem>>, vector<1x16xf32>,
        %get3A_1292 = arith.constant 0 : i32
        %get3A_1293 = arith.index_cast %get3A_1292 : i32 to index
        %get3A_1294 = arith.index_cast %scan3A_1067 : i32 to index
        %get3A_1295 = arith.constant 64 : index
        %get3A_1296 = tpu.vector_load %arg12[%get3A_1293, %get3A_1294, %get3A_1295] {strides = array<i32>} : memref<4x32x96xf32, #tpu.memory_space<vmem>>, vector<1x1x16xf32>,
        %get3A_1297 = vector.shape_cast %get3A_1296 : vector<1x1x16xf32> to vector<16xf32>
        %mul3A_1298 = vector.broadcast %squeeze3A_1077 : f32 to vector<16xf32>
        %mul3A_1299 = arith.mulf %get3A_1297, %mul3A_1298 : vector<16xf32>
        %get3A_1300 = arith.constant 1 : i32
        %get3A_1301 = arith.index_cast %get3A_1300 : i32 to index
        %get3A_1302 = arith.index_cast %scan3A_1067 : i32 to index
        %get3A_1303 = arith.constant 64 : index
        %get3A_1304 = tpu.vector_load %arg12[%get3A_1301, %get3A_1302, %get3A_1303] {strides = array<i32>} : memref<4x32x96xf32, #tpu.memory_space<vmem>>, vector<1x1x16xf32>,
        %get3A_1305 = vector.shape_cast %get3A_1304 : vector<1x1x16xf32> to vector<16xf32>
        %mul3A_1306 = vector.broadcast %squeeze3A_1084 : f32 to vector<16xf32>
        %mul3A_1307 = arith.mulf %get3A_1305, %mul3A_1306 : vector<16xf32>
        %add3A_1308 = arith.addf %mul3A_1299, %mul3A_1307 : vector<16xf32>
        %get3A_1309 = arith.constant 2 : i32
        %get3A_1310 = arith.index_cast %get3A_1309 : i32 to index
        %get3A_1311 = arith.index_cast %scan3A_1067 : i32 to index
        %get3A_1312 = arith.constant 64 : index
        %get3A_1313 = tpu.vector_load %arg12[%get3A_1310, %get3A_1311, %get3A_1312] {strides = array<i32>} : memref<4x32x96xf32, #tpu.memory_space<vmem>>, vector<1x1x16xf32>,
        %get3A_1314 = vector.shape_cast %get3A_1313 : vector<1x1x16xf32> to vector<16xf32>
        %mul3A_1315 = vector.broadcast %squeeze3A_1091 : f32 to vector<16xf32>
        %mul3A_1316 = arith.mulf %get3A_1314, %mul3A_1315 : vector<16xf32>
        %add3A_1317 = arith.addf %add3A_1308, %mul3A_1316 : vector<16xf32>
        %get3A_1318 = arith.constant 3 : i32
        %get3A_1319 = arith.index_cast %get3A_1318 : i32 to index
        %get3A_1320 = arith.index_cast %scan3A_1067 : i32 to index
        %get3A_1321 = arith.constant 64 : index
        %get3A_1322 = tpu.vector_load %arg12[%get3A_1319, %get3A_1320, %get3A_1321] {strides = array<i32>} : memref<4x32x96xf32, #tpu.memory_space<vmem>>, vector<1x1x16xf32>,
        %get3A_1323 = vector.shape_cast %get3A_1322 : vector<1x1x16xf32> to vector<16xf32>
        %mul3A_1324 = vector.broadcast %squeeze3A_1098 : f32 to vector<16xf32>
        %mul3A_1325 = arith.mulf %get3A_1323, %mul3A_1324 : vector<16xf32>
        %add3A_1326 = arith.addf %add3A_1317, %mul3A_1325 : vector<16xf32>
        %get3A_1327 = arith.index_cast %scan3A_1067 : i32 to index
        %get3A_1328 = arith.constant 64 : index
        %get3A_1329 = tpu.vector_load %arg14[%get3A_1327, %get3A_1328] {strides = array<i32>} : memref<32x128xf32, #tpu.memory_space<vmem>>, vector<1x16xf32>,
        %get3A_1330 = vector.shape_cast %get3A_1329 : vector<1x16xf32> to vector<16xf32>
        %mul3A_1331 = vector.broadcast %squeeze3A_1103 : f32 to vector<16xf32>
        %mul3A_1332 = arith.mulf %get3A_1330, %mul3A_1331 : vector<16xf32>
        %add3A_1333 = arith.addf %add3A_1326, %mul3A_1332 : vector<16xf32>
        %swap3A_1334 = arith.index_cast %scan3A_1067 : i32 to index
        %swap3A_1335 = arith.constant 64 : index
        %swap3A_1336 = tpu.vector_load %arg16[%swap3A_1334, %swap3A_1335] {strides = array<i32>} : memref<32x128xf32, #tpu.memory_space<vmem>>, vector<1x16xf32>,
        %swap3A_1337 = vector.shape_cast %swap3A_1336 : vector<1x16xf32> to vector<16xf32>
        %swap3A_1338 = vector.shape_cast %add3A_1333 : vector<16xf32> to vector<1x16xf32>
        tpu.vector_store %arg16[%swap3A_1334, %swap3A_1335], %swap3A_1338 {strides = array<i32>} : memref<32x128xf32, #tpu.memory_space<vmem>>, vector<1x16xf32>,
        %get3A_1339 = arith.constant 0 : i32
        %get3A_1340 = arith.index_cast %get3A_1339 : i32 to index
        %get3A_1341 = arith.index_cast %scan3A_1067 : i32 to index
        %get3A_1342 = arith.constant 80 : index
        %get3A_1343 = tpu.vector_load %arg12[%get3A_1340, %get3A_1341, %get3A_1342] {strides = array<i32>} : memref<4x32x96xf32, #tpu.memory_space<vmem>>, vector<1x1x16xf32>,
        %get3A_1344 = vector.shape_cast %get3A_1343 : vector<1x1x16xf32> to vector<16xf32>
        %mul3A_1345 = vector.broadcast %squeeze3A_1077 : f32 to vector<16xf32>
        %mul3A_1346 = arith.mulf %get3A_1344, %mul3A_1345 : vector<16xf32>
        %get3A_1347 = arith.constant 1 : i32
        %get3A_1348 = arith.index_cast %get3A_1347 : i32 to index
        %get3A_1349 = arith.index_cast %scan3A_1067 : i32 to index
        %get3A_1350 = arith.constant 80 : index
        %get3A_1351 = tpu.vector_load %arg12[%get3A_1348, %get3A_1349, %get3A_1350] {strides = array<i32>} : memref<4x32x96xf32, #tpu.memory_space<vmem>>, vector<1x1x16xf32>,
        %get3A_1352 = vector.shape_cast %get3A_1351 : vector<1x1x16xf32> to vector<16xf32>
        %mul3A_1353 = vector.broadcast %squeeze3A_1084 : f32 to vector<16xf32>
        %mul3A_1354 = arith.mulf %get3A_1352, %mul3A_1353 : vector<16xf32>
        %add3A_1355 = arith.addf %mul3A_1346, %mul3A_1354 : vector<16xf32>
        %get3A_1356 = arith.constant 2 : i32
        %get3A_1357 = arith.index_cast %get3A_1356 : i32 to index
        %get3A_1358 = arith.index_cast %scan3A_1067 : i32 to index
        %get3A_1359 = arith.constant 80 : index
        %get3A_1360 = tpu.vector_load %arg12[%get3A_1357, %get3A_1358, %get3A_1359] {strides = array<i32>} : memref<4x32x96xf32, #tpu.memory_space<vmem>>, vector<1x1x16xf32>,
        %get3A_1361 = vector.shape_cast %get3A_1360 : vector<1x1x16xf32> to vector<16xf32>
        %mul3A_1362 = vector.broadcast %squeeze3A_1091 : f32 to vector<16xf32>
        %mul3A_1363 = arith.mulf %get3A_1361, %mul3A_1362 : vector<16xf32>
        %add3A_1364 = arith.addf %add3A_1355, %mul3A_1363 : vector<16xf32>
        %get3A_1365 = arith.constant 3 : i32
        %get3A_1366 = arith.index_cast %get3A_1365 : i32 to index
        %get3A_1367 = arith.index_cast %scan3A_1067 : i32 to index
        %get3A_1368 = arith.constant 80 : index
        %get3A_1369 = tpu.vector_load %arg12[%get3A_1366, %get3A_1367, %get3A_1368] {strides = array<i32>} : memref<4x32x96xf32, #tpu.memory_space<vmem>>, vector<1x1x16xf32>,
        %get3A_1370 = vector.shape_cast %get3A_1369 : vector<1x1x16xf32> to vector<16xf32>
        %mul3A_1371 = vector.broadcast %squeeze3A_1098 : f32 to vector<16xf32>
        %mul3A_1372 = arith.mulf %get3A_1370, %mul3A_1371 : vector<16xf32>
        %add3A_1373 = arith.addf %add3A_1364, %mul3A_1372 : vector<16xf32>
        %get3A_1374 = arith.index_cast %scan3A_1067 : i32 to index
        %get3A_1375 = arith.constant 80 : index
        %get3A_1376 = tpu.vector_load %arg14[%get3A_1374, %get3A_1375] {strides = array<i32>} : memref<32x128xf32, #tpu.memory_space<vmem>>, vector<1x16xf32>,
        %get3A_1377 = vector.shape_cast %get3A_1376 : vector<1x16xf32> to vector<16xf32>
        %mul3A_1378 = vector.broadcast %squeeze3A_1103 : f32 to vector<16xf32>
        %mul3A_1379 = arith.mulf %get3A_1377, %mul3A_1378 : vector<16xf32>
        %add3A_1380 = arith.addf %add3A_1373, %mul3A_1379 : vector<16xf32>
        %swap3A_1381 = arith.index_cast %scan3A_1067 : i32 to index
        %swap3A_1382 = arith.constant 80 : index
        %swap3A_1383 = tpu.vector_load %arg16[%swap3A_1381, %swap3A_1382] {strides = array<i32>} : memref<32x128xf32, #tpu.memory_space<vmem>>, vector<1x16xf32>,
        %swap3A_1384 = vector.shape_cast %swap3A_1383 : vector<1x16xf32> to vector<16xf32>
        %swap3A_1385 = vector.shape_cast %add3A_1380 : vector<16xf32> to vector<1x16xf32>
        tpu.vector_store %arg16[%swap3A_1381, %swap3A_1382], %swap3A_1385 {strides = array<i32>} : memref<32x128xf32, #tpu.memory_space<vmem>>, vector<1x16xf32>,
        %scan3A_1386 = arith.constant 3 : i32
        %scan3A_1387 = arith.addi %scan3A_431, %scan3A_1386 : i32
        %mul3A_1388 = arith.constant 32 : i32
        %mul3A_1389 = arith.muli %add3A_353, %mul3A_1388 : i32
        %add3A_1390 = arith.addi %mul3A_1389, %scan3A_1387 : i32
        %get3A_1391 = arith.constant 0 : i32
        %get3A_1392 = arith.index_cast %get3A_1391 : i32 to index
        %get3A_1393 = arith.index_cast %add3A_1390 : i32 to index
        %get3A_1394 = tpu.vector_load %arg9[%get3A_1392, %get3A_1393] {strides = array<i32>} : memref<4x9232xf32, #tpu.memory_space<vmem>>, vector<1x16xf32>,
        %get3A_1395 = vector.shape_cast %get3A_1394 : vector<1x16xf32> to vector<16xf32>
        %slice3A_1396 = vector.extract_strided_slice %get3A_1395 {offsets = [0], sizes = [1], strides = [1]} : vector<16xf32> to vector<1xf32>
        %squeeze3A_1397 = vector.extract %slice3A_1396[0] : f32 from vector<1xf32>
        %get3A_1398 = arith.constant 1 : i32
        %get3A_1399 = arith.index_cast %get3A_1398 : i32 to index
        %get3A_1400 = arith.index_cast %add3A_1390 : i32 to index
        %get3A_1401 = tpu.vector_load %arg9[%get3A_1399, %get3A_1400] {strides = array<i32>} : memref<4x9232xf32, #tpu.memory_space<vmem>>, vector<1x16xf32>,
        %get3A_1402 = vector.shape_cast %get3A_1401 : vector<1x16xf32> to vector<16xf32>
        %slice3A_1403 = vector.extract_strided_slice %get3A_1402 {offsets = [0], sizes = [1], strides = [1]} : vector<16xf32> to vector<1xf32>
        %squeeze3A_1404 = vector.extract %slice3A_1403[0] : f32 from vector<1xf32>
        %get3A_1405 = arith.constant 2 : i32
        %get3A_1406 = arith.index_cast %get3A_1405 : i32 to index
        %get3A_1407 = arith.index_cast %add3A_1390 : i32 to index
        %get3A_1408 = tpu.vector_load %arg9[%get3A_1406, %get3A_1407] {strides = array<i32>} : memref<4x9232xf32, #tpu.memory_space<vmem>>, vector<1x16xf32>,
        %get3A_1409 = vector.shape_cast %get3A_1408 : vector<1x16xf32> to vector<16xf32>
        %slice3A_1410 = vector.extract_strided_slice %get3A_1409 {offsets = [0], sizes = [1], strides = [1]} : vector<16xf32> to vector<1xf32>
        %squeeze3A_1411 = vector.extract %slice3A_1410[0] : f32 from vector<1xf32>
        %get3A_1412 = arith.constant 3 : i32
        %get3A_1413 = arith.index_cast %get3A_1412 : i32 to index
        %get3A_1414 = arith.index_cast %add3A_1390 : i32 to index
        %get3A_1415 = tpu.vector_load %arg9[%get3A_1413, %get3A_1414] {strides = array<i32>} : memref<4x9232xf32, #tpu.memory_space<vmem>>, vector<1x16xf32>,
        %get3A_1416 = vector.shape_cast %get3A_1415 : vector<1x16xf32> to vector<16xf32>
        %slice3A_1417 = vector.extract_strided_slice %get3A_1416 {offsets = [0], sizes = [1], strides = [1]} : vector<16xf32> to vector<1xf32>
        %squeeze3A_1418 = vector.extract %slice3A_1417[0] : f32 from vector<1xf32>
        %get3A_1419 = arith.index_cast %add3A_1390 : i32 to index
        %get3A_1420 = tpu.vector_load %arg10[%get3A_1419] {strides = array<i32>} : memref<9232xf32, #tpu.memory_space<vmem>>, vector<16xf32>,
        %get3A_1421 = vector.shape_cast %get3A_1420 : vector<16xf32> to vector<16xf32>
        %slice3A_1422 = vector.extract_strided_slice %get3A_1421 {offsets = [0], sizes = [1], strides = [1]} : vector<16xf32> to vector<1xf32>
        %squeeze3A_1423 = vector.extract %slice3A_1422[0] : f32 from vector<1xf32>
        %get3A_1424 = arith.constant 0 : i32
        %get3A_1425 = arith.index_cast %get3A_1424 : i32 to index
        %get3A_1426 = arith.index_cast %scan3A_1387 : i32 to index
        %get3A_1427 = arith.constant 0 : index
        %get3A_1428 = tpu.vector_load %arg12[%get3A_1425, %get3A_1426, %get3A_1427] {strides = array<i32>} : memref<4x32x96xf32, #tpu.memory_space<vmem>>, vector<1x1x16xf32>,
        %get3A_1429 = vector.shape_cast %get3A_1428 : vector<1x1x16xf32> to vector<16xf32>
        %mul3A_1430 = vector.broadcast %squeeze3A_1397 : f32 to vector<16xf32>
        %mul3A_1431 = arith.mulf %get3A_1429, %mul3A_1430 : vector<16xf32>
        %get3A_1432 = arith.constant 1 : i32
        %get3A_1433 = arith.index_cast %get3A_1432 : i32 to index
        %get3A_1434 = arith.index_cast %scan3A_1387 : i32 to index
        %get3A_1435 = arith.constant 0 : index
        %get3A_1436 = tpu.vector_load %arg12[%get3A_1433, %get3A_1434, %get3A_1435] {strides = array<i32>} : memref<4x32x96xf32, #tpu.memory_space<vmem>>, vector<1x1x16xf32>,
        %get3A_1437 = vector.shape_cast %get3A_1436 : vector<1x1x16xf32> to vector<16xf32>
        %mul3A_1438 = vector.broadcast %squeeze3A_1404 : f32 to vector<16xf32>
        %mul3A_1439 = arith.mulf %get3A_1437, %mul3A_1438 : vector<16xf32>
        %add3A_1440 = arith.addf %mul3A_1431, %mul3A_1439 : vector<16xf32>
        %get3A_1441 = arith.constant 2 : i32
        %get3A_1442 = arith.index_cast %get3A_1441 : i32 to index
        %get3A_1443 = arith.index_cast %scan3A_1387 : i32 to index
        %get3A_1444 = arith.constant 0 : index
        %get3A_1445 = tpu.vector_load %arg12[%get3A_1442, %get3A_1443, %get3A_1444] {strides = array<i32>} : memref<4x32x96xf32, #tpu.memory_space<vmem>>, vector<1x1x16xf32>,
        %get3A_1446 = vector.shape_cast %get3A_1445 : vector<1x1x16xf32> to vector<16xf32>
        %mul3A_1447 = vector.broadcast %squeeze3A_1411 : f32 to vector<16xf32>
        %mul3A_1448 = arith.mulf %get3A_1446, %mul3A_1447 : vector<16xf32>
        %add3A_1449 = arith.addf %add3A_1440, %mul3A_1448 : vector<16xf32>
        %get3A_1450 = arith.constant 3 : i32
        %get3A_1451 = arith.index_cast %get3A_1450 : i32 to index
        %get3A_1452 = arith.index_cast %scan3A_1387 : i32 to index
        %get3A_1453 = arith.constant 0 : index
        %get3A_1454 = tpu.vector_load %arg12[%get3A_1451, %get3A_1452, %get3A_1453] {strides = array<i32>} : memref<4x32x96xf32, #tpu.memory_space<vmem>>, vector<1x1x16xf32>,
        %get3A_1455 = vector.shape_cast %get3A_1454 : vector<1x1x16xf32> to vector<16xf32>
        %mul3A_1456 = vector.broadcast %squeeze3A_1418 : f32 to vector<16xf32>
        %mul3A_1457 = arith.mulf %get3A_1455, %mul3A_1456 : vector<16xf32>
        %add3A_1458 = arith.addf %add3A_1449, %mul3A_1457 : vector<16xf32>
        %get3A_1459 = arith.index_cast %scan3A_1387 : i32 to index
        %get3A_1460 = arith.constant 0 : index
        %get3A_1461 = tpu.vector_load %arg14[%get3A_1459, %get3A_1460] {strides = array<i32>} : memref<32x128xf32, #tpu.memory_space<vmem>>, vector<1x16xf32>,
        %get3A_1462 = vector.shape_cast %get3A_1461 : vector<1x16xf32> to vector<16xf32>
        %mul3A_1463 = vector.broadcast %squeeze3A_1423 : f32 to vector<16xf32>
        %mul3A_1464 = arith.mulf %get3A_1462, %mul3A_1463 : vector<16xf32>
        %add3A_1465 = arith.addf %add3A_1458, %mul3A_1464 : vector<16xf32>
        %swap3A_1466 = arith.index_cast %scan3A_1387 : i32 to index
        %swap3A_1467 = arith.constant 0 : index
        %swap3A_1468 = tpu.vector_load %arg16[%swap3A_1466, %swap3A_1467] {strides = array<i32>} : memref<32x128xf32, #tpu.memory_space<vmem>>, vector<1x16xf32>,
        %swap3A_1469 = vector.shape_cast %swap3A_1468 : vector<1x16xf32> to vector<16xf32>
        %swap3A_1470 = vector.shape_cast %add3A_1465 : vector<16xf32> to vector<1x16xf32>
        tpu.vector_store %arg16[%swap3A_1466, %swap3A_1467], %swap3A_1470 {strides = array<i32>} : memref<32x128xf32, #tpu.memory_space<vmem>>, vector<1x16xf32>,
        %get3A_1471 = arith.constant 0 : i32
        %get3A_1472 = arith.index_cast %get3A_1471 : i32 to index
        %get3A_1473 = arith.index_cast %scan3A_1387 : i32 to index
        %get3A_1474 = arith.constant 16 : index
        %get3A_1475 = tpu.vector_load %arg12[%get3A_1472, %get3A_1473, %get3A_1474] {strides = array<i32>} : memref<4x32x96xf32, #tpu.memory_space<vmem>>, vector<1x1x16xf32>,
        %get3A_1476 = vector.shape_cast %get3A_1475 : vector<1x1x16xf32> to vector<16xf32>
        %mul3A_1477 = vector.broadcast %squeeze3A_1397 : f32 to vector<16xf32>
        %mul3A_1478 = arith.mulf %get3A_1476, %mul3A_1477 : vector<16xf32>
        %get3A_1479 = arith.constant 1 : i32
        %get3A_1480 = arith.index_cast %get3A_1479 : i32 to index
        %get3A_1481 = arith.index_cast %scan3A_1387 : i32 to index
        %get3A_1482 = arith.constant 16 : index
        %get3A_1483 = tpu.vector_load %arg12[%get3A_1480, %get3A_1481, %get3A_1482] {strides = array<i32>} : memref<4x32x96xf32, #tpu.memory_space<vmem>>, vector<1x1x16xf32>,
        %get3A_1484 = vector.shape_cast %get3A_1483 : vector<1x1x16xf32> to vector<16xf32>
        %mul3A_1485 = vector.broadcast %squeeze3A_1404 : f32 to vector<16xf32>
        %mul3A_1486 = arith.mulf %get3A_1484, %mul3A_1485 : vector<16xf32>
        %add3A_1487 = arith.addf %mul3A_1478, %mul3A_1486 : vector<16xf32>
        %get3A_1488 = arith.constant 2 : i32
        %get3A_1489 = arith.index_cast %get3A_1488 : i32 to index
        %get3A_1490 = arith.index_cast %scan3A_1387 : i32 to index
        %get3A_1491 = arith.constant 16 : index
        %get3A_1492 = tpu.vector_load %arg12[%get3A_1489, %get3A_1490, %get3A_1491] {strides = array<i32>} : memref<4x32x96xf32, #tpu.memory_space<vmem>>, vector<1x1x16xf32>,
        %get3A_1493 = vector.shape_cast %get3A_1492 : vector<1x1x16xf32> to vector<16xf32>
        %mul3A_1494 = vector.broadcast %squeeze3A_1411 : f32 to vector<16xf32>
        %mul3A_1495 = arith.mulf %get3A_1493, %mul3A_1494 : vector<16xf32>
        %add3A_1496 = arith.addf %add3A_1487, %mul3A_1495 : vector<16xf32>
        %get3A_1497 = arith.constant 3 : i32
        %get3A_1498 = arith.index_cast %get3A_1497 : i32 to index
        %get3A_1499 = arith.index_cast %scan3A_1387 : i32 to index
        %get3A_1500 = arith.constant 16 : index
        %get3A_1501 = tpu.vector_load %arg12[%get3A_1498, %get3A_1499, %get3A_1500] {strides = array<i32>} : memref<4x32x96xf32, #tpu.memory_space<vmem>>, vector<1x1x16xf32>,
        %get3A_1502 = vector.shape_cast %get3A_1501 : vector<1x1x16xf32> to vector<16xf32>
        %mul3A_1503 = vector.broadcast %squeeze3A_1418 : f32 to vector<16xf32>
        %mul3A_1504 = arith.mulf %get3A_1502, %mul3A_1503 : vector<16xf32>
        %add3A_1505 = arith.addf %add3A_1496, %mul3A_1504 : vector<16xf32>
        %get3A_1506 = arith.index_cast %scan3A_1387 : i32 to index
        %get3A_1507 = arith.constant 16 : index
        %get3A_1508 = tpu.vector_load %arg14[%get3A_1506, %get3A_1507] {strides = array<i32>} : memref<32x128xf32, #tpu.memory_space<vmem>>, vector<1x16xf32>,
        %get3A_1509 = vector.shape_cast %get3A_1508 : vector<1x16xf32> to vector<16xf32>
        %mul3A_1510 = vector.broadcast %squeeze3A_1423 : f32 to vector<16xf32>
        %mul3A_1511 = arith.mulf %get3A_1509, %mul3A_1510 : vector<16xf32>
        %add3A_1512 = arith.addf %add3A_1505, %mul3A_1511 : vector<16xf32>
        %swap3A_1513 = arith.index_cast %scan3A_1387 : i32 to index
        %swap3A_1514 = arith.constant 16 : index
        %swap3A_1515 = tpu.vector_load %arg16[%swap3A_1513, %swap3A_1514] {strides = array<i32>} : memref<32x128xf32, #tpu.memory_space<vmem>>, vector<1x16xf32>,
        %swap3A_1516 = vector.shape_cast %swap3A_1515 : vector<1x16xf32> to vector<16xf32>
        %swap3A_1517 = vector.shape_cast %add3A_1512 : vector<16xf32> to vector<1x16xf32>
        tpu.vector_store %arg16[%swap3A_1513, %swap3A_1514], %swap3A_1517 {strides = array<i32>} : memref<32x128xf32, #tpu.memory_space<vmem>>, vector<1x16xf32>,
        %get3A_1518 = arith.constant 0 : i32
        %get3A_1519 = arith.index_cast %get3A_1518 : i32 to index
        %get3A_1520 = arith.index_cast %scan3A_1387 : i32 to index
        %get3A_1521 = arith.constant 32 : index
        %get3A_1522 = tpu.vector_load %arg12[%get3A_1519, %get3A_1520, %get3A_1521] {strides = array<i32>} : memref<4x32x96xf32, #tpu.memory_space<vmem>>, vector<1x1x16xf32>,
        %get3A_1523 = vector.shape_cast %get3A_1522 : vector<1x1x16xf32> to vector<16xf32>
        %mul3A_1524 = vector.broadcast %squeeze3A_1397 : f32 to vector<16xf32>
        %mul3A_1525 = arith.mulf %get3A_1523, %mul3A_1524 : vector<16xf32>
        %get3A_1526 = arith.constant 1 : i32
        %get3A_1527 = arith.index_cast %get3A_1526 : i32 to index
        %get3A_1528 = arith.index_cast %scan3A_1387 : i32 to index
        %get3A_1529 = arith.constant 32 : index
        %get3A_1530 = tpu.vector_load %arg12[%get3A_1527, %get3A_1528, %get3A_1529] {strides = array<i32>} : memref<4x32x96xf32, #tpu.memory_space<vmem>>, vector<1x1x16xf32>,
        %get3A_1531 = vector.shape_cast %get3A_1530 : vector<1x1x16xf32> to vector<16xf32>
        %mul3A_1532 = vector.broadcast %squeeze3A_1404 : f32 to vector<16xf32>
        %mul3A_1533 = arith.mulf %get3A_1531, %mul3A_1532 : vector<16xf32>
        %add3A_1534 = arith.addf %mul3A_1525, %mul3A_1533 : vector<16xf32>
        %get3A_1535 = arith.constant 2 : i32
        %get3A_1536 = arith.index_cast %get3A_1535 : i32 to index
        %get3A_1537 = arith.index_cast %scan3A_1387 : i32 to index
        %get3A_1538 = arith.constant 32 : index
        %get3A_1539 = tpu.vector_load %arg12[%get3A_1536, %get3A_1537, %get3A_1538] {strides = array<i32>} : memref<4x32x96xf32, #tpu.memory_space<vmem>>, vector<1x1x16xf32>,
        %get3A_1540 = vector.shape_cast %get3A_1539 : vector<1x1x16xf32> to vector<16xf32>
        %mul3A_1541 = vector.broadcast %squeeze3A_1411 : f32 to vector<16xf32>
        %mul3A_1542 = arith.mulf %get3A_1540, %mul3A_1541 : vector<16xf32>
        %add3A_1543 = arith.addf %add3A_1534, %mul3A_1542 : vector<16xf32>
        %get3A_1544 = arith.constant 3 : i32
        %get3A_1545 = arith.index_cast %get3A_1544 : i32 to index
        %get3A_1546 = arith.index_cast %scan3A_1387 : i32 to index
        %get3A_1547 = arith.constant 32 : index
        %get3A_1548 = tpu.vector_load %arg12[%get3A_1545, %get3A_1546, %get3A_1547] {strides = array<i32>} : memref<4x32x96xf32, #tpu.memory_space<vmem>>, vector<1x1x16xf32>,
        %get3A_1549 = vector.shape_cast %get3A_1548 : vector<1x1x16xf32> to vector<16xf32>
        %mul3A_1550 = vector.broadcast %squeeze3A_1418 : f32 to vector<16xf32>
        %mul3A_1551 = arith.mulf %get3A_1549, %mul3A_1550 : vector<16xf32>
        %add3A_1552 = arith.addf %add3A_1543, %mul3A_1551 : vector<16xf32>
        %get3A_1553 = arith.index_cast %scan3A_1387 : i32 to index
        %get3A_1554 = arith.constant 32 : index
        %get3A_1555 = tpu.vector_load %arg14[%get3A_1553, %get3A_1554] {strides = array<i32>} : memref<32x128xf32, #tpu.memory_space<vmem>>, vector<1x16xf32>,
        %get3A_1556 = vector.shape_cast %get3A_1555 : vector<1x16xf32> to vector<16xf32>
        %mul3A_1557 = vector.broadcast %squeeze3A_1423 : f32 to vector<16xf32>
        %mul3A_1558 = arith.mulf %get3A_1556, %mul3A_1557 : vector<16xf32>
        %add3A_1559 = arith.addf %add3A_1552, %mul3A_1558 : vector<16xf32>
        %swap3A_1560 = arith.index_cast %scan3A_1387 : i32 to index
        %swap3A_1561 = arith.constant 32 : index
        %swap3A_1562 = tpu.vector_load %arg16[%swap3A_1560, %swap3A_1561] {strides = array<i32>} : memref<32x128xf32, #tpu.memory_space<vmem>>, vector<1x16xf32>,
        %swap3A_1563 = vector.shape_cast %swap3A_1562 : vector<1x16xf32> to vector<16xf32>
        %swap3A_1564 = vector.shape_cast %add3A_1559 : vector<16xf32> to vector<1x16xf32>
        tpu.vector_store %arg16[%swap3A_1560, %swap3A_1561], %swap3A_1564 {strides = array<i32>} : memref<32x128xf32, #tpu.memory_space<vmem>>, vector<1x16xf32>,
        %get3A_1565 = arith.constant 0 : i32
        %get3A_1566 = arith.index_cast %get3A_1565 : i32 to index
        %get3A_1567 = arith.index_cast %scan3A_1387 : i32 to index
        %get3A_1568 = arith.constant 48 : index
        %get3A_1569 = tpu.vector_load %arg12[%get3A_1566, %get3A_1567, %get3A_1568] {strides = array<i32>} : memref<4x32x96xf32, #tpu.memory_space<vmem>>, vector<1x1x16xf32>,
        %get3A_1570 = vector.shape_cast %get3A_1569 : vector<1x1x16xf32> to vector<16xf32>
        %mul3A_1571 = vector.broadcast %squeeze3A_1397 : f32 to vector<16xf32>
        %mul3A_1572 = arith.mulf %get3A_1570, %mul3A_1571 : vector<16xf32>
        %get3A_1573 = arith.constant 1 : i32
        %get3A_1574 = arith.index_cast %get3A_1573 : i32 to index
        %get3A_1575 = arith.index_cast %scan3A_1387 : i32 to index
        %get3A_1576 = arith.constant 48 : index
        %get3A_1577 = tpu.vector_load %arg12[%get3A_1574, %get3A_1575, %get3A_1576] {strides = array<i32>} : memref<4x32x96xf32, #tpu.memory_space<vmem>>, vector<1x1x16xf32>,
        %get3A_1578 = vector.shape_cast %get3A_1577 : vector<1x1x16xf32> to vector<16xf32>
        %mul3A_1579 = vector.broadcast %squeeze3A_1404 : f32 to vector<16xf32>
        %mul3A_1580 = arith.mulf %get3A_1578, %mul3A_1579 : vector<16xf32>
        %add3A_1581 = arith.addf %mul3A_1572, %mul3A_1580 : vector<16xf32>
        %get3A_1582 = arith.constant 2 : i32
        %get3A_1583 = arith.index_cast %get3A_1582 : i32 to index
        %get3A_1584 = arith.index_cast %scan3A_1387 : i32 to index
        %get3A_1585 = arith.constant 48 : index
        %get3A_1586 = tpu.vector_load %arg12[%get3A_1583, %get3A_1584, %get3A_1585] {strides = array<i32>} : memref<4x32x96xf32, #tpu.memory_space<vmem>>, vector<1x1x16xf32>,
        %get3A_1587 = vector.shape_cast %get3A_1586 : vector<1x1x16xf32> to vector<16xf32>
        %mul3A_1588 = vector.broadcast %squeeze3A_1411 : f32 to vector<16xf32>
        %mul3A_1589 = arith.mulf %get3A_1587, %mul3A_1588 : vector<16xf32>
        %add3A_1590 = arith.addf %add3A_1581, %mul3A_1589 : vector<16xf32>
        %get3A_1591 = arith.constant 3 : i32
        %get3A_1592 = arith.index_cast %get3A_1591 : i32 to index
        %get3A_1593 = arith.index_cast %scan3A_1387 : i32 to index
        %get3A_1594 = arith.constant 48 : index
        %get3A_1595 = tpu.vector_load %arg12[%get3A_1592, %get3A_1593, %get3A_1594] {strides = array<i32>} : memref<4x32x96xf32, #tpu.memory_space<vmem>>, vector<1x1x16xf32>,
        %get3A_1596 = vector.shape_cast %get3A_1595 : vector<1x1x16xf32> to vector<16xf32>
        %mul3A_1597 = vector.broadcast %squeeze3A_1418 : f32 to vector<16xf32>
        %mul3A_1598 = arith.mulf %get3A_1596, %mul3A_1597 : vector<16xf32>
        %add3A_1599 = arith.addf %add3A_1590, %mul3A_1598 : vector<16xf32>
        %get3A_1600 = arith.index_cast %scan3A_1387 : i32 to index
        %get3A_1601 = arith.constant 48 : index
        %get3A_1602 = tpu.vector_load %arg14[%get3A_1600, %get3A_1601] {strides = array<i32>} : memref<32x128xf32, #tpu.memory_space<vmem>>, vector<1x16xf32>,
        %get3A_1603 = vector.shape_cast %get3A_1602 : vector<1x16xf32> to vector<16xf32>
        %mul3A_1604 = vector.broadcast %squeeze3A_1423 : f32 to vector<16xf32>
        %mul3A_1605 = arith.mulf %get3A_1603, %mul3A_1604 : vector<16xf32>
        %add3A_1606 = arith.addf %add3A_1599, %mul3A_1605 : vector<16xf32>
        %swap3A_1607 = arith.index_cast %scan3A_1387 : i32 to index
        %swap3A_1608 = arith.constant 48 : index
        %swap3A_1609 = tpu.vector_load %arg16[%swap3A_1607, %swap3A_1608] {strides = array<i32>} : memref<32x128xf32, #tpu.memory_space<vmem>>, vector<1x16xf32>,
        %swap3A_1610 = vector.shape_cast %swap3A_1609 : vector<1x16xf32> to vector<16xf32>
        %swap3A_1611 = vector.shape_cast %add3A_1606 : vector<16xf32> to vector<1x16xf32>
        tpu.vector_store %arg16[%swap3A_1607, %swap3A_1608], %swap3A_1611 {strides = array<i32>} : memref<32x128xf32, #tpu.memory_space<vmem>>, vector<1x16xf32>,
        %get3A_1612 = arith.constant 0 : i32
        %get3A_1613 = arith.index_cast %get3A_1612 : i32 to index
        %get3A_1614 = arith.index_cast %scan3A_1387 : i32 to index
        %get3A_1615 = arith.constant 64 : index
        %get3A_1616 = tpu.vector_load %arg12[%get3A_1613, %get3A_1614, %get3A_1615] {strides = array<i32>} : memref<4x32x96xf32, #tpu.memory_space<vmem>>, vector<1x1x16xf32>,
        %get3A_1617 = vector.shape_cast %get3A_1616 : vector<1x1x16xf32> to vector<16xf32>
        %mul3A_1618 = vector.broadcast %squeeze3A_1397 : f32 to vector<16xf32>
        %mul3A_1619 = arith.mulf %get3A_1617, %mul3A_1618 : vector<16xf32>
        %get3A_1620 = arith.constant 1 : i32
        %get3A_1621 = arith.index_cast %get3A_1620 : i32 to index
        %get3A_1622 = arith.index_cast %scan3A_1387 : i32 to index
        %get3A_1623 = arith.constant 64 : index
        %get3A_1624 = tpu.vector_load %arg12[%get3A_1621, %get3A_1622, %get3A_1623] {strides = array<i32>} : memref<4x32x96xf32, #tpu.memory_space<vmem>>, vector<1x1x16xf32>,
        %get3A_1625 = vector.shape_cast %get3A_1624 : vector<1x1x16xf32> to vector<16xf32>
        %mul3A_1626 = vector.broadcast %squeeze3A_1404 : f32 to vector<16xf32>
        %mul3A_1627 = arith.mulf %get3A_1625, %mul3A_1626 : vector<16xf32>
        %add3A_1628 = arith.addf %mul3A_1619, %mul3A_1627 : vector<16xf32>
        %get3A_1629 = arith.constant 2 : i32
        %get3A_1630 = arith.index_cast %get3A_1629 : i32 to index
        %get3A_1631 = arith.index_cast %scan3A_1387 : i32 to index
        %get3A_1632 = arith.constant 64 : index
        %get3A_1633 = tpu.vector_load %arg12[%get3A_1630, %get3A_1631, %get3A_1632] {strides = array<i32>} : memref<4x32x96xf32, #tpu.memory_space<vmem>>, vector<1x1x16xf32>,
        %get3A_1634 = vector.shape_cast %get3A_1633 : vector<1x1x16xf32> to vector<16xf32>
        %mul3A_1635 = vector.broadcast %squeeze3A_1411 : f32 to vector<16xf32>
        %mul3A_1636 = arith.mulf %get3A_1634, %mul3A_1635 : vector<16xf32>
        %add3A_1637 = arith.addf %add3A_1628, %mul3A_1636 : vector<16xf32>
        %get3A_1638 = arith.constant 3 : i32
        %get3A_1639 = arith.index_cast %get3A_1638 : i32 to index
        %get3A_1640 = arith.index_cast %scan3A_1387 : i32 to index
        %get3A_1641 = arith.constant 64 : index
        %get3A_1642 = tpu.vector_load %arg12[%get3A_1639, %get3A_1640, %get3A_1641] {strides = array<i32>} : memref<4x32x96xf32, #tpu.memory_space<vmem>>, vector<1x1x16xf32>,
        %get3A_1643 = vector.shape_cast %get3A_1642 : vector<1x1x16xf32> to vector<16xf32>
        %mul3A_1644 = vector.broadcast %squeeze3A_1418 : f32 to vector<16xf32>
        %mul3A_1645 = arith.mulf %get3A_1643, %mul3A_1644 : vector<16xf32>
        %add3A_1646 = arith.addf %add3A_1637, %mul3A_1645 : vector<16xf32>
        %get3A_1647 = arith.index_cast %scan3A_1387 : i32 to index
        %get3A_1648 = arith.constant 64 : index
        %get3A_1649 = tpu.vector_load %arg14[%get3A_1647, %get3A_1648] {strides = array<i32>} : memref<32x128xf32, #tpu.memory_space<vmem>>, vector<1x16xf32>,
        %get3A_1650 = vector.shape_cast %get3A_1649 : vector<1x16xf32> to vector<16xf32>
        %mul3A_1651 = vector.broadcast %squeeze3A_1423 : f32 to vector<16xf32>
        %mul3A_1652 = arith.mulf %get3A_1650, %mul3A_1651 : vector<16xf32>
        %add3A_1653 = arith.addf %add3A_1646, %mul3A_1652 : vector<16xf32>
        %swap3A_1654 = arith.index_cast %scan3A_1387 : i32 to index
        %swap3A_1655 = arith.constant 64 : index
        %swap3A_1656 = tpu.vector_load %arg16[%swap3A_1654, %swap3A_1655] {strides = array<i32>} : memref<32x128xf32, #tpu.memory_space<vmem>>, vector<1x16xf32>,
        %swap3A_1657 = vector.shape_cast %swap3A_1656 : vector<1x16xf32> to vector<16xf32>
        %swap3A_1658 = vector.shape_cast %add3A_1653 : vector<16xf32> to vector<1x16xf32>
        tpu.vector_store %arg16[%swap3A_1654, %swap3A_1655], %swap3A_1658 {strides = array<i32>} : memref<32x128xf32, #tpu.memory_space<vmem>>, vector<1x16xf32>,
        %get3A_1659 = arith.constant 0 : i32
        %get3A_1660 = arith.index_cast %get3A_1659 : i32 to index
        %get3A_1661 = arith.index_cast %scan3A_1387 : i32 to index
        %get3A_1662 = arith.constant 80 : index
        %get3A_1663 = tpu.vector_load %arg12[%get3A_1660, %get3A_1661, %get3A_1662] {strides = array<i32>} : memref<4x32x96xf32, #tpu.memory_space<vmem>>, vector<1x1x16xf32>,
        %get3A_1664 = vector.shape_cast %get3A_1663 : vector<1x1x16xf32> to vector<16xf32>
        %mul3A_1665 = vector.broadcast %squeeze3A_1397 : f32 to vector<16xf32>
        %mul3A_1666 = arith.mulf %get3A_1664, %mul3A_1665 : vector<16xf32>
        %get3A_1667 = arith.constant 1 : i32
        %get3A_1668 = arith.index_cast %get3A_1667 : i32 to index
        %get3A_1669 = arith.index_cast %scan3A_1387 : i32 to index
        %get3A_1670 = arith.constant 80 : index
        %get3A_1671 = tpu.vector_load %arg12[%get3A_1668, %get3A_1669, %get3A_1670] {strides = array<i32>} : memref<4x32x96xf32, #tpu.memory_space<vmem>>, vector<1x1x16xf32>,
        %get3A_1672 = vector.shape_cast %get3A_1671 : vector<1x1x16xf32> to vector<16xf32>
        %mul3A_1673 = vector.broadcast %squeeze3A_1404 : f32 to vector<16xf32>
        %mul3A_1674 = arith.mulf %get3A_1672, %mul3A_1673 : vector<16xf32>
        %add3A_1675 = arith.addf %mul3A_1666, %mul3A_1674 : vector<16xf32>
        %get3A_1676 = arith.constant 2 : i32
        %get3A_1677 = arith.index_cast %get3A_1676 : i32 to index
        %get3A_1678 = arith.index_cast %scan3A_1387 : i32 to index
        %get3A_1679 = arith.constant 80 : index
        %get3A_1680 = tpu.vector_load %arg12[%get3A_1677, %get3A_1678, %get3A_1679] {strides = array<i32>} : memref<4x32x96xf32, #tpu.memory_space<vmem>>, vector<1x1x16xf32>,
        %get3A_1681 = vector.shape_cast %get3A_1680 : vector<1x1x16xf32> to vector<16xf32>
        %mul3A_1682 = vector.broadcast %squeeze3A_1411 : f32 to vector<16xf32>
        %mul3A_1683 = arith.mulf %get3A_1681, %mul3A_1682 : vector<16xf32>
        %add3A_1684 = arith.addf %add3A_1675, %mul3A_1683 : vector<16xf32>
        %get3A_1685 = arith.constant 3 : i32
        %get3A_1686 = arith.index_cast %get3A_1685 : i32 to index
        %get3A_1687 = arith.index_cast %scan3A_1387 : i32 to index
        %get3A_1688 = arith.constant 80 : index
        %get3A_1689 = tpu.vector_load %arg12[%get3A_1686, %get3A_1687, %get3A_1688] {strides = array<i32>} : memref<4x32x96xf32, #tpu.memory_space<vmem>>, vector<1x1x16xf32>,
        %get3A_1690 = vector.shape_cast %get3A_1689 : vector<1x1x16xf32> to vector<16xf32>
        %mul3A_1691 = vector.broadcast %squeeze3A_1418 : f32 to vector<16xf32>
        %mul3A_1692 = arith.mulf %get3A_1690, %mul3A_1691 : vector<16xf32>
        %add3A_1693 = arith.addf %add3A_1684, %mul3A_1692 : vector<16xf32>
        %get3A_1694 = arith.index_cast %scan3A_1387 : i32 to index
        %get3A_1695 = arith.constant 80 : index
        %get3A_1696 = tpu.vector_load %arg14[%get3A_1694, %get3A_1695] {strides = array<i32>} : memref<32x128xf32, #tpu.memory_space<vmem>>, vector<1x16xf32>,
        %get3A_1697 = vector.shape_cast %get3A_1696 : vector<1x16xf32> to vector<16xf32>
        %mul3A_1698 = vector.broadcast %squeeze3A_1423 : f32 to vector<16xf32>
        %mul3A_1699 = arith.mulf %get3A_1697, %mul3A_1698 : vector<16xf32>
        %add3A_1700 = arith.addf %add3A_1693, %mul3A_1699 : vector<16xf32>
        %swap3A_1701 = arith.index_cast %scan3A_1387 : i32 to index
        %swap3A_1702 = arith.constant 80 : index
        %swap3A_1703 = tpu.vector_load %arg16[%swap3A_1701, %swap3A_1702] {strides = array<i32>} : memref<32x128xf32, #tpu.memory_space<vmem>>, vector<1x16xf32>,
        %swap3A_1704 = vector.shape_cast %swap3A_1703 : vector<1x16xf32> to vector<16xf32>
        %swap3A_1705 = vector.shape_cast %add3A_1700 : vector<16xf32> to vector<1x16xf32>
        tpu.vector_store %arg16[%swap3A_1701, %swap3A_1702], %swap3A_1705 {strides = array<i32>} : memref<32x128xf32, #tpu.memory_space<vmem>>, vector<1x16xf32>,
      }
      %scan3A_423 = arith.constant 32 : i32
      %mul3A_424 = arith.constant 32 : i32
      %mul3A_425 = arith.muli %add3A_353, %mul3A_424 : i32
      %add3A_426 = arith.addi %mul3A_2, %mul3A_425 : i32
      %dma_start3A_427 = arith.constant 0 : i32
      %dma_start3A_428 = tpu.memref_slice %arg7[%add3A_426, %dma_start3A_427] : memref<294912x128xf32, #tpu.memory_space<hbm>> -> memref<32x128xf32, #tpu.memory_space<hbm>>
      %dma_start3A_429 = arith.constant 0 : i32
      %dma_start3A_430 = tpu.memref_slice %arg7[%add3A_426, %dma_start3A_429] : memref<294912x128xf32, #tpu.memory_space<hbm>> -> memref<32x128xf32, #tpu.memory_space<hbm>>
      tpu.enqueue_dma source(%arg16 : memref<32x128xf32, #tpu.memory_space<vmem>>) target(%dma_start3A_430 : memref<32x128xf32, #tpu.memory_space<hbm>>) target_semaphore(%arg23 : memref<!tpu.dma_semaphore, #tpu.memory_space<semaphore_mem>>)
    }
    %scan3A_263 = arith.constant 144 : i32
    %dma_wait3A_264 = arith.constant 0 : i32
    %dma_wait3A_265 = tpu.memref_slice %arg7[%mul3A_2, %dma_wait3A_264] : memref<294912x128xf32, #tpu.memory_space<hbm>> -> memref<32x128xf32, #tpu.memory_space<hbm>>
    %dma_wait3A_266 = arith.constant 0 : i32
    %dma_wait3A_267 = tpu.memref_slice %arg7[%mul3A_2, %dma_wait3A_266] : memref<294912x128xf32, #tpu.memory_space<hbm>> -> memref<32x128xf32, #tpu.memory_space<hbm>>
    tpu.wait_dma2 semaphore(%arg22 : memref<!tpu.dma_semaphore, #tpu.memory_space<semaphore_mem>>) src(%arg15 : memref<32x128xf32, #tpu.memory_space<vmem>>) dst(%dma_wait3A_267 : memref<32x128xf32, #tpu.memory_space<hbm>>)
    %dma_wait3A_268 = arith.constant 0 : i32
    %dma_wait3A_269 = tpu.memref_slice %arg7[%mul3A_2, %dma_wait3A_268] : memref<294912x128xf32, #tpu.memory_space<hbm>> -> memref<32x128xf32, #tpu.memory_space<hbm>>
    %dma_wait3A_270 = arith.constant 0 : i32
    %dma_wait3A_271 = tpu.memref_slice %arg7[%mul3A_2, %dma_wait3A_270] : memref<294912x128xf32, #tpu.memory_space<hbm>> -> memref<32x128xf32, #tpu.memory_space<hbm>>
    tpu.wait_dma2 semaphore(%arg23 : memref<!tpu.dma_semaphore, #tpu.memory_space<semaphore_mem>>) src(%arg16 : memref<32x128xf32, #tpu.memory_space<vmem>>) dst(%dma_wait3A_271 : memref<32x128xf32, #tpu.memory_space<hbm>>)
    return
  }
}

module attributes {stable_mosaic.version = 14 : i64} {
  func.func @_prep_body(%arg0: i32, %arg1: memref<128x256xf32, #tpu.memory_space<vmem>>, %arg2: memref<128x256xf32, #tpu.memory_space<vmem>>, %arg3: memref<128x256xf32, #tpu.memory_space<vmem>>, %arg4: memref<4x128x256xi32, #tpu.memory_space<vmem>>, %arg5: memref<4x128x256xf32, #tpu.memory_space<vmem>>, %arg6: memref<128x256xf32, #tpu.memory_space<vmem>>) attributes {dimension_semantics = [#tpu.dimension_semantics<arbitrary>], iteration_bounds = array<i64: 9>, scalar_prefetch = 0 : i64, scratch_operands = 0 : i64, tpu.core_type = #tpu.core_type<tc>, window_params = [{transform_indices = @transform_0, window_bounds = array<i64: 128, 256>}, {transform_indices = @transform_1, window_bounds = array<i64: 128, 256>}, {transform_indices = @transform_2, window_bounds = array<i64: 128, 256>}, {transform_indices = @transform_3, window_bounds = array<i64: 4, 128, 256>}, {transform_indices = @transform_4, window_bounds = array<i64: 4, 128, 256>}, {transform_indices = @transform_5, window_bounds = array<i64: 128, 256>}]} {
    %get3A = arith.constant 0 : index
    %get3A_0 = arith.constant 0 : index
    %get3A_1 = vector.load %arg1[%get3A, %get3A_0] : memref<128x256xf32, #tpu.memory_space<vmem>>, vector<128x256xf32>
    %get3A_2 = arith.constant 0 : index
    %get3A_3 = arith.constant 0 : index
    %get3A_4 = vector.load %arg2[%get3A_2, %get3A_3] : memref<128x256xf32, #tpu.memory_space<vmem>>, vector<128x256xf32>
    %get3A_5 = arith.constant 0 : index
    %get3A_6 = arith.constant 0 : index
    %get3A_7 = vector.load %arg3[%get3A_5, %get3A_6] : memref<128x256xf32, #tpu.memory_space<vmem>>, vector<128x256xf32>
    %add3A = arith.constant 1.000000e+00 : f32
    %add3A_8 = vector.broadcast %add3A : f32 to vector<128x256xf32>
    %add3A_9 = arith.addf %get3A_1, %add3A_8 : vector<128x256xf32>
    %mul3A = arith.constant 1.915000e+02 : f32
    %mul3A_10 = vector.broadcast %mul3A : f32 to vector<128x256xf32>
    %mul3A_11 = arith.mulf %add3A_9, %mul3A_10 : vector<128x256xf32>
    %add3A_12 = arith.constant 1.000000e+00 : f32
    %add3A_13 = vector.broadcast %add3A_12 : f32 to vector<128x256xf32>
    %add3A_14 = arith.addf %get3A_4, %add3A_13 : vector<128x256xf32>
    %mul3A_15 = arith.constant 1.915000e+02 : f32
    %mul3A_16 = vector.broadcast %mul3A_15 : f32 to vector<128x256xf32>
    %mul3A_17 = arith.mulf %add3A_14, %mul3A_16 : vector<128x256xf32>
    %floor3A = math.floor %mul3A_11 : vector<128x256xf32>
    %floor3A_18 = math.floor %mul3A_17 : vector<128x256xf32>
    %sub3A = arith.subf %mul3A_11, %floor3A : vector<128x256xf32>
    %sub3A_19 = arith.constant 1.000000e+00 : f32
    %sub3A_20 = vector.broadcast %sub3A_19 : f32 to vector<128x256xf32>
    %sub3A_21 = arith.subf %sub3A_20, %sub3A : vector<128x256xf32>
    %sub3A_22 = arith.subf %mul3A_17, %floor3A_18 : vector<128x256xf32>
    %sub3A_23 = arith.constant 1.000000e+00 : f32
    %sub3A_24 = vector.broadcast %sub3A_23 : f32 to vector<128x256xf32>
    %sub3A_25 = arith.subf %sub3A_24, %sub3A_22 : vector<128x256xf32>
    %iota3A = tpu.iota {dimensions = array<i32: 0>} : vector<128x256xi32>
    %mul3A_26 = arith.constant 128 : i32
    %mul3A_27 = arith.muli %arg0, %mul3A_26 : i32
    %add3A_28 = vector.broadcast %mul3A_27 : i32 to vector<128x256xi32>
    %add3A_29 = arith.addi %iota3A, %add3A_28 : vector<128x256xi32>
    %ge3A = arith.constant 576 : i32
    %ge3A_30 = vector.broadcast %ge3A : i32 to vector<128x256xi32>
    %ge3A_31 = arith.cmpi sge, %add3A_29, %ge3A_30 : vector<128x256xi32>
    %jit3A = arith.constant 147456 : i32
    %jit3A_32 = arith.constant 0 : i32
    %broadcast_in_dim3A = vector.broadcast %jit3A : i32 to vector<128x256xi32>
    %broadcast_in_dim3A_33 = vector.broadcast %jit3A_32 : i32 to vector<128x256xi32>
    %select_n3A = arith.select %ge3A_31, %broadcast_in_dim3A, %broadcast_in_dim3A_33 : vector<128x256xi1>, vector<128x256xi32>
    %add3A_34 = arith.constant 0.000000e+00 : f32
    %add3A_35 = vector.broadcast %add3A_34 : f32 to vector<128x256xf32>
    %add3A_36 = arith.addf %floor3A, %add3A_35 : vector<128x256xf32>
    %add3A_37 = arith.constant 0.000000e+00 : f32
    %add3A_38 = vector.broadcast %add3A_37 : f32 to vector<128x256xf32>
    %add3A_39 = arith.addf %floor3A_18, %add3A_38 : vector<128x256xf32>
    %ge3A_40 = arith.constant 0.000000e+00 : f32
    %ge3A_41 = vector.broadcast %ge3A_40 : f32 to vector<128x256xf32>
    %ge3A_42 = arith.cmpf oge, %add3A_36, %ge3A_41 : vector<128x256xf32>
    %le3A = arith.constant 3.830000e+02 : f32
    %le3A_43 = vector.broadcast %le3A : f32 to vector<128x256xf32>
    %le3A_44 = arith.cmpf ole, %add3A_36, %le3A_43 : vector<128x256xf32>
    %and3A = arith.andi %ge3A_42, %le3A_44 : vector<128x256xi1>
    %ge3A_45 = arith.constant 0.000000e+00 : f32
    %ge3A_46 = vector.broadcast %ge3A_45 : f32 to vector<128x256xf32>
    %ge3A_47 = arith.cmpf oge, %add3A_39, %ge3A_46 : vector<128x256xf32>
    %and3A_48 = arith.andi %and3A, %ge3A_47 : vector<128x256xi1>
    %le3A_49 = arith.constant 3.830000e+02 : f32
    %le3A_50 = vector.broadcast %le3A_49 : f32 to vector<128x256xf32>
    %le3A_51 = arith.cmpf ole, %add3A_39, %le3A_50 : vector<128x256xf32>
    %and3A_52 = arith.andi %and3A_48, %le3A_51 : vector<128x256xi1>
    %jit3A_53 = arith.constant 0 : i32
    %jit3A_54 = arith.constant 383 : i32
    %convert_element_type3A = arith.sitofp %jit3A_53 : i32 to f32
    %max3A = vector.broadcast %convert_element_type3A : f32 to vector<128x256xf32>
    %max3A_55 = arith.maximumf %max3A, %add3A_36 : vector<128x256xf32>
    %convert_element_type3A_56 = arith.sitofp %jit3A_54 : i32 to f32
    %min3A = vector.broadcast %convert_element_type3A_56 : f32 to vector<128x256xf32>
    %min3A_57 = arith.minimumf %min3A, %max3A_55 : vector<128x256xf32>
    %convert_element_type3A_58 = arith.fptosi %min3A_57 : vector<128x256xf32> to vector<128x256xi32>
    %jit3A_59 = arith.constant 0 : i32
    %jit3A_60 = arith.constant 383 : i32
    %convert_element_type3A_61 = arith.sitofp %jit3A_59 : i32 to f32
    %max3A_62 = vector.broadcast %convert_element_type3A_61 : f32 to vector<128x256xf32>
    %max3A_63 = arith.maximumf %max3A_62, %add3A_39 : vector<128x256xf32>
    %convert_element_type3A_64 = arith.sitofp %jit3A_60 : i32 to f32
    %min3A_65 = vector.broadcast %convert_element_type3A_64 : f32 to vector<128x256xf32>
    %min3A_66 = arith.minimumf %min3A_65, %max3A_63 : vector<128x256xf32>
    %convert_element_type3A_67 = arith.fptosi %min3A_66 : vector<128x256xf32> to vector<128x256xi32>
    %mul3A_68 = arith.constant 384 : i32
    %mul3A_69 = vector.broadcast %mul3A_68 : i32 to vector<128x256xi32>
    %mul3A_70 = arith.muli %convert_element_type3A_58, %mul3A_69 : vector<128x256xi32>
    %add3A_71 = arith.addi %select_n3A, %mul3A_70 : vector<128x256xi32>
    %add3A_72 = arith.addi %add3A_71, %convert_element_type3A_67 : vector<128x256xi32>
    %swap3A = arith.constant 0 : index
    %swap3A_73 = arith.constant 0 : index
    %swap3A_74 = arith.constant 0 : index
    %swap3A_75 = vector.load %arg4[%swap3A, %swap3A_73, %swap3A_74] : memref<4x128x256xi32, #tpu.memory_space<vmem>>, vector<1x128x256xi32>
    %swap3A_76 = vector.shape_cast %swap3A_75 : vector<1x128x256xi32> to vector<128x256xi32>
    %swap3A_77 = vector.shape_cast %add3A_72 : vector<128x256xi32> to vector<1x128x256xi32>
    tpu.vector_store %arg4[%swap3A, %swap3A_73, %swap3A_74], %swap3A_77 {strides = array<i32>} : memref<4x128x256xi32, #tpu.memory_space<vmem>>, vector<1x128x256xi32>,
    %mul3A_78 = arith.mulf %get3A_7, %sub3A_21 : vector<128x256xf32>
    %mul3A_79 = arith.mulf %mul3A_78, %sub3A_25 : vector<128x256xf32>
    %jit3A_80 = arith.constant 0.000000e+00 : f32
    %broadcast_in_dim3A_81 = vector.broadcast %jit3A_80 : f32 to vector<128x256xf32>
    %select_n3A_82 = arith.select %and3A_52, %mul3A_79, %broadcast_in_dim3A_81 : vector<128x256xi1>, vector<128x256xf32>
    %swap3A_83 = arith.constant 0 : index
    %swap3A_84 = arith.constant 0 : index
    %swap3A_85 = arith.constant 0 : index
    %swap3A_86 = vector.load %arg5[%swap3A_83, %swap3A_84, %swap3A_85] : memref<4x128x256xf32, #tpu.memory_space<vmem>>, vector<1x128x256xf32>
    %swap3A_87 = vector.shape_cast %swap3A_86 : vector<1x128x256xf32> to vector<128x256xf32>
    %swap3A_88 = vector.shape_cast %select_n3A_82 : vector<128x256xf32> to vector<1x128x256xf32>
    tpu.vector_store %arg5[%swap3A_83, %swap3A_84, %swap3A_85], %swap3A_88 {strides = array<i32>} : memref<4x128x256xf32, #tpu.memory_space<vmem>>, vector<1x128x256xf32>,
    %add3A_89 = arith.constant 0.000000e+00 : f32
    %add3A_90 = vector.broadcast %add3A_89 : f32 to vector<128x256xf32>
    %add3A_91 = arith.addf %floor3A, %add3A_90 : vector<128x256xf32>
    %add3A_92 = arith.constant 1.000000e+00 : f32
    %add3A_93 = vector.broadcast %add3A_92 : f32 to vector<128x256xf32>
    %add3A_94 = arith.addf %floor3A_18, %add3A_93 : vector<128x256xf32>
    %ge3A_95 = arith.constant 0.000000e+00 : f32
    %ge3A_96 = vector.broadcast %ge3A_95 : f32 to vector<128x256xf32>
    %ge3A_97 = arith.cmpf oge, %add3A_91, %ge3A_96 : vector<128x256xf32>
    %le3A_98 = arith.constant 3.830000e+02 : f32
    %le3A_99 = vector.broadcast %le3A_98 : f32 to vector<128x256xf32>
    %le3A_100 = arith.cmpf ole, %add3A_91, %le3A_99 : vector<128x256xf32>
    %and3A_101 = arith.andi %ge3A_97, %le3A_100 : vector<128x256xi1>
    %ge3A_102 = arith.constant 0.000000e+00 : f32
    %ge3A_103 = vector.broadcast %ge3A_102 : f32 to vector<128x256xf32>
    %ge3A_104 = arith.cmpf oge, %add3A_94, %ge3A_103 : vector<128x256xf32>
    %and3A_105 = arith.andi %and3A_101, %ge3A_104 : vector<128x256xi1>
    %le3A_106 = arith.constant 3.830000e+02 : f32
    %le3A_107 = vector.broadcast %le3A_106 : f32 to vector<128x256xf32>
    %le3A_108 = arith.cmpf ole, %add3A_94, %le3A_107 : vector<128x256xf32>
    %and3A_109 = arith.andi %and3A_105, %le3A_108 : vector<128x256xi1>
    %jit3A_110 = arith.constant 0 : i32
    %jit3A_111 = arith.constant 383 : i32
    %convert_element_type3A_112 = arith.sitofp %jit3A_110 : i32 to f32
    %max3A_113 = vector.broadcast %convert_element_type3A_112 : f32 to vector<128x256xf32>
    %max3A_114 = arith.maximumf %max3A_113, %add3A_91 : vector<128x256xf32>
    %convert_element_type3A_115 = arith.sitofp %jit3A_111 : i32 to f32
    %min3A_116 = vector.broadcast %convert_element_type3A_115 : f32 to vector<128x256xf32>
    %min3A_117 = arith.minimumf %min3A_116, %max3A_114 : vector<128x256xf32>
    %convert_element_type3A_118 = arith.fptosi %min3A_117 : vector<128x256xf32> to vector<128x256xi32>
    %jit3A_119 = arith.constant 0 : i32
    %jit3A_120 = arith.constant 383 : i32
    %convert_element_type3A_121 = arith.sitofp %jit3A_119 : i32 to f32
    %max3A_122 = vector.broadcast %convert_element_type3A_121 : f32 to vector<128x256xf32>
    %max3A_123 = arith.maximumf %max3A_122, %add3A_94 : vector<128x256xf32>
    %convert_element_type3A_124 = arith.sitofp %jit3A_120 : i32 to f32
    %min3A_125 = vector.broadcast %convert_element_type3A_124 : f32 to vector<128x256xf32>
    %min3A_126 = arith.minimumf %min3A_125, %max3A_123 : vector<128x256xf32>
    %convert_element_type3A_127 = arith.fptosi %min3A_126 : vector<128x256xf32> to vector<128x256xi32>
    %mul3A_128 = arith.constant 384 : i32
    %mul3A_129 = vector.broadcast %mul3A_128 : i32 to vector<128x256xi32>
    %mul3A_130 = arith.muli %convert_element_type3A_118, %mul3A_129 : vector<128x256xi32>
    %add3A_131 = arith.addi %select_n3A, %mul3A_130 : vector<128x256xi32>
    %add3A_132 = arith.addi %add3A_131, %convert_element_type3A_127 : vector<128x256xi32>
    %swap3A_133 = arith.constant 1 : index
    %swap3A_134 = arith.constant 0 : index
    %swap3A_135 = arith.constant 0 : index
    %swap3A_136 = vector.load %arg4[%swap3A_133, %swap3A_134, %swap3A_135] : memref<4x128x256xi32, #tpu.memory_space<vmem>>, vector<1x128x256xi32>
    %swap3A_137 = vector.shape_cast %swap3A_136 : vector<1x128x256xi32> to vector<128x256xi32>
    %swap3A_138 = vector.shape_cast %add3A_132 : vector<128x256xi32> to vector<1x128x256xi32>
    tpu.vector_store %arg4[%swap3A_133, %swap3A_134, %swap3A_135], %swap3A_138 {strides = array<i32>} : memref<4x128x256xi32, #tpu.memory_space<vmem>>, vector<1x128x256xi32>,
    %mul3A_139 = arith.mulf %get3A_7, %sub3A_21 : vector<128x256xf32>
    %mul3A_140 = arith.mulf %mul3A_139, %sub3A_22 : vector<128x256xf32>
    %jit3A_141 = arith.constant 0.000000e+00 : f32
    %broadcast_in_dim3A_142 = vector.broadcast %jit3A_141 : f32 to vector<128x256xf32>
    %select_n3A_143 = arith.select %and3A_109, %mul3A_140, %broadcast_in_dim3A_142 : vector<128x256xi1>, vector<128x256xf32>
    %swap3A_144 = arith.constant 1 : index
    %swap3A_145 = arith.constant 0 : index
    %swap3A_146 = arith.constant 0 : index
    %swap3A_147 = vector.load %arg5[%swap3A_144, %swap3A_145, %swap3A_146] : memref<4x128x256xf32, #tpu.memory_space<vmem>>, vector<1x128x256xf32>
    %swap3A_148 = vector.shape_cast %swap3A_147 : vector<1x128x256xf32> to vector<128x256xf32>
    %swap3A_149 = vector.shape_cast %select_n3A_143 : vector<128x256xf32> to vector<1x128x256xf32>
    tpu.vector_store %arg5[%swap3A_144, %swap3A_145, %swap3A_146], %swap3A_149 {strides = array<i32>} : memref<4x128x256xf32, #tpu.memory_space<vmem>>, vector<1x128x256xf32>,
    %add3A_150 = arith.constant 1.000000e+00 : f32
    %add3A_151 = vector.broadcast %add3A_150 : f32 to vector<128x256xf32>
    %add3A_152 = arith.addf %floor3A, %add3A_151 : vector<128x256xf32>
    %add3A_153 = arith.constant 0.000000e+00 : f32
    %add3A_154 = vector.broadcast %add3A_153 : f32 to vector<128x256xf32>
    %add3A_155 = arith.addf %floor3A_18, %add3A_154 : vector<128x256xf32>
    %ge3A_156 = arith.constant 0.000000e+00 : f32
    %ge3A_157 = vector.broadcast %ge3A_156 : f32 to vector<128x256xf32>
    %ge3A_158 = arith.cmpf oge, %add3A_152, %ge3A_157 : vector<128x256xf32>
    %le3A_159 = arith.constant 3.830000e+02 : f32
    %le3A_160 = vector.broadcast %le3A_159 : f32 to vector<128x256xf32>
    %le3A_161 = arith.cmpf ole, %add3A_152, %le3A_160 : vector<128x256xf32>
    %and3A_162 = arith.andi %ge3A_158, %le3A_161 : vector<128x256xi1>
    %ge3A_163 = arith.constant 0.000000e+00 : f32
    %ge3A_164 = vector.broadcast %ge3A_163 : f32 to vector<128x256xf32>
    %ge3A_165 = arith.cmpf oge, %add3A_155, %ge3A_164 : vector<128x256xf32>
    %and3A_166 = arith.andi %and3A_162, %ge3A_165 : vector<128x256xi1>
    %le3A_167 = arith.constant 3.830000e+02 : f32
    %le3A_168 = vector.broadcast %le3A_167 : f32 to vector<128x256xf32>
    %le3A_169 = arith.cmpf ole, %add3A_155, %le3A_168 : vector<128x256xf32>
    %and3A_170 = arith.andi %and3A_166, %le3A_169 : vector<128x256xi1>
    %jit3A_171 = arith.constant 0 : i32
    %jit3A_172 = arith.constant 383 : i32
    %convert_element_type3A_173 = arith.sitofp %jit3A_171 : i32 to f32
    %max3A_174 = vector.broadcast %convert_element_type3A_173 : f32 to vector<128x256xf32>
    %max3A_175 = arith.maximumf %max3A_174, %add3A_152 : vector<128x256xf32>
    %convert_element_type3A_176 = arith.sitofp %jit3A_172 : i32 to f32
    %min3A_177 = vector.broadcast %convert_element_type3A_176 : f32 to vector<128x256xf32>
    %min3A_178 = arith.minimumf %min3A_177, %max3A_175 : vector<128x256xf32>
    %convert_element_type3A_179 = arith.fptosi %min3A_178 : vector<128x256xf32> to vector<128x256xi32>
    %jit3A_180 = arith.constant 0 : i32
    %jit3A_181 = arith.constant 383 : i32
    %convert_element_type3A_182 = arith.sitofp %jit3A_180 : i32 to f32
    %max3A_183 = vector.broadcast %convert_element_type3A_182 : f32 to vector<128x256xf32>
    %max3A_184 = arith.maximumf %max3A_183, %add3A_155 : vector<128x256xf32>
    %convert_element_type3A_185 = arith.sitofp %jit3A_181 : i32 to f32
    %min3A_186 = vector.broadcast %convert_element_type3A_185 : f32 to vector<128x256xf32>
    %min3A_187 = arith.minimumf %min3A_186, %max3A_184 : vector<128x256xf32>
    %convert_element_type3A_188 = arith.fptosi %min3A_187 : vector<128x256xf32> to vector<128x256xi32>
    %mul3A_189 = arith.constant 384 : i32
    %mul3A_190 = vector.broadcast %mul3A_189 : i32 to vector<128x256xi32>
    %mul3A_191 = arith.muli %convert_element_type3A_179, %mul3A_190 : vector<128x256xi32>
    %add3A_192 = arith.addi %select_n3A, %mul3A_191 : vector<128x256xi32>
    %add3A_193 = arith.addi %add3A_192, %convert_element_type3A_188 : vector<128x256xi32>
    %swap3A_194 = arith.constant 2 : index
    %swap3A_195 = arith.constant 0 : index
    %swap3A_196 = arith.constant 0 : index
    %swap3A_197 = vector.load %arg4[%swap3A_194, %swap3A_195, %swap3A_196] : memref<4x128x256xi32, #tpu.memory_space<vmem>>, vector<1x128x256xi32>
    %swap3A_198 = vector.shape_cast %swap3A_197 : vector<1x128x256xi32> to vector<128x256xi32>
    %swap3A_199 = vector.shape_cast %add3A_193 : vector<128x256xi32> to vector<1x128x256xi32>
    tpu.vector_store %arg4[%swap3A_194, %swap3A_195, %swap3A_196], %swap3A_199 {strides = array<i32>} : memref<4x128x256xi32, #tpu.memory_space<vmem>>, vector<1x128x256xi32>,
    %mul3A_200 = arith.mulf %get3A_7, %sub3A : vector<128x256xf32>
    %mul3A_201 = arith.mulf %mul3A_200, %sub3A_25 : vector<128x256xf32>
    %jit3A_202 = arith.constant 0.000000e+00 : f32
    %broadcast_in_dim3A_203 = vector.broadcast %jit3A_202 : f32 to vector<128x256xf32>
    %select_n3A_204 = arith.select %and3A_170, %mul3A_201, %broadcast_in_dim3A_203 : vector<128x256xi1>, vector<128x256xf32>
    %swap3A_205 = arith.constant 2 : index
    %swap3A_206 = arith.constant 0 : index
    %swap3A_207 = arith.constant 0 : index
    %swap3A_208 = vector.load %arg5[%swap3A_205, %swap3A_206, %swap3A_207] : memref<4x128x256xf32, #tpu.memory_space<vmem>>, vector<1x128x256xf32>
    %swap3A_209 = vector.shape_cast %swap3A_208 : vector<1x128x256xf32> to vector<128x256xf32>
    %swap3A_210 = vector.shape_cast %select_n3A_204 : vector<128x256xf32> to vector<1x128x256xf32>
    tpu.vector_store %arg5[%swap3A_205, %swap3A_206, %swap3A_207], %swap3A_210 {strides = array<i32>} : memref<4x128x256xf32, #tpu.memory_space<vmem>>, vector<1x128x256xf32>,
    %add3A_211 = arith.constant 1.000000e+00 : f32
    %add3A_212 = vector.broadcast %add3A_211 : f32 to vector<128x256xf32>
    %add3A_213 = arith.addf %floor3A, %add3A_212 : vector<128x256xf32>
    %add3A_214 = arith.constant 1.000000e+00 : f32
    %add3A_215 = vector.broadcast %add3A_214 : f32 to vector<128x256xf32>
    %add3A_216 = arith.addf %floor3A_18, %add3A_215 : vector<128x256xf32>
    %ge3A_217 = arith.constant 0.000000e+00 : f32
    %ge3A_218 = vector.broadcast %ge3A_217 : f32 to vector<128x256xf32>
    %ge3A_219 = arith.cmpf oge, %add3A_213, %ge3A_218 : vector<128x256xf32>
    %le3A_220 = arith.constant 3.830000e+02 : f32
    %le3A_221 = vector.broadcast %le3A_220 : f32 to vector<128x256xf32>
    %le3A_222 = arith.cmpf ole, %add3A_213, %le3A_221 : vector<128x256xf32>
    %and3A_223 = arith.andi %ge3A_219, %le3A_222 : vector<128x256xi1>
    %ge3A_224 = arith.constant 0.000000e+00 : f32
    %ge3A_225 = vector.broadcast %ge3A_224 : f32 to vector<128x256xf32>
    %ge3A_226 = arith.cmpf oge, %add3A_216, %ge3A_225 : vector<128x256xf32>
    %and3A_227 = arith.andi %and3A_223, %ge3A_226 : vector<128x256xi1>
    %le3A_228 = arith.constant 3.830000e+02 : f32
    %le3A_229 = vector.broadcast %le3A_228 : f32 to vector<128x256xf32>
    %le3A_230 = arith.cmpf ole, %add3A_216, %le3A_229 : vector<128x256xf32>
    %and3A_231 = arith.andi %and3A_227, %le3A_230 : vector<128x256xi1>
    %jit3A_232 = arith.constant 0 : i32
    %jit3A_233 = arith.constant 383 : i32
    %convert_element_type3A_234 = arith.sitofp %jit3A_232 : i32 to f32
    %max3A_235 = vector.broadcast %convert_element_type3A_234 : f32 to vector<128x256xf32>
    %max3A_236 = arith.maximumf %max3A_235, %add3A_213 : vector<128x256xf32>
    %convert_element_type3A_237 = arith.sitofp %jit3A_233 : i32 to f32
    %min3A_238 = vector.broadcast %convert_element_type3A_237 : f32 to vector<128x256xf32>
    %min3A_239 = arith.minimumf %min3A_238, %max3A_236 : vector<128x256xf32>
    %convert_element_type3A_240 = arith.fptosi %min3A_239 : vector<128x256xf32> to vector<128x256xi32>
    %jit3A_241 = arith.constant 0 : i32
    %jit3A_242 = arith.constant 383 : i32
    %convert_element_type3A_243 = arith.sitofp %jit3A_241 : i32 to f32
    %max3A_244 = vector.broadcast %convert_element_type3A_243 : f32 to vector<128x256xf32>
    %max3A_245 = arith.maximumf %max3A_244, %add3A_216 : vector<128x256xf32>
    %convert_element_type3A_246 = arith.sitofp %jit3A_242 : i32 to f32
    %min3A_247 = vector.broadcast %convert_element_type3A_246 : f32 to vector<128x256xf32>
    %min3A_248 = arith.minimumf %min3A_247, %max3A_245 : vector<128x256xf32>
    %convert_element_type3A_249 = arith.fptosi %min3A_248 : vector<128x256xf32> to vector<128x256xi32>
    %mul3A_250 = arith.constant 384 : i32
    %mul3A_251 = vector.broadcast %mul3A_250 : i32 to vector<128x256xi32>
    %mul3A_252 = arith.muli %convert_element_type3A_240, %mul3A_251 : vector<128x256xi32>
    %add3A_253 = arith.addi %select_n3A, %mul3A_252 : vector<128x256xi32>
    %add3A_254 = arith.addi %add3A_253, %convert_element_type3A_249 : vector<128x256xi32>
    %swap3A_255 = arith.constant 3 : index
    %swap3A_256 = arith.constant 0 : index
    %swap3A_257 = arith.constant 0 : index
    %swap3A_258 = vector.load %arg4[%swap3A_255, %swap3A_256, %swap3A_257] : memref<4x128x256xi32, #tpu.memory_space<vmem>>, vector<1x128x256xi32>
    %swap3A_259 = vector.shape_cast %swap3A_258 : vector<1x128x256xi32> to vector<128x256xi32>
    %swap3A_260 = vector.shape_cast %add3A_254 : vector<128x256xi32> to vector<1x128x256xi32>
    tpu.vector_store %arg4[%swap3A_255, %swap3A_256, %swap3A_257], %swap3A_260 {strides = array<i32>} : memref<4x128x256xi32, #tpu.memory_space<vmem>>, vector<1x128x256xi32>,
    %mul3A_261 = arith.mulf %get3A_7, %sub3A : vector<128x256xf32>
    %mul3A_262 = arith.mulf %mul3A_261, %sub3A_22 : vector<128x256xf32>
    %jit3A_263 = arith.constant 0.000000e+00 : f32
    %broadcast_in_dim3A_264 = vector.broadcast %jit3A_263 : f32 to vector<128x256xf32>
    %select_n3A_265 = arith.select %and3A_231, %mul3A_262, %broadcast_in_dim3A_264 : vector<128x256xi1>, vector<128x256xf32>
    %swap3A_266 = arith.constant 3 : index
    %swap3A_267 = arith.constant 0 : index
    %swap3A_268 = arith.constant 0 : index
    %swap3A_269 = vector.load %arg5[%swap3A_266, %swap3A_267, %swap3A_268] : memref<4x128x256xf32, #tpu.memory_space<vmem>>, vector<1x128x256xf32>
    %swap3A_270 = vector.shape_cast %swap3A_269 : vector<1x128x256xf32> to vector<128x256xf32>
    %swap3A_271 = vector.shape_cast %select_n3A_265 : vector<128x256xf32> to vector<1x128x256xf32>
    tpu.vector_store %arg5[%swap3A_266, %swap3A_267, %swap3A_268], %swap3A_271 {strides = array<i32>} : memref<4x128x256xf32, #tpu.memory_space<vmem>>, vector<1x128x256xf32>,
    %sub3A_272 = arith.constant 1.000000e+00 : f32
    %sub3A_273 = vector.broadcast %sub3A_272 : f32 to vector<128x256xf32>
    %sub3A_274 = arith.subf %sub3A_273, %get3A_7 : vector<128x256xf32>
    %swap3A_275 = arith.constant 0 : index
    %swap3A_276 = arith.constant 0 : index
    %swap3A_277 = vector.load %arg6[%swap3A_275, %swap3A_276] : memref<128x256xf32, #tpu.memory_space<vmem>>, vector<128x256xf32>
    tpu.vector_store %arg6[%swap3A_275, %swap3A_276], %sub3A_274 {strides = array<i32>} : memref<128x256xf32, #tpu.memory_space<vmem>>, vector<128x256xf32>,
    return
  }
  func.func @transform_0(%arg0: i32) -> (i32, i32) {
    %c0_i32 = arith.constant 0 : i32
    %c0_i32_0 = arith.constant 0 : i32
    return %arg0, %c0_i32 : i32, i32
  }
  func.func @transform_1(%arg0: i32) -> (i32, i32) {
    %c0_i32 = arith.constant 0 : i32
    %c0_i32_0 = arith.constant 0 : i32
    return %arg0, %c0_i32 : i32, i32
  }
  func.func @transform_2(%arg0: i32) -> (i32, i32) {
    %c0_i32 = arith.constant 0 : i32
    %c0_i32_0 = arith.constant 0 : i32
    return %arg0, %c0_i32 : i32, i32
  }
  func.func @transform_3(%arg0: i32) -> (i32, i32, i32) {
    %c0_i32 = arith.constant 0 : i32
    %c0_i32_0 = arith.constant 0 : i32
    %c0_i32_1 = arith.constant 0 : i32
    return %c0_i32, %arg0, %c0_i32_0 : i32, i32, i32
  }
  func.func @transform_4(%arg0: i32) -> (i32, i32, i32) {
    %c0_i32 = arith.constant 0 : i32
    %c0_i32_0 = arith.constant 0 : i32
    %c0_i32_1 = arith.constant 0 : i32
    return %c0_i32, %arg0, %c0_i32_0 : i32, i32, i32
  }
  func.func @transform_5(%arg0: i32) -> (i32, i32) {
    %c0_i32 = arith.constant 0 : i32
    %c0_i32_0 = arith.constant 0 : i32
    return %arg0, %c0_i32 : i32, i32
  }
}

</mosaic_0001>

<sc_bundles>
// kernel: kernel.4.cloned.1.call-start
scs
__scs_entry_jumppad:
0x0: {  	(pc) =	sbr.rel $0x88, $3  }
0x1: {  	(tag) =	ssettag $0x0;
	lr =	simm.s32 $0x1  }
0x2: {  	[smem:$0x3F9D] =	sst lr;
	_ =	strace $0xD0000000  }
0x3: {  	_ = 	snop  }
0x4: {  	_ = 	snop  }
0x5: {  	_ = 	snop  }
0x6: {  	_ = 	snop  }
0x7: {  	_ = 	snop  }
__scs_overlays_trampoline_lowered:
0x8: {  	[smem:$0x3FAC] =	sst s0  }
0x9: {  	[smem:$0x3FAD] =	sst s1  }
0xa: {  	[smem:$0x3FAE] =	sst s2  }
0xb: {  	[smem:$0x3FAF] =	sst s3  }
0xc: {  	[smem:$0x3FB0] =	sst s4  }
0xd: {  	[smem:$0x3FB1] =	sst s5  }
0xe: {  	[smem:$0x3FB2] =	sst s6  }
0xf: {  	[smem:$0x3FB3] =	sst s7  }
0x10: {  	[smem:$0x3FB4] =	sst s8  }
0x11: {  	[smem:$0x3FB5] =	sst s9;
	s0 =	simm.s32 @!p0 $0x0  }
0x12: {  	s1 =	sld [smem:$0x3F9B];
	s0 =	simm.s32 @p0 $0x1  }
0x13: {  	[smem:$0x3FB6] =	sst s0;
	s0 =	simm.s32 @!p1 $0x0  }
0x14: {  	s2 =	sld [smem:$0x3F9A];
	s0 =	simm.s32 @p1 $0x1  }
0x15: {  	[smem:$0x3FB7] =	sst s0;
	s0 =	simm.s32 @!p2 $0x0  }
0x16: {  	s3 =	sld [smem:$0x3FDB];
	s0 =	simm.s32 @p2 $0x1  }
0x17: {  	s4 =	simm.s32 $0x1BF5;
	[smem:$0x3FB9] =	sst s0  }
0x18: {  	s0 =	sld [smem:$0x3F9C];
	_ =	swait.ge [sflag:s4], $0x0  }
0x19: {  	s7 =	sld [smem:$0x3F9D]  }
0x1a: {  	s8 =	sadd.s32 $0xFFFFE003, lr  }
0x1b: {  	s9 =	sadd.s32 $0xFFFFFEF7, lr;
	s5 =	simm.s32 $0xFFFFFFFF;
	p2 =	slt.u32 s8, $0xFFFFF086  }
0x1c: {  	p1 =	slt.u32 s9, $0xF7A;
	s5 =	simm.s32 @!p2 $0x0  }
0x1d: {  	s5 =	simm.s32 @p1 $0x1;
	p0 =	seq.s32 s7, s2  }
0x1e: {  	s7 =	smul.u32 @!p0 $0xF7A, s2;
	p2 =	seq.s32 @!p0 s5, $0x0  }
0x1f: {  	s9 =	smul.u32 $0xF7A, s1;
	s8 =	simm.s32 @!p0 $0x1BF5;
	p2 =	por !p2, p0  }
0x20: {  	[sflag:s8] =	ssyncset.s32 @!p0 $0xFFFFF086;
	s6 =	sadd.s32 @!p0 s3, s7;
	s7 =	simm.s32 @!p0 $0x108  }
0x21: {  	s3 =	sadd.s32 s3, s9;
	s6 =	sadd.s32 @!p0 $0x88, s6;
	s7 =	simm.s32 @p2 $0x1082  }
0x22: {  	[simem:s7], [sflag:s8] =	dma.local @!p0 [hbm:s6], $0xF7A  }
0x23: {  	s9 =	sor.u32 $0xD0000000, s2;
	s6 =	simm.s32 $0x108;
	_ =	swait.ge @!p0 [sflag:s8], $0x0  }
0x24: {  	s3 =	sadd.s32 $0x88, s3;
	s6 =	simm.s32 @!p1 $0x1082;
	[sflag:s4] =	ssyncset.s32 $0xFFFFF086  }
0x25: {  	[simem:s6], [sflag:s4] =	dma.local [hbm:s3], $0xF7A  }
0x26: {  	[smem:$0x3F9D] =	sst s1;
	(tag) =	ssettag s2;
	_ =	strace s9  }
0x27: {  	s1 =	sld [smem:$0x3FAD]  }
0x28: {  	s2 =	sld [smem:$0x3FAE]  }
0x29: {  	s4 =	sld [smem:$0x3FB0]  }
0x2a: {  	p0 =	seq.s32 s5, $0x0;
	s5 =	sld [smem:$0x3FB1]  }
0x2b: {  	s6 =	sld [smem:$0x3FB2]  }
0x2c: {  	s7 =	sld [smem:$0x3FB3]  }
0x2d: {  	s3 =	simm.s32 $0x108;
	s8 =	sld [smem:$0x3FB4]  }
0x2e: {  	s3 =	simm.s32 @!p0 $0x1082;
	s9 =	sld [smem:$0x3FB5]  }
0x2f: {  	lr =	sadd.s32 s0, s3;
	s0 =	sld [smem:$0x3FAC]  }
0x30: {  	s3 =	sld [smem:$0x3FAF]  }
0x31: {  	[smem:$0x3FB8] =	sst s10  }
0x32: {  	s10 =	sld [smem:$0x3FB6];
	_ =	sdelay $0x3  }
0x33: {  	p0 =	seq.s32 s10, $0x1;
	s10 =	sld [smem:$0x3FB8];
	_ =	sdelay $0x3  }
0x34: {  	[smem:$0x3FB8] =	sst s10  }
0x35: {  	s10 =	sld [smem:$0x3FB7];
	_ =	sdelay $0x3  }
0x36: {  	p1 =	seq.s32 s10, $0x1;
	s10 =	sld [smem:$0x3FB8];
	_ =	sdelay $0x3  }
0x37: {  	[smem:$0x3FB8] =	sst s10  }
0x38: {  	s10 =	sld [smem:$0x3FB9]  }
0x39: {  	_ = 	snop;
	(pc) =	sbr.ind lr, $3  }
0x3a: {  	_ = 	snop  }
0x3b: {  	_ = 	snop  }
0x3c: {  	p2 =	seq.s32 s10, $0x1;
	s10 =	sld [smem:$0x3FB8]  }
0x3d: {  	_ =	shalt  }
0x3e: {  	_ =	shalt  }
0x3f: {  	_ =	shalt  }
0x40: {  	_ =	shalt  }
0x41: {  	_ =	shalt  }
0x42: {  	_ =	shalt  }
0x43: {  	_ =	shalt  }
0x44: {  	_ =	shalt  }
0x45: {  	_ =	shalt  }
0x46: {  	_ =	shalt  }
0x47: {  	_ =	shalt  }
0x48: {  	_ =	shalt  }
0x49: {  	_ =	shalt  }
0x4a: {  	_ =	shalt  }
0x4b: {  	_ =	shalt  }
0x4c: {  	_ =	shalt  }
0x4d: {  	_ =	shalt  }
0x4e: {  	_ =	shalt  }
0x4f: {  	_ =	shalt  }
0x50: {  	_ =	shalt  }
0x51: {  	_ =	shalt  }
0x52: {  	_ =	shalt  }
0x53: {  	_ =	shalt  }
0x54: {  	_ =	shalt  }
0x55: {  	_ =	shalt  }
0x56: {  	_ =	shalt  }
0x57: {  	_ =	shalt  }
0x58: {  	_ =	shalt  }
0x59: {  	_ =	shalt  }
0x5a: {  	_ =	shalt  }
0x5b: {  	_ =	shalt  }
0x5c: {  	_ =	shalt  }
0x5d: {  	_ =	shalt  }
0x5e: {  	_ =	shalt  }
0x5f: {  	_ =	shalt  }
0x60: {  	_ =	shalt  }
0x61: {  	_ =	shalt  }
0x62: {  	_ =	shalt  }
0x63: {  	_ =	shalt  }
0x64: {  	_ =	shalt  }
0x65: {  	_ =	shalt  }
0x66: {  	_ =	shalt  }
0x67: {  	_ =	shalt  }
0x68: {  	_ =	shalt  }
0x69: {  	_ =	shalt  }
0x6a: {  	_ =	shalt  }
0x6b: {  	_ =	shalt  }
0x6c: {  	_ =	shalt  }
0x6d: {  	_ =	shalt  }
0x6e: {  	_ =	shalt  }
0x6f: {  	_ =	shalt  }
0x70: {  	_ =	shalt  }
0x71: {  	_ =	shalt  }
0x72: {  	_ =	shalt  }
0x73: {  	_ =	shalt  }
0x74: {  	_ =	shalt  }
0x75: {  	_ =	shalt  }
0x76: {  	_ =	shalt  }
0x77: {  	_ =	shalt  }
0x78: {  	_ =	shalt  }
0x79: {  	_ =	shalt  }
0x7a: {  	_ =	shalt  }
0x7b: {  	_ =	shalt  }
0x7c: {  	_ =	shalt  }
0x7d: {  	_ =	shalt  }
0x7e: {  	_ =	shalt  }
0x7f: {  	_ =	shalt  }
0x80: {  	_ =	shalt  }
0x81: {  	_ =	shalt  }
0x82: {  	_ =	shalt  }
0x83: {  	_ =	shalt  }
0x84: {  	_ =	shalt  }
0x85: {  	_ =	shalt  }
0x86: {  	_ =	shalt  }
0x87: {  	_ =	shalt  }
.Lfunc_end0:
.L_simem_size_0:
called_computation.1_lowered:
.L_overlay_start_0:
0x88: {  	s2 =	sld [smem:$0x3FD9]  }
0x89: {  	s3 =	sld [smem:$0x3FFE];
	_ =	sdelay $0x1  }
0x8a: {  	s1 =	srdreg.scid  }
0x8b: {  	s0 =	sand.u32 $0x1, s1  }
0x8c: {  	s17 =	sshll.u32 s0, $0xA;
	s2 =	sadd.s32 s3, s2  }
0x8d: {  	s2 =	sadd.s32 s2, s17  }
0x8e: {  	[smem:$0x3FC4] =	sst s2  }
0x8f: {  	_ = 	snop  }
0x90: {  	s2 =	sld [smem:$0x3FD0];
	(tm) =	ssettm $0x1  }
0x91: {  	s18 =	sld [smem:$0x3FFB];
	_ =	sdelay $0x3  }
0x92: {  	_ =	strace s18  }
0x93: {  	s3 =	sld [smem:$0x3FFC];
	_ =	sdelay $0x3  }
0x94: {  	_ =	strace s3  }
0x95: {  	s3 =	sld [smem:$0x3FFD];
	_ =	sdelay $0x3  }
0x96: {  	_ =	strace s3  }
0x97: {  	_ =	strace $0x8FFFFFFF  }
0x98: {  	s19 =	sld [smem:$0x3FDB];
	_ =	sdelay $0x1  }
0x99: {  	s4 =	simm.s32 $_scs_section_size  }
0x9a: {  	s5 =	simm.s32 $_size__tile_overlayer_lowered;
	s6 =	simm.s32 $_tile_overlayer_lowered  }
0x9b: {  	s22 =	simm.s32 $0x1BFF;
	s21 =	sshll.u32 s6, $0x1;
	s3 =	sadd.s32 s4, s19  }
0x9c: {  	s7 =	simm.s32 $0x0;
	s20 =	sshll.u32 s5, $0x1;
	s5 =	sadd.s32 s21, s3  }
0x9d: {  	[timem:s7], [sflag:s22] =	dma.local [hbm:s5], s20  }
0x9e: {  	_ =	swait.ge [sflag:s22], s20  }
0x9f: {  	s4 =	ssub.s32 $0x0, s20;
	[sflag:s22] =	ssyncset.done $0x0  }
0xa0: {  	[sflag:s22] =	ssyncadd.s32 s4;
	_ =	sdelay $0x1  }
0xa1: {  	s23 =	simm.s32 $0x1B8B  }
0xa2: {  	_ =	swait.ge [sflag:s23], $0x1  }
0xa3: {  	[sflag:s23] =	ssyncset.done $0x0  }
0xa4: {  	s25 =	simm.s32 $0x1B8E;
	s24 =	sld [smem:$0x3FFE];
	[sflag:s23] =	ssyncadd.s32 $0xFFFFFFFF  }
0xa5: {  	s26 =	simm.s32 $execute0_lowered;
	[smem:$0x3FD2] =	sst s25  }
0xa6: {  	s5 =	sshll.u32 s26, $0x1;
	_ =	strace $0x80000046;
	[dreg:$0x1] =	wrdreg $0xFFFFFFFF  }
0xa7: {  	s28 =	simm.s32 $_size_execute0_lowered;
	s3 =	sadd.s32 s3, s5;
	[dreg:$0x0] =	wrdreg $0x0  }
0xa8: {  	s5 =	sshll.u32 s28, $0x1;
	[dreg:$0x2] =	wrdreg s3  }
0xa9: {  	[dreg:$0x3] =	wrdreg s5  }
0xaa: {  	[dreg:$0x4] =	wrdreg $0xC0  }
0xab: {  	_ =	task [dreg:s7], $0x5FFFF  }
0xac: {  	[dreg:$0x1] =	wrdreg $0xFFFFFFFF  }
0xad: {  	[dreg:$0x0] =	wrdreg $0x60  }
0xae: {  	[dreg:$0x2] =	wrdreg s2  }
0xaf: {  	[dreg:$0x3] =	wrdreg s24  }
0xb0: {  	[dreg:$0x4] =	wrdreg $0x9  }
0xb1: {  	_ =	task.clear_ibuf [dreg:s7], $0x5FFFF;
	_ =	strace $0x90000046  }
0xb2: {  	s29 =	simm.s32 $0x9;
	_ =	strace $0x80000048  }
0xb3: {  	_ =	swait.ge [sflag:s29], $0x1  }
0xb4: {  	[sflag:s29] =	ssyncadd.s32 $0xFFFFFFFF  }
0xb5: {  	_ =	strace $0x90000048  }
0xb6: {  	_ =	sfence  }
0xb7: {  	s30 =	sld [smem:$0x0];
	_ =	sdelay $0x2  }
0xb8: {  	s31 =	sshll.u32 s1, $0xD;
	s1 =	sshrl.u32 s1, $0x2  }
0xb9: {  	s3 =	sand.u32 $0x4000, s31;
	s1 =	sadd.s32 s1, s30  }
0xba: {  	s0 =	sor.u32 s3, s0;
	s1 =	sshll.u32 s1, $0x11  }
0xbb: {  	s0 =	sor.u32 s1, s0  }
0xbc: {  	s0 =	sadd.s32 $0x8F2B, s0  }
0xbd: {  	[sflag:s0] =	ssyncadd.remote.s32 $0x1  }
0xbe: {  	_ =	sfence.sel $0xFFFF  }
0xbf: {  	[dreg:$0x0] =	wrdreg $0xFFFFFFFF;
	(pc) =	sbr.abs _section_cstart, $3  }
0xc0: {  	[dreg:$0x1] =	wrdreg $0xFFFFFFFF  }
0xc1: {  	_ =	task.clear_ibuf [dreg:s7], $0x2FFFF;
	_ =	strace $0x9FFFFFFF  }
0xc2: {  	(tm) =	ssettm $0x7FFFFFFF  }
0xc3: {  	_ =	shalt  }
tec
execute0_lowered:
.L_overlay_start_1:
0x0: {  	(tag) =	ssettag $0x1  }
0x1: {  	s2 =	rddreg [dreg:$0x0]  }
0x2: {  	s0 =	rddreg [dreg:$0x1]  }
0x3: {  	s1 =	srdreg.scid;
	s3 =	stileid.u32;
	s30 =	simm.s32 $0x0  }
0x4: {  	s1 =	sand.u32 $0x1, s1;
	s4 =	sshll.u32 s3, $0x1;
	[smem:$0x7FF] =	sst s30  }
0x5: {  	s17 =	sadd.s32 $0x4D1000, s0;
	s8 =	sadd.s32 $0x24000, s0;
	s7 =	sor.u32 s1, s4  }
0x6: {  	s5 =	sadd.s32 $0x51000, s0;
	s1 =	ssub.s32 $0x2, s1;
	s11 =	smul.u32 $0x24000, s7  }
0x7: {  	_ =	strace $0x80000047;
	s16 =	smul.u32 $0x2400, s7;
	s9 =	sshrl.u32 s1, $0x1  }
0x8: {  	[dreg:$0x3] =	wrdreg s5;
	s1 =	ssub.s32 s1, s9;
	s26 =	sadd.s32 s17, s11  }
0x9: {  	s18 =	sshrl.u32 s16, $0x3;
	s28 =	smax.u32 s1, $0x1;
	[dreg:$0xd] =	wrdreg s26  }
0xa: {  	s6 =	sadd.s32 s8, s18;
	[dreg:$0xe] =	wrdreg s28  }
0xb: {  	s3 =	sadd.s32 s0, s18;
	s10 =	sadd.s32 $0x9000, s18;
	[dreg:$0x5] =	wrdreg s6  }
0xc: {  	s29 =	simm.s32 $0x20;
	s19 =	sadd.s32 s0, s10;
	[dreg:$0x4] =	wrdreg s3  }
0xd: {  	s21 =	sadd.s32 $0x12000, s18;
	s20 =	sadd.s32 s8, s10;
	[dreg:$0x6] =	wrdreg s19  }
0xe: {  	s31 =	simm.s32 $0x2;
	s22 =	sadd.s32 s0, s21;
	[dreg:$0x7] =	wrdreg s20  }
0xf: {  	s9 =	sadd.s32 $0x1B000, s18;
	s23 =	sadd.s32 s8, s21;
	[dreg:$0x8] =	wrdreg s22  }
0x10: {  	s5 =	smov.u32 s16;
	s0 =	sadd.s32 s0, s9;
	[dreg:$0x9] =	wrdreg s23  }
0x11: {  	s24 =	sadd.s32 s8, s9;
	s25 =	sadd.s32 $0x48000, s3;
	[dreg:$0xa] =	wrdreg s0  }
0x12: {  	s6 =	smov.u32 s17;
	s17 =	smul.u32 $0x120000, s7;
	[dreg:$0xb] =	wrdreg s24  }
0x13: {  	s3 =	simm.s32 $0x0;
	[dreg:$0xc] =	wrdreg s25;
	s19 =	simm.s32 $0x3  }
.LBB2_1:
0x14: {  	[dreg:$0xf] =	wrdreg s3  }
0x15: {  	s0 =	rddreg [dreg:$0x4]  }
0x16: {  	[tilespmem:s30], [sflag:$0x1] =	stream.linear.gather [hbm4b:s0+s30], $0x2400, $0x38;
	[tilespmem:$0x1E450] =	vst v63  }
0x17: {  	s4 =	rddreg [dreg:$0x5];
	s1 =	simm.s32 $0x9000  }
0x18: {  	[tilespmem:s1], [sflag:$0x1] =	stream.linear.gather [hbm4b:s4+s30], $0x2400, $0x38;
	[tilespmem:$0x1E450] =	vst v63  }
0x19: {  	s7 =	rddreg [dreg:$0x6];
	s8 =	simm.s32 $0x2400  }
0x1a: {  	[tilespmem:s8], [sflag:$0x1] =	stream.linear.gather [hbm4b:s7+s30], $0x2400, $0x38;
	[tilespmem:$0x1E450] =	vst v63  }
0x1b: {  	s9 =	rddreg [dreg:$0x7];
	s10 =	simm.s32 $0xB410  }
0x1c: {  	[tilespmem:s10], [sflag:$0x1] =	stream.linear.gather [hbm4b:s9+s30], $0x2400, $0x38;
	[tilespmem:$0x1E450] =	vst v63  }
0x1d: {  	s11 =	rddreg [dreg:$0x8];
	s12 =	simm.s32 $0x4800  }
0x1e: {  	[tilespmem:s12], [sflag:$0x1] =	stream.linear.gather [hbm4b:s11+s30], $0x2400, $0x38;
	[tilespmem:$0x1E450] =	vst v63  }
0x1f: {  	s13 =	rddreg [dreg:$0x9];
	s4 =	simm.s32 $0xD820  }
0x20: {  	[tilespmem:s4], [sflag:$0x1] =	stream.linear.gather [hbm4b:s13+s30], $0x2400, $0x38;
	[tilespmem:$0x1E450] =	vst v63  }
0x21: {  	s14 =	rddreg [dreg:$0xa];
	s15 =	simm.s32 $0x6C00  }
0x22: {  	[tilespmem:s15], [sflag:$0x1] =	stream.linear.gather [hbm4b:s14+s30], $0x2400, $0x38;
	[tilespmem:$0x1E450] =	vst v63  }
0x23: {  	s16 =	rddreg [dreg:$0xb];
	s7 =	simm.s32 $0xFC30  }
0x24: {  	[tilespmem:s7], [sflag:$0x1] =	stream.linear.gather [hbm4b:s16+s30], $0x2400, $0x38;
	[tilespmem:$0x1E450] =	vst v63  }
0x25: {  	s18 =	rddreg [dreg:$0xc];
	s20 =	simm.s32 $0x12040;
	s21 =	simm.s32 $0x1  }
0x26: {  	[tilespmem:s20], [sflag:$0x1] =	stream.linear.gather [hbm4b:s18+s30], $0x2400, $0x38;
	[tilespmem:$0x1E450] =	vst v63  }
0x27: {  	_ =	swait.ge [sflag:s21], $0x2400  }
0x28: {  	[sflag:s21] =	ssyncset.done $0x0  }
0x29: {  	[sflag:s21] =	ssyncadd.s32 $0xFFFFDC00  }
0x2a: {  	_ =	swait.ge [sflag:s21], $0x2400  }
0x2b: {  	[sflag:s21] =	ssyncset.done $0x0  }
0x2c: {  	[sflag:s21] =	ssyncadd.s32 $0xFFFFDC00  }
0x2d: {  	_ =	swait.ge [sflag:s21], $0x2400  }
0x2e: {  	[sflag:s21] =	ssyncset.done $0x0  }
0x2f: {  	[sflag:s21] =	ssyncadd.s32 $0xFFFFDC00  }
0x30: {  	_ =	swait.ge [sflag:s21], $0x2400  }
0x31: {  	[sflag:s21] =	ssyncset.done $0x0  }
0x32: {  	[sflag:s21] =	ssyncadd.s32 $0xFFFFDC00  }
0x33: {  	_ =	swait.ge [sflag:s21], $0x2400  }
0x34: {  	[sflag:s21] =	ssyncset.done $0x0  }
0x35: {  	[sflag:s21] =	ssyncadd.s32 $0xFFFFDC00  }
0x36: {  	_ =	swait.ge [sflag:s21], $0x2400  }
0x37: {  	[sflag:s21] =	ssyncset.done $0x0  }
0x38: {  	[sflag:s21] =	ssyncadd.s32 $0xFFFFDC00  }
0x39: {  	_ =	swait.ge [sflag:s21], $0x2400  }
0x3a: {  	[sflag:s21] =	ssyncset.done $0x0  }
0x3b: {  	[sflag:s21] =	ssyncadd.s32 $0xFFFFDC00  }
0x3c: {  	_ =	swait.ge [sflag:s21], $0x2400  }
0x3d: {  	[sflag:s21] =	ssyncset.done $0x0  }
0x3e: {  	[sflag:s21] =	ssyncadd.s32 $0xFFFFDC00  }
0x3f: {  	_ =	swait.ge [sflag:s21], $0x2400  }
0x40: {  	[sflag:s21] =	ssyncset.done $0x0  }
0x41: {  	s22 =	simm.s32 $0x14450;
	[sflag:s21] =	ssyncadd.s32 $0xFFFFDC00  }
0x42: {  	[tilespmem:s22], [sflag:$0x2] =	stream.indirect.gather [hbm4b:s2+s29], $0x60, s30, s29, $0xb8;
	[tilespmem:$0x1E450] =	vst v63  }
0x43: {  	s23 =	simm.s32 $0x15050;
	s24 =	simm.s32 $0x15C50;
	s25 =	simm.s32 $0x16850  }
0x44: {  	[tilespmem:s23], [sflag:$0x2] =	stream.indirect.gather [hbm4b:s2+s29], $0x60, s8, s29, $0xb8;
	[tilespmem:$0x1E450] =	vst v63  }
0x45: {  	s28 =	simm.s32 $0x1A450;
	s13 =	simm.s32 $0x9023;
	s14 =	simm.s32 $0x23  }
0x46: {  	[tilespmem:s24], [sflag:$0x2] =	stream.indirect.gather [hbm4b:s2+s29], $0x60, s12, s29, $0xb8;
	[tilespmem:$0x1E450] =	vst v63  }
0x47: {  	s16 =	simm.s32 $0x0;
	s26 =	rddreg [dreg:$0xd];
	s21 =	simm.s32 $0x9003  }
0x48: {  	[tilespmem:s25], [sflag:$0x2] =	stream.indirect.gather [hbm4b:s2+s29], $0x60, s15, s29, $0xb8;
	[tilespmem:$0x1E450] =	vst v63  }
0x49: {  	s23 =	simm.s32 $0x12043;
	s12 =	simm.s32 $0x12063;
	s15 =	simm.s32 $0x3  }
0x4a: {  	[tilespmem:s28], [sflag:$0x4] =	stream.linear.gather [hbm4b:s26+s30], $0x1000, $0x38;
	[tilespmem:$0x1E450] =	vst v63  }
.LBB2_2:
0x4b: {  	s18 =	sshllo.u32 s16, $0x1  }
0x4c: {  	s0 =	simm.s32 $0x17450;
	s7 =	sshll.u32 s18, $0x5  }
0x4d: {  	[tilespmem:s0], [sflag:$0x3] =	stream.indirect.gather [hbm4b:s2+s29], $0x60, s7, s29, $0xb8;
	[tilespmem:$0x1E450] =	vst v63  }
0x4e: {  	s1 =	simm.s32 $0x18050;
	s10 =	sadd.s32 $0x2400, s7;
	s25 =	sadd.s32 s5, s7  }
0x4f: {  	[tilespmem:s1], [sflag:$0x3] =	stream.indirect.gather [hbm4b:s2+s29], $0x60, s10, s29, $0xb8;
	[tilespmem:$0x1E450] =	vst v63  }
0x50: {  	s20 =	simm.s32 $0x18C50;
	s11 =	sadd.s32 $0x4800, s7;
	s0 =	sshll.u32 s25, $0x4  }
0x51: {  	[tilespmem:s20], [sflag:$0x3] =	stream.indirect.gather [hbm4b:s2+s29], $0x60, s11, s29, $0xb8;
	[tilespmem:$0x1E450] =	vst v63  }
0x52: {  	s24 =	simm.s32 $0x19850;
	s22 =	sadd.s32 $0x6C00, s7;
	s0 =	sand.u32 $0x1FFFFE00, s0  }
0x53: {  	[tilespmem:s24], [sflag:$0x3] =	stream.indirect.gather [hbm4b:s2+s29], $0x60, s22, s29, $0xb8;
	[tilespmem:$0x1E450] =	vst v63  }
0x54: {  	s26 =	simm.s32 $0x1B450;
	s0 =	sadd.s32 s6, s0  }
0x55: {  	[tilespmem:s26], [sflag:$0x5] =	stream.linear.gather [hbm4b:s0+s30], $0x1000, $0x38;
	[tilespmem:$0x1E450] =	vst v63  }
0x56: {  	_ =	swait.ge [sflag:s31], $0xC00  }
0x57: {  	[sflag:s31] =	ssyncset.done $0x0  }
0x58: {  	[sflag:s31] =	ssyncadd.s32 $0xFFFFF400  }
0x59: {  	_ =	swait.ge [sflag:s31], $0xC00  }
0x5a: {  	[sflag:s31] =	ssyncset.done $0x0  }
0x5b: {  	[sflag:s31] =	ssyncadd.s32 $0xFFFFF400  }
0x5c: {  	_ =	swait.ge [sflag:s31], $0xC00  }
0x5d: {  	[sflag:s31] =	ssyncset.done $0x0  }
0x5e: {  	[sflag:s31] =	ssyncadd.s32 $0xFFFFF400  }
0x5f: {  	_ =	swait.ge [sflag:s31], $0xC00  }
0x60: {  	[sflag:s31] =	ssyncset.done $0x0  }
0x61: {  	s30 =	simm.s32 $0x4;
	[sflag:s31] =	ssyncadd.s32 $0xFFFFF400  }
0x62: {  	_ =	swait.ge [sflag:s30], $0x1000  }
0x63: {  	p0 =	seq.s32 s16, $0x0;
	[sflag:s30] =	ssyncset.done $0x0  }
0x64: {  	s9 =	simm.s32 $0x1C550;
	s0 =	simm.s32 @!p0 $0x6;
	[sflag:s30] =	ssyncadd.s32 $0xFFFFF000  }
0x65: {  	s28 =	simm.s32 $0x15C50;
	s25 =	simm.s32 $0xFFFFFFFC;
	_ =	swait.ge @!p0 [sflag:s0], $0x1000  }
0x66: {  	s10 =	simm.s32 $0x1A550;
	s11 =	smov.u32 s21;
	[sflag:s0] =	ssyncset.done @!p0 $0x0  }
0x67: {  	s22 =	sshll.u32 s16, $0x6;
	s24 =	smov.u32 s23;
	[sflag:s0] =	ssyncadd.s32 @!p0 $0xFFFFF000  }
.LBB2_3:
0x68: {  	s26 =	sadd.s32 $0x4, s25  }
0x69: {  	s0 =	sand.u32 $0x18, s26  }
0x6a: {  	v0 =	vld [tilespmem:s28+$0xFFFFE800];
	s20 =	sand.u32 $0x4, s26;
	s30 =	sor.u32 s22, s0  }
0x6b: {  	v2 =	vld [tilespmem:s28+$0xFFFFF400];
	s3 =	sor.u32 s20, s30;
	s1 =	sadd.s32 $0xB410, s30  }
0x6c: {  	v1 =	vld.msk [tilespmem:s3+$0x9000 ss:$0x0], $0xffff;
	s4 =	sadd.s32 s20, s1  }
0x6d: {  	s8 =	sadd.s32 $0xD820, s30;
	v3 =	vld.msk [tilespmem:s4+$0x0 ss:$0x0], $0xffff  }
0x6e: {  	v4 =	vld [tilespmem:s28+$0x0];
	s4 =	sadd.s32 s20, s8  }
0x6f: {  	s0 =	sadd.s32 $0xFC30, s30;
	v5 =	vld.msk [tilespmem:s4+$0x0 ss:$0x0], $0xffff  }
0x70: {  	v6 =	vld [tilespmem:s28+$0xC00];
	s20 =	sadd.s32 s20, s0  }
0x71: {  	v7 =	vld.msk [tilespmem:s20+$0x0 ss:$0x0], $0xffff  }
0x72: {  	v8 =	vld [tilespmem:s10+$0xFFFFFF00];
	v0 =	vmul.f32 v0, v1;
	v2 =	vmul.f32 v2, v3  }
0x73: {  	v9 =	vld.msk [tilespmem:s3+$0x12040 ss:$0x0], $0xffff  }
0x74: {  	v43 =	vmul.f32 v4, v5;
	v0 =	vadd.f32 v2, v0;
	_ =	sdelay $0x1  }
0x75: {  	v44 =	vmul.f32 v6, v7;
	v0 =	vadd.f32 v43, v0;
	_ =	sdelay $0x1  }
0x76: {  	v45 =	vmul.f32 v8, v9;
	v0 =	vadd.f32 v44, v0;
	_ =	sdelay $0x1  }
0x77: {  	v0 =	vadd.f32 v45, v0;
	_ =	sdelay $0x1  }
0x78: {  	[tilespmem:s9+$0xFFFFFF00] =	vst v0  }
0x79: {  	v0 =	vld [tilespmem:s28+$0xFFFFE810]  }
0x7a: {  	v46 =	vld [tilespmem:s28+$0xFFFFF410];
	_ =	sdelay $0x1  }
0x7b: {  	v47 =	vld [tilespmem:s28+$0x10];
	_ =	sdelay $0x1  }
0x7c: {  	v48 =	vld [tilespmem:s28+$0xC10]  }
0x7d: {  	v0 =	vmul.f32 v0, v1;
	v2 =	vmul.f32 v46, v3  }
0x7e: {  	v49 =	vld [tilespmem:s10+$0xFFFFFF10]  }
0x7f: {  	v50 =	vmul.f32 v47, v5;
	v0 =	vadd.f32 v2, v0;
	_ =	sdelay $0x1  }
0x80: {  	v51 =	vmul.f32 v48, v7;
	v0 =	vadd.f32 v50, v0;
	_ =	sdelay $0x1  }
0x81: {  	v52 =	vmul.f32 v49, v9;
	v0 =	vadd.f32 v51, v0;
	_ =	sdelay $0x1  }
0x82: {  	v0 =	vadd.f32 v52, v0;
	_ =	sdelay $0x1  }
0x83: {  	[tilespmem:s9+$0xFFFFFF10] =	vst v0  }
0x84: {  	v0 =	vld [tilespmem:s28+$0xFFFFE820]  }
0x85: {  	v53 =	vld [tilespmem:s28+$0xFFFFF420];
	_ =	sdelay $0x1  }
0x86: {  	v54 =	vld [tilespmem:s28+$0x20];
	_ =	sdelay $0x1  }
0x87: {  	v55 =	vld [tilespmem:s28+$0xC20]  }
0x88: {  	v0 =	vmul.f32 v0, v1;
	v2 =	vmul.f32 v53, v3  }
0x89: {  	v56 =	vld [tilespmem:s10+$0xFFFFFF20]  }
0x8a: {  	v57 =	vmul.f32 v54, v5;
	v0 =	vadd.f32 v2, v0;
	_ =	sdelay $0x1  }
0x8b: {  	v58 =	vmul.f32 v55, v7;
	v0 =	vadd.f32 v57, v0;
	_ =	sdelay $0x1  }
0x8c: {  	v59 =	vmul.f32 v56, v9;
	v0 =	vadd.f32 v58, v0;
	_ =	sdelay $0x1  }
0x8d: {  	v0 =	vadd.f32 v59, v0;
	_ =	sdelay $0x1  }
0x8e: {  	[tilespmem:s9+$0xFFFFFF20] =	vst v0  }
0x8f: {  	v0 =	vld [tilespmem:s28+$0xFFFFE830]  }
0x90: {  	v60 =	vld [tilespmem:s28+$0xFFFFF430];
	_ =	sdelay $0x1  }
0x91: {  	v61 =	vld [tilespmem:s28+$0x30];
	_ =	sdelay $0x1  }
0x92: {  	v62 =	vld [tilespmem:s28+$0xC30]  }
0x93: {  	v0 =	vmul.f32 v0, v1;
	v2 =	vmul.f32 v60, v3  }
0x94: {  	v63 =	vld [tilespmem:s10+$0xFFFFFF30]  }
0x95: {  	v4 =	vmul.f32 v61, v5;
	v0 =	vadd.f32 v2, v0;
	_ =	sdelay $0x1  }
0x96: {  	v10 =	vmul.f32 v62, v7;
	v0 =	vadd.f32 v4, v0;
	_ =	sdelay $0x1  }
0x97: {  	v11 =	vmul.f32 v63, v9;
	v0 =	vadd.f32 v10, v0;
	_ =	sdelay $0x1  }
0x98: {  	v0 =	vadd.f32 v11, v0;
	_ =	sdelay $0x1  }
0x99: {  	[tilespmem:s9+$0xFFFFFF30] =	vst v0  }
0x9a: {  	v0 =	vld [tilespmem:s28+$0xFFFFE840]  }
0x9b: {  	v12 =	vld [tilespmem:s28+$0xFFFFF440];
	_ =	sdelay $0x1  }
0x9c: {  	v13 =	vld [tilespmem:s28+$0x40];
	_ =	sdelay $0x1  }
0x9d: {  	v14 =	vld [tilespmem:s28+$0xC40]  }
0x9e: {  	v0 =	vmul.f32 v0, v1;
	v2 =	vmul.f32 v12, v3  }
0x9f: {  	v15 =	vld [tilespmem:s10+$0xFFFFFF40]  }
0xa0: {  	v16 =	vmul.f32 v13, v5;
	v0 =	vadd.f32 v2, v0;
	_ =	sdelay $0x1  }
0xa1: {  	v17 =	vmul.f32 v14, v7;
	v0 =	vadd.f32 v16, v0;
	_ =	sdelay $0x1  }
0xa2: {  	v18 =	vmul.f32 v15, v9;
	v0 =	vadd.f32 v17, v0;
	_ =	sdelay $0x1  }
0xa3: {  	v0 =	vadd.f32 v18, v0;
	_ =	sdelay $0x1  }
0xa4: {  	[tilespmem:s9+$0xFFFFFF40] =	vst v0  }
0xa5: {  	v0 =	vld [tilespmem:s28+$0xFFFFE850]  }
0xa6: {  	v19 =	vld [tilespmem:s28+$0xFFFFF450];
	_ =	sdelay $0x1  }
0xa7: {  	v20 =	vld [tilespmem:s28+$0x50];
	_ =	sdelay $0x1  }
0xa8: {  	v21 =	vld [tilespmem:s28+$0xC50]  }
0xa9: {  	v0 =	vmul.f32 v0, v1;
	v22 =	vmul.f32 v19, v3  }
0xaa: {  	v23 =	vld [tilespmem:s10+$0xFFFFFF50]  }
0xab: {  	v24 =	vmul.f32 v20, v5;
	v0 =	vadd.f32 v22, v0;
	_ =	sdelay $0x1  }
0xac: {  	v25 =	vmul.f32 v21, v7;
	v0 =	vadd.f32 v24, v0;
	_ =	sdelay $0x1  }
0xad: {  	v26 =	vmul.f32 v23, v9;
	v0 =	vadd.f32 v25, v0;
	_ =	sdelay $0x1  }
0xae: {  	v0 =	vadd.f32 v26, v0  }
0xaf: {  	s4 =	sadd.s32 $0x5, s25  }
0xb0: {  	s3 =	sand.u32 $0x5, s4;
	[tilespmem:s9+$0xFFFFFF50] =	vst v0  }
0xb1: {  	s4 =	sor.u32 s3, s30;
	v0 =	vld [tilespmem:s28+$0xFFFFE860]  }
0xb2: {  	v27 =	vld.msk [tilespmem:s4+$0x9000 ss:$0x0], $0xffff  }
0xb3: {  	s20 =	sadd.s32 s3, s1;
	v28 =	vld [tilespmem:s28+$0xFFFFF460]  }
0xb4: {  	v29 =	vld.msk [tilespmem:s20+$0x0 ss:$0x0], $0xffff  }
0xb5: {  	s20 =	sadd.s32 s3, s8;
	v30 =	vld [tilespmem:s28+$0x60]  }
0xb6: {  	v31 =	vld.msk [tilespmem:s20+$0x0 ss:$0x0], $0xffff  }
0xb7: {  	s3 =	sadd.s32 s3, s0;
	v32 =	vld [tilespmem:s28+$0xC60]  }
0xb8: {  	v33 =	vld.msk [tilespmem:s3+$0x0 ss:$0x0], $0xffff  }
0xb9: {  	v34 =	vld [tilespmem:s10+$0xFFFFFF80];
	v0 =	vmul.f32 v0, v27;
	v2 =	vmul.f32 v28, v29  }
0xba: {  	v35 =	vld.msk [tilespmem:s4+$0x12040 ss:$0x0], $0xffff  }
0xbb: {  	v36 =	vmul.f32 v30, v31;
	v0 =	vadd.f32 v2, v0;
	_ =	sdelay $0x1  }
0xbc: {  	v37 =	vmul.f32 v32, v33;
	v0 =	vadd.f32 v36, v0;
	_ =	sdelay $0x1  }
0xbd: {  	v38 =	vmul.f32 v34, v35;
	v0 =	vadd.f32 v37, v0;
	_ =	sdelay $0x1  }
0xbe: {  	v0 =	vadd.f32 v38, v0;
	_ =	sdelay $0x1  }
0xbf: {  	[tilespmem:s9+$0xFFFFFF80] =	vst v0  }
0xc0: {  	v0 =	vld [tilespmem:s28+$0xFFFFE870]  }
0xc1: {  	v39 =	vld [tilespmem:s28+$0xFFFFF470];
	_ =	sdelay $0x1  }
0xc2: {  	v40 =	vld [tilespmem:s28+$0x70];
	_ =	sdelay $0x1  }
0xc3: {  	v41 =	vld [tilespmem:s28+$0xC70]  }
0xc4: {  	v0 =	vmul.f32 v0, v27;
	v2 =	vmul.f32 v39, v29  }
0xc5: {  	v42 =	vld [tilespmem:s10+$0xFFFFFF90]  }
0xc6: {  	v43 =	vmul.f32 v40, v31;
	v0 =	vadd.f32 v2, v0;
	_ =	sdelay $0x1  }
0xc7: {  	v44 =	vmul.f32 v41, v33;
	v0 =	vadd.f32 v43, v0;
	_ =	sdelay $0x1  }
0xc8: {  	v45 =	vmul.f32 v42, v35;
	v0 =	vadd.f32 v44, v0;
	_ =	sdelay $0x1  }
0xc9: {  	v0 =	vadd.f32 v45, v0;
	_ =	sdelay $0x1  }
0xca: {  	[tilespmem:s9+$0xFFFFFF90] =	vst v0  }
0xcb: {  	v0 =	vld [tilespmem:s28+$0xFFFFE880]  }
0xcc: {  	v46 =	vld [tilespmem:s28+$0xFFFFF480];
	_ =	sdelay $0x1  }
0xcd: {  	v47 =	vld [tilespmem:s28+$0x80];
	_ =	sdelay $0x1  }
0xce: {  	v48 =	vld [tilespmem:s28+$0xC80]  }
0xcf: {  	v0 =	vmul.f32 v0, v27;
	v2 =	vmul.f32 v46, v29  }
0xd0: {  	v49 =	vld [tilespmem:s10+$0xFFFFFFA0]  }
0xd1: {  	v50 =	vmul.f32 v47, v31;
	v0 =	vadd.f32 v2, v0;
	_ =	sdelay $0x1  }
0xd2: {  	v51 =	vmul.f32 v48, v33;
	v0 =	vadd.f32 v50, v0;
	_ =	sdelay $0x1  }
0xd3: {  	v52 =	vmul.f32 v49, v35;
	v0 =	vadd.f32 v51, v0;
	_ =	sdelay $0x1  }
0xd4: {  	v0 =	vadd.f32 v52, v0;
	_ =	sdelay $0x1  }
0xd5: {  	[tilespmem:s9+$0xFFFFFFA0] =	vst v0  }
0xd6: {  	v0 =	vld [tilespmem:s28+$0xFFFFE890]  }
0xd7: {  	v53 =	vld [tilespmem:s28+$0xFFFFF490];
	_ =	sdelay $0x1  }
0xd8: {  	v54 =	vld [tilespmem:s28+$0x90];
	_ =	sdelay $0x1  }
0xd9: {  	v55 =	vld [tilespmem:s28+$0xC90]  }
0xda: {  	v0 =	vmul.f32 v0, v27;
	v2 =	vmul.f32 v53, v29  }
0xdb: {  	v56 =	vld [tilespmem:s10+$0xFFFFFFB0]  }
0xdc: {  	v57 =	vmul.f32 v54, v31;
	v0 =	vadd.f32 v2, v0;
	_ =	sdelay $0x1  }
0xdd: {  	v58 =	vmul.f32 v55, v33;
	v0 =	vadd.f32 v57, v0;
	_ =	sdelay $0x1  }
0xde: {  	v59 =	vmul.f32 v56, v35;
	v0 =	vadd.f32 v58, v0;
	_ =	sdelay $0x1  }
0xdf: {  	v0 =	vadd.f32 v59, v0;
	_ =	sdelay $0x1  }
0xe0: {  	[tilespmem:s9+$0xFFFFFFB0] =	vst v0  }
0xe1: {  	v0 =	vld [tilespmem:s28+$0xFFFFE8A0]  }
0xe2: {  	v60 =	vld [tilespmem:s28+$0xFFFFF4A0];
	_ =	sdelay $0x1  }
0xe3: {  	v61 =	vld [tilespmem:s28+$0xA0];
	_ =	sdelay $0x1  }
0xe4: {  	v62 =	vld [tilespmem:s28+$0xCA0]  }
0xe5: {  	v0 =	vmul.f32 v0, v27;
	v2 =	vmul.f32 v60, v29  }
0xe6: {  	v63 =	vld [tilespmem:s10+$0xFFFFFFC0]  }
0xe7: {  	v11 =	vmul.f32 v61, v31;
	v0 =	vadd.f32 v2, v0;
	_ =	sdelay $0x1  }
0xe8: {  	v12 =	vmul.f32 v62, v33;
	v0 =	vadd.f32 v11, v0;
	_ =	sdelay $0x1  }
0xe9: {  	v13 =	vmul.f32 v63, v35;
	v0 =	vadd.f32 v12, v0;
	_ =	sdelay $0x1  }
0xea: {  	v0 =	vadd.f32 v13, v0;
	_ =	sdelay $0x1  }
0xeb: {  	[tilespmem:s9+$0xFFFFFFC0] =	vst v0  }
0xec: {  	v0 =	vld [tilespmem:s28+$0xFFFFE8B0]  }
0xed: {  	v14 =	vld [tilespmem:s28+$0xFFFFF4B0];
	_ =	sdelay $0x1  }
0xee: {  	v15 =	vld [tilespmem:s28+$0xB0];
	_ =	sdelay $0x1  }
0xef: {  	v16 =	vld [tilespmem:s28+$0xCB0]  }
0xf0: {  	v0 =	vmul.f32 v0, v27;
	v17 =	vmul.f32 v14, v29  }
0xf1: {  	v18 =	vld [tilespmem:s10+$0xFFFFFFD0]  }
0xf2: {  	v19 =	vmul.f32 v15, v31;
	v0 =	vadd.f32 v17, v0;
	_ =	sdelay $0x1  }
0xf3: {  	v20 =	vmul.f32 v16, v33;
	v0 =	vadd.f32 v19, v0;
	_ =	sdelay $0x1  }
0xf4: {  	v21 =	vmul.f32 v18, v35;
	v0 =	vadd.f32 v20, v0;
	_ =	sdelay $0x1  }
0xf5: {  	v0 =	vadd.f32 v21, v0  }
0xf6: {  	s20 =	sadd.s32 $0x6, s25  }
0xf7: {  	s3 =	sand.u32 $0x6, s20;
	[tilespmem:s9+$0xFFFFFFD0] =	vst v0  }
0xf8: {  	s30 =	sor.u32 s3, s30;
	v0 =	vld [tilespmem:s28+$0xFFFFE8C0]  }
0xf9: {  	v22 =	vld.msk [tilespmem:s30+$0x9000 ss:$0x0], $0xffff  }
0xfa: {  	s1 =	sadd.s32 s3, s1;
	v23 =	vld [tilespmem:s28+$0xFFFFF4C0]  }
0xfb: {  	v24 =	vld.msk [tilespmem:s1+$0x0 ss:$0x0], $0xffff  }
0xfc: {  	s20 =	sadd.s32 s3, s8;
	v25 =	vld [tilespmem:s28+$0xC0]  }
0xfd: {  	v26 =	vld.msk [tilespmem:s20+$0x0 ss:$0x0], $0xffff  }
0xfe: {  	s0 =	sadd.s32 s3, s0;
	v27 =	vld [tilespmem:s28+$0xCC0]  }
0xff: {  	v28 =	vld.msk [tilespmem:s0+$0x0 ss:$0x0], $0xffff  }
0x100: {  	v29 =	vld [tilespmem:s10+$0x0];
	v0 =	vmul.f32 v0, v22;
	v2 =	vmul.f32 v23, v24  }
0x101: {  	v30 =	vld.msk [tilespmem:s30+$0x12040 ss:$0x0], $0xffff  }
0x102: {  	v31 =	vmul.f32 v25, v26;
	v0 =	vadd.f32 v2, v0;
	_ =	sdelay $0x1  }
0x103: {  	v32 =	vmul.f32 v27, v28;
	v0 =	vadd.f32 v31, v0;
	_ =	sdelay $0x1  }
0x104: {  	v33 =	vmul.f32 v29, v30;
	v0 =	vadd.f32 v32, v0;
	_ =	sdelay $0x1  }
0x105: {  	v0 =	vadd.f32 v33, v0;
	_ =	sdelay $0x1  }
0x106: {  	[tilespmem:s9+$0x0] =	vst v0  }
0x107: {  	v0 =	vld [tilespmem:s28+$0xFFFFE8D0]  }
0x108: {  	v34 =	vld [tilespmem:s28+$0xFFFFF4D0];
	_ =	sdelay $0x1  }
0x109: {  	v35 =	vld [tilespmem:s28+$0xD0];
	_ =	sdelay $0x1  }
0x10a: {  	v36 =	vld [tilespmem:s28+$0xCD0]  }
0x10b: {  	v0 =	vmul.f32 v0, v22;
	v2 =	vmul.f32 v34, v24  }
0x10c: {  	v37 =	vld [tilespmem:s10+$0x10]  }
0x10d: {  	v38 =	vmul.f32 v35, v26;
	v0 =	vadd.f32 v2, v0;
	_ =	sdelay $0x1  }
0x10e: {  	v39 =	vmul.f32 v36, v28;
	v0 =	vadd.f32 v38, v0;
	_ =	sdelay $0x1  }
0x10f: {  	v40 =	vmul.f32 v37, v30;
	v0 =	vadd.f32 v39, v0;
	_ =	sdelay $0x1  }
0x110: {  	v0 =	vadd.f32 v40, v0;
	_ =	sdelay $0x1  }
0x111: {  	[tilespmem:s9+$0x10] =	vst v0  }
0x112: {  	v0 =	vld [tilespmem:s28+$0xFFFFE8E0]  }
0x113: {  	v41 =	vld [tilespmem:s28+$0xFFFFF4E0];
	_ =	sdelay $0x1  }
0x114: {  	v42 =	vld [tilespmem:s28+$0xE0];
	_ =	sdelay $0x1  }
0x115: {  	v43 =	vld [tilespmem:s28+$0xCE0]  }
0x116: {  	v0 =	vmul.f32 v0, v22;
	v2 =	vmul.f32 v41, v24  }
0x117: {  	v44 =	vld [tilespmem:s10+$0x20]  }
0x118: {  	v45 =	vmul.f32 v42, v26;
	v0 =	vadd.f32 v2, v0;
	_ =	sdelay $0x1  }
0x119: {  	v46 =	vmul.f32 v43, v28;
	v0 =	vadd.f32 v45, v0;
	_ =	sdelay $0x1  }
0x11a: {  	v47 =	vmul.f32 v44, v30;
	v0 =	vadd.f32 v46, v0;
	_ =	sdelay $0x1  }
0x11b: {  	v0 =	vadd.f32 v47, v0;
	_ =	sdelay $0x1  }
0x11c: {  	[tilespmem:s9+$0x20] =	vst v0  }
0x11d: {  	v0 =	vld [tilespmem:s28+$0xFFFFE8F0]  }
0x11e: {  	v48 =	vld [tilespmem:s28+$0xFFFFF4F0];
	_ =	sdelay $0x1  }
0x11f: {  	v49 =	vld [tilespmem:s28+$0xF0];
	_ =	sdelay $0x1  }
0x120: {  	v50 =	vld [tilespmem:s28+$0xCF0]  }
0x121: {  	v0 =	vmul.f32 v0, v22;
	v2 =	vmul.f32 v48, v24  }
0x122: {  	v51 =	vld [tilespmem:s10+$0x30]  }
0x123: {  	v52 =	vmul.f32 v49, v26;
	v0 =	vadd.f32 v2, v0;
	_ =	sdelay $0x1  }
0x124: {  	v53 =	vmul.f32 v50, v28;
	v0 =	vadd.f32 v52, v0;
	_ =	sdelay $0x1  }
0x125: {  	v54 =	vmul.f32 v51, v30;
	v0 =	vadd.f32 v53, v0;
	_ =	sdelay $0x1  }
0x126: {  	v0 =	vadd.f32 v54, v0;
	_ =	sdelay $0x1  }
0x127: {  	[tilespmem:s9+$0x30] =	vst v0  }
0x128: {  	v0 =	vld [tilespmem:s28+$0xFFFFE900]  }
0x129: {  	v55 =	vld [tilespmem:s28+$0xFFFFF500];
	_ =	sdelay $0x1  }
0x12a: {  	v56 =	vld [tilespmem:s28+$0x100];
	_ =	sdelay $0x1  }
0x12b: {  	v57 =	vld [tilespmem:s28+$0xD00]  }
0x12c: {  	v0 =	vmul.f32 v0, v22;
	v2 =	vmul.f32 v55, v24  }
0x12d: {  	v58 =	vld [tilespmem:s10+$0x40]  }
0x12e: {  	v59 =	vmul.f32 v56, v26;
	v0 =	vadd.f32 v2, v0;
	_ =	sdelay $0x1  }
0x12f: {  	v60 =	vmul.f32 v57, v28;
	v0 =	vadd.f32 v59, v0;
	_ =	sdelay $0x1  }
0x130: {  	v61 =	vmul.f32 v58, v30;
	v0 =	vadd.f32 v60, v0;
	_ =	sdelay $0x1  }
0x131: {  	v0 =	vadd.f32 v61, v0;
	_ =	sdelay $0x1  }
0x132: {  	[tilespmem:s9+$0x40] =	vst v0  }
0x133: {  	v0 =	vld [tilespmem:s28+$0xFFFFE910]  }
0x134: {  	v62 =	vld [tilespmem:s28+$0xFFFFF510];
	_ =	sdelay $0x1  }
0x135: {  	v63 =	vld [tilespmem:s28+$0x110];
	_ =	sdelay $0x1  }
0x136: {  	v10 =	vld [tilespmem:s28+$0xD10]  }
0x137: {  	v0 =	vmul.f32 v0, v22;
	v11 =	vmul.f32 v62, v24  }
0x138: {  	v12 =	vld [tilespmem:s10+$0x50]  }
0x139: {  	v13 =	vmul.f32 v63, v26;
	v0 =	vadd.f32 v11, v0;
	_ =	sdelay $0x1  }
0x13a: {  	v14 =	vmul.f32 v10, v28;
	v0 =	vadd.f32 v13, v0;
	_ =	sdelay $0x1  }
0x13b: {  	v15 =	vmul.f32 v12, v30;
	v0 =	vadd.f32 v14, v0;
	_ =	sdelay $0x1  }
0x13c: {  	v0 =	vadd.f32 v15, v0;
	_ =	sdelay $0x1  }
0x13d: {  	[tilespmem:s9+$0x50] =	vst v0  }
0x13e: {  	s25 =	sadd.s32 $0xFFFFFFFF, s25;
	s30 =	sadd.s32 s15, s26;
	v0 =	vld [tilespmem:s28+$0xFFFFE920]  }
0x13f: {  	s0 =	sand.u32 $0x7, s25;
	s1 =	sand.u32 $0x3FD8, s30;
	v16 =	vld.msk [tilespmem:s11+$0x0 ss:$0x0], $0xffff  }
0x140: {  	s0 =	sor.u32 s0, s1;
	v17 =	vld [tilespmem:s28+$0xFFFFF520]  }
0x141: {  	v18 =	vld.msk [tilespmem:s0+$0xB410 ss:$0x0], $0xffff  }
0x142: {  	v19 =	vld [tilespmem:s28+$0x120]  }
0x143: {  	v20 =	vld.msk [tilespmem:s0+$0xD820 ss:$0x0], $0xffff  }
0x144: {  	v21 =	vld [tilespmem:s28+$0xD20]  }
0x145: {  	v22 =	vld.msk [tilespmem:s0+$0xFC30 ss:$0x0], $0xffff  }
0x146: {  	v23 =	vld [tilespmem:s10+$0x80];
	v0 =	vmul.f32 v0, v16;
	v2 =	vmul.f32 v17, v18  }
0x147: {  	v24 =	vld.msk [tilespmem:s24+$0x0 ss:$0x0], $0xffff  }
0x148: {  	v25 =	vmul.f32 v19, v20;
	v0 =	vadd.f32 v2, v0;
	_ =	sdelay $0x1  }
0x149: {  	v26 =	vmul.f32 v21, v22;
	v0 =	vadd.f32 v25, v0;
	_ =	sdelay $0x1  }
0x14a: {  	v27 =	vmul.f32 v23, v24;
	v0 =	vadd.f32 v26, v0;
	_ =	sdelay $0x1  }
0x14b: {  	v0 =	vadd.f32 v27, v0;
	_ =	sdelay $0x1  }
0x14c: {  	[tilespmem:s9+$0x80] =	vst v0  }
0x14d: {  	v0 =	vld [tilespmem:s28+$0xFFFFE930]  }
0x14e: {  	v28 =	vld [tilespmem:s28+$0xFFFFF530];
	_ =	sdelay $0x1  }
0x14f: {  	v29 =	vld [tilespmem:s28+$0x130];
	_ =	sdelay $0x1  }
0x150: {  	v30 =	vld [tilespmem:s28+$0xD30]  }
0x151: {  	v0 =	vmul.f32 v0, v16;
	v2 =	vmul.f32 v28, v18  }
0x152: {  	v31 =	vld [tilespmem:s10+$0x90]  }
0x153: {  	v32 =	vmul.f32 v29, v20;
	v0 =	vadd.f32 v2, v0;
	_ =	sdelay $0x1  }
0x154: {  	v33 =	vmul.f32 v30, v22;
	v0 =	vadd.f32 v32, v0;
	_ =	sdelay $0x1  }
0x155: {  	v34 =	vmul.f32 v31, v24;
	v0 =	vadd.f32 v33, v0;
	_ =	sdelay $0x1  }
0x156: {  	v0 =	vadd.f32 v34, v0;
	_ =	sdelay $0x1  }
0x157: {  	[tilespmem:s9+$0x90] =	vst v0  }
0x158: {  	v0 =	vld [tilespmem:s28+$0xFFFFE940]  }
0x159: {  	v35 =	vld [tilespmem:s28+$0xFFFFF540];
	_ =	sdelay $0x1  }
0x15a: {  	v36 =	vld [tilespmem:s28+$0x140];
	_ =	sdelay $0x1  }
0x15b: {  	v37 =	vld [tilespmem:s28+$0xD40]  }
0x15c: {  	v0 =	vmul.f32 v0, v16;
	v2 =	vmul.f32 v35, v18  }
0x15d: {  	v38 =	vld [tilespmem:s10+$0xA0]  }
0x15e: {  	v39 =	vmul.f32 v36, v20;
	v0 =	vadd.f32 v2, v0;
	_ =	sdelay $0x1  }
0x15f: {  	v40 =	vmul.f32 v37, v22;
	v0 =	vadd.f32 v39, v0;
	_ =	sdelay $0x1  }
0x160: {  	v41 =	vmul.f32 v38, v24;
	v0 =	vadd.f32 v40, v0;
	_ =	sdelay $0x1  }
0x161: {  	v0 =	vadd.f32 v41, v0;
	_ =	sdelay $0x1  }
0x162: {  	[tilespmem:s9+$0xA0] =	vst v0  }
0x163: {  	v0 =	vld [tilespmem:s28+$0xFFFFE950]  }
0x164: {  	v42 =	vld [tilespmem:s28+$0xFFFFF550];
	_ =	sdelay $0x1  }
0x165: {  	v43 =	vld [tilespmem:s28+$0x150];
	_ =	sdelay $0x1  }
0x166: {  	v44 =	vld [tilespmem:s28+$0xD50]  }
0x167: {  	v0 =	vmul.f32 v0, v16;
	v2 =	vmul.f32 v42, v18  }
0x168: {  	v45 =	vld [tilespmem:s10+$0xB0]  }
0x169: {  	v46 =	vmul.f32 v43, v20;
	v0 =	vadd.f32 v2, v0;
	_ =	sdelay $0x1  }
0x16a: {  	v47 =	vmul.f32 v44, v22;
	v0 =	vadd.f32 v46, v0;
	_ =	sdelay $0x1  }
0x16b: {  	v48 =	vmul.f32 v45, v24;
	v0 =	vadd.f32 v47, v0;
	_ =	sdelay $0x1  }
0x16c: {  	v0 =	vadd.f32 v48, v0;
	_ =	sdelay $0x1  }
0x16d: {  	[tilespmem:s9+$0xB0] =	vst v0  }
0x16e: {  	v0 =	vld [tilespmem:s28+$0xFFFFE960]  }
0x16f: {  	v49 =	vld [tilespmem:s28+$0xFFFFF560];
	_ =	sdelay $0x1  }
0x170: {  	v50 =	vld [tilespmem:s28+$0x160];
	_ =	sdelay $0x1  }
0x171: {  	v51 =	vld [tilespmem:s28+$0xD60]  }
0x172: {  	v0 =	vmul.f32 v0, v16;
	v2 =	vmul.f32 v49, v18  }
0x173: {  	v52 =	vld [tilespmem:s10+$0xC0]  }
0x174: {  	v53 =	vmul.f32 v50, v20;
	v0 =	vadd.f32 v2, v0;
	_ =	sdelay $0x1  }
0x175: {  	v54 =	vmul.f32 v51, v22;
	v0 =	vadd.f32 v53, v0;
	_ =	sdelay $0x1  }
0x176: {  	v55 =	vmul.f32 v52, v24;
	v0 =	vadd.f32 v54, v0;
	_ =	sdelay $0x1  }
0x177: {  	v0 =	vadd.f32 v55, v0;
	_ =	sdelay $0x1  }
0x178: {  	[tilespmem:s9+$0xC0] =	vst v0  }
0x179: {  	v0 =	vld [tilespmem:s28+$0xFFFFE970]  }
0x17a: {  	v56 =	vld [tilespmem:s28+$0xFFFFF570];
	_ =	sdelay $0x1  }
0x17b: {  	v57 =	vld [tilespmem:s28+$0x170];
	_ =	sdelay $0x1  }
0x17c: {  	v58 =	vld [tilespmem:s28+$0xD70]  }
0x17d: {  	v0 =	vmul.f32 v0, v16;
	v59 =	vmul.f32 v56, v18  }
0x17e: {  	v60 =	vld [tilespmem:s10+$0xD0]  }
0x17f: {  	v61 =	vmul.f32 v57, v20;
	v0 =	vadd.f32 v59, v0;
	_ =	sdelay $0x1  }
0x180: {  	v62 =	vmul.f32 v58, v22;
	v0 =	vadd.f32 v61, v0  }
0x181: {  	p1 =	slt.u32 s26, $0x1C  }
.Ltmp0:
0x182: {  	v63 =	vmul.f32 v60, v24;
	v0 =	vadd.f32 v62, v0;
	(pc) =	sbr.rel @p1 .LBB2_3-.Ltmp0, $4  }
0x183: {  	_ = 	snop  }
0x184: {  	v0 =	vadd.f32 v63, v0  }
0x185: {  	s25 =	smov.u32 s26;
	s24 =	sadd.s32 $0x4, s24;
	s11 =	sadd.s32 $0x4, s11  }
0x186: {  	s10 =	sadd.s32 $0x200, s10;
	s28 =	sadd.s32 $0x180, s28;
	[tilespmem:s9+$0xD0] =	vst v0;
	s9 =	sadd.s32 $0x200, s9  }
0x187: {  	s0 =	sshll.u32 s16, $0xD  }
0x188: {  	s0 =	sadd.s32 s17, s0  }
0x189: {  	s1 =	rddreg [dreg:$0x3];
	s30 =	simm.s32 $0x0;
	s0 =	sshrl.u32 s0, $0x3  }
0x18a: {  	s26 =	simm.s32 $0x1C450;
	p1 =	seq.s32 s16, $0x8F;
	s0 =	sadd.s32 s1, s0  }
0x18b: {  	[hbm4b:s0+s30] =	stream.linear.scatter [tilespmem:s26], [sflag:$0x6], $0x1000, $0x38;
	[tilespmem:$0x1E450] =	vst v63  }
0x18c: {  	s3 =	simm.s32 @!p1 $0x14450;
	s1 =	simm.s32 @!p1 $0x20;
	s0 =	sadd.s32 @!p1 $0x40, s22  }
0x18d: {  	[tilespmem:s3], [sflag:$0x2] =	stream.indirect.gather @!p1 [hbm4b:s2+s1], $0x60, s0, s1, $0xb8;
	[tilespmem:$0x1E450] =	vst v63  }
0x18e: {  	s4 =	simm.s32 @!p1 $0x15050;
	s3 =	sadd.s32 @!p1 $0x2440, s22;
	s0 =	sadd.s32 @!p1 s5, s0  }
0x18f: {  	[tilespmem:s4], [sflag:$0x2] =	stream.indirect.gather @!p1 [hbm4b:s2+s1], $0x60, s3, s1, $0xb8;
	[tilespmem:$0x1E450] =	vst v63  }
0x190: {  	s0 =	sshll.u32 @!p1 s0, $0x4;
	s3 =	sadd.s32 @!p1 $0x4840, s22;
	s4 =	simm.s32 @!p1 $0x15C50  }
0x191: {  	[tilespmem:s4], [sflag:$0x2] =	stream.indirect.gather @!p1 [hbm4b:s2+s1], $0x60, s3, s1, $0xb8;
	[tilespmem:$0x1E450] =	vst v63  }
0x192: {  	s0 =	sand.u32 @!p1 $0x1FFFFC00, s0;
	s3 =	sadd.s32 @!p1 $0x6C40, s22;
	s4 =	simm.s32 @!p1 $0x16850  }
0x193: {  	[tilespmem:s4], [sflag:$0x2] =	stream.indirect.gather @!p1 [hbm4b:s2+s1], $0x60, s3, s1, $0xb8;
	[tilespmem:$0x1E450] =	vst v63  }
0x194: {  	s0 =	sadd.s32 @!p1 s6, s0;
	s1 =	simm.s32 @!p1 $0x0;
	s3 =	simm.s32 @!p1 $0x1A450  }
0x195: {  	[tilespmem:s3], [sflag:$0x4] =	stream.linear.gather @!p1 [hbm4b:s0+s1], $0x1000, $0x38;
	[tilespmem:$0x1E450] =	vst v63  }
0x196: {  	_ =	swait.ge [sflag:s19], $0xC00  }
0x197: {  	[sflag:s19] =	ssyncset.done $0x0  }
0x198: {  	[sflag:s19] =	ssyncadd.s32 $0xFFFFF400  }
0x199: {  	_ =	swait.ge [sflag:s19], $0xC00  }
0x19a: {  	[sflag:s19] =	ssyncset.done $0x0  }
0x19b: {  	[sflag:s19] =	ssyncadd.s32 $0xFFFFF400  }
0x19c: {  	_ =	swait.ge [sflag:s19], $0xC00  }
0x19d: {  	[sflag:s19] =	ssyncset.done $0x0  }
0x19e: {  	[sflag:s19] =	ssyncadd.s32 $0xFFFFF400  }
0x19f: {  	_ =	swait.ge [sflag:s19], $0xC00  }
0x1a0: {  	[sflag:s19] =	ssyncset.done $0x0  }
0x1a1: {  	s28 =	simm.s32 $0x5;
	[sflag:s19] =	ssyncadd.s32 $0xFFFFF400  }
0x1a2: {  	_ =	swait.ge [sflag:s28], $0x1000  }
0x1a3: {  	[sflag:s28] =	ssyncset.done $0x0  }
0x1a4: {  	s0 =	simm.s32 @!p0 $0x7;
	[sflag:s28] =	ssyncadd.s32 $0xFFFFF000  }
0x1a5: {  	s9 =	simm.s32 $0x1D550;
	s10 =	simm.s32 $0x1B550;
	_ =	swait.ge @!p0 [sflag:s0], $0x1000  }
0x1a6: {  	s11 =	smov.u32 s13;
	s24 =	smov.u32 s12;
	[sflag:s0] =	ssyncset.done @!p0 $0x0  }
0x1a7: {  	s26 =	simm.s32 $0xFFFFFFFC;
	s22 =	simm.s32 $0x18C50;
	[sflag:s0] =	ssyncadd.s32 @!p0 $0xFFFFF000  }
.LBB2_5:
0x1a8: {  	s25 =	sadd.s32 $0x4, s26  }
0x1a9: {  	s0 =	sand.u32 $0x18, s25  }
0x1aa: {  	v0 =	vld [tilespmem:s22+$0xFFFFE800];
	s3 =	sand.u32 $0x4, s25;
	s28 =	sor.u32 s7, s0  }
0x1ab: {  	v2 =	vld [tilespmem:s22+$0xFFFFF400];
	s4 =	sor.u32 s3, s28;
	s1 =	sadd.s32 $0xB410, s28  }
0x1ac: {  	v1 =	vld.msk [tilespmem:s4+$0x9000 ss:$0x0], $0xffff;
	s20 =	sadd.s32 s3, s1  }
0x1ad: {  	s8 =	sadd.s32 $0xD820, s28;
	v3 =	vld.msk [tilespmem:s20+$0x0 ss:$0x0], $0xffff  }
0x1ae: {  	v4 =	vld [tilespmem:s22+$0x0];
	s20 =	sadd.s32 s3, s8  }
0x1af: {  	s0 =	sadd.s32 $0xFC30, s28;
	v5 =	vld.msk [tilespmem:s20+$0x0 ss:$0x0], $0xffff  }
0x1b0: {  	v6 =	vld [tilespmem:s22+$0xC00];
	s3 =	sadd.s32 s3, s0  }
0x1b1: {  	v7 =	vld.msk [tilespmem:s3+$0x0 ss:$0x0], $0xffff  }
0x1b2: {  	v8 =	vld [tilespmem:s10+$0xFFFFFF00];
	v0 =	vmul.f32 v0, v1;
	v2 =	vmul.f32 v2, v3  }
0x1b3: {  	v9 =	vld.msk [tilespmem:s4+$0x12040 ss:$0x0], $0xffff  }
0x1b4: {  	v43 =	vmul.f32 v4, v5;
	v0 =	vadd.f32 v2, v0;
	_ =	sdelay $0x1  }
0x1b5: {  	v44 =	vmul.f32 v6, v7;
	v0 =	vadd.f32 v43, v0;
	_ =	sdelay $0x1  }
0x1b6: {  	v45 =	vmul.f32 v8, v9;
	v0 =	vadd.f32 v44, v0;
	_ =	sdelay $0x1  }
0x1b7: {  	v0 =	vadd.f32 v45, v0;
	_ =	sdelay $0x1  }
0x1b8: {  	[tilespmem:s9+$0xFFFFFF00] =	vst v0  }
0x1b9: {  	v0 =	vld [tilespmem:s22+$0xFFFFE810]  }
0x1ba: {  	v46 =	vld [tilespmem:s22+$0xFFFFF410];
	_ =	sdelay $0x1  }
0x1bb: {  	v47 =	vld [tilespmem:s22+$0x10];
	_ =	sdelay $0x1  }
0x1bc: {  	v48 =	vld [tilespmem:s22+$0xC10]  }
0x1bd: {  	v0 =	vmul.f32 v0, v1;
	v2 =	vmul.f32 v46, v3  }
0x1be: {  	v49 =	vld [tilespmem:s10+$0xFFFFFF10]  }
0x1bf: {  	v50 =	vmul.f32 v47, v5;
	v0 =	vadd.f32 v2, v0;
	_ =	sdelay $0x1  }
0x1c0: {  	v51 =	vmul.f32 v48, v7;
	v0 =	vadd.f32 v50, v0;
	_ =	sdelay $0x1  }
0x1c1: {  	v52 =	vmul.f32 v49, v9;
	v0 =	vadd.f32 v51, v0;
	_ =	sdelay $0x1  }
0x1c2: {  	v0 =	vadd.f32 v52, v0;
	_ =	sdelay $0x1  }
0x1c3: {  	[tilespmem:s9+$0xFFFFFF10] =	vst v0  }
0x1c4: {  	v0 =	vld [tilespmem:s22+$0xFFFFE820]  }
0x1c5: {  	v53 =	vld [tilespmem:s22+$0xFFFFF420];
	_ =	sdelay $0x1  }
0x1c6: {  	v54 =	vld [tilespmem:s22+$0x20];
	_ =	sdelay $0x1  }
0x1c7: {  	v55 =	vld [tilespmem:s22+$0xC20]  }
0x1c8: {  	v0 =	vmul.f32 v0, v1;
	v2 =	vmul.f32 v53, v3  }
0x1c9: {  	v56 =	vld [tilespmem:s10+$0xFFFFFF20]  }
0x1ca: {  	v57 =	vmul.f32 v54, v5;
	v0 =	vadd.f32 v2, v0;
	_ =	sdelay $0x1  }
0x1cb: {  	v58 =	vmul.f32 v55, v7;
	v0 =	vadd.f32 v57, v0;
	_ =	sdelay $0x1  }
0x1cc: {  	v59 =	vmul.f32 v56, v9;
	v0 =	vadd.f32 v58, v0;
	_ =	sdelay $0x1  }
0x1cd: {  	v0 =	vadd.f32 v59, v0;
	_ =	sdelay $0x1  }
0x1ce: {  	[tilespmem:s9+$0xFFFFFF20] =	vst v0  }
0x1cf: {  	v0 =	vld [tilespmem:s22+$0xFFFFE830]  }
0x1d0: {  	v60 =	vld [tilespmem:s22+$0xFFFFF430];
	_ =	sdelay $0x1  }
0x1d1: {  	v61 =	vld [tilespmem:s22+$0x30];
	_ =	sdelay $0x1  }
0x1d2: {  	v62 =	vld [tilespmem:s22+$0xC30]  }
0x1d3: {  	v0 =	vmul.f32 v0, v1;
	v2 =	vmul.f32 v60, v3  }
0x1d4: {  	v63 =	vld [tilespmem:s10+$0xFFFFFF30]  }
0x1d5: {  	v4 =	vmul.f32 v61, v5;
	v0 =	vadd.f32 v2, v0;
	_ =	sdelay $0x1  }
0x1d6: {  	v10 =	vmul.f32 v62, v7;
	v0 =	vadd.f32 v4, v0;
	_ =	sdelay $0x1  }
0x1d7: {  	v11 =	vmul.f32 v63, v9;
	v0 =	vadd.f32 v10, v0;
	_ =	sdelay $0x1  }
0x1d8: {  	v0 =	vadd.f32 v11, v0;
	_ =	sdelay $0x1  }
0x1d9: {  	[tilespmem:s9+$0xFFFFFF30] =	vst v0  }
0x1da: {  	v0 =	vld [tilespmem:s22+$0xFFFFE840]  }
0x1db: {  	v12 =	vld [tilespmem:s22+$0xFFFFF440];
	_ =	sdelay $0x1  }
0x1dc: {  	v13 =	vld [tilespmem:s22+$0x40];
	_ =	sdelay $0x1  }
0x1dd: {  	v14 =	vld [tilespmem:s22+$0xC40]  }
0x1de: {  	v0 =	vmul.f32 v0, v1;
	v2 =	vmul.f32 v12, v3  }
0x1df: {  	v15 =	vld [tilespmem:s10+$0xFFFFFF40]  }
0x1e0: {  	v16 =	vmul.f32 v13, v5;
	v0 =	vadd.f32 v2, v0;
	_ =	sdelay $0x1  }
0x1e1: {  	v17 =	vmul.f32 v14, v7;
	v0 =	vadd.f32 v16, v0;
	_ =	sdelay $0x1  }
0x1e2: {  	v18 =	vmul.f32 v15, v9;
	v0 =	vadd.f32 v17, v0;
	_ =	sdelay $0x1  }
0x1e3: {  	v0 =	vadd.f32 v18, v0;
	_ =	sdelay $0x1  }
0x1e4: {  	[tilespmem:s9+$0xFFFFFF40] =	vst v0  }
0x1e5: {  	v0 =	vld [tilespmem:s22+$0xFFFFE850]  }
0x1e6: {  	v19 =	vld [tilespmem:s22+$0xFFFFF450];
	_ =	sdelay $0x1  }
0x1e7: {  	v20 =	vld [tilespmem:s22+$0x50];
	_ =	sdelay $0x1  }
0x1e8: {  	v21 =	vld [tilespmem:s22+$0xC50]  }
0x1e9: {  	v0 =	vmul.f32 v0, v1;
	v22 =	vmul.f32 v19, v3  }
0x1ea: {  	v23 =	vld [tilespmem:s10+$0xFFFFFF50]  }
0x1eb: {  	v24 =	vmul.f32 v20, v5;
	v0 =	vadd.f32 v22, v0;
	_ =	sdelay $0x1  }
0x1ec: {  	v25 =	vmul.f32 v21, v7;
	v0 =	vadd.f32 v24, v0;
	_ =	sdelay $0x1  }
0x1ed: {  	v26 =	vmul.f32 v23, v9;
	v0 =	vadd.f32 v25, v0;
	_ =	sdelay $0x1  }
0x1ee: {  	v0 =	vadd.f32 v26, v0  }
0x1ef: {  	s4 =	sadd.s32 $0x5, s26  }
0x1f0: {  	s3 =	sand.u32 $0x5, s4;
	[tilespmem:s9+$0xFFFFFF50] =	vst v0  }
0x1f1: {  	s4 =	sor.u32 s3, s28;
	v0 =	vld [tilespmem:s22+$0xFFFFE860]  }
0x1f2: {  	v27 =	vld.msk [tilespmem:s4+$0x9000 ss:$0x0], $0xffff  }
0x1f3: {  	s20 =	sadd.s32 s3, s1;
	v28 =	vld [tilespmem:s22+$0xFFFFF460]  }
0x1f4: {  	v29 =	vld.msk [tilespmem:s20+$0x0 ss:$0x0], $0xffff  }
0x1f5: {  	s20 =	sadd.s32 s3, s8;
	v30 =	vld [tilespmem:s22+$0x60]  }
0x1f6: {  	v31 =	vld.msk [tilespmem:s20+$0x0 ss:$0x0], $0xffff  }
0x1f7: {  	s3 =	sadd.s32 s3, s0;
	v32 =	vld [tilespmem:s22+$0xC60]  }
0x1f8: {  	v33 =	vld.msk [tilespmem:s3+$0x0 ss:$0x0], $0xffff  }
0x1f9: {  	v34 =	vld [tilespmem:s10+$0xFFFFFF80];
	v0 =	vmul.f32 v0, v27;
	v2 =	vmul.f32 v28, v29  }
0x1fa: {  	v35 =	vld.msk [tilespmem:s4+$0x12040 ss:$0x0], $0xffff  }
0x1fb: {  	v36 =	vmul.f32 v30, v31;
	v0 =	vadd.f32 v2, v0;
	_ =	sdelay $0x1  }
0x1fc: {  	v37 =	vmul.f32 v32, v33;
	v0 =	vadd.f32 v36, v0;
	_ =	sdelay $0x1  }
0x1fd: {  	v38 =	vmul.f32 v34, v35;
	v0 =	vadd.f32 v37, v0;
	_ =	sdelay $0x1  }
0x1fe: {  	v0 =	vadd.f32 v38, v0;
	_ =	sdelay $0x1  }
0x1ff: {  	[tilespmem:s9+$0xFFFFFF80] =	vst v0  }
0x200: {  	v0 =	vld [tilespmem:s22+$0xFFFFE870]  }
0x201: {  	v39 =	vld [tilespmem:s22+$0xFFFFF470];
	_ =	sdelay $0x1  }
0x202: {  	v40 =	vld [tilespmem:s22+$0x70];
	_ =	sdelay $0x1  }
0x203: {  	v41 =	vld [tilespmem:s22+$0xC70]  }
0x204: {  	v0 =	vmul.f32 v0, v27;
	v2 =	vmul.f32 v39, v29  }
0x205: {  	v42 =	vld [tilespmem:s10+$0xFFFFFF90]  }
0x206: {  	v43 =	vmul.f32 v40, v31;
	v0 =	vadd.f32 v2, v0;
	_ =	sdelay $0x1  }
0x207: {  	v44 =	vmul.f32 v41, v33;
	v0 =	vadd.f32 v43, v0;
	_ =	sdelay $0x1  }
0x208: {  	v45 =	vmul.f32 v42, v35;
	v0 =	vadd.f32 v44, v0;
	_ =	sdelay $0x1  }
0x209: {  	v0 =	vadd.f32 v45, v0;
	_ =	sdelay $0x1  }
0x20a: {  	[tilespmem:s9+$0xFFFFFF90] =	vst v0  }
0x20b: {  	v0 =	vld [tilespmem:s22+$0xFFFFE880]  }
0x20c: {  	v46 =	vld [tilespmem:s22+$0xFFFFF480];
	_ =	sdelay $0x1  }
0x20d: {  	v47 =	vld [tilespmem:s22+$0x80];
	_ =	sdelay $0x1  }
0x20e: {  	v48 =	vld [tilespmem:s22+$0xC80]  }
0x20f: {  	v0 =	vmul.f32 v0, v27;
	v2 =	vmul.f32 v46, v29  }
0x210: {  	v49 =	vld [tilespmem:s10+$0xFFFFFFA0]  }
0x211: {  	v50 =	vmul.f32 v47, v31;
	v0 =	vadd.f32 v2, v0;
	_ =	sdelay $0x1  }
0x212: {  	v51 =	vmul.f32 v48, v33;
	v0 =	vadd.f32 v50, v0;
	_ =	sdelay $0x1  }
0x213: {  	v52 =	vmul.f32 v49, v35;
	v0 =	vadd.f32 v51, v0;
	_ =	sdelay $0x1  }
0x214: {  	v0 =	vadd.f32 v52, v0;
	_ =	sdelay $0x1  }
0x215: {  	[tilespmem:s9+$0xFFFFFFA0] =	vst v0  }
0x216: {  	v0 =	vld [tilespmem:s22+$0xFFFFE890]  }
0x217: {  	v53 =	vld [tilespmem:s22+$0xFFFFF490];
	_ =	sdelay $0x1  }
0x218: {  	v54 =	vld [tilespmem:s22+$0x90];
	_ =	sdelay $0x1  }
0x219: {  	v55 =	vld [tilespmem:s22+$0xC90]  }
0x21a: {  	v0 =	vmul.f32 v0, v27;
	v2 =	vmul.f32 v53, v29  }
0x21b: {  	v56 =	vld [tilespmem:s10+$0xFFFFFFB0]  }
0x21c: {  	v57 =	vmul.f32 v54, v31;
	v0 =	vadd.f32 v2, v0;
	_ =	sdelay $0x1  }
0x21d: {  	v58 =	vmul.f32 v55, v33;
	v0 =	vadd.f32 v57, v0;
	_ =	sdelay $0x1  }
0x21e: {  	v59 =	vmul.f32 v56, v35;
	v0 =	vadd.f32 v58, v0;
	_ =	sdelay $0x1  }
0x21f: {  	v0 =	vadd.f32 v59, v0;
	_ =	sdelay $0x1  }
0x220: {  	[tilespmem:s9+$0xFFFFFFB0] =	vst v0  }
0x221: {  	v0 =	vld [tilespmem:s22+$0xFFFFE8A0]  }
0x222: {  	v60 =	vld [tilespmem:s22+$0xFFFFF4A0];
	_ =	sdelay $0x1  }
0x223: {  	v61 =	vld [tilespmem:s22+$0xA0];
	_ =	sdelay $0x1  }
0x224: {  	v62 =	vld [tilespmem:s22+$0xCA0]  }
0x225: {  	v0 =	vmul.f32 v0, v27;
	v2 =	vmul.f32 v60, v29  }
0x226: {  	v63 =	vld [tilespmem:s10+$0xFFFFFFC0]  }
0x227: {  	v11 =	vmul.f32 v61, v31;
	v0 =	vadd.f32 v2, v0;
	_ =	sdelay $0x1  }
0x228: {  	v12 =	vmul.f32 v62, v33;
	v0 =	vadd.f32 v11, v0;
	_ =	sdelay $0x1  }
0x229: {  	v13 =	vmul.f32 v63, v35;
	v0 =	vadd.f32 v12, v0;
	_ =	sdelay $0x1  }
0x22a: {  	v0 =	vadd.f32 v13, v0;
	_ =	sdelay $0x1  }
0x22b: {  	[tilespmem:s9+$0xFFFFFFC0] =	vst v0  }
0x22c: {  	v0 =	vld [tilespmem:s22+$0xFFFFE8B0]  }
0x22d: {  	v14 =	vld [tilespmem:s22+$0xFFFFF4B0];
	_ =	sdelay $0x1  }
0x22e: {  	v15 =	vld [tilespmem:s22+$0xB0];
	_ =	sdelay $0x1  }
0x22f: {  	v16 =	vld [tilespmem:s22+$0xCB0]  }
0x230: {  	v0 =	vmul.f32 v0, v27;
	v17 =	vmul.f32 v14, v29  }
0x231: {  	v18 =	vld [tilespmem:s10+$0xFFFFFFD0]  }
0x232: {  	v19 =	vmul.f32 v15, v31;
	v0 =	vadd.f32 v17, v0;
	_ =	sdelay $0x1  }
0x233: {  	v20 =	vmul.f32 v16, v33;
	v0 =	vadd.f32 v19, v0;
	_ =	sdelay $0x1  }
0x234: {  	v21 =	vmul.f32 v18, v35;
	v0 =	vadd.f32 v20, v0;
	_ =	sdelay $0x1  }
0x235: {  	v0 =	vadd.f32 v21, v0  }
0x236: {  	s20 =	sadd.s32 $0x6, s26  }
0x237: {  	s3 =	sand.u32 $0x6, s20;
	[tilespmem:s9+$0xFFFFFFD0] =	vst v0  }
0x238: {  	s28 =	sor.u32 s3, s28;
	v0 =	vld [tilespmem:s22+$0xFFFFE8C0]  }
0x239: {  	v22 =	vld.msk [tilespmem:s28+$0x9000 ss:$0x0], $0xffff  }
0x23a: {  	s1 =	sadd.s32 s3, s1;
	v23 =	vld [tilespmem:s22+$0xFFFFF4C0]  }
0x23b: {  	v24 =	vld.msk [tilespmem:s1+$0x0 ss:$0x0], $0xffff  }
0x23c: {  	s20 =	sadd.s32 s3, s8;
	v25 =	vld [tilespmem:s22+$0xC0]  }
0x23d: {  	v26 =	vld.msk [tilespmem:s20+$0x0 ss:$0x0], $0xffff  }
0x23e: {  	s0 =	sadd.s32 s3, s0;
	v27 =	vld [tilespmem:s22+$0xCC0]  }
0x23f: {  	v28 =	vld.msk [tilespmem:s0+$0x0 ss:$0x0], $0xffff  }
0x240: {  	v29 =	vld [tilespmem:s10+$0x0];
	v0 =	vmul.f32 v0, v22;
	v2 =	vmul.f32 v23, v24  }
0x241: {  	v30 =	vld.msk [tilespmem:s28+$0x12040 ss:$0x0], $0xffff  }
0x242: {  	v31 =	vmul.f32 v25, v26;
	v0 =	vadd.f32 v2, v0;
	_ =	sdelay $0x1  }
0x243: {  	v32 =	vmul.f32 v27, v28;
	v0 =	vadd.f32 v31, v0;
	_ =	sdelay $0x1  }
0x244: {  	v33 =	vmul.f32 v29, v30;
	v0 =	vadd.f32 v32, v0;
	_ =	sdelay $0x1  }
0x245: {  	v0 =	vadd.f32 v33, v0;
	_ =	sdelay $0x1  }
0x246: {  	[tilespmem:s9+$0x0] =	vst v0  }
0x247: {  	v0 =	vld [tilespmem:s22+$0xFFFFE8D0]  }
0x248: {  	v34 =	vld [tilespmem:s22+$0xFFFFF4D0];
	_ =	sdelay $0x1  }
0x249: {  	v35 =	vld [tilespmem:s22+$0xD0];
	_ =	sdelay $0x1  }
0x24a: {  	v36 =	vld [tilespmem:s22+$0xCD0]  }
0x24b: {  	v0 =	vmul.f32 v0, v22;
	v2 =	vmul.f32 v34, v24  }
0x24c: {  	v37 =	vld [tilespmem:s10+$0x10]  }
0x24d: {  	v38 =	vmul.f32 v35, v26;
	v0 =	vadd.f32 v2, v0;
	_ =	sdelay $0x1  }
0x24e: {  	v39 =	vmul.f32 v36, v28;
	v0 =	vadd.f32 v38, v0;
	_ =	sdelay $0x1  }
0x24f: {  	v40 =	vmul.f32 v37, v30;
	v0 =	vadd.f32 v39, v0;
	_ =	sdelay $0x1  }
0x250: {  	v0 =	vadd.f32 v40, v0;
	_ =	sdelay $0x1  }
0x251: {  	[tilespmem:s9+$0x10] =	vst v0  }
0x252: {  	v0 =	vld [tilespmem:s22+$0xFFFFE8E0]  }
0x253: {  	v41 =	vld [tilespmem:s22+$0xFFFFF4E0];
	_ =	sdelay $0x1  }
0x254: {  	v42 =	vld [tilespmem:s22+$0xE0];
	_ =	sdelay $0x1  }
0x255: {  	v43 =	vld [tilespmem:s22+$0xCE0]  }
0x256: {  	v0 =	vmul.f32 v0, v22;
	v2 =	vmul.f32 v41, v24  }
0x257: {  	v44 =	vld [tilespmem:s10+$0x20]  }
0x258: {  	v45 =	vmul.f32 v42, v26;
	v0 =	vadd.f32 v2, v0;
	_ =	sdelay $0x1  }
0x259: {  	v46 =	vmul.f32 v43, v28;
	v0 =	vadd.f32 v45, v0;
	_ =	sdelay $0x1  }
0x25a: {  	v47 =	vmul.f32 v44, v30;
	v0 =	vadd.f32 v46, v0;
	_ =	sdelay $0x1  }
0x25b: {  	v0 =	vadd.f32 v47, v0;
	_ =	sdelay $0x1  }
0x25c: {  	[tilespmem:s9+$0x20] =	vst v0  }
0x25d: {  	v0 =	vld [tilespmem:s22+$0xFFFFE8F0]  }
0x25e: {  	v48 =	vld [tilespmem:s22+$0xFFFFF4F0];
	_ =	sdelay $0x1  }
0x25f: {  	v49 =	vld [tilespmem:s22+$0xF0];
	_ =	sdelay $0x1  }
0x260: {  	v50 =	vld [tilespmem:s22+$0xCF0]  }
0x261: {  	v0 =	vmul.f32 v0, v22;
	v2 =	vmul.f32 v48, v24  }
0x262: {  	v51 =	vld [tilespmem:s10+$0x30]  }
0x263: {  	v52 =	vmul.f32 v49, v26;
	v0 =	vadd.f32 v2, v0;
	_ =	sdelay $0x1  }
0x264: {  	v53 =	vmul.f32 v50, v28;
	v0 =	vadd.f32 v52, v0;
	_ =	sdelay $0x1  }
0x265: {  	v54 =	vmul.f32 v51, v30;
	v0 =	vadd.f32 v53, v0;
	_ =	sdelay $0x1  }
0x266: {  	v0 =	vadd.f32 v54, v0;
	_ =	sdelay $0x1  }
0x267: {  	[tilespmem:s9+$0x30] =	vst v0  }
0x268: {  	v0 =	vld [tilespmem:s22+$0xFFFFE900]  }
0x269: {  	v55 =	vld [tilespmem:s22+$0xFFFFF500];
	_ =	sdelay $0x1  }
0x26a: {  	v56 =	vld [tilespmem:s22+$0x100];
	_ =	sdelay $0x1  }
0x26b: {  	v57 =	vld [tilespmem:s22+$0xD00]  }
0x26c: {  	v0 =	vmul.f32 v0, v22;
	v2 =	vmul.f32 v55, v24  }
0x26d: {  	v58 =	vld [tilespmem:s10+$0x40]  }
0x26e: {  	v59 =	vmul.f32 v56, v26;
	v0 =	vadd.f32 v2, v0;
	_ =	sdelay $0x1  }
0x26f: {  	v60 =	vmul.f32 v57, v28;
	v0 =	vadd.f32 v59, v0;
	_ =	sdelay $0x1  }
0x270: {  	v61 =	vmul.f32 v58, v30;
	v0 =	vadd.f32 v60, v0;
	_ =	sdelay $0x1  }
0x271: {  	v0 =	vadd.f32 v61, v0;
	_ =	sdelay $0x1  }
0x272: {  	[tilespmem:s9+$0x40] =	vst v0  }
0x273: {  	v0 =	vld [tilespmem:s22+$0xFFFFE910]  }
0x274: {  	v62 =	vld [tilespmem:s22+$0xFFFFF510];
	_ =	sdelay $0x1  }
0x275: {  	v63 =	vld [tilespmem:s22+$0x110];
	_ =	sdelay $0x1  }
0x276: {  	v10 =	vld [tilespmem:s22+$0xD10]  }
0x277: {  	v0 =	vmul.f32 v0, v22;
	v11 =	vmul.f32 v62, v24  }
0x278: {  	v12 =	vld [tilespmem:s10+$0x50]  }
0x279: {  	v13 =	vmul.f32 v63, v26;
	v0 =	vadd.f32 v11, v0;
	_ =	sdelay $0x1  }
0x27a: {  	v14 =	vmul.f32 v10, v28;
	v0 =	vadd.f32 v13, v0;
	_ =	sdelay $0x1  }
0x27b: {  	v15 =	vmul.f32 v12, v30;
	v0 =	vadd.f32 v14, v0;
	_ =	sdelay $0x1  }
0x27c: {  	v0 =	vadd.f32 v15, v0;
	_ =	sdelay $0x1  }
0x27d: {  	[tilespmem:s9+$0x50] =	vst v0  }
0x27e: {  	s26 =	sadd.s32 $0xFFFFFFFF, s26;
	s28 =	sadd.s32 s14, s25;
	v0 =	vld [tilespmem:s22+$0xFFFFE920]  }
0x27f: {  	s0 =	sand.u32 $0x7, s26;
	s1 =	sand.u32 $0x3FF8, s28;
	v16 =	vld.msk [tilespmem:s11+$0x0 ss:$0x0], $0xffff  }
0x280: {  	s0 =	sor.u32 s0, s1;
	v17 =	vld [tilespmem:s22+$0xFFFFF520]  }
0x281: {  	v18 =	vld.msk [tilespmem:s0+$0xB410 ss:$0x0], $0xffff  }
0x282: {  	v19 =	vld [tilespmem:s22+$0x120]  }
0x283: {  	v20 =	vld.msk [tilespmem:s0+$0xD820 ss:$0x0], $0xffff  }
0x284: {  	v21 =	vld [tilespmem:s22+$0xD20]  }
0x285: {  	v22 =	vld.msk [tilespmem:s0+$0xFC30 ss:$0x0], $0xffff  }
0x286: {  	v23 =	vld [tilespmem:s10+$0x80];
	v0 =	vmul.f32 v0, v16;
	v2 =	vmul.f32 v17, v18  }
0x287: {  	v24 =	vld.msk [tilespmem:s24+$0x0 ss:$0x0], $0xffff  }
0x288: {  	v25 =	vmul.f32 v19, v20;
	v0 =	vadd.f32 v2, v0;
	_ =	sdelay $0x1  }
0x289: {  	v26 =	vmul.f32 v21, v22;
	v0 =	vadd.f32 v25, v0;
	_ =	sdelay $0x1  }
0x28a: {  	v27 =	vmul.f32 v23, v24;
	v0 =	vadd.f32 v26, v0;
	_ =	sdelay $0x1  }
0x28b: {  	v0 =	vadd.f32 v27, v0;
	_ =	sdelay $0x1  }
0x28c: {  	[tilespmem:s9+$0x80] =	vst v0  }
0x28d: {  	v0 =	vld [tilespmem:s22+$0xFFFFE930]  }
0x28e: {  	v28 =	vld [tilespmem:s22+$0xFFFFF530];
	_ =	sdelay $0x1  }
0x28f: {  	v29 =	vld [tilespmem:s22+$0x130];
	_ =	sdelay $0x1  }
0x290: {  	v30 =	vld [tilespmem:s22+$0xD30]  }
0x291: {  	v0 =	vmul.f32 v0, v16;
	v2 =	vmul.f32 v28, v18  }
0x292: {  	v31 =	vld [tilespmem:s10+$0x90]  }
0x293: {  	v32 =	vmul.f32 v29, v20;
	v0 =	vadd.f32 v2, v0;
	_ =	sdelay $0x1  }
0x294: {  	v33 =	vmul.f32 v30, v22;
	v0 =	vadd.f32 v32, v0;
	_ =	sdelay $0x1  }
0x295: {  	v34 =	vmul.f32 v31, v24;
	v0 =	vadd.f32 v33, v0;
	_ =	sdelay $0x1  }
0x296: {  	v0 =	vadd.f32 v34, v0;
	_ =	sdelay $0x1  }
0x297: {  	[tilespmem:s9+$0x90] =	vst v0  }
0x298: {  	v0 =	vld [tilespmem:s22+$0xFFFFE940]  }
0x299: {  	v35 =	vld [tilespmem:s22+$0xFFFFF540];
	_ =	sdelay $0x1  }
0x29a: {  	v36 =	vld [tilespmem:s22+$0x140];
	_ =	sdelay $0x1  }
0x29b: {  	v37 =	vld [tilespmem:s22+$0xD40]  }
0x29c: {  	v0 =	vmul.f32 v0, v16;
	v2 =	vmul.f32 v35, v18  }
0x29d: {  	v38 =	vld [tilespmem:s10+$0xA0]  }
0x29e: {  	v39 =	vmul.f32 v36, v20;
	v0 =	vadd.f32 v2, v0;
	_ =	sdelay $0x1  }
0x29f: {  	v40 =	vmul.f32 v37, v22;
	v0 =	vadd.f32 v39, v0;
	_ =	sdelay $0x1  }
0x2a0: {  	v41 =	vmul.f32 v38, v24;
	v0 =	vadd.f32 v40, v0;
	_ =	sdelay $0x1  }
0x2a1: {  	v0 =	vadd.f32 v41, v0;
	_ =	sdelay $0x1  }
0x2a2: {  	[tilespmem:s9+$0xA0] =	vst v0  }
0x2a3: {  	v0 =	vld [tilespmem:s22+$0xFFFFE950]  }
0x2a4: {  	v42 =	vld [tilespmem:s22+$0xFFFFF550];
	_ =	sdelay $0x1  }
0x2a5: {  	v43 =	vld [tilespmem:s22+$0x150];
	_ =	sdelay $0x1  }
0x2a6: {  	v44 =	vld [tilespmem:s22+$0xD50]  }
0x2a7: {  	v0 =	vmul.f32 v0, v16;
	v2 =	vmul.f32 v42, v18  }
0x2a8: {  	v45 =	vld [tilespmem:s10+$0xB0]  }
0x2a9: {  	v46 =	vmul.f32 v43, v20;
	v0 =	vadd.f32 v2, v0;
	_ =	sdelay $0x1  }
0x2aa: {  	v47 =	vmul.f32 v44, v22;
	v0 =	vadd.f32 v46, v0;
	_ =	sdelay $0x1  }
0x2ab: {  	v48 =	vmul.f32 v45, v24;
	v0 =	vadd.f32 v47, v0;
	_ =	sdelay $0x1  }
0x2ac: {  	v0 =	vadd.f32 v48, v0;
	_ =	sdelay $0x1  }
0x2ad: {  	[tilespmem:s9+$0xB0] =	vst v0  }
0x2ae: {  	v0 =	vld [tilespmem:s22+$0xFFFFE960]  }
0x2af: {  	v49 =	vld [tilespmem:s22+$0xFFFFF560];
	_ =	sdelay $0x1  }
0x2b0: {  	v50 =	vld [tilespmem:s22+$0x160];
	_ =	sdelay $0x1  }
0x2b1: {  	v51 =	vld [tilespmem:s22+$0xD60]  }
0x2b2: {  	v0 =	vmul.f32 v0, v16;
	v2 =	vmul.f32 v49, v18  }
0x2b3: {  	v52 =	vld [tilespmem:s10+$0xC0]  }
0x2b4: {  	v53 =	vmul.f32 v50, v20;
	v0 =	vadd.f32 v2, v0;
	_ =	sdelay $0x1  }
0x2b5: {  	v54 =	vmul.f32 v51, v22;
	v0 =	vadd.f32 v53, v0;
	_ =	sdelay $0x1  }
0x2b6: {  	v55 =	vmul.f32 v52, v24;
	v0 =	vadd.f32 v54, v0;
	_ =	sdelay $0x1  }
0x2b7: {  	v0 =	vadd.f32 v55, v0;
	_ =	sdelay $0x1  }
0x2b8: {  	[tilespmem:s9+$0xC0] =	vst v0  }
0x2b9: {  	v0 =	vld [tilespmem:s22+$0xFFFFE970]  }
0x2ba: {  	v56 =	vld [tilespmem:s22+$0xFFFFF570];
	_ =	sdelay $0x1  }
0x2bb: {  	v57 =	vld [tilespmem:s22+$0x170];
	_ =	sdelay $0x1  }
0x2bc: {  	v58 =	vld [tilespmem:s22+$0xD70]  }
0x2bd: {  	v0 =	vmul.f32 v0, v16;
	v59 =	vmul.f32 v56, v18  }
0x2be: {  	v60 =	vld [tilespmem:s10+$0xD0]  }
0x2bf: {  	v61 =	vmul.f32 v57, v20;
	v0 =	vadd.f32 v59, v0;
	_ =	sdelay $0x1  }
0x2c0: {  	v62 =	vmul.f32 v58, v22;
	v0 =	vadd.f32 v61, v0  }
0x2c1: {  	p0 =	slt.u32 s25, $0x1C  }
.Ltmp1:
0x2c2: {  	v63 =	vmul.f32 v60, v24;
	v0 =	vadd.f32 v62, v0;
	(pc) =	sbr.rel @p0 .LBB2_5-.Ltmp1, $4  }
0x2c3: {  	_ = 	snop  }
0x2c4: {  	v0 =	vadd.f32 v63, v0  }
0x2c5: {  	s26 =	smov.u32 s25;
	s24 =	sadd.s32 $0x4, s24;
	s11 =	sadd.s32 $0x4, s11  }
0x2c6: {  	s10 =	sadd.s32 $0x200, s10;
	s22 =	sadd.s32 $0x180, s22;
	[tilespmem:s9+$0xD0] =	vst v0;
	s9 =	sadd.s32 $0x200, s9  }
0x2c7: {  	s16 =	sadd.s32 $0x1, s16  }
0x2c8: {  	s0 =	sshll.u32 s18, $0xC;
	p0 =	sne.s32 s16, $0x90  }
.Ltmp2:
0x2c9: {  	s1 =	rddreg [dreg:$0x3];
	s28 =	simm.s32 $0x1D450;
	(pc) =	sbr.rel @p0 .LBB2_2-.Ltmp2, $4  }
0x2ca: {  	s23 =	sadd.s32 $0x40, s23;
	s21 =	sadd.s32 $0x40, s21;
	s0 =	sadd.s32 s17, s0  }
0x2cb: {  	s15 =	sadd.s32 $0x40, s15;
	s12 =	sadd.s32 $0x40, s12;
	s0 =	sshrl.u32 s0, $0x3  }
0x2cc: {  	s13 =	sadd.s32 $0x40, s13;
	s14 =	sadd.s32 $0x40, s14;
	s0 =	sadd.s32 s1, s0  }
0x2cd: {  	[hbm4b:s0+s30] =	stream.linear.scatter [tilespmem:s28], [sflag:$0x7], $0x1000, $0x38;
	[tilespmem:$0x1E450] =	vst v63  }
0x2ce: {  	s0 =	simm.s32 $0x6  }
0x2cf: {  	_ =	swait.ge [sflag:s0], $0x1000  }
0x2d0: {  	[sflag:s0] =	ssyncset.done $0x0  }
0x2d1: {  	s1 =	simm.s32 $0x7;
	[sflag:s0] =	ssyncadd.s32 $0xFFFFF000  }
0x2d2: {  	_ =	swait.ge [sflag:s1], $0x1000  }
0x2d3: {  	s3 =	rddreg [dreg:$0xf]  }
0x2d4: {  	s28 =	rddreg [dreg:$0xe];
	s3 =	sadd.s32 $0x1, s3  }
0x2d5: {  	p0 =	sne.s32 s3, s28  }
.Ltmp3:
0x2d6: {  	_ = 	snop;
	(pc) =	sbr.rel @p0 .LBB2_1-.Ltmp3, $3  }
0x2d7: {  	_ =	sdelay $0x1  }
0x2d8: {  	[sflag:s1] =	ssyncset.done $0x0  }
0x2d9: {  	[sflag:s1] =	ssyncadd.s32 $0xFFFFF000  }
0x2da: {  	_ =	sfence.sel $0x180000  }
0x2db: {  	[bflag:$0x0] =	sbarrier.arrive $0xFFFF  }
0x2dc: {  	_ =	strace $0x90000047  }
0x2dd: {  	s0 =	stileid.u32;
	[bflag:$0x2] =	sbarrier.arrive $0xFFFF  }
0x2de: {  	p0 =	sne.s32 s0, $0x0;
	s0 =	rddreg [dreg:$0x2]  }
0x2df: {  	s0 =	sadd.s32 @!p0 $0x100000, s0  }
0x2e0: {  	[sflag:s0] =	ssyncadd.tile.s32 @!p0 $0x1;
	_ =	shalt  }
.Lfunc_end2:
_tile_overlayer_lowered:
.L_overlay_start_2:
0x2e1: {  	(tag) =	ssettag $0x2  }
0x2e2: {  	s0 =	rddreg [dreg:$0x0];
	s2 =	stileid.u32  }
0x2e3: {  	s1 =	rddreg [dreg:$0x1];
	p0 =	sne.s32 s2, $0x0  }
0x2e4: {  	s3 =	rddreg [dreg:$0x2];
	[bflag:$0x3] =	sbarrier.arrive $0xFFFF;
	s2 =	simm.s32 @!p0 $0x1C08  }
0x2e5: {  	[timem:s3], [sflag:s2] =	dma.local @!p0 [hbm:s0], s1  }
0x2e6: {  	s0 =	simm.s32 @!p0 $0x8  }
0x2e7: {  	_ =	swait.ge @!p0 [sflag:s0], s1  }
0x2e8: {  	s1 =	ssub.s32 @!p0 $0x0, s1;
	[sflag:s0] =	ssyncset.done @!p0 $0x0  }
0x2e9: {  	[sflag:s0] =	ssyncadd.s32 @!p0 s1  }
0x2ea: {  	[bflag:$0x3] =	sbarrier.arrive $0xFFFF  }
0x2eb: {  	_ =	shalt  }

// kernel: sparse-core-data-format-call.cloned.1.call-start
scs
called_computation_lowered:
.L_overlay_start_0:
0x0: {  	s2 =	sld [smem:$0x3FD9]  }
0x1: {  	s3 =	sld [smem:$0x3FFE];
	_ =	sdelay $0x1  }
0x2: {  	s1 =	srdreg.scid  }
0x3: {  	s0 =	sand.u32 $0x1, s1  }
0x4: {  	s18 =	sshll.u32 s0, $0xA;
	s2 =	sadd.s32 s3, s2  }
0x5: {  	s2 =	sadd.s32 s2, s18  }
0x6: {  	[smem:$0x3FC4] =	sst s2  }
0x7: {  	_ = 	snop  }
0x8: {  	s2 =	sld [smem:$0x3FD0];
	(tm) =	ssettm $0x1  }
0x9: {  	s19 =	sld [smem:$0x3FFB];
	_ =	sdelay $0x3  }
0xa: {  	_ =	strace s19  }
0xb: {  	s3 =	sld [smem:$0x3FFC];
	_ =	sdelay $0x3  }
0xc: {  	_ =	strace s3  }
0xd: {  	s3 =	sld [smem:$0x3FFD];
	_ =	sdelay $0x3  }
0xe: {  	_ =	strace s3  }
0xf: {  	_ =	strace $0x8FFFFFFF  }
0x10: {  	s20 =	sld [smem:$0x3FDB];
	_ =	sdelay $0x1  }
0x11: {  	s4 =	simm.s32 $_scs_section_size  }
0x12: {  	s5 =	simm.s32 $_size__tile_overlayer_lowered;
	s6 =	simm.s32 $_tile_overlayer_lowered  }
0x13: {  	s23 =	simm.s32 $0x1BFF;
	s22 =	sshll.u32 s6, $0x1;
	s3 =	sadd.s32 s4, s20  }
0x14: {  	s7 =	simm.s32 $0x0;
	s21 =	sshll.u32 s5, $0x1;
	s5 =	sadd.s32 s22, s3  }
0x15: {  	[timem:s7], [sflag:s23] =	dma.local [hbm:s5], s21  }
0x16: {  	_ =	swait.ge [sflag:s23], s21  }
0x17: {  	s4 =	ssub.s32 $0x0, s21;
	[sflag:s23] =	ssyncset.done $0x0  }
0x18: {  	[sflag:s23] =	ssyncadd.s32 s4;
	_ =	sdelay $0x1  }
0x19: {  	s24 =	simm.s32 $0x1B8B  }
0x1a: {  	_ =	swait.ge [sflag:s24], $0x1  }
0x1b: {  	[sflag:s24] =	ssyncset.done $0x0  }
0x1c: {  	s26 =	simm.s32 $0x1B8E;
	s25 =	sld [smem:$0x3FFE];
	[sflag:s24] =	ssyncadd.s32 $0xFFFFFFFF  }
0x1d: {  	s27 =	simm.s32 $execute0_lowered;
	[smem:$0x3FD2] =	sst s26  }
0x1e: {  	s5 =	sshll.u32 s27, $0x1;
	_ =	strace $0x80000049;
	[dreg:$0x1] =	wrdreg $0xFFFFFFFF  }
0x1f: {  	s28 =	simm.s32 $_size_execute0_lowered;
	s3 =	sadd.s32 s3, s5;
	[dreg:$0x0] =	wrdreg $0x0  }
0x20: {  	s5 =	sshll.u32 s28, $0x1;
	[dreg:$0x2] =	wrdreg s3  }
0x21: {  	[dreg:$0x3] =	wrdreg s5  }
0x22: {  	[dreg:$0x4] =	wrdreg $0xC0  }
0x23: {  	_ =	task [dreg:s7], $0x5FFFF  }
0x24: {  	[dreg:$0x1] =	wrdreg $0xFFFFFFFF  }
0x25: {  	[dreg:$0x0] =	wrdreg $0x60  }
0x26: {  	[dreg:$0x2] =	wrdreg s25  }
0x27: {  	[dreg:$0x3] =	wrdreg s2  }
0x28: {  	[dreg:$0x4] =	wrdreg $0x9  }
0x29: {  	_ =	task.clear_ibuf [dreg:s7], $0x5FFFF;
	_ =	strace $0x90000049  }
0x2a: {  	s29 =	simm.s32 $0x9;
	_ =	strace $0x8000004B  }
0x2b: {  	_ =	swait.ge [sflag:s29], $0x1  }
0x2c: {  	[sflag:s29] =	ssyncadd.s32 $0xFFFFFFFF  }
0x2d: {  	_ =	strace $0x9000004B  }
0x2e: {  	_ =	sfence  }
0x2f: {  	s30 =	sld [smem:$0x0];
	_ =	sdelay $0x2  }
0x30: {  	s31 =	sshll.u32 s1, $0xD;
	s1 =	sshrl.u32 s1, $0x2  }
0x31: {  	s3 =	sand.u32 $0x4000, s31;
	s1 =	sadd.s32 s1, s30  }
0x32: {  	s0 =	sor.u32 s3, s0;
	s1 =	sshll.u32 s1, $0x11  }
0x33: {  	s0 =	sor.u32 s1, s0  }
0x34: {  	s0 =	sadd.s32 $0x8F2B, s0  }
0x35: {  	[sflag:s0] =	ssyncadd.remote.s32 $0x1  }
0x36: {  	_ =	sfence.sel $0xFFFF  }
0x37: {  	[dreg:$0x0] =	wrdreg $0xFFFFFFFF;
	(pc) =	sbr.abs _section_cstart, $3  }
0x38: {  	[dreg:$0x1] =	wrdreg $0xFFFFFFFF  }
0x39: {  	_ =	task.clear_ibuf [dreg:s7], $0x2FFFF;
	_ =	strace $0x9FFFFFFF  }
0x3a: {  	(tm) =	ssettm $0x7FFFFFFF  }
0x3b: {  	_ =	shalt  }
tec
execute0_lowered:
.L_overlay_start_1:
0x0: {  	(tag) =	ssettag $0x1  }
0x1: {  	s4 =	rddreg [dreg:$0x0]  }
0x2: {  	s2 =	rddreg [dreg:$0x1]  }
0x3: {  	s1 =	stileid.u32;
	s0 =	rddreg [dreg:$0x2];
	_ =	strace $0x8000004A  }
0x4: {  	s5 =	srdreg.scid;
	s8 =	simm.s32 $0x2;
	s17 =	simm.s32 $0x0  }
0x5: {  	p0 =	por $0x0, $0x0;
	s9 =	simm.s32 $0xC00;
	s18 =	simm.s32 $0x0  }
0x6: {  	s19 =	simm.s32 $0x0;
	s10 =	simm.s32 $0x0;
	s11 =	simm.s32 $0x0  }
0x7: {  	s12 =	simm.s32 $0x0;
	s13 =	simm.s32 $0x0;
	s3 =	sand.u32 $0x1, s1  }
0x8: {  	s16 =	simm.s32 $0x0;
	s5 =	sshll.u32 s5, $0x4;
	s6 =	ssub.s32 $0x2, s3  }
.Ltmp0:
0x9: {  	s7 =	sshrl.u32 s6, $0x1;
	s6 =	sand.u32 $0x1, s6;
	(pc) =	sbr.rel .LBB1_1-.Ltmp0, $4  }
0xa: {  	s4 =	sadd.s32 $0x51000, s4;
	s5 =	sand.u32 $0x10, s5;
	s6 =	sadd.s32 s6, s7  }
0xb: {  	s31 =	sor.u32 s1, s5;
	s5 =	simm.s32 $0x1;
	s6 =	smul.u32 $0x48, s6  }
0xc: {  	s15 =	smov.u32 s3;
	s7 =	sshrl.u32 s31, $0x1;
	[sflag:s5] =	ssyncpa.u1 $0x0  }
0xd: {  	[sflag:s8] =	ssyncpa.u1 $0x0;
	s14 =	smov.u32 s7;
	s8 =	sor.u32 $0x1, s6  }
.LBB1_4:
0xe: {  	s25 =	sshll.u32 s10, $0x3  }
0xf: {  	s26 =	sand.u32 $0x7F, s10;
	[tilespmem:s22+$0x2040 ss:$0x81] =	vst.msk $0xffff, v4;
	s25 =	sand.u32 $0xFFFFFC00, s25  }
0x10: {  	s24 =	sshra.s32 s24, $0x2;
	[tilespmem:s22+$0x2850 ss:$0x81] =	vst.msk $0xffff, v3;
	s26 =	sor.u32 s26, s25;
	s25 =	smulhi.u32 $0xAAAAAAAB, s25  }
0x11: {  	p1 =	sgt.s32 s12, $0x1;
	s29 =	sshra.s32 s12, $0x1F;
	[tilespmem:s22+$0x3060 ss:$0x81] =	vst.msk $0xffff, v2;
	s27 =	smulhi.u32 $0xAAAAAAAB, s26  }
0x12: {  	s31 =	sshra.s32 s11, $0x1F;
	[tilespmem:s22+$0x0 ss:$0x81] =	vst.msk $0xffff, v1;
	s22 =	smov.u32 s10;
	s25 =	sshrl.u32 s25, $0x8  }
0x13: {  	s23 =	sadd.s32 s24, s23;
	s30 =	sshrl.u32 s27, $0x8;
	s28 =	smulhi.u32 $0x2AAAAAB, s25  }
0x14: {  	s29 =	sand.u32 s29, s12;
	s27 =	smov.u32 s12;
	s24 =	smul.u32 $0x180, s30  }
0x15: {  	s27 =	simm.s32 @!p1 $0x1;
	p1 =	sgt.s32 s11, $0x17F;
	s30 =	smov.u32 s11  }
0x16: {  	s31 =	sand.u32 s31, s11;
	s29 =	sxor.u32 $0xFFFFFFFF, s29;
	s30 =	simm.s32 @!p1 $0x17F  }
0x17: {  	v5 =	vld [tilespmem:s21+$0xFFFFFFD0];
	s27 =	sadd.s32 s29, s27;
	s28 =	smul.u32 $0x60, s28;
	s31 =	ssub.s32 s30, s31  }
0x18: {  	v58 =	vld [tilespmem:s21+$0xFFFFFFE0];
	p1 =	sgt.s32 s27, $0x0;
	s27 =	ssub.s32 $0x1, s27;
	s30 =	sadd.s32 $0xFFFFFE81, s31  }
0x19: {  	v59 =	vld [tilespmem:s21+$0xFFFFFFF0];
	s29 =	ssub.s32 $0x180, s31;
	s27 =	smul.u32 $0x60, s27;
	p2 =	sgt.s32 s30, $0x0  }
0x1a: {  	v60 =	vld [tilespmem:s21+$0x0];
	s31 =	sshra.s32 s10, $0x1F;
	s29 =	simm.s32 @p2 $0x0;
	p2 =	sgt.s32 s10, $0x100  }
0x1b: {  	v61 =	vld [tilespmem:s21+$0x10];
	[tilespmem:s23+$0x3870 ss:$0x81] =	vst.msk $0xffff, v0;
	s24 =	ssub.s32 s26, s24;
	s30 =	sand.u32 s31, s10;
	s22 =	simm.s32 @!p2 $0x100  }
0x1c: {  	v62 =	vld [tilespmem:s21+$0x20];
	[tilespmem:s23+$0x810 ss:$0x81] =	vst.msk $0xffff, v5;
	s31 =	smul.u32 $0x1B0000, s12;
	s27 =	simm.s32 @p1 $0x0;
	s22 =	ssub.s32 s22, s30  }
0x1d: {  	v63 =	vld [tilespmem:s21+$0xFFFFFFC0];
	[tilespmem:s23+$0x1020 ss:$0x81] =	vst.msk $0xffff, v58;
	s26 =	smul.u32 s29, s27;
	s29 =	ssub.s32 s25, s28;
	s30 =	sadd.s32 $0xFFFFFF00, s22  }
0x1e: {  	[tilespmem:s23+$0x1830 ss:$0x81] =	vst.msk $0xffff, v59;
	s28 =	smul.u32 $0x1200, s11;
	s22 =	ssub.s32 $0x180, s22;
	p1 =	sgt.s32 s30, $0x7F  }
0x1f: {  	[tilespmem:s23+$0x2040 ss:$0x81] =	vst.msk $0xffff, v60;
	s27 =	sadd.s32 s2, s31;
	s21 =	smul.u32 $0x30, s29;
	s22 =	simm.s32 @p1 $0x0  }
0x20: {  	[tilespmem:s23+$0x2850 ss:$0x81] =	vst.msk $0xffff, v61;
	s29 =	sand.u32 $0x7, s24;
	s25 =	sadd.s32 s28, s27;
	s22 =	smul.u32 s22, s26  }
0x21: {  	[tilespmem:s23+$0x3060 ss:$0x81] =	vst.msk $0xffff, v62;
	s24 =	sshrl.u32 s24, $0x3;
	s21 =	sadd.s32 s21, s25;
	s30 =	sshll.u32 s29, $0x12  }
0x22: {  	[tilespmem:s23+$0x0 ss:$0x81] =	vst.msk $0xffff, v63;
	s21 =	sadd.s32 s24, s21;
	s31 =	sor.u32 $0x400, s30;
	s22 =	sand.u32 $0x3FFFFFE0, s22  }
0x23: {  	[hbm4b:s21+s31] =	stream.strided.scatter [tilespmem:s20], [sflag:$0x2], s22, s9, s31, $0x20;
	[tilespmem:$0x10100] =	vst v63  }
.LBB1_5:
0x24: {  	p1 =	slt.u32 s16, $0x2;
	s21 =	smov.u32 s19  }
0x25: {  	p2 =	sgt.s32 @!p1 s19, $0x1;
	s20 =	sshra.s32 @!p1 s19, $0x1F;
	s22 =	sshra.s32 @!p1 s17, $0x1F  }
0x26: {  	p2 =	por !p2, p1;
	s19 =	sand.u32 @!p1 s20, s19;
	s20 =	smov.u32 s18  }
0x27: {  	s21 =	simm.s32 @p2 $0x1;
	s19 =	sxor.u32 @!p1 $0xFFFFFFFF, s19;
	p2 =	sgt.s32 @!p1 s18, $0x17F  }
0x28: {  	s19 =	sadd.s32 @!p1 s19, s21;
	p3 =	por !p2, p1;
	s21 =	sshra.s32 @!p1 s18, $0x1F  }
0x29: {  	p2 =	sgt.s32 @!p1 s19, $0x0;
	s20 =	simm.s32 @p3 $0x17F;
	s18 =	sand.u32 @!p1 s21, s18  }
0x2a: {  	s19 =	ssub.s32 @!p1 $0x1, s19;
	p3 =	sgt.s32 @!p1 s17, $0x100;
	s21 =	smov.u32 s17  }
0x2b: {  	s17 =	sand.u32 @!p1 s22, s17;
	s18 =	ssub.s32 @!p1 s20, s18;
	p3 =	por !p3, p1  }
0x2c: {  	s19 =	smul.u32 @!p1 $0x60, s19;
	s20 =	sadd.s32 @!p1 $0xFFFFFE81, s18;
	s21 =	simm.s32 @p3 $0x100  }
0x2d: {  	p2 =	por !p2, p1;
	p3 =	sgt.s32 @!p1 s20, $0x0;
	s17 =	ssub.s32 @!p1 s21, s17  }
0x2e: {  	s18 =	ssub.s32 @!p1 $0x180, s18;
	p3 =	por !p3, p1;
	s20 =	sadd.s32 @!p1 $0xFFFFFF00, s17  }
0x2f: {  	s19 =	simm.s32 @!p2 $0x0;
	s18 =	simm.s32 @!p3 $0x0;
	p3 =	sgt.s32 @!p1 s20, $0x7F  }
0x30: {  	s17 =	ssub.s32 @!p1 $0x180, s17;
	p2 =	por !p3, p1;
	s18 =	smul.u32 @!p1 s18, s19  }
0x31: {  	s21 =	smov.u32 s14;
	s20 =	sadd.s32 $0x80, s13;
	s17 =	simm.s32 @!p2 $0x0  }
0x32: {  	p2 =	sgt.s32 s20, $0x17F;
	s17 =	smul.u32 @!p1 s17, s18;
	s18 =	sadd.s32 $0x10, s14  }
0x33: {  	s21 =	smov.u32 @p2 s18  }
0x34: {  	s23 =	smov.u32 s15;
	s18 =	sadd.s32 $0x2, s15;
	p3 =	sgt.s32 s21, $0x17F  }
0x35: {  	p0 =	por !p0, !p0;
	s22 =	simm.s32 @!p1 $0x2;
	s23 =	smov.u32 @p3 s18  }
0x36: {  	s19 =	smov.u32 s12;
	s20 =	simm.s32 @p2 $0x0;
	p2 =	sgt.s32 s23, $0x1  }
0x37: {  	s17 =	sand.u32 @!p1 $0x3FFFFFE0, s17;
	s23 =	smov.u32 @p2 s3;
	p2 =	sne.s32 s16, s8  }
.Ltmp1:
0x38: {  	s12 =	smov.u32 s15;
	_ =	swait.ge @!p1 [sflag:s22], s17;
	(pc) =	sbr.rel @!p2 .LBB1_6-.Ltmp1, $4  }
0x39: {  	s24 =	ssub.s32 @!p1 $0x0, s17;
	s21 =	smov.u32 @p3 s7;
	s17 =	smov.u32 s10  }
0x3a: {  	s18 =	smov.u32 s11;
	s10 =	smov.u32 s13;
	s11 =	smov.u32 s14  }
0x3b: {  	s13 =	smov.u32 s20;
	[sflag:s22] =	ssyncset.done @!p1 $0x0;
	s14 =	smov.u32 s21  }
0x3c: {  	s16 =	sadd.s32 $0x1, s16;
	[sflag:s22] =	ssyncadd.s32 @!p1 s24;
	s15 =	smov.u32 s23  }
.LBB1_1:
0x3d: {  	p1 =	sge.u32 s16, s6  }
0x3e: {  	s20 =	sand.u32 @!p1 $0x1FFFFFF, s13  }
0x3f: {  	s21 =	smulhi.u32 @!p1 $0xAAAAAB, s20  }
0x40: {  	s22 =	smul.u32 @!p1 $0x240000, s15  }
0x41: {  	s21 =	smul.u32 @!p1 $0x180, s21  }
0x42: {  	s31 =	sadd.s32 $0xFFFFFFFF, s16;
	s23 =	smul.u32 @!p1 $0x1800, s14  }
0x43: {  	s22 =	sadd.s32 @!p1 s4, s22;
	s20 =	ssub.s32 @!p1 s20, s21;
	s21 =	sxor.u32 @!p1 $0xFFFFFFFF, s16  }
0x44: {  	s22 =	sadd.s32 @!p1 s23, s22;
	s21 =	sshll.u32 @!p1 s21, $0xE;
	s20 =	sshll.u32 @!p1 s20, $0x4  }
0x45: {  	s21 =	sand.u32 @!p1 $0x4000, s21;
	s20 =	sadd.s32 @!p1 s20, s22;
	s22 =	simm.s32 @!p1 $0x0  }
0x46: {  	[tilespmem:s21], [sflag:$0x1] =	stream.linear.gather @!p1 [hbm4b:s20+s22], $0x4000, $0x38;
	[tilespmem:$0x10100] =	vst v63  }
0x47: {  	p1 =	sge.u32 s31, s6  }
.Ltmp2:
0x48: {  	_ = 	snop;
	(pc) =	sbr.rel @p1 .LBB1_5-.Ltmp2, $1  }
0x49: {  	_ =	sdelay $0x3  }
0x4a: {  	s20 =	simm.s32 $0x1  }
0x4b: {  	_ =	swait.ge [sflag:s5], $0x4000;
	s20 =	simm.s32 @!p0 $0x0  }
0x4c: {  	[sflag:s5] =	ssyncset.done $0x0;
	s21 =	sshll.u32 s20, $0xE  }
0x4d: {  	[sflag:s5] =	ssyncadd.s32 $0xFFFFC000;
	s21 =	sor.u32 $0x40, s21  }
0x4e: {  	s20 =	smul.u32 $0x10200, s20;
	v0 =	vld [tilespmem:s21+$0x30]  }
0x4f: {  	v1 =	vld [tilespmem:s21+$0xFFFFFFD0]  }
0x50: {  	s20 =	sshrl.u32 s20, $0x2;
	v5 =	vld [tilespmem:s21+$0xFFFFFFE0]  }
0x51: {  	v6 =	vld [tilespmem:s21+$0xFFFFFFF0];
	s23 =	sor.u32 $0x8000, s20  }
0x52: {  	s31 =	sand.u32 $0x1, s16;
	v4 =	vld [tilespmem:s21+$0x0];
	s22 =	sadd.s32 $0x0, s23  }
0x53: {  	v3 =	vld [tilespmem:s21+$0x10];
	s20 =	smul.u32 $0x10200, s31;
	[tilespmem:s22+$0x3870 ss:$0x81] =	vst.msk $0xffff, v0  }
0x54: {  	v2 =	vld [tilespmem:s21+$0x20];
	[tilespmem:s22+$0x810 ss:$0x81] =	vst.msk $0xffff, v1  }
0x55: {  	s20 =	sshrl.u32 s20, $0x2;
	v1 =	vld [tilespmem:s21+$0xFFFFFFC0];
	[tilespmem:s22+$0x1020 ss:$0x81] =	vst.msk $0xffff, v5;
	s21 =	sadd.s32 $0x80, s21  }
0x56: {  	s24 =	simm.s32 $0x4;
	s25 =	simm.s32 $0x8;
	s20 =	sor.u32 $0x8000, s20;
	[tilespmem:s22+$0x1830 ss:$0x81] =	vst.msk $0xffff, v6;
	v0 =	vld [tilespmem:s21+$0x30]  }
.LBB1_3:
0x57: {  	p1 =	sne.s32 s25, $0x1FC;
	v5 =	vld [tilespmem:s21+$0xFFFFFFD0];
	[tilespmem:s22+$0x2040 ss:$0x81] =	vst.msk $0xffff, v4  }
0x58: {  	v6 =	vld [tilespmem:s21+$0xFFFFFFE0];
	[tilespmem:s22+$0x2850 ss:$0x81] =	vst.msk $0xffff, v3  }
0x59: {  	s26 =	sshra.s32 s24, $0x2;
	s24 =	smov.u32 s25;
	v7 =	vld [tilespmem:s21+$0xFFFFFFF0];
	[tilespmem:s22+$0x3060 ss:$0x81] =	vst.msk $0xffff, v2  }
.Ltmp3:
0x5a: {  	v4 =	vld [tilespmem:s21+$0x0];
	[tilespmem:s22+$0x0 ss:$0x81] =	vst.msk $0xffff, v1;
	s22 =	sadd.s32 s26, s23;
	(pc) =	sbr.rel @p1 .LBB1_3-.Ltmp3, $4  }
0x5b: {  	v3 =	vld [tilespmem:s21+$0x10];
	[tilespmem:s22+$0x3870 ss:$0x81] =	vst.msk $0xffff, v0  }
0x5c: {  	[tilespmem:s22+$0x810 ss:$0x81] =	vst.msk $0xffff, v5;
	v2 =	vld [tilespmem:s21+$0x20]  }
0x5d: {  	v1 =	vld [tilespmem:s21+$0xFFFFFFC0];
	[tilespmem:s22+$0x1020 ss:$0x81] =	vst.msk $0xffff, v6;
	s21 =	sadd.s32 $0x80, s21  }
0x5e: {  	s25 =	sadd.s32 $0x4, s25;
	v0 =	vld [tilespmem:s21+$0x30];
	[tilespmem:s22+$0x1830 ss:$0x81] =	vst.msk $0xffff, v7  }
.Ltmp4:
0x5f: {  	_ = 	snop;
	(pc) =	sbr.rel .LBB1_4-.Ltmp4, $1  }
0x60: {  	_ =	sdelay $0x3  }
.LBB1_6:
0x61: {  	_ =	sfence.sel $0x180000  }
0x62: {  	s2 =	simm.s32 $0x1;
	[bflag:$0x0] =	sbarrier.arrive $0xFFFF  }
0x63: {  	s31 =	simm.s32 $0x2;
	[sflag:s2] =	ssyncpa.u1 $0x1  }
0x64: {  	[sflag:s31] =	ssyncpa.u1 $0x1  }
0x65: {  	p0 =	sne.s32 s1, $0x0;
	_ =	strace $0x9000004A  }
0x66: {  	s0 =	sadd.s32 @!p0 $0x100000, s0;
	[bflag:$0x2] =	sbarrier.arrive $0xFFFF  }
0x67: {  	[sflag:s0] =	ssyncadd.tile.s32 @!p0 $0x1;
	_ =	shalt  }
.Lfunc_end1:
_tile_overlayer_lowered:
.L_overlay_start_2:
0x68: {  	(tag) =	ssettag $0x2  }
0x69: {  	s0 =	rddreg [dreg:$0x0];
	s2 =	stileid.u32  }
0x6a: {  	s1 =	rddreg [dreg:$0x1];
	p0 =	sne.s32 s2, $0x0  }
0x6b: {  	s3 =	rddreg [dreg:$0x2];
	[bflag:$0x3] =	sbarrier.arrive $0xFFFF;
	s2 =	simm.s32 @!p0 $0x1C01  }
0x6c: {  	[timem:s3], [sflag:s2] =	dma.local @!p0 [hbm:s0], s1  }
0x6d: {  	s0 =	simm.s32 @!p0 $0x1  }
0x6e: {  	_ =	swait.ge @!p0 [sflag:s0], s1  }
0x6f: {  	s1 =	ssub.s32 @!p0 $0x0, s1;
	[sflag:s0] =	ssyncset.done @!p0 $0x0  }
0x70: {  	[sflag:s0] =	ssyncadd.s32 @!p0 s1  }
0x71: {  	[bflag:$0x3] =	sbarrier.arrive $0xFFFF  }
0x72: {  	_ =	shalt  }

</sc_bundles>
